<compile_context>
chip_gen: v7x
topology: tpu7x:2x2x1
jax: 0.10.2.dev20260603
libtpu: 0.0.44.dev20260713+nightly
codegen_flags: <defaults>
</compile_context>

<pallas_src>
import functools

import jax
import jax.numpy as jnp
from jax.experimental import pallas as pl
from jax.experimental.pallas import tpu as pltpu

_TOP_P = 0.95
_NUM_SAMPLES = 5
_TEMPERATURE = 1.0
_B = 128
_V = 100000
_NPAD = 131072
_SUB = _NPAD // 128


def _sort_body(x_ref, o_ref):
    a = x_ref[0]
    r = jax.lax.broadcasted_iota(jnp.int32, (_SUB, 128), 0)
    c = jax.lax.broadcasted_iota(jnp.int32, (_SUB, 128), 1)
    for kb in range(1, 18):
        k = 1 << kb
        for jb in range(kb - 1, -1, -1):
            j = 1 << jb
            if 8 <= j < _SUB:
                g = _SUB // (2 * j)
                v = a.reshape(g, 2, j, 128)
                lo = v[:, 0]
                hi = v[:, 1]
                if k >= _SUB:
                    dir_up = (jax.lax.broadcasted_iota(
                        jnp.int32, (g, j, 128), 2) & (k // _SUB)) != 0
                else:
                    dir_up = (jax.lax.broadcasted_iota(
                        jnp.int32, (g, j, 128), 0) & (k // (2 * j))) != 0
                mn = jnp.minimum(lo, hi)
                mx = jnp.maximum(lo, hi)
                res_lo = jnp.where(dir_up, mn, mx)
                res_hi = jnp.where(dir_up, mx, mn)
                a = jnp.concatenate(
                    [res_lo[:, None], res_hi[:, None]],
                    axis=1).reshape(_SUB, 128)
                continue
            if j >= _SUB:
                s = j // _SUB
                lower = (c & s) == 0
                partner = jnp.where(lower, pltpu.roll(a, 128 - s, 1),
                                    pltpu.roll(a, s, 1))
            else:
                lower = (r & j) == 0
                partner = jnp.where(lower, pltpu.roll(a, _SUB - j, 0),
                                    pltpu.roll(a, j, 0))
            if k >= _NPAD:
                dir_up = jnp.zeros((_SUB, 128), dtype=jnp.bool_)
            elif k >= _SUB:
                dir_up = (c & (k // _SUB)) != 0
            else:
                dir_up = (r & k) != 0
            mn = jnp.minimum(a, partner)
            mx = jnp.maximum(a, partner)
            a = jnp.where(lower == dir_up, mn, mx)
    o_ref[0] = a


def _lane_cumsum(x, c):
    for sh in (1, 2, 4, 8, 16, 32, 64):
        x = x + jnp.where(c >= sh, pltpu.roll(x, sh, 1), 0)
    return x


def _sub_cumsum(x, r):
    for sh in (1, 2, 4, 8, 16, 32, 64, 128, 256, 512):
        x = x + jnp.where(r >= sh, pltpu.roll(x, sh, 0), 0)
    return x


def _sample_body(sv_ref, cs_ref, u_ref, p_ref, ji_ref, fk_ref, o_ref):
    sv = sv_ref[0]
    cs = cs_ref[0]
    uu = u_ref[0]
    pp = p_ref[0]
    jidx = ji_ref[0]
    fkey = fk_ref[0]

    keep = ((cs - sv) <= _TOP_P) & (sv > 0.0)
    g = -jnp.log(-jnp.log(uu))
    key = jnp.where(keep, jnp.log(jnp.where(keep, sv, 1.0)) + g, fkey)

    lane = jax.lax.broadcasted_iota(jnp.int32, (1, 128), 1)
    out_vec = jnp.zeros((1, 128), jnp.int32)
    bigi = jnp.int32(2147483647)
    for t in range(_NUM_SAMPLES):
        m = jnp.max(key)
        ksel = key == m
        jstar = jnp.min(jnp.where(ksel, jidx, bigi))
        vstar = jnp.max(jnp.where(ksel, sv, -1.0))
        eqm = pp == vstar
        eq = eqm.astype(jnp.int32)
        neq = jnp.sum(eq)

        def _tie_break(eq=eq, vstar=vstar, jstar=jstar):
            r = jax.lax.broadcasted_iota(jnp.int32, (_SUB, 128), 0)
            c = jax.lax.broadcasted_iota(jnp.int32, (_SUB, 128), 1)
            cgt = jnp.sum(jnp.where(pp > vstar, 1, 0).astype(jnp.int32))
            trank = jstar - cgt
            ex_sub = _sub_cumsum(eq, r) - eq
            cols = jnp.sum(eq, axis=0, keepdims=True)
            cols_b = jnp.broadcast_to(cols, (_SUB, 128))
            col_excl = _lane_cumsum(cols_b, c) - cols_b
            excl = ex_sub + col_excl
            return jnp.min(
                jnp.where((eq == 1) & (excl == trank), jidx, bigi))

        def _unique(eqm=eqm):
            return jnp.min(jnp.where(eqm, jidx, bigi))

        tok = jax.lax.cond(neq == 1, _unique, _tie_break)
        out_vec = jnp.where(lane == t, tok, out_vec)
        key = jnp.where(jidx == jstar, jnp.float32(-3e30), key)
    o_ref[0] = out_vec


def _row_spec():
    return pl.BlockSpec((1, _SUB, 128), lambda i: (i, 0, 0))


def _to_cm(x, fill):
    xp = jnp.pad(x, ((0, 0), (0, _NPAD - _V)), constant_values=fill)
    return xp.reshape(_B, 128, _SUB).transpose(0, 2, 1)


@functools.partial(jax.jit, static_argnames=("interpret",))
def kernel(logits, u, interpret=False):
    probs = jax.nn.softmax(logits / _TEMPERATURE, axis=-1)
    p3 = _to_cm(probs, -1.0)

    sv3 = pl.pallas_call(
        _sort_body,
        grid=(_B,),
        in_specs=[_row_spec()],
        out_specs=_row_spec(),
        out_shape=jax.ShapeDtypeStruct((_B, _SUB, 128), jnp.float32),
        compiler_params=pltpu.CompilerParams(
            dimension_semantics=("parallel",)),
        interpret=interpret,
    )(p3)

    sv = sv3.transpose(0, 2, 1).reshape(_B, _NPAD)[:, :_V]
    cs = jnp.cumsum(sv, axis=-1)
    cs3 = _to_cm(cs, 3.0)
    u3 = _to_cm(u, 0.5)

    rr = jax.lax.broadcasted_iota(jnp.int32, (1, _SUB, 128), 1)
    cc = jax.lax.broadcasted_iota(jnp.int32, (1, _SUB, 128), 2)
    ji = cc * _SUB + rr
    fk = -1e30 - ji.astype(jnp.float32) * 1e25

    _const_spec = pl.BlockSpec((1, _SUB, 128), lambda i: (0, 0, 0))
    out = pl.pallas_call(
        _sample_body,
        grid=(_B,),
        in_specs=[_row_spec(), _row_spec(), _row_spec(), _row_spec(),
                  _const_spec, _const_spec],
        out_specs=pl.BlockSpec((1, 1, 128), lambda i: (i, 0, 0)),
        out_shape=jax.ShapeDtypeStruct((_B, 1, 128), jnp.int32),
        compiler_params=pltpu.CompilerParams(
            dimension_semantics=("parallel",)),
        interpret=interpret,
    )(sv3, cs3, u3, p3, ji, fk)

    return out[:, 0, :_NUM_SAMPLES]

# --- scband reference (transcript-rebuilt; emitter-appended) ---
"""Pipeline reference for scband-code-camel-16698832847176 (READ-ONLY COPY).

The authoritative reference and input builder live on the scoring server;
editing this copy changes nothing except your own understanding.
"""

import jax, jax.numpy as jnp
import numpy as np

TOP_P = 0.95
NUM_SAMPLES = 5
TEMPERATURE = 1.0


def setup_inputs(seed: int = 0) -> dict:
    key = jax.random.key(seed)
    k1, k2 = jax.random.split(key)
    logits = jax.random.normal(k1, (128, 100000), dtype=jnp.float32)
    u = jax.random.uniform(k2, (128, 100000), dtype=jnp.float32, minval=1e-6, maxval=1.0 - 1e-6)
    return {"logits": logits, "u": u}


def reference(logits, u):
    # softmax with temperature (temperature > 0 branch of generate)
    probs = jax.nn.softmax(logits / TEMPERATURE, axis=-1)
    # sample_top_p: sort descending, nucleus mask, renormalize
    order = jnp.argsort(-probs, axis=-1)
    probs_sort = jnp.take_along_axis(probs, order, axis=-1)
    probs_sum = jnp.cumsum(probs_sort, axis=-1)
    mask = (probs_sum - probs_sort) > TOP_P
    probs_sort = jnp.where(mask, 0.0, probs_sort)
    probs_norm = probs_sort / jnp.sum(probs_sort, axis=-1, keepdims=True)
    # torch.multinomial(num_samples=NUM_SAMPLES, replacement=False) via Gumbel top-k
    gumbel = -jnp.log(-jnp.log(u))
    safe_p = jnp.where(probs_norm > 0.0, probs_norm, 1.0)
    keys = jnp.where(probs_norm > 0.0, jnp.log(safe_p) + gumbel, -jnp.inf)
    _, sel = jax.lax.top_k(keys, NUM_SAMPLES)
    # gather back to original vocab indices
    next_token = jnp.take_along_axis(order, sel, axis=-1)
    return next_token

if __name__ == "__main__":
    import jax
    _d = setup_inputs()
    print(jax.jit(kernel)(*tuple(_d.values())))

</pallas_src>

<mosaic_0001>
module attributes {stable_mosaic.version = 14 : i64} {
  func.func @_sort_body(%arg0: i32, %arg1: memref<1x1024x128xf32, #tpu.memory_space<vmem>>, %arg2: memref<1x1024x128xf32, #tpu.memory_space<vmem>>) attributes {dimension_semantics = [#tpu.dimension_semantics<parallel>], iteration_bounds = array<i64: 128>, scalar_prefetch = 0 : i64, scratch_operands = 0 : i64, tpu.core_type = #tpu.core_type<tc>, window_params = [{transform_indices = @transform_0, window_bounds = array<i64: 1, 1024, 128>}, {transform_indices = @transform_1, window_bounds = array<i64: 1, 1024, 128>}]} {
    %get3A = arith.constant 0 : index
    %get3A_0 = arith.constant 0 : index
    %get3A_1 = arith.constant 0 : index
    %get3A_2 = vector.load %arg1[%get3A, %get3A_0, %get3A_1] : memref<1x1024x128xf32, #tpu.memory_space<vmem>>, vector<1x1024x128xf32>
    %get3A_3 = vector.shape_cast %get3A_2 : vector<1x1024x128xf32> to vector<1024x128xf32>
    %iota3A = tpu.iota {dimensions = array<i32: 0>} : vector<1024x128xi32>
    %iota3A_4 = tpu.iota {dimensions = array<i32: 1>} : vector<1024x128xi32>
    %and3A = arith.constant 1 : i32
    %and3A_5 = vector.broadcast %and3A : i32 to vector<1024x128xi32>
    %and3A_6 = arith.andi %iota3A, %and3A_5 : vector<1024x128xi32>
    %eq3A = arith.constant 0 : i32
    %eq3A_7 = vector.broadcast %eq3A : i32 to vector<1024x128xi32>
    %eq3A_8 = arith.cmpi eq, %and3A_6, %eq3A_7 : vector<1024x128xi32>
    %roll3A = arith.constant 1023 : i32
    %roll3A_9 = tpu.dynamic_rotate %get3A_3 by %roll3A dim 0 : vector<1024x128xf32>, i32 -> vector<1024x128xf32>
    %roll3A_10 = arith.constant 1 : i32
    %roll3A_11 = tpu.dynamic_rotate %get3A_3 by %roll3A_10 dim 0 : vector<1024x128xf32>, i32 -> vector<1024x128xf32>
    %select_n3A = arith.select %eq3A_8, %roll3A_9, %roll3A_11 : vector<1024x128xi1>, vector<1024x128xf32>
    %and3A_12 = arith.constant 2 : i32
    %and3A_13 = vector.broadcast %and3A_12 : i32 to vector<1024x128xi32>
    %and3A_14 = arith.andi %iota3A, %and3A_13 : vector<1024x128xi32>
    %ne3A = arith.constant 0 : i32
    %ne3A_15 = vector.broadcast %ne3A : i32 to vector<1024x128xi32>
    %ne3A_16 = arith.cmpi ne, %and3A_14, %ne3A_15 : vector<1024x128xi32>
    %min3A = arith.minimumf %get3A_3, %select_n3A : vector<1024x128xf32>
    %max3A = arith.maximumf %get3A_3, %select_n3A : vector<1024x128xf32>
    %eq3A_17 = arith.xori %eq3A_8, %ne3A_16 : vector<1024x128xi1>
    %eq3A_18 = arith.constant dense<true> : vector<1024x128xi1>
    %eq3A_19 = arith.xori %eq3A_17, %eq3A_18 : vector<1024x128xi1>
    %select_n3A_20 = arith.select %eq3A_19, %min3A, %max3A : vector<1024x128xi1>, vector<1024x128xf32>
    %and3A_21 = arith.constant 2 : i32
    %and3A_22 = vector.broadcast %and3A_21 : i32 to vector<1024x128xi32>
    %and3A_23 = arith.andi %iota3A, %and3A_22 : vector<1024x128xi32>
    %eq3A_24 = arith.constant 0 : i32
    %eq3A_25 = vector.broadcast %eq3A_24 : i32 to vector<1024x128xi32>
    %eq3A_26 = arith.cmpi eq, %and3A_23, %eq3A_25 : vector<1024x128xi32>
    %roll3A_27 = arith.constant 1022 : i32
    %roll3A_28 = tpu.dynamic_rotate %select_n3A_20 by %roll3A_27 dim 0 : vector<1024x128xf32>, i32 -> vector<1024x128xf32>
    %roll3A_29 = arith.constant 2 : i32
    %roll3A_30 = tpu.dynamic_rotate %select_n3A_20 by %roll3A_29 dim 0 : vector<1024x128xf32>, i32 -> vector<1024x128xf32>
    %select_n3A_31 = arith.select %eq3A_26, %roll3A_28, %roll3A_30 : vector<1024x128xi1>, vector<1024x128xf32>
    %and3A_32 = arith.constant 4 : i32
    %and3A_33 = vector.broadcast %and3A_32 : i32 to vector<1024x128xi32>
    %and3A_34 = arith.andi %iota3A, %and3A_33 : vector<1024x128xi32>
    %ne3A_35 = arith.constant 0 : i32
    %ne3A_36 = vector.broadcast %ne3A_35 : i32 to vector<1024x128xi32>
    %ne3A_37 = arith.cmpi ne, %and3A_34, %ne3A_36 : vector<1024x128xi32>
    %min3A_38 = arith.minimumf %select_n3A_20, %select_n3A_31 : vector<1024x128xf32>
    %max3A_39 = arith.maximumf %select_n3A_20, %select_n3A_31 : vector<1024x128xf32>
    %eq3A_40 = arith.xori %eq3A_26, %ne3A_37 : vector<1024x128xi1>
    %eq3A_41 = arith.constant dense<true> : vector<1024x128xi1>
    %eq3A_42 = arith.xori %eq3A_40, %eq3A_41 : vector<1024x128xi1>
    %select_n3A_43 = arith.select %eq3A_42, %min3A_38, %max3A_39 : vector<1024x128xi1>, vector<1024x128xf32>
    %and3A_44 = arith.constant 1 : i32
    %and3A_45 = vector.broadcast %and3A_44 : i32 to vector<1024x128xi32>
    %and3A_46 = arith.andi %iota3A, %and3A_45 : vector<1024x128xi32>
    %eq3A_47 = arith.constant 0 : i32
    %eq3A_48 = vector.broadcast %eq3A_47 : i32 to vector<1024x128xi32>
    %eq3A_49 = arith.cmpi eq, %and3A_46, %eq3A_48 : vector<1024x128xi32>
    %roll3A_50 = arith.constant 1023 : i32
    %roll3A_51 = tpu.dynamic_rotate %select_n3A_43 by %roll3A_50 dim 0 : vector<1024x128xf32>, i32 -> vector<1024x128xf32>
    %roll3A_52 = arith.constant 1 : i32
    %roll3A_53 = tpu.dynamic_rotate %select_n3A_43 by %roll3A_52 dim 0 : vector<1024x128xf32>, i32 -> vector<1024x128xf32>
    %select_n3A_54 = arith.select %eq3A_49, %roll3A_51, %roll3A_53 : vector<1024x128xi1>, vector<1024x128xf32>
    %and3A_55 = arith.constant 4 : i32
    %and3A_56 = vector.broadcast %and3A_55 : i32 to vector<1024x128xi32>
    %and3A_57 = arith.andi %iota3A, %and3A_56 : vector<1024x128xi32>
    %ne3A_58 = arith.constant 0 : i32
    %ne3A_59 = vector.broadcast %ne3A_58 : i32 to vector<1024x128xi32>
    %ne3A_60 = arith.cmpi ne, %and3A_57, %ne3A_59 : vector<1024x128xi32>
    %min3A_61 = arith.minimumf %select_n3A_43, %select_n3A_54 : vector<1024x128xf32>
    %max3A_62 = arith.maximumf %select_n3A_43, %select_n3A_54 : vector<1024x128xf32>
    %eq3A_63 = arith.xori %eq3A_49, %ne3A_60 : vector<1024x128xi1>
    %eq3A_64 = arith.constant dense<true> : vector<1024x128xi1>
    %eq3A_65 = arith.xori %eq3A_63, %eq3A_64 : vector<1024x128xi1>
    %select_n3A_66 = arith.select %eq3A_65, %min3A_61, %max3A_62 : vector<1024x128xi1>, vector<1024x128xf32>
    %and3A_67 = arith.constant 4 : i32
    %and3A_68 = vector.broadcast %and3A_67 : i32 to vector<1024x128xi32>
    %and3A_69 = arith.andi %iota3A, %and3A_68 : vector<1024x128xi32>
    %eq3A_70 = arith.constant 0 : i32
    %eq3A_71 = vector.broadcast %eq3A_70 : i32 to vector<1024x128xi32>
    %eq3A_72 = arith.cmpi eq, %and3A_69, %eq3A_71 : vector<1024x128xi32>
    %roll3A_73 = arith.constant 1020 : i32
    %roll3A_74 = tpu.dynamic_rotate %select_n3A_66 by %roll3A_73 dim 0 : vector<1024x128xf32>, i32 -> vector<1024x128xf32>
    %roll3A_75 = arith.constant 4 : i32
    %roll3A_76 = tpu.dynamic_rotate %select_n3A_66 by %roll3A_75 dim 0 : vector<1024x128xf32>, i32 -> vector<1024x128xf32>
    %select_n3A_77 = arith.select %eq3A_72, %roll3A_74, %roll3A_76 : vector<1024x128xi1>, vector<1024x128xf32>
    %and3A_78 = arith.constant 8 : i32
    %and3A_79 = vector.broadcast %and3A_78 : i32 to vector<1024x128xi32>
    %and3A_80 = arith.andi %iota3A, %and3A_79 : vector<1024x128xi32>
    %ne3A_81 = arith.constant 0 : i32
    %ne3A_82 = vector.broadcast %ne3A_81 : i32 to vector<1024x128xi32>
    %ne3A_83 = arith.cmpi ne, %and3A_80, %ne3A_82 : vector<1024x128xi32>
    %min3A_84 = arith.minimumf %select_n3A_66, %select_n3A_77 : vector<1024x128xf32>
    %max3A_85 = arith.maximumf %select_n3A_66, %select_n3A_77 : vector<1024x128xf32>
    %eq3A_86 = arith.xori %eq3A_72, %ne3A_83 : vector<1024x128xi1>
    %eq3A_87 = arith.constant dense<true> : vector<1024x128xi1>
    %eq3A_88 = arith.xori %eq3A_86, %eq3A_87 : vector<1024x128xi1>
    %select_n3A_89 = arith.select %eq3A_88, %min3A_84, %max3A_85 : vector<1024x128xi1>, vector<1024x128xf32>
    %and3A_90 = arith.constant 2 : i32
    %and3A_91 = vector.broadcast %and3A_90 : i32 to vector<1024x128xi32>
    %and3A_92 = arith.andi %iota3A, %and3A_91 : vector<1024x128xi32>
    %eq3A_93 = arith.constant 0 : i32
    %eq3A_94 = vector.broadcast %eq3A_93 : i32 to vector<1024x128xi32>
    %eq3A_95 = arith.cmpi eq, %and3A_92, %eq3A_94 : vector<1024x128xi32>
    %roll3A_96 = arith.constant 1022 : i32
    %roll3A_97 = tpu.dynamic_rotate %select_n3A_89 by %roll3A_96 dim 0 : vector<1024x128xf32>, i32 -> vector<1024x128xf32>
    %roll3A_98 = arith.constant 2 : i32
    %roll3A_99 = tpu.dynamic_rotate %select_n3A_89 by %roll3A_98 dim 0 : vector<1024x128xf32>, i32 -> vector<1024x128xf32>
    %select_n3A_100 = arith.select %eq3A_95, %roll3A_97, %roll3A_99 : vector<1024x128xi1>, vector<1024x128xf32>
    %and3A_101 = arith.constant 8 : i32
    %and3A_102 = vector.broadcast %and3A_101 : i32 to vector<1024x128xi32>
    %and3A_103 = arith.andi %iota3A, %and3A_102 : vector<1024x128xi32>
    %ne3A_104 = arith.constant 0 : i32
    %ne3A_105 = vector.broadcast %ne3A_104 : i32 to vector<1024x128xi32>
    %ne3A_106 = arith.cmpi ne, %and3A_103, %ne3A_105 : vector<1024x128xi32>
    %min3A_107 = arith.minimumf %select_n3A_89, %select_n3A_100 : vector<1024x128xf32>
    %max3A_108 = arith.maximumf %select_n3A_89, %select_n3A_100 : vector<1024x128xf32>
    %eq3A_109 = arith.xori %eq3A_95, %ne3A_106 : vector<1024x128xi1>
    %eq3A_110 = arith.constant dense<true> : vector<1024x128xi1>
    %eq3A_111 = arith.xori %eq3A_109, %eq3A_110 : vector<1024x128xi1>
    %select_n3A_112 = arith.select %eq3A_111, %min3A_107, %max3A_108 : vector<1024x128xi1>, vector<1024x128xf32>
    %and3A_113 = arith.constant 1 : i32
    %and3A_114 = vector.broadcast %and3A_113 : i32 to vector<1024x128xi32>
    %and3A_115 = arith.andi %iota3A, %and3A_114 : vector<1024x128xi32>
    %eq3A_116 = arith.constant 0 : i32
    %eq3A_117 = vector.broadcast %eq3A_116 : i32 to vector<1024x128xi32>
    %eq3A_118 = arith.cmpi eq, %and3A_115, %eq3A_117 : vector<1024x128xi32>
    %roll3A_119 = arith.constant 1023 : i32
    %roll3A_120 = tpu.dynamic_rotate %select_n3A_112 by %roll3A_119 dim 0 : vector<1024x128xf32>, i32 -> vector<1024x128xf32>
    %roll3A_121 = arith.constant 1 : i32
    %roll3A_122 = tpu.dynamic_rotate %select_n3A_112 by %roll3A_121 dim 0 : vector<1024x128xf32>, i32 -> vector<1024x128xf32>
    %select_n3A_123 = arith.select %eq3A_118, %roll3A_120, %roll3A_122 : vector<1024x128xi1>, vector<1024x128xf32>
    %and3A_124 = arith.constant 8 : i32
    %and3A_125 = vector.broadcast %and3A_124 : i32 to vector<1024x128xi32>
    %and3A_126 = arith.andi %iota3A, %and3A_125 : vector<1024x128xi32>
    %ne3A_127 = arith.constant 0 : i32
    %ne3A_128 = vector.broadcast %ne3A_127 : i32 to vector<1024x128xi32>
    %ne3A_129 = arith.cmpi ne, %and3A_126, %ne3A_128 : vector<1024x128xi32>
    %min3A_130 = arith.minimumf %select_n3A_112, %select_n3A_123 : vector<1024x128xf32>
    %max3A_131 = arith.maximumf %select_n3A_112, %select_n3A_123 : vector<1024x128xf32>
    %eq3A_132 = arith.xori %eq3A_118, %ne3A_129 : vector<1024x128xi1>
    %eq3A_133 = arith.constant dense<true> : vector<1024x128xi1>
    %eq3A_134 = arith.xori %eq3A_132, %eq3A_133 : vector<1024x128xi1>
    %select_n3A_135 = arith.select %eq3A_134, %min3A_130, %max3A_131 : vector<1024x128xi1>, vector<1024x128xf32>
    %reshape3A = vector.shape_cast %select_n3A_135 : vector<1024x128xf32> to vector<64x2x8x128xf32>
    %slice3A = vector.extract_strided_slice %reshape3A {offsets = [0, 0, 0, 0], sizes = [64, 1, 8, 128], strides = [1, 1, 1, 1]} : vector<64x2x8x128xf32> to vector<64x1x8x128xf32>
    %squeeze3A = vector.shape_cast %slice3A : vector<64x1x8x128xf32> to vector<64x8x128xf32>
    %slice3A_136 = vector.extract_strided_slice %reshape3A {offsets = [0, 1, 0, 0], sizes = [64, 1, 8, 128], strides = [1, 1, 1, 1]} : vector<64x2x8x128xf32> to vector<64x1x8x128xf32>
    %squeeze3A_137 = vector.shape_cast %slice3A_136 : vector<64x1x8x128xf32> to vector<64x8x128xf32>
    %iota3A_138 = tpu.iota {dimensions = array<i32: 0>} : vector<64x8x128xi32>
    %and3A_139 = arith.constant 1 : i32
    %and3A_140 = vector.broadcast %and3A_139 : i32 to vector<64x8x128xi32>
    %and3A_141 = arith.andi %iota3A_138, %and3A_140 : vector<64x8x128xi32>
    %ne3A_142 = arith.constant 0 : i32
    %ne3A_143 = vector.broadcast %ne3A_142 : i32 to vector<64x8x128xi32>
    %ne3A_144 = arith.cmpi ne, %and3A_141, %ne3A_143 : vector<64x8x128xi32>
    %min3A_145 = arith.minimumf %squeeze3A, %squeeze3A_137 : vector<64x8x128xf32>
    %max3A_146 = arith.maximumf %squeeze3A, %squeeze3A_137 : vector<64x8x128xf32>
    %select_n3A_147 = arith.select %ne3A_144, %min3A_145, %max3A_146 : vector<64x8x128xi1>, vector<64x8x128xf32>
    %select_n3A_148 = arith.select %ne3A_144, %max3A_146, %min3A_145 : vector<64x8x128xi1>, vector<64x8x128xf32>
    %broadcast_in_dim3A = vector.shape_cast %select_n3A_147 : vector<64x8x128xf32> to vector<64x1x8x128xf32>
    %broadcast_in_dim3A_149 = vector.shape_cast %select_n3A_148 : vector<64x8x128xf32> to vector<64x1x8x128xf32>
    %concatenate3A = tpu.concatenate %broadcast_in_dim3A, %broadcast_in_dim3A_149 in 1 : vector<64x1x8x128xf32>, vector<64x1x8x128xf32> -> vector<64x2x8x128xf32>
    %reshape3A_150 = vector.shape_cast %concatenate3A : vector<64x2x8x128xf32> to vector<1024x128xf32>
    %and3A_151 = arith.constant 4 : i32
    %and3A_152 = vector.broadcast %and3A_151 : i32 to vector<1024x128xi32>
    %and3A_153 = arith.andi %iota3A, %and3A_152 : vector<1024x128xi32>
    %eq3A_154 = arith.constant 0 : i32
    %eq3A_155 = vector.broadcast %eq3A_154 : i32 to vector<1024x128xi32>
    %eq3A_156 = arith.cmpi eq, %and3A_153, %eq3A_155 : vector<1024x128xi32>
    %roll3A_157 = arith.constant 1020 : i32
    %roll3A_158 = tpu.dynamic_rotate %reshape3A_150 by %roll3A_157 dim 0 : vector<1024x128xf32>, i32 -> vector<1024x128xf32>
    %roll3A_159 = arith.constant 4 : i32
    %roll3A_160 = tpu.dynamic_rotate %reshape3A_150 by %roll3A_159 dim 0 : vector<1024x128xf32>, i32 -> vector<1024x128xf32>
    %select_n3A_161 = arith.select %eq3A_156, %roll3A_158, %roll3A_160 : vector<1024x128xi1>, vector<1024x128xf32>
    %and3A_162 = arith.constant 16 : i32
    %and3A_163 = vector.broadcast %and3A_162 : i32 to vector<1024x128xi32>
    %and3A_164 = arith.andi %iota3A, %and3A_163 : vector<1024x128xi32>
    %ne3A_165 = arith.constant 0 : i32
    %ne3A_166 = vector.broadcast %ne3A_165 : i32 to vector<1024x128xi32>
    %ne3A_167 = arith.cmpi ne, %and3A_164, %ne3A_166 : vector<1024x128xi32>
    %min3A_168 = arith.minimumf %reshape3A_150, %select_n3A_161 : vector<1024x128xf32>
    %max3A_169 = arith.maximumf %reshape3A_150, %select_n3A_161 : vector<1024x128xf32>
    %eq3A_170 = arith.xori %eq3A_156, %ne3A_167 : vector<1024x128xi1>
    %eq3A_171 = arith.constant dense<true> : vector<1024x128xi1>
    %eq3A_172 = arith.xori %eq3A_170, %eq3A_171 : vector<1024x128xi1>
    %select_n3A_173 = arith.select %eq3A_172, %min3A_168, %max3A_169 : vector<1024x128xi1>, vector<1024x128xf32>
    %and3A_174 = arith.constant 2 : i32
    %and3A_175 = vector.broadcast %and3A_174 : i32 to vector<1024x128xi32>
    %and3A_176 = arith.andi %iota3A, %and3A_175 : vector<1024x128xi32>
    %eq3A_177 = arith.constant 0 : i32
    %eq3A_178 = vector.broadcast %eq3A_177 : i32 to vector<1024x128xi32>
    %eq3A_179 = arith.cmpi eq, %and3A_176, %eq3A_178 : vector<1024x128xi32>
    %roll3A_180 = arith.constant 1022 : i32
    %roll3A_181 = tpu.dynamic_rotate %select_n3A_173 by %roll3A_180 dim 0 : vector<1024x128xf32>, i32 -> vector<1024x128xf32>
    %roll3A_182 = arith.constant 2 : i32
    %roll3A_183 = tpu.dynamic_rotate %select_n3A_173 by %roll3A_182 dim 0 : vector<1024x128xf32>, i32 -> vector<1024x128xf32>
    %select_n3A_184 = arith.select %eq3A_179, %roll3A_181, %roll3A_183 : vector<1024x128xi1>, vector<1024x128xf32>
    %and3A_185 = arith.constant 16 : i32
    %and3A_186 = vector.broadcast %and3A_185 : i32 to vector<1024x128xi32>
    %and3A_187 = arith.andi %iota3A, %and3A_186 : vector<1024x128xi32>
    %ne3A_188 = arith.constant 0 : i32
    %ne3A_189 = vector.broadcast %ne3A_188 : i32 to vector<1024x128xi32>
    %ne3A_190 = arith.cmpi ne, %and3A_187, %ne3A_189 : vector<1024x128xi32>
    %min3A_191 = arith.minimumf %select_n3A_173, %select_n3A_184 : vector<1024x128xf32>
    %max3A_192 = arith.maximumf %select_n3A_173, %select_n3A_184 : vector<1024x128xf32>
    %eq3A_193 = arith.xori %eq3A_179, %ne3A_190 : vector<1024x128xi1>
    %eq3A_194 = arith.constant dense<true> : vector<1024x128xi1>
    %eq3A_195 = arith.xori %eq3A_193, %eq3A_194 : vector<1024x128xi1>
    %select_n3A_196 = arith.select %eq3A_195, %min3A_191, %max3A_192 : vector<1024x128xi1>, vector<1024x128xf32>
    %and3A_197 = arith.constant 1 : i32
    %and3A_198 = vector.broadcast %and3A_197 : i32 to vector<1024x128xi32>
    %and3A_199 = arith.andi %iota3A, %and3A_198 : vector<1024x128xi32>
    %eq3A_200 = arith.constant 0 : i32
    %eq3A_201 = vector.broadcast %eq3A_200 : i32 to vector<1024x128xi32>
    %eq3A_202 = arith.cmpi eq, %and3A_199, %eq3A_201 : vector<1024x128xi32>
    %roll3A_203 = arith.constant 1023 : i32
    %roll3A_204 = tpu.dynamic_rotate %select_n3A_196 by %roll3A_203 dim 0 : vector<1024x128xf32>, i32 -> vector<1024x128xf32>
    %roll3A_205 = arith.constant 1 : i32
    %roll3A_206 = tpu.dynamic_rotate %select_n3A_196 by %roll3A_205 dim 0 : vector<1024x128xf32>, i32 -> vector<1024x128xf32>
    %select_n3A_207 = arith.select %eq3A_202, %roll3A_204, %roll3A_206 : vector<1024x128xi1>, vector<1024x128xf32>
    %and3A_208 = arith.constant 16 : i32
    %and3A_209 = vector.broadcast %and3A_208 : i32 to vector<1024x128xi32>
    %and3A_210 = arith.andi %iota3A, %and3A_209 : vector<1024x128xi32>
    %ne3A_211 = arith.constant 0 : i32
    %ne3A_212 = vector.broadcast %ne3A_211 : i32 to vector<1024x128xi32>
    %ne3A_213 = arith.cmpi ne, %and3A_210, %ne3A_212 : vector<1024x128xi32>
    %min3A_214 = arith.minimumf %select_n3A_196, %select_n3A_207 : vector<1024x128xf32>
    %max3A_215 = arith.maximumf %select_n3A_196, %select_n3A_207 : vector<1024x128xf32>
    %eq3A_216 = arith.xori %eq3A_202, %ne3A_213 : vector<1024x128xi1>
    %eq3A_217 = arith.constant dense<true> : vector<1024x128xi1>
    %eq3A_218 = arith.xori %eq3A_216, %eq3A_217 : vector<1024x128xi1>
    %select_n3A_219 = arith.select %eq3A_218, %min3A_214, %max3A_215 : vector<1024x128xi1>, vector<1024x128xf32>
    %reshape3A_220 = vector.shape_cast %select_n3A_219 : vector<1024x128xf32> to vector<32x2x16x128xf32>
    %slice3A_221 = vector.extract_strided_slice %reshape3A_220 {offsets = [0, 0, 0, 0], sizes = [32, 1, 16, 128], strides = [1, 1, 1, 1]} : vector<32x2x16x128xf32> to vector<32x1x16x128xf32>
    %squeeze3A_222 = vector.shape_cast %slice3A_221 : vector<32x1x16x128xf32> to vector<32x16x128xf32>
    %slice3A_223 = vector.extract_strided_slice %reshape3A_220 {offsets = [0, 1, 0, 0], sizes = [32, 1, 16, 128], strides = [1, 1, 1, 1]} : vector<32x2x16x128xf32> to vector<32x1x16x128xf32>
    %squeeze3A_224 = vector.shape_cast %slice3A_223 : vector<32x1x16x128xf32> to vector<32x16x128xf32>
    %iota3A_225 = tpu.iota {dimensions = array<i32: 0>} : vector<32x16x128xi32>
    %and3A_226 = arith.constant 1 : i32
    %and3A_227 = vector.broadcast %and3A_226 : i32 to vector<32x16x128xi32>
    %and3A_228 = arith.andi %iota3A_225, %and3A_227 : vector<32x16x128xi32>
    %ne3A_229 = arith.constant 0 : i32
    %ne3A_230 = vector.broadcast %ne3A_229 : i32 to vector<32x16x128xi32>
    %ne3A_231 = arith.cmpi ne, %and3A_228, %ne3A_230 : vector<32x16x128xi32>
    %min3A_232 = arith.minimumf %squeeze3A_222, %squeeze3A_224 : vector<32x16x128xf32>
    %max3A_233 = arith.maximumf %squeeze3A_222, %squeeze3A_224 : vector<32x16x128xf32>
    %select_n3A_234 = arith.select %ne3A_231, %min3A_232, %max3A_233 : vector<32x16x128xi1>, vector<32x16x128xf32>
    %select_n3A_235 = arith.select %ne3A_231, %max3A_233, %min3A_232 : vector<32x16x128xi1>, vector<32x16x128xf32>
    %broadcast_in_dim3A_236 = vector.shape_cast %select_n3A_234 : vector<32x16x128xf32> to vector<32x1x16x128xf32>
    %broadcast_in_dim3A_237 = vector.shape_cast %select_n3A_235 : vector<32x16x128xf32> to vector<32x1x16x128xf32>
    %concatenate3A_238 = tpu.concatenate %broadcast_in_dim3A_236, %broadcast_in_dim3A_237 in 1 : vector<32x1x16x128xf32>, vector<32x1x16x128xf32> -> vector<32x2x16x128xf32>
    %reshape3A_239 = vector.shape_cast %concatenate3A_238 : vector<32x2x16x128xf32> to vector<1024x128xf32>
    %reshape3A_240 = vector.shape_cast %reshape3A_239 : vector<1024x128xf32> to vector<64x2x8x128xf32>
    %slice3A_241 = vector.extract_strided_slice %reshape3A_240 {offsets = [0, 0, 0, 0], sizes = [64, 1, 8, 128], strides = [1, 1, 1, 1]} : vector<64x2x8x128xf32> to vector<64x1x8x128xf32>
    %squeeze3A_242 = vector.shape_cast %slice3A_241 : vector<64x1x8x128xf32> to vector<64x8x128xf32>
    %slice3A_243 = vector.extract_strided_slice %reshape3A_240 {offsets = [0, 1, 0, 0], sizes = [64, 1, 8, 128], strides = [1, 1, 1, 1]} : vector<64x2x8x128xf32> to vector<64x1x8x128xf32>
    %squeeze3A_244 = vector.shape_cast %slice3A_243 : vector<64x1x8x128xf32> to vector<64x8x128xf32>
    %iota3A_245 = tpu.iota {dimensions = array<i32: 0>} : vector<64x8x128xi32>
    %and3A_246 = arith.constant 2 : i32
    %and3A_247 = vector.broadcast %and3A_246 : i32 to vector<64x8x128xi32>
    %and3A_248 = arith.andi %iota3A_245, %and3A_247 : vector<64x8x128xi32>
    %ne3A_249 = arith.constant 0 : i32
    %ne3A_250 = vector.broadcast %ne3A_249 : i32 to vector<64x8x128xi32>
    %ne3A_251 = arith.cmpi ne, %and3A_248, %ne3A_250 : vector<64x8x128xi32>
    %min3A_252 = arith.minimumf %squeeze3A_242, %squeeze3A_244 : vector<64x8x128xf32>
    %max3A_253 = arith.maximumf %squeeze3A_242, %squeeze3A_244 : vector<64x8x128xf32>
    %select_n3A_254 = arith.select %ne3A_251, %min3A_252, %max3A_253 : vector<64x8x128xi1>, vector<64x8x128xf32>
    %select_n3A_255 = arith.select %ne3A_251, %max3A_253, %min3A_252 : vector<64x8x128xi1>, vector<64x8x128xf32>
    %broadcast_in_dim3A_256 = vector.shape_cast %select_n3A_254 : vector<64x8x128xf32> to vector<64x1x8x128xf32>
    %broadcast_in_dim3A_257 = vector.shape_cast %select_n3A_255 : vector<64x8x128xf32> to vector<64x1x8x128xf32>
    %concatenate3A_258 = tpu.concatenate %broadcast_in_dim3A_256, %broadcast_in_dim3A_257 in 1 : vector<64x1x8x128xf32>, vector<64x1x8x128xf32> -> vector<64x2x8x128xf32>
    %reshape3A_259 = vector.shape_cast %concatenate3A_258 : vector<64x2x8x128xf32> to vector<1024x128xf32>
    %and3A_260 = arith.constant 4 : i32
    %and3A_261 = vector.broadcast %and3A_260 : i32 to vector<1024x128xi32>
    %and3A_262 = arith.andi %iota3A, %and3A_261 : vector<1024x128xi32>
    %eq3A_263 = arith.constant 0 : i32
    %eq3A_264 = vector.broadcast %eq3A_263 : i32 to vector<1024x128xi32>
    %eq3A_265 = arith.cmpi eq, %and3A_262, %eq3A_264 : vector<1024x128xi32>
    %roll3A_266 = arith.constant 1020 : i32
    %roll3A_267 = tpu.dynamic_rotate %reshape3A_259 by %roll3A_266 dim 0 : vector<1024x128xf32>, i32 -> vector<1024x128xf32>
    %roll3A_268 = arith.constant 4 : i32
    %roll3A_269 = tpu.dynamic_rotate %reshape3A_259 by %roll3A_268 dim 0 : vector<1024x128xf32>, i32 -> vector<1024x128xf32>
    %select_n3A_270 = arith.select %eq3A_265, %roll3A_267, %roll3A_269 : vector<1024x128xi1>, vector<1024x128xf32>
    %and3A_271 = arith.constant 32 : i32
    %and3A_272 = vector.broadcast %and3A_271 : i32 to vector<1024x128xi32>
    %and3A_273 = arith.andi %iota3A, %and3A_272 : vector<1024x128xi32>
    %ne3A_274 = arith.constant 0 : i32
    %ne3A_275 = vector.broadcast %ne3A_274 : i32 to vector<1024x128xi32>
    %ne3A_276 = arith.cmpi ne, %and3A_273, %ne3A_275 : vector<1024x128xi32>
    %min3A_277 = arith.minimumf %reshape3A_259, %select_n3A_270 : vector<1024x128xf32>
    %max3A_278 = arith.maximumf %reshape3A_259, %select_n3A_270 : vector<1024x128xf32>
    %eq3A_279 = arith.xori %eq3A_265, %ne3A_276 : vector<1024x128xi1>
    %eq3A_280 = arith.constant dense<true> : vector<1024x128xi1>
    %eq3A_281 = arith.xori %eq3A_279, %eq3A_280 : vector<1024x128xi1>
    %select_n3A_282 = arith.select %eq3A_281, %min3A_277, %max3A_278 : vector<1024x128xi1>, vector<1024x128xf32>
    %and3A_283 = arith.constant 2 : i32
    %and3A_284 = vector.broadcast %and3A_283 : i32 to vector<1024x128xi32>
    %and3A_285 = arith.andi %iota3A, %and3A_284 : vector<1024x128xi32>
    %eq3A_286 = arith.constant 0 : i32
    %eq3A_287 = vector.broadcast %eq3A_286 : i32 to vector<1024x128xi32>
    %eq3A_288 = arith.cmpi eq, %and3A_285, %eq3A_287 : vector<1024x128xi32>
    %roll3A_289 = arith.constant 1022 : i32
    %roll3A_290 = tpu.dynamic_rotate %select_n3A_282 by %roll3A_289 dim 0 : vector<1024x128xf32>, i32 -> vector<1024x128xf32>
    %roll3A_291 = arith.constant 2 : i32
    %roll3A_292 = tpu.dynamic_rotate %select_n3A_282 by %roll3A_291 dim 0 : vector<1024x128xf32>, i32 -> vector<1024x128xf32>
    %select_n3A_293 = arith.select %eq3A_288, %roll3A_290, %roll3A_292 : vector<1024x128xi1>, vector<1024x128xf32>
    %and3A_294 = arith.constant 32 : i32
    %and3A_295 = vector.broadcast %and3A_294 : i32 to vector<1024x128xi32>
    %and3A_296 = arith.andi %iota3A, %and3A_295 : vector<1024x128xi32>
    %ne3A_297 = arith.constant 0 : i32
    %ne3A_298 = vector.broadcast %ne3A_297 : i32 to vector<1024x128xi32>
    %ne3A_299 = arith.cmpi ne, %and3A_296, %ne3A_298 : vector<1024x128xi32>
    %min3A_300 = arith.minimumf %select_n3A_282, %select_n3A_293 : vector<1024x128xf32>
    %max3A_301 = arith.maximumf %select_n3A_282, %select_n3A_293 : vector<1024x128xf32>
    %eq3A_302 = arith.xori %eq3A_288, %ne3A_299 : vector<1024x128xi1>
    %eq3A_303 = arith.constant dense<true> : vector<1024x128xi1>
    %eq3A_304 = arith.xori %eq3A_302, %eq3A_303 : vector<1024x128xi1>
    %select_n3A_305 = arith.select %eq3A_304, %min3A_300, %max3A_301 : vector<1024x128xi1>, vector<1024x128xf32>
    %and3A_306 = arith.constant 1 : i32
    %and3A_307 = vector.broadcast %and3A_306 : i32 to vector<1024x128xi32>
    %and3A_308 = arith.andi %iota3A, %and3A_307 : vector<1024x128xi32>
    %eq3A_309 = arith.constant 0 : i32
    %eq3A_310 = vector.broadcast %eq3A_309 : i32 to vector<1024x128xi32>
    %eq3A_311 = arith.cmpi eq, %and3A_308, %eq3A_310 : vector<1024x128xi32>
    %roll3A_312 = arith.constant 1023 : i32
    %roll3A_313 = tpu.dynamic_rotate %select_n3A_305 by %roll3A_312 dim 0 : vector<1024x128xf32>, i32 -> vector<1024x128xf32>
    %roll3A_314 = arith.constant 1 : i32
    %roll3A_315 = tpu.dynamic_rotate %select_n3A_305 by %roll3A_314 dim 0 : vector<1024x128xf32>, i32 -> vector<1024x128xf32>
    %select_n3A_316 = arith.select %eq3A_311, %roll3A_313, %roll3A_315 : vector<1024x128xi1>, vector<1024x128xf32>
    %and3A_317 = arith.constant 32 : i32
    %and3A_318 = vector.broadcast %and3A_317 : i32 to vector<1024x128xi32>
    %and3A_319 = arith.andi %iota3A, %and3A_318 : vector<1024x128xi32>
    %ne3A_320 = arith.constant 0 : i32
    %ne3A_321 = vector.broadcast %ne3A_320 : i32 to vector<1024x128xi32>
    %ne3A_322 = arith.cmpi ne, %and3A_319, %ne3A_321 : vector<1024x128xi32>
    %min3A_323 = arith.minimumf %select_n3A_305, %select_n3A_316 : vector<1024x128xf32>
    %max3A_324 = arith.maximumf %select_n3A_305, %select_n3A_316 : vector<1024x128xf32>
    %eq3A_325 = arith.xori %eq3A_311, %ne3A_322 : vector<1024x128xi1>
    %eq3A_326 = arith.constant dense<true> : vector<1024x128xi1>
    %eq3A_327 = arith.xori %eq3A_325, %eq3A_326 : vector<1024x128xi1>
    %select_n3A_328 = arith.select %eq3A_327, %min3A_323, %max3A_324 : vector<1024x128xi1>, vector<1024x128xf32>
    %reshape3A_329 = vector.shape_cast %select_n3A_328 : vector<1024x128xf32> to vector<16x2x32x128xf32>
    %slice3A_330 = vector.extract_strided_slice %reshape3A_329 {offsets = [0, 0, 0, 0], sizes = [16, 1, 32, 128], strides = [1, 1, 1, 1]} : vector<16x2x32x128xf32> to vector<16x1x32x128xf32>
    %squeeze3A_331 = vector.shape_cast %slice3A_330 : vector<16x1x32x128xf32> to vector<16x32x128xf32>
    %slice3A_332 = vector.extract_strided_slice %reshape3A_329 {offsets = [0, 1, 0, 0], sizes = [16, 1, 32, 128], strides = [1, 1, 1, 1]} : vector<16x2x32x128xf32> to vector<16x1x32x128xf32>
    %squeeze3A_333 = vector.shape_cast %slice3A_332 : vector<16x1x32x128xf32> to vector<16x32x128xf32>
    %iota3A_334 = tpu.iota {dimensions = array<i32: 0>} : vector<16x32x128xi32>
    %and3A_335 = arith.constant 1 : i32
    %and3A_336 = vector.broadcast %and3A_335 : i32 to vector<16x32x128xi32>
    %and3A_337 = arith.andi %iota3A_334, %and3A_336 : vector<16x32x128xi32>
    %ne3A_338 = arith.constant 0 : i32
    %ne3A_339 = vector.broadcast %ne3A_338 : i32 to vector<16x32x128xi32>
    %ne3A_340 = arith.cmpi ne, %and3A_337, %ne3A_339 : vector<16x32x128xi32>
    %min3A_341 = arith.minimumf %squeeze3A_331, %squeeze3A_333 : vector<16x32x128xf32>
    %max3A_342 = arith.maximumf %squeeze3A_331, %squeeze3A_333 : vector<16x32x128xf32>
    %select_n3A_343 = arith.select %ne3A_340, %min3A_341, %max3A_342 : vector<16x32x128xi1>, vector<16x32x128xf32>
    %select_n3A_344 = arith.select %ne3A_340, %max3A_342, %min3A_341 : vector<16x32x128xi1>, vector<16x32x128xf32>
    %broadcast_in_dim3A_345 = vector.shape_cast %select_n3A_343 : vector<16x32x128xf32> to vector<16x1x32x128xf32>
    %broadcast_in_dim3A_346 = vector.shape_cast %select_n3A_344 : vector<16x32x128xf32> to vector<16x1x32x128xf32>
    %concatenate3A_347 = tpu.concatenate %broadcast_in_dim3A_345, %broadcast_in_dim3A_346 in 1 : vector<16x1x32x128xf32>, vector<16x1x32x128xf32> -> vector<16x2x32x128xf32>
    %reshape3A_348 = vector.shape_cast %concatenate3A_347 : vector<16x2x32x128xf32> to vector<1024x128xf32>
    %reshape3A_349 = vector.shape_cast %reshape3A_348 : vector<1024x128xf32> to vector<32x2x16x128xf32>
    %slice3A_350 = vector.extract_strided_slice %reshape3A_349 {offsets = [0, 0, 0, 0], sizes = [32, 1, 16, 128], strides = [1, 1, 1, 1]} : vector<32x2x16x128xf32> to vector<32x1x16x128xf32>
    %squeeze3A_351 = vector.shape_cast %slice3A_350 : vector<32x1x16x128xf32> to vector<32x16x128xf32>
    %slice3A_352 = vector.extract_strided_slice %reshape3A_349 {offsets = [0, 1, 0, 0], sizes = [32, 1, 16, 128], strides = [1, 1, 1, 1]} : vector<32x2x16x128xf32> to vector<32x1x16x128xf32>
    %squeeze3A_353 = vector.shape_cast %slice3A_352 : vector<32x1x16x128xf32> to vector<32x16x128xf32>
    %iota3A_354 = tpu.iota {dimensions = array<i32: 0>} : vector<32x16x128xi32>
    %and3A_355 = arith.constant 2 : i32
    %and3A_356 = vector.broadcast %and3A_355 : i32 to vector<32x16x128xi32>
    %and3A_357 = arith.andi %iota3A_354, %and3A_356 : vector<32x16x128xi32>
    %ne3A_358 = arith.constant 0 : i32
    %ne3A_359 = vector.broadcast %ne3A_358 : i32 to vector<32x16x128xi32>
    %ne3A_360 = arith.cmpi ne, %and3A_357, %ne3A_359 : vector<32x16x128xi32>
    %min3A_361 = arith.minimumf %squeeze3A_351, %squeeze3A_353 : vector<32x16x128xf32>
    %max3A_362 = arith.maximumf %squeeze3A_351, %squeeze3A_353 : vector<32x16x128xf32>
    %select_n3A_363 = arith.select %ne3A_360, %min3A_361, %max3A_362 : vector<32x16x128xi1>, vector<32x16x128xf32>
    %select_n3A_364 = arith.select %ne3A_360, %max3A_362, %min3A_361 : vector<32x16x128xi1>, vector<32x16x128xf32>
    %broadcast_in_dim3A_365 = vector.shape_cast %select_n3A_363 : vector<32x16x128xf32> to vector<32x1x16x128xf32>
    %broadcast_in_dim3A_366 = vector.shape_cast %select_n3A_364 : vector<32x16x128xf32> to vector<32x1x16x128xf32>
    %concatenate3A_367 = tpu.concatenate %broadcast_in_dim3A_365, %broadcast_in_dim3A_366 in 1 : vector<32x1x16x128xf32>, vector<32x1x16x128xf32> -> vector<32x2x16x128xf32>
    %reshape3A_368 = vector.shape_cast %concatenate3A_367 : vector<32x2x16x128xf32> to vector<1024x128xf32>
    %reshape3A_369 = vector.shape_cast %reshape3A_368 : vector<1024x128xf32> to vector<64x2x8x128xf32>
    %slice3A_370 = vector.extract_strided_slice %reshape3A_369 {offsets = [0, 0, 0, 0], sizes = [64, 1, 8, 128], strides = [1, 1, 1, 1]} : vector<64x2x8x128xf32> to vector<64x1x8x128xf32>
    %squeeze3A_371 = vector.shape_cast %slice3A_370 : vector<64x1x8x128xf32> to vector<64x8x128xf32>
    %slice3A_372 = vector.extract_strided_slice %reshape3A_369 {offsets = [0, 1, 0, 0], sizes = [64, 1, 8, 128], strides = [1, 1, 1, 1]} : vector<64x2x8x128xf32> to vector<64x1x8x128xf32>
    %squeeze3A_373 = vector.shape_cast %slice3A_372 : vector<64x1x8x128xf32> to vector<64x8x128xf32>
    %iota3A_374 = tpu.iota {dimensions = array<i32: 0>} : vector<64x8x128xi32>
    %and3A_375 = arith.constant 4 : i32
    %and3A_376 = vector.broadcast %and3A_375 : i32 to vector<64x8x128xi32>
    %and3A_377 = arith.andi %iota3A_374, %and3A_376 : vector<64x8x128xi32>
    %ne3A_378 = arith.constant 0 : i32
    %ne3A_379 = vector.broadcast %ne3A_378 : i32 to vector<64x8x128xi32>
    %ne3A_380 = arith.cmpi ne, %and3A_377, %ne3A_379 : vector<64x8x128xi32>
    %min3A_381 = arith.minimumf %squeeze3A_371, %squeeze3A_373 : vector<64x8x128xf32>
    %max3A_382 = arith.maximumf %squeeze3A_371, %squeeze3A_373 : vector<64x8x128xf32>
    %select_n3A_383 = arith.select %ne3A_380, %min3A_381, %max3A_382 : vector<64x8x128xi1>, vector<64x8x128xf32>
    %select_n3A_384 = arith.select %ne3A_380, %max3A_382, %min3A_381 : vector<64x8x128xi1>, vector<64x8x128xf32>
    %broadcast_in_dim3A_385 = vector.shape_cast %select_n3A_383 : vector<64x8x128xf32> to vector<64x1x8x128xf32>
    %broadcast_in_dim3A_386 = vector.shape_cast %select_n3A_384 : vector<64x8x128xf32> to vector<64x1x8x128xf32>
    %concatenate3A_387 = tpu.concatenate %broadcast_in_dim3A_385, %broadcast_in_dim3A_386 in 1 : vector<64x1x8x128xf32>, vector<64x1x8x128xf32> -> vector<64x2x8x128xf32>
    %reshape3A_388 = vector.shape_cast %concatenate3A_387 : vector<64x2x8x128xf32> to vector<1024x128xf32>
    %and3A_389 = arith.constant 4 : i32
    %and3A_390 = vector.broadcast %and3A_389 : i32 to vector<1024x128xi32>
    %and3A_391 = arith.andi %iota3A, %and3A_390 : vector<1024x128xi32>
    %eq3A_392 = arith.constant 0 : i32
    %eq3A_393 = vector.broadcast %eq3A_392 : i32 to vector<1024x128xi32>
    %eq3A_394 = arith.cmpi eq, %and3A_391, %eq3A_393 : vector<1024x128xi32>
    %roll3A_395 = arith.constant 1020 : i32
    %roll3A_396 = tpu.dynamic_rotate %reshape3A_388 by %roll3A_395 dim 0 : vector<1024x128xf32>, i32 -> vector<1024x128xf32>
    %roll3A_397 = arith.constant 4 : i32
    %roll3A_398 = tpu.dynamic_rotate %reshape3A_388 by %roll3A_397 dim 0 : vector<1024x128xf32>, i32 -> vector<1024x128xf32>
    %select_n3A_399 = arith.select %eq3A_394, %roll3A_396, %roll3A_398 : vector<1024x128xi1>, vector<1024x128xf32>
    %and3A_400 = arith.constant 64 : i32
    %and3A_401 = vector.broadcast %and3A_400 : i32 to vector<1024x128xi32>
    %and3A_402 = arith.andi %iota3A, %and3A_401 : vector<1024x128xi32>
    %ne3A_403 = arith.constant 0 : i32
    %ne3A_404 = vector.broadcast %ne3A_403 : i32 to vector<1024x128xi32>
    %ne3A_405 = arith.cmpi ne, %and3A_402, %ne3A_404 : vector<1024x128xi32>
    %min3A_406 = arith.minimumf %reshape3A_388, %select_n3A_399 : vector<1024x128xf32>
    %max3A_407 = arith.maximumf %reshape3A_388, %select_n3A_399 : vector<1024x128xf32>
    %eq3A_408 = arith.xori %eq3A_394, %ne3A_405 : vector<1024x128xi1>
    %eq3A_409 = arith.constant dense<true> : vector<1024x128xi1>
    %eq3A_410 = arith.xori %eq3A_408, %eq3A_409 : vector<1024x128xi1>
    %select_n3A_411 = arith.select %eq3A_410, %min3A_406, %max3A_407 : vector<1024x128xi1>, vector<1024x128xf32>
    %and3A_412 = arith.constant 2 : i32
    %and3A_413 = vector.broadcast %and3A_412 : i32 to vector<1024x128xi32>
    %and3A_414 = arith.andi %iota3A, %and3A_413 : vector<1024x128xi32>
    %eq3A_415 = arith.constant 0 : i32
    %eq3A_416 = vector.broadcast %eq3A_415 : i32 to vector<1024x128xi32>
    %eq3A_417 = arith.cmpi eq, %and3A_414, %eq3A_416 : vector<1024x128xi32>
    %roll3A_418 = arith.constant 1022 : i32
    %roll3A_419 = tpu.dynamic_rotate %select_n3A_411 by %roll3A_418 dim 0 : vector<1024x128xf32>, i32 -> vector<1024x128xf32>
    %roll3A_420 = arith.constant 2 : i32
    %roll3A_421 = tpu.dynamic_rotate %select_n3A_411 by %roll3A_420 dim 0 : vector<1024x128xf32>, i32 -> vector<1024x128xf32>
    %select_n3A_422 = arith.select %eq3A_417, %roll3A_419, %roll3A_421 : vector<1024x128xi1>, vector<1024x128xf32>
    %and3A_423 = arith.constant 64 : i32
    %and3A_424 = vector.broadcast %and3A_423 : i32 to vector<1024x128xi32>
    %and3A_425 = arith.andi %iota3A, %and3A_424 : vector<1024x128xi32>
    %ne3A_426 = arith.constant 0 : i32
    %ne3A_427 = vector.broadcast %ne3A_426 : i32 to vector<1024x128xi32>
    %ne3A_428 = arith.cmpi ne, %and3A_425, %ne3A_427 : vector<1024x128xi32>
    %min3A_429 = arith.minimumf %select_n3A_411, %select_n3A_422 : vector<1024x128xf32>
    %max3A_430 = arith.maximumf %select_n3A_411, %select_n3A_422 : vector<1024x128xf32>
    %eq3A_431 = arith.xori %eq3A_417, %ne3A_428 : vector<1024x128xi1>
    %eq3A_432 = arith.constant dense<true> : vector<1024x128xi1>
    %eq3A_433 = arith.xori %eq3A_431, %eq3A_432 : vector<1024x128xi1>
    %select_n3A_434 = arith.select %eq3A_433, %min3A_429, %max3A_430 : vector<1024x128xi1>, vector<1024x128xf32>
    %and3A_435 = arith.constant 1 : i32
    %and3A_436 = vector.broadcast %and3A_435 : i32 to vector<1024x128xi32>
    %and3A_437 = arith.andi %iota3A, %and3A_436 : vector<1024x128xi32>
    %eq3A_438 = arith.constant 0 : i32
    %eq3A_439 = vector.broadcast %eq3A_438 : i32 to vector<1024x128xi32>
    %eq3A_440 = arith.cmpi eq, %and3A_437, %eq3A_439 : vector<1024x128xi32>
    %roll3A_441 = arith.constant 1023 : i32
    %roll3A_442 = tpu.dynamic_rotate %select_n3A_434 by %roll3A_441 dim 0 : vector<1024x128xf32>, i32 -> vector<1024x128xf32>
    %roll3A_443 = arith.constant 1 : i32
    %roll3A_444 = tpu.dynamic_rotate %select_n3A_434 by %roll3A_443 dim 0 : vector<1024x128xf32>, i32 -> vector<1024x128xf32>
    %select_n3A_445 = arith.select %eq3A_440, %roll3A_442, %roll3A_444 : vector<1024x128xi1>, vector<1024x128xf32>
    %and3A_446 = arith.constant 64 : i32
    %and3A_447 = vector.broadcast %and3A_446 : i32 to vector<1024x128xi32>
    %and3A_448 = arith.andi %iota3A, %and3A_447 : vector<1024x128xi32>
    %ne3A_449 = arith.constant 0 : i32
    %ne3A_450 = vector.broadcast %ne3A_449 : i32 to vector<1024x128xi32>
    %ne3A_451 = arith.cmpi ne, %and3A_448, %ne3A_450 : vector<1024x128xi32>
    %min3A_452 = arith.minimumf %select_n3A_434, %select_n3A_445 : vector<1024x128xf32>
    %max3A_453 = arith.maximumf %select_n3A_434, %select_n3A_445 : vector<1024x128xf32>
    %eq3A_454 = arith.xori %eq3A_440, %ne3A_451 : vector<1024x128xi1>
    %eq3A_455 = arith.constant dense<true> : vector<1024x128xi1>
    %eq3A_456 = arith.xori %eq3A_454, %eq3A_455 : vector<1024x128xi1>
    %select_n3A_457 = arith.select %eq3A_456, %min3A_452, %max3A_453 : vector<1024x128xi1>, vector<1024x128xf32>
    %reshape3A_458 = vector.shape_cast %select_n3A_457 : vector<1024x128xf32> to vector<8x2x64x128xf32>
    %slice3A_459 = vector.extract_strided_slice %reshape3A_458 {offsets = [0, 0, 0, 0], sizes = [8, 1, 64, 128], strides = [1, 1, 1, 1]} : vector<8x2x64x128xf32> to vector<8x1x64x128xf32>
    %squeeze3A_460 = vector.shape_cast %slice3A_459 : vector<8x1x64x128xf32> to vector<8x64x128xf32>
    %slice3A_461 = vector.extract_strided_slice %reshape3A_458 {offsets = [0, 1, 0, 0], sizes = [8, 1, 64, 128], strides = [1, 1, 1, 1]} : vector<8x2x64x128xf32> to vector<8x1x64x128xf32>
    %squeeze3A_462 = vector.shape_cast %slice3A_461 : vector<8x1x64x128xf32> to vector<8x64x128xf32>
    %iota3A_463 = tpu.iota {dimensions = array<i32: 0>} : vector<8x64x128xi32>
    %and3A_464 = arith.constant 1 : i32
    %and3A_465 = vector.broadcast %and3A_464 : i32 to vector<8x64x128xi32>
    %and3A_466 = arith.andi %iota3A_463, %and3A_465 : vector<8x64x128xi32>
    %ne3A_467 = arith.constant 0 : i32
    %ne3A_468 = vector.broadcast %ne3A_467 : i32 to vector<8x64x128xi32>
    %ne3A_469 = arith.cmpi ne, %and3A_466, %ne3A_468 : vector<8x64x128xi32>
    %min3A_470 = arith.minimumf %squeeze3A_460, %squeeze3A_462 : vector<8x64x128xf32>
    %max3A_471 = arith.maximumf %squeeze3A_460, %squeeze3A_462 : vector<8x64x128xf32>
    %select_n3A_472 = arith.select %ne3A_469, %min3A_470, %max3A_471 : vector<8x64x128xi1>, vector<8x64x128xf32>
    %select_n3A_473 = arith.select %ne3A_469, %max3A_471, %min3A_470 : vector<8x64x128xi1>, vector<8x64x128xf32>
    %broadcast_in_dim3A_474 = vector.shape_cast %select_n3A_472 : vector<8x64x128xf32> to vector<8x1x64x128xf32>
    %broadcast_in_dim3A_475 = vector.shape_cast %select_n3A_473 : vector<8x64x128xf32> to vector<8x1x64x128xf32>
    %concatenate3A_476 = tpu.concatenate %broadcast_in_dim3A_474, %broadcast_in_dim3A_475 in 1 : vector<8x1x64x128xf32>, vector<8x1x64x128xf32> -> vector<8x2x64x128xf32>
    %reshape3A_477 = vector.shape_cast %concatenate3A_476 : vector<8x2x64x128xf32> to vector<1024x128xf32>
    %reshape3A_478 = vector.shape_cast %reshape3A_477 : vector<1024x128xf32> to vector<16x2x32x128xf32>
    %slice3A_479 = vector.extract_strided_slice %reshape3A_478 {offsets = [0, 0, 0, 0], sizes = [16, 1, 32, 128], strides = [1, 1, 1, 1]} : vector<16x2x32x128xf32> to vector<16x1x32x128xf32>
    %squeeze3A_480 = vector.shape_cast %slice3A_479 : vector<16x1x32x128xf32> to vector<16x32x128xf32>
    %slice3A_481 = vector.extract_strided_slice %reshape3A_478 {offsets = [0, 1, 0, 0], sizes = [16, 1, 32, 128], strides = [1, 1, 1, 1]} : vector<16x2x32x128xf32> to vector<16x1x32x128xf32>
    %squeeze3A_482 = vector.shape_cast %slice3A_481 : vector<16x1x32x128xf32> to vector<16x32x128xf32>
    %iota3A_483 = tpu.iota {dimensions = array<i32: 0>} : vector<16x32x128xi32>
    %and3A_484 = arith.constant 2 : i32
    %and3A_485 = vector.broadcast %and3A_484 : i32 to vector<16x32x128xi32>
    %and3A_486 = arith.andi %iota3A_483, %and3A_485 : vector<16x32x128xi32>
    %ne3A_487 = arith.constant 0 : i32
    %ne3A_488 = vector.broadcast %ne3A_487 : i32 to vector<16x32x128xi32>
    %ne3A_489 = arith.cmpi ne, %and3A_486, %ne3A_488 : vector<16x32x128xi32>
    %min3A_490 = arith.minimumf %squeeze3A_480, %squeeze3A_482 : vector<16x32x128xf32>
    %max3A_491 = arith.maximumf %squeeze3A_480, %squeeze3A_482 : vector<16x32x128xf32>
    %select_n3A_492 = arith.select %ne3A_489, %min3A_490, %max3A_491 : vector<16x32x128xi1>, vector<16x32x128xf32>
    %select_n3A_493 = arith.select %ne3A_489, %max3A_491, %min3A_490 : vector<16x32x128xi1>, vector<16x32x128xf32>
    %broadcast_in_dim3A_494 = vector.shape_cast %select_n3A_492 : vector<16x32x128xf32> to vector<16x1x32x128xf32>
    %broadcast_in_dim3A_495 = vector.shape_cast %select_n3A_493 : vector<16x32x128xf32> to vector<16x1x32x128xf32>
    %concatenate3A_496 = tpu.concatenate %broadcast_in_dim3A_494, %broadcast_in_dim3A_495 in 1 : vector<16x1x32x128xf32>, vector<16x1x32x128xf32> -> vector<16x2x32x128xf32>
    %reshape3A_497 = vector.shape_cast %concatenate3A_496 : vector<16x2x32x128xf32> to vector<1024x128xf32>
    %reshape3A_498 = vector.shape_cast %reshape3A_497 : vector<1024x128xf32> to vector<32x2x16x128xf32>
    %slice3A_499 = vector.extract_strided_slice %reshape3A_498 {offsets = [0, 0, 0, 0], sizes = [32, 1, 16, 128], strides = [1, 1, 1, 1]} : vector<32x2x16x128xf32> to vector<32x1x16x128xf32>
    %squeeze3A_500 = vector.shape_cast %slice3A_499 : vector<32x1x16x128xf32> to vector<32x16x128xf32>
    %slice3A_501 = vector.extract_strided_slice %reshape3A_498 {offsets = [0, 1, 0, 0], sizes = [32, 1, 16, 128], strides = [1, 1, 1, 1]} : vector<32x2x16x128xf32> to vector<32x1x16x128xf32>
    %squeeze3A_502 = vector.shape_cast %slice3A_501 : vector<32x1x16x128xf32> to vector<32x16x128xf32>
    %iota3A_503 = tpu.iota {dimensions = array<i32: 0>} : vector<32x16x128xi32>
    %and3A_504 = arith.constant 4 : i32
    %and3A_505 = vector.broadcast %and3A_504 : i32 to vector<32x16x128xi32>
    %and3A_506 = arith.andi %iota3A_503, %and3A_505 : vector<32x16x128xi32>
    %ne3A_507 = arith.constant 0 : i32
    %ne3A_508 = vector.broadcast %ne3A_507 : i32 to vector<32x16x128xi32>
    %ne3A_509 = arith.cmpi ne, %and3A_506, %ne3A_508 : vector<32x16x128xi32>
    %min3A_510 = arith.minimumf %squeeze3A_500, %squeeze3A_502 : vector<32x16x128xf32>
    %max3A_511 = arith.maximumf %squeeze3A_500, %squeeze3A_502 : vector<32x16x128xf32>
    %select_n3A_512 = arith.select %ne3A_509, %min3A_510, %max3A_511 : vector<32x16x128xi1>, vector<32x16x128xf32>
    %select_n3A_513 = arith.select %ne3A_509, %max3A_511, %min3A_510 : vector<32x16x128xi1>, vector<32x16x128xf32>
    %broadcast_in_dim3A_514 = vector.shape_cast %select_n3A_512 : vector<32x16x128xf32> to vector<32x1x16x128xf32>
    %broadcast_in_dim3A_515 = vector.shape_cast %select_n3A_513 : vector<32x16x128xf32> to vector<32x1x16x128xf32>
    %concatenate3A_516 = tpu.concatenate %broadcast_in_dim3A_514, %broadcast_in_dim3A_515 in 1 : vector<32x1x16x128xf32>, vector<32x1x16x128xf32> -> vector<32x2x16x128xf32>
    %reshape3A_517 = vector.shape_cast %concatenate3A_516 : vector<32x2x16x128xf32> to vector<1024x128xf32>
    %reshape3A_518 = vector.shape_cast %reshape3A_517 : vector<1024x128xf32> to vector<64x2x8x128xf32>
    %slice3A_519 = vector.extract_strided_slice %reshape3A_518 {offsets = [0, 0, 0, 0], sizes = [64, 1, 8, 128], strides = [1, 1, 1, 1]} : vector<64x2x8x128xf32> to vector<64x1x8x128xf32>
    %squeeze3A_520 = vector.shape_cast %slice3A_519 : vector<64x1x8x128xf32> to vector<64x8x128xf32>
    %slice3A_521 = vector.extract_strided_slice %reshape3A_518 {offsets = [0, 1, 0, 0], sizes = [64, 1, 8, 128], strides = [1, 1, 1, 1]} : vector<64x2x8x128xf32> to vector<64x1x8x128xf32>
    %squeeze3A_522 = vector.shape_cast %slice3A_521 : vector<64x1x8x128xf32> to vector<64x8x128xf32>
    %iota3A_523 = tpu.iota {dimensions = array<i32: 0>} : vector<64x8x128xi32>
    %and3A_524 = arith.constant 8 : i32
    %and3A_525 = vector.broadcast %and3A_524 : i32 to vector<64x8x128xi32>
    %and3A_526 = arith.andi %iota3A_523, %and3A_525 : vector<64x8x128xi32>
    %ne3A_527 = arith.constant 0 : i32
    %ne3A_528 = vector.broadcast %ne3A_527 : i32 to vector<64x8x128xi32>
    %ne3A_529 = arith.cmpi ne, %and3A_526, %ne3A_528 : vector<64x8x128xi32>
    %min3A_530 = arith.minimumf %squeeze3A_520, %squeeze3A_522 : vector<64x8x128xf32>
    %max3A_531 = arith.maximumf %squeeze3A_520, %squeeze3A_522 : vector<64x8x128xf32>
    %select_n3A_532 = arith.select %ne3A_529, %min3A_530, %max3A_531 : vector<64x8x128xi1>, vector<64x8x128xf32>
    %select_n3A_533 = arith.select %ne3A_529, %max3A_531, %min3A_530 : vector<64x8x128xi1>, vector<64x8x128xf32>
    %broadcast_in_dim3A_534 = vector.shape_cast %select_n3A_532 : vector<64x8x128xf32> to vector<64x1x8x128xf32>
    %broadcast_in_dim3A_535 = vector.shape_cast %select_n3A_533 : vector<64x8x128xf32> to vector<64x1x8x128xf32>
    %concatenate3A_536 = tpu.concatenate %broadcast_in_dim3A_534, %broadcast_in_dim3A_535 in 1 : vector<64x1x8x128xf32>, vector<64x1x8x128xf32> -> vector<64x2x8x128xf32>
    %reshape3A_537 = vector.shape_cast %concatenate3A_536 : vector<64x2x8x128xf32> to vector<1024x128xf32>
    %and3A_538 = arith.constant 4 : i32
    %and3A_539 = vector.broadcast %and3A_538 : i32 to vector<1024x128xi32>
    %and3A_540 = arith.andi %iota3A, %and3A_539 : vector<1024x128xi32>
    %eq3A_541 = arith.constant 0 : i32
    %eq3A_542 = vector.broadcast %eq3A_541 : i32 to vector<1024x128xi32>
    %eq3A_543 = arith.cmpi eq, %and3A_540, %eq3A_542 : vector<1024x128xi32>
    %roll3A_544 = arith.constant 1020 : i32
    %roll3A_545 = tpu.dynamic_rotate %reshape3A_537 by %roll3A_544 dim 0 : vector<1024x128xf32>, i32 -> vector<1024x128xf32>
    %roll3A_546 = arith.constant 4 : i32
    %roll3A_547 = tpu.dynamic_rotate %reshape3A_537 by %roll3A_546 dim 0 : vector<1024x128xf32>, i32 -> vector<1024x128xf32>
    %select_n3A_548 = arith.select %eq3A_543, %roll3A_545, %roll3A_547 : vector<1024x128xi1>, vector<1024x128xf32>
    %and3A_549 = arith.constant 128 : i32
    %and3A_550 = vector.broadcast %and3A_549 : i32 to vector<1024x128xi32>
    %and3A_551 = arith.andi %iota3A, %and3A_550 : vector<1024x128xi32>
    %ne3A_552 = arith.constant 0 : i32
    %ne3A_553 = vector.broadcast %ne3A_552 : i32 to vector<1024x128xi32>
    %ne3A_554 = arith.cmpi ne, %and3A_551, %ne3A_553 : vector<1024x128xi32>
    %min3A_555 = arith.minimumf %reshape3A_537, %select_n3A_548 : vector<1024x128xf32>
    %max3A_556 = arith.maximumf %reshape3A_537, %select_n3A_548 : vector<1024x128xf32>
    %eq3A_557 = arith.xori %eq3A_543, %ne3A_554 : vector<1024x128xi1>
    %eq3A_558 = arith.constant dense<true> : vector<1024x128xi1>
    %eq3A_559 = arith.xori %eq3A_557, %eq3A_558 : vector<1024x128xi1>
    %select_n3A_560 = arith.select %eq3A_559, %min3A_555, %max3A_556 : vector<1024x128xi1>, vector<1024x128xf32>
    %and3A_561 = arith.constant 2 : i32
    %and3A_562 = vector.broadcast %and3A_561 : i32 to vector<1024x128xi32>
    %and3A_563 = arith.andi %iota3A, %and3A_562 : vector<1024x128xi32>
    %eq3A_564 = arith.constant 0 : i32
    %eq3A_565 = vector.broadcast %eq3A_564 : i32 to vector<1024x128xi32>
    %eq3A_566 = arith.cmpi eq, %and3A_563, %eq3A_565 : vector<1024x128xi32>
    %roll3A_567 = arith.constant 1022 : i32
    %roll3A_568 = tpu.dynamic_rotate %select_n3A_560 by %roll3A_567 dim 0 : vector<1024x128xf32>, i32 -> vector<1024x128xf32>
    %roll3A_569 = arith.constant 2 : i32
    %roll3A_570 = tpu.dynamic_rotate %select_n3A_560 by %roll3A_569 dim 0 : vector<1024x128xf32>, i32 -> vector<1024x128xf32>
    %select_n3A_571 = arith.select %eq3A_566, %roll3A_568, %roll3A_570 : vector<1024x128xi1>, vector<1024x128xf32>
    %and3A_572 = arith.constant 128 : i32
    %and3A_573 = vector.broadcast %and3A_572 : i32 to vector<1024x128xi32>
    %and3A_574 = arith.andi %iota3A, %and3A_573 : vector<1024x128xi32>
    %ne3A_575 = arith.constant 0 : i32
    %ne3A_576 = vector.broadcast %ne3A_575 : i32 to vector<1024x128xi32>
    %ne3A_577 = arith.cmpi ne, %and3A_574, %ne3A_576 : vector<1024x128xi32>
    %min3A_578 = arith.minimumf %select_n3A_560, %select_n3A_571 : vector<1024x128xf32>
    %max3A_579 = arith.maximumf %select_n3A_560, %select_n3A_571 : vector<1024x128xf32>
    %eq3A_580 = arith.xori %eq3A_566, %ne3A_577 : vector<1024x128xi1>
    %eq3A_581 = arith.constant dense<true> : vector<1024x128xi1>
    %eq3A_582 = arith.xori %eq3A_580, %eq3A_581 : vector<1024x128xi1>
    %select_n3A_583 = arith.select %eq3A_582, %min3A_578, %max3A_579 : vector<1024x128xi1>, vector<1024x128xf32>
    %and3A_584 = arith.constant 1 : i32
    %and3A_585 = vector.broadcast %and3A_584 : i32 to vector<1024x128xi32>
    %and3A_586 = arith.andi %iota3A, %and3A_585 : vector<1024x128xi32>
    %eq3A_587 = arith.constant 0 : i32
    %eq3A_588 = vector.broadcast %eq3A_587 : i32 to vector<1024x128xi32>
    %eq3A_589 = arith.cmpi eq, %and3A_586, %eq3A_588 : vector<1024x128xi32>
    %roll3A_590 = arith.constant 1023 : i32
    %roll3A_591 = tpu.dynamic_rotate %select_n3A_583 by %roll3A_590 dim 0 : vector<1024x128xf32>, i32 -> vector<1024x128xf32>
    %roll3A_592 = arith.constant 1 : i32
    %roll3A_593 = tpu.dynamic_rotate %select_n3A_583 by %roll3A_592 dim 0 : vector<1024x128xf32>, i32 -> vector<1024x128xf32>
    %select_n3A_594 = arith.select %eq3A_589, %roll3A_591, %roll3A_593 : vector<1024x128xi1>, vector<1024x128xf32>
    %and3A_595 = arith.constant 128 : i32
    %and3A_596 = vector.broadcast %and3A_595 : i32 to vector<1024x128xi32>
    %and3A_597 = arith.andi %iota3A, %and3A_596 : vector<1024x128xi32>
    %ne3A_598 = arith.constant 0 : i32
    %ne3A_599 = vector.broadcast %ne3A_598 : i32 to vector<1024x128xi32>
    %ne3A_600 = arith.cmpi ne, %and3A_597, %ne3A_599 : vector<1024x128xi32>
    %min3A_601 = arith.minimumf %select_n3A_583, %select_n3A_594 : vector<1024x128xf32>
    %max3A_602 = arith.maximumf %select_n3A_583, %select_n3A_594 : vector<1024x128xf32>
    %eq3A_603 = arith.xori %eq3A_589, %ne3A_600 : vector<1024x128xi1>
    %eq3A_604 = arith.constant dense<true> : vector<1024x128xi1>
    %eq3A_605 = arith.xori %eq3A_603, %eq3A_604 : vector<1024x128xi1>
    %select_n3A_606 = arith.select %eq3A_605, %min3A_601, %max3A_602 : vector<1024x128xi1>, vector<1024x128xf32>
    %reshape3A_607 = vector.shape_cast %select_n3A_606 : vector<1024x128xf32> to vector<4x2x128x128xf32>
    %slice3A_608 = vector.extract_strided_slice %reshape3A_607 {offsets = [0, 0, 0, 0], sizes = [4, 1, 128, 128], strides = [1, 1, 1, 1]} : vector<4x2x128x128xf32> to vector<4x1x128x128xf32>
    %squeeze3A_609 = vector.shape_cast %slice3A_608 : vector<4x1x128x128xf32> to vector<4x128x128xf32>
    %slice3A_610 = vector.extract_strided_slice %reshape3A_607 {offsets = [0, 1, 0, 0], sizes = [4, 1, 128, 128], strides = [1, 1, 1, 1]} : vector<4x2x128x128xf32> to vector<4x1x128x128xf32>
    %squeeze3A_611 = vector.shape_cast %slice3A_610 : vector<4x1x128x128xf32> to vector<4x128x128xf32>
    %iota3A_612 = tpu.iota {dimensions = array<i32: 0>} : vector<4x128x128xi32>
    %and3A_613 = arith.constant 1 : i32
    %and3A_614 = vector.broadcast %and3A_613 : i32 to vector<4x128x128xi32>
    %and3A_615 = arith.andi %iota3A_612, %and3A_614 : vector<4x128x128xi32>
    %ne3A_616 = arith.constant 0 : i32
    %ne3A_617 = vector.broadcast %ne3A_616 : i32 to vector<4x128x128xi32>
    %ne3A_618 = arith.cmpi ne, %and3A_615, %ne3A_617 : vector<4x128x128xi32>
    %min3A_619 = arith.minimumf %squeeze3A_609, %squeeze3A_611 : vector<4x128x128xf32>
    %max3A_620 = arith.maximumf %squeeze3A_609, %squeeze3A_611 : vector<4x128x128xf32>
    %select_n3A_621 = arith.select %ne3A_618, %min3A_619, %max3A_620 : vector<4x128x128xi1>, vector<4x128x128xf32>
    %select_n3A_622 = arith.select %ne3A_618, %max3A_620, %min3A_619 : vector<4x128x128xi1>, vector<4x128x128xf32>
    %broadcast_in_dim3A_623 = vector.shape_cast %select_n3A_621 : vector<4x128x128xf32> to vector<4x1x128x128xf32>
    %broadcast_in_dim3A_624 = vector.shape_cast %select_n3A_622 : vector<4x128x128xf32> to vector<4x1x128x128xf32>
    %concatenate3A_625 = tpu.concatenate %broadcast_in_dim3A_623, %broadcast_in_dim3A_624 in 1 : vector<4x1x128x128xf32>, vector<4x1x128x128xf32> -> vector<4x2x128x128xf32>
    %reshape3A_626 = vector.shape_cast %concatenate3A_625 : vector<4x2x128x128xf32> to vector<1024x128xf32>
    %reshape3A_627 = vector.shape_cast %reshape3A_626 : vector<1024x128xf32> to vector<8x2x64x128xf32>
    %slice3A_628 = vector.extract_strided_slice %reshape3A_627 {offsets = [0, 0, 0, 0], sizes = [8, 1, 64, 128], strides = [1, 1, 1, 1]} : vector<8x2x64x128xf32> to vector<8x1x64x128xf32>
    %squeeze3A_629 = vector.shape_cast %slice3A_628 : vector<8x1x64x128xf32> to vector<8x64x128xf32>
    %slice3A_630 = vector.extract_strided_slice %reshape3A_627 {offsets = [0, 1, 0, 0], sizes = [8, 1, 64, 128], strides = [1, 1, 1, 1]} : vector<8x2x64x128xf32> to vector<8x1x64x128xf32>
    %squeeze3A_631 = vector.shape_cast %slice3A_630 : vector<8x1x64x128xf32> to vector<8x64x128xf32>
    %iota3A_632 = tpu.iota {dimensions = array<i32: 0>} : vector<8x64x128xi32>
    %and3A_633 = arith.constant 2 : i32
    %and3A_634 = vector.broadcast %and3A_633 : i32 to vector<8x64x128xi32>
    %and3A_635 = arith.andi %iota3A_632, %and3A_634 : vector<8x64x128xi32>
    %ne3A_636 = arith.constant 0 : i32
    %ne3A_637 = vector.broadcast %ne3A_636 : i32 to vector<8x64x128xi32>
    %ne3A_638 = arith.cmpi ne, %and3A_635, %ne3A_637 : vector<8x64x128xi32>
    %min3A_639 = arith.minimumf %squeeze3A_629, %squeeze3A_631 : vector<8x64x128xf32>
    %max3A_640 = arith.maximumf %squeeze3A_629, %squeeze3A_631 : vector<8x64x128xf32>
    %select_n3A_641 = arith.select %ne3A_638, %min3A_639, %max3A_640 : vector<8x64x128xi1>, vector<8x64x128xf32>
    %select_n3A_642 = arith.select %ne3A_638, %max3A_640, %min3A_639 : vector<8x64x128xi1>, vector<8x64x128xf32>
    %broadcast_in_dim3A_643 = vector.shape_cast %select_n3A_641 : vector<8x64x128xf32> to vector<8x1x64x128xf32>
    %broadcast_in_dim3A_644 = vector.shape_cast %select_n3A_642 : vector<8x64x128xf32> to vector<8x1x64x128xf32>
    %concatenate3A_645 = tpu.concatenate %broadcast_in_dim3A_643, %broadcast_in_dim3A_644 in 1 : vector<8x1x64x128xf32>, vector<8x1x64x128xf32> -> vector<8x2x64x128xf32>
    %reshape3A_646 = vector.shape_cast %concatenate3A_645 : vector<8x2x64x128xf32> to vector<1024x128xf32>
    %reshape3A_647 = vector.shape_cast %reshape3A_646 : vector<1024x128xf32> to vector<16x2x32x128xf32>
    %slice3A_648 = vector.extract_strided_slice %reshape3A_647 {offsets = [0, 0, 0, 0], sizes = [16, 1, 32, 128], strides = [1, 1, 1, 1]} : vector<16x2x32x128xf32> to vector<16x1x32x128xf32>
    %squeeze3A_649 = vector.shape_cast %slice3A_648 : vector<16x1x32x128xf32> to vector<16x32x128xf32>
    %slice3A_650 = vector.extract_strided_slice %reshape3A_647 {offsets = [0, 1, 0, 0], sizes = [16, 1, 32, 128], strides = [1, 1, 1, 1]} : vector<16x2x32x128xf32> to vector<16x1x32x128xf32>
    %squeeze3A_651 = vector.shape_cast %slice3A_650 : vector<16x1x32x128xf32> to vector<16x32x128xf32>
    %iota3A_652 = tpu.iota {dimensions = array<i32: 0>} : vector<16x32x128xi32>
    %and3A_653 = arith.constant 4 : i32
    %and3A_654 = vector.broadcast %and3A_653 : i32 to vector<16x32x128xi32>
    %and3A_655 = arith.andi %iota3A_652, %and3A_654 : vector<16x32x128xi32>
    %ne3A_656 = arith.constant 0 : i32
    %ne3A_657 = vector.broadcast %ne3A_656 : i32 to vector<16x32x128xi32>
    %ne3A_658 = arith.cmpi ne, %and3A_655, %ne3A_657 : vector<16x32x128xi32>
    %min3A_659 = arith.minimumf %squeeze3A_649, %squeeze3A_651 : vector<16x32x128xf32>
    %max3A_660 = arith.maximumf %squeeze3A_649, %squeeze3A_651 : vector<16x32x128xf32>
    %select_n3A_661 = arith.select %ne3A_658, %min3A_659, %max3A_660 : vector<16x32x128xi1>, vector<16x32x128xf32>
    %select_n3A_662 = arith.select %ne3A_658, %max3A_660, %min3A_659 : vector<16x32x128xi1>, vector<16x32x128xf32>
    %broadcast_in_dim3A_663 = vector.shape_cast %select_n3A_661 : vector<16x32x128xf32> to vector<16x1x32x128xf32>
    %broadcast_in_dim3A_664 = vector.shape_cast %select_n3A_662 : vector<16x32x128xf32> to vector<16x1x32x128xf32>
    %concatenate3A_665 = tpu.concatenate %broadcast_in_dim3A_663, %broadcast_in_dim3A_664 in 1 : vector<16x1x32x128xf32>, vector<16x1x32x128xf32> -> vector<16x2x32x128xf32>
    %reshape3A_666 = vector.shape_cast %concatenate3A_665 : vector<16x2x32x128xf32> to vector<1024x128xf32>
    %reshape3A_667 = vector.shape_cast %reshape3A_666 : vector<1024x128xf32> to vector<32x2x16x128xf32>
    %slice3A_668 = vector.extract_strided_slice %reshape3A_667 {offsets = [0, 0, 0, 0], sizes = [32, 1, 16, 128], strides = [1, 1, 1, 1]} : vector<32x2x16x128xf32> to vector<32x1x16x128xf32>
    %squeeze3A_669 = vector.shape_cast %slice3A_668 : vector<32x1x16x128xf32> to vector<32x16x128xf32>
    %slice3A_670 = vector.extract_strided_slice %reshape3A_667 {offsets = [0, 1, 0, 0], sizes = [32, 1, 16, 128], strides = [1, 1, 1, 1]} : vector<32x2x16x128xf32> to vector<32x1x16x128xf32>
    %squeeze3A_671 = vector.shape_cast %slice3A_670 : vector<32x1x16x128xf32> to vector<32x16x128xf32>
    %iota3A_672 = tpu.iota {dimensions = array<i32: 0>} : vector<32x16x128xi32>
    %and3A_673 = arith.constant 8 : i32
    %and3A_674 = vector.broadcast %and3A_673 : i32 to vector<32x16x128xi32>
    %and3A_675 = arith.andi %iota3A_672, %and3A_674 : vector<32x16x128xi32>
    %ne3A_676 = arith.constant 0 : i32
    %ne3A_677 = vector.broadcast %ne3A_676 : i32 to vector<32x16x128xi32>
    %ne3A_678 = arith.cmpi ne, %and3A_675, %ne3A_677 : vector<32x16x128xi32>
    %min3A_679 = arith.minimumf %squeeze3A_669, %squeeze3A_671 : vector<32x16x128xf32>
    %max3A_680 = arith.maximumf %squeeze3A_669, %squeeze3A_671 : vector<32x16x128xf32>
    %select_n3A_681 = arith.select %ne3A_678, %min3A_679, %max3A_680 : vector<32x16x128xi1>, vector<32x16x128xf32>
    %select_n3A_682 = arith.select %ne3A_678, %max3A_680, %min3A_679 : vector<32x16x128xi1>, vector<32x16x128xf32>
    %broadcast_in_dim3A_683 = vector.shape_cast %select_n3A_681 : vector<32x16x128xf32> to vector<32x1x16x128xf32>
    %broadcast_in_dim3A_684 = vector.shape_cast %select_n3A_682 : vector<32x16x128xf32> to vector<32x1x16x128xf32>
    %concatenate3A_685 = tpu.concatenate %broadcast_in_dim3A_683, %broadcast_in_dim3A_684 in 1 : vector<32x1x16x128xf32>, vector<32x1x16x128xf32> -> vector<32x2x16x128xf32>
    %reshape3A_686 = vector.shape_cast %concatenate3A_685 : vector<32x2x16x128xf32> to vector<1024x128xf32>
    %reshape3A_687 = vector.shape_cast %reshape3A_686 : vector<1024x128xf32> to vector<64x2x8x128xf32>
    %slice3A_688 = vector.extract_strided_slice %reshape3A_687 {offsets = [0, 0, 0, 0], sizes = [64, 1, 8, 128], strides = [1, 1, 1, 1]} : vector<64x2x8x128xf32> to vector<64x1x8x128xf32>
    %squeeze3A_689 = vector.shape_cast %slice3A_688 : vector<64x1x8x128xf32> to vector<64x8x128xf32>
    %slice3A_690 = vector.extract_strided_slice %reshape3A_687 {offsets = [0, 1, 0, 0], sizes = [64, 1, 8, 128], strides = [1, 1, 1, 1]} : vector<64x2x8x128xf32> to vector<64x1x8x128xf32>
    %squeeze3A_691 = vector.shape_cast %slice3A_690 : vector<64x1x8x128xf32> to vector<64x8x128xf32>
    %iota3A_692 = tpu.iota {dimensions = array<i32: 0>} : vector<64x8x128xi32>
    %and3A_693 = arith.constant 16 : i32
    %and3A_694 = vector.broadcast %and3A_693 : i32 to vector<64x8x128xi32>
    %and3A_695 = arith.andi %iota3A_692, %and3A_694 : vector<64x8x128xi32>
    %ne3A_696 = arith.constant 0 : i32
    %ne3A_697 = vector.broadcast %ne3A_696 : i32 to vector<64x8x128xi32>
    %ne3A_698 = arith.cmpi ne, %and3A_695, %ne3A_697 : vector<64x8x128xi32>
    %min3A_699 = arith.minimumf %squeeze3A_689, %squeeze3A_691 : vector<64x8x128xf32>
    %max3A_700 = arith.maximumf %squeeze3A_689, %squeeze3A_691 : vector<64x8x128xf32>
    %select_n3A_701 = arith.select %ne3A_698, %min3A_699, %max3A_700 : vector<64x8x128xi1>, vector<64x8x128xf32>
    %select_n3A_702 = arith.select %ne3A_698, %max3A_700, %min3A_699 : vector<64x8x128xi1>, vector<64x8x128xf32>
    %broadcast_in_dim3A_703 = vector.shape_cast %select_n3A_701 : vector<64x8x128xf32> to vector<64x1x8x128xf32>
    %broadcast_in_dim3A_704 = vector.shape_cast %select_n3A_702 : vector<64x8x128xf32> to vector<64x1x8x128xf32>
    %concatenate3A_705 = tpu.concatenate %broadcast_in_dim3A_703, %broadcast_in_dim3A_704 in 1 : vector<64x1x8x128xf32>, vector<64x1x8x128xf32> -> vector<64x2x8x128xf32>
    %reshape3A_706 = vector.shape_cast %concatenate3A_705 : vector<64x2x8x128xf32> to vector<1024x128xf32>
    %and3A_707 = arith.constant 4 : i32
    %and3A_708 = vector.broadcast %and3A_707 : i32 to vector<1024x128xi32>
    %and3A_709 = arith.andi %iota3A, %and3A_708 : vector<1024x128xi32>
    %eq3A_710 = arith.constant 0 : i32
    %eq3A_711 = vector.broadcast %eq3A_710 : i32 to vector<1024x128xi32>
    %eq3A_712 = arith.cmpi eq, %and3A_709, %eq3A_711 : vector<1024x128xi32>
    %roll3A_713 = arith.constant 1020 : i32
    %roll3A_714 = tpu.dynamic_rotate %reshape3A_706 by %roll3A_713 dim 0 : vector<1024x128xf32>, i32 -> vector<1024x128xf32>
    %roll3A_715 = arith.constant 4 : i32
    %roll3A_716 = tpu.dynamic_rotate %reshape3A_706 by %roll3A_715 dim 0 : vector<1024x128xf32>, i32 -> vector<1024x128xf32>
    %select_n3A_717 = arith.select %eq3A_712, %roll3A_714, %roll3A_716 : vector<1024x128xi1>, vector<1024x128xf32>
    %and3A_718 = arith.constant 256 : i32
    %and3A_719 = vector.broadcast %and3A_718 : i32 to vector<1024x128xi32>
    %and3A_720 = arith.andi %iota3A, %and3A_719 : vector<1024x128xi32>
    %ne3A_721 = arith.constant 0 : i32
    %ne3A_722 = vector.broadcast %ne3A_721 : i32 to vector<1024x128xi32>
    %ne3A_723 = arith.cmpi ne, %and3A_720, %ne3A_722 : vector<1024x128xi32>
    %min3A_724 = arith.minimumf %reshape3A_706, %select_n3A_717 : vector<1024x128xf32>
    %max3A_725 = arith.maximumf %reshape3A_706, %select_n3A_717 : vector<1024x128xf32>
    %eq3A_726 = arith.xori %eq3A_712, %ne3A_723 : vector<1024x128xi1>
    %eq3A_727 = arith.constant dense<true> : vector<1024x128xi1>
    %eq3A_728 = arith.xori %eq3A_726, %eq3A_727 : vector<1024x128xi1>
    %select_n3A_729 = arith.select %eq3A_728, %min3A_724, %max3A_725 : vector<1024x128xi1>, vector<1024x128xf32>
    %and3A_730 = arith.constant 2 : i32
    %and3A_731 = vector.broadcast %and3A_730 : i32 to vector<1024x128xi32>
    %and3A_732 = arith.andi %iota3A, %and3A_731 : vector<1024x128xi32>
    %eq3A_733 = arith.constant 0 : i32
    %eq3A_734 = vector.broadcast %eq3A_733 : i32 to vector<1024x128xi32>
    %eq3A_735 = arith.cmpi eq, %and3A_732, %eq3A_734 : vector<1024x128xi32>
    %roll3A_736 = arith.constant 1022 : i32
    %roll3A_737 = tpu.dynamic_rotate %select_n3A_729 by %roll3A_736 dim 0 : vector<1024x128xf32>, i32 -> vector<1024x128xf32>
    %roll3A_738 = arith.constant 2 : i32
    %roll3A_739 = tpu.dynamic_rotate %select_n3A_729 by %roll3A_738 dim 0 : vector<1024x128xf32>, i32 -> vector<1024x128xf32>
    %select_n3A_740 = arith.select %eq3A_735, %roll3A_737, %roll3A_739 : vector<1024x128xi1>, vector<1024x128xf32>
    %and3A_741 = arith.constant 256 : i32
    %and3A_742 = vector.broadcast %and3A_741 : i32 to vector<1024x128xi32>
    %and3A_743 = arith.andi %iota3A, %and3A_742 : vector<1024x128xi32>
    %ne3A_744 = arith.constant 0 : i32
    %ne3A_745 = vector.broadcast %ne3A_744 : i32 to vector<1024x128xi32>
    %ne3A_746 = arith.cmpi ne, %and3A_743, %ne3A_745 : vector<1024x128xi32>
    %min3A_747 = arith.minimumf %select_n3A_729, %select_n3A_740 : vector<1024x128xf32>
    %max3A_748 = arith.maximumf %select_n3A_729, %select_n3A_740 : vector<1024x128xf32>
    %eq3A_749 = arith.xori %eq3A_735, %ne3A_746 : vector<1024x128xi1>
    %eq3A_750 = arith.constant dense<true> : vector<1024x128xi1>
    %eq3A_751 = arith.xori %eq3A_749, %eq3A_750 : vector<1024x128xi1>
    %select_n3A_752 = arith.select %eq3A_751, %min3A_747, %max3A_748 : vector<1024x128xi1>, vector<1024x128xf32>
    %and3A_753 = arith.constant 1 : i32
    %and3A_754 = vector.broadcast %and3A_753 : i32 to vector<1024x128xi32>
    %and3A_755 = arith.andi %iota3A, %and3A_754 : vector<1024x128xi32>
    %eq3A_756 = arith.constant 0 : i32
    %eq3A_757 = vector.broadcast %eq3A_756 : i32 to vector<1024x128xi32>
    %eq3A_758 = arith.cmpi eq, %and3A_755, %eq3A_757 : vector<1024x128xi32>
    %roll3A_759 = arith.constant 1023 : i32
    %roll3A_760 = tpu.dynamic_rotate %select_n3A_752 by %roll3A_759 dim 0 : vector<1024x128xf32>, i32 -> vector<1024x128xf32>
    %roll3A_761 = arith.constant 1 : i32
    %roll3A_762 = tpu.dynamic_rotate %select_n3A_752 by %roll3A_761 dim 0 : vector<1024x128xf32>, i32 -> vector<1024x128xf32>
    %select_n3A_763 = arith.select %eq3A_758, %roll3A_760, %roll3A_762 : vector<1024x128xi1>, vector<1024x128xf32>
    %and3A_764 = arith.constant 256 : i32
    %and3A_765 = vector.broadcast %and3A_764 : i32 to vector<1024x128xi32>
    %and3A_766 = arith.andi %iota3A, %and3A_765 : vector<1024x128xi32>
    %ne3A_767 = arith.constant 0 : i32
    %ne3A_768 = vector.broadcast %ne3A_767 : i32 to vector<1024x128xi32>
    %ne3A_769 = arith.cmpi ne, %and3A_766, %ne3A_768 : vector<1024x128xi32>
    %min3A_770 = arith.minimumf %select_n3A_752, %select_n3A_763 : vector<1024x128xf32>
    %max3A_771 = arith.maximumf %select_n3A_752, %select_n3A_763 : vector<1024x128xf32>
    %eq3A_772 = arith.xori %eq3A_758, %ne3A_769 : vector<1024x128xi1>
    %eq3A_773 = arith.constant dense<true> : vector<1024x128xi1>
    %eq3A_774 = arith.xori %eq3A_772, %eq3A_773 : vector<1024x128xi1>
    %select_n3A_775 = arith.select %eq3A_774, %min3A_770, %max3A_771 : vector<1024x128xi1>, vector<1024x128xf32>
    %reshape3A_776 = vector.shape_cast %select_n3A_775 : vector<1024x128xf32> to vector<2x2x256x128xf32>
    %slice3A_777 = vector.extract_strided_slice %reshape3A_776 {offsets = [0, 0, 0, 0], sizes = [2, 1, 256, 128], strides = [1, 1, 1, 1]} : vector<2x2x256x128xf32> to vector<2x1x256x128xf32>
    %squeeze3A_778 = vector.shape_cast %slice3A_777 : vector<2x1x256x128xf32> to vector<2x256x128xf32>
    %slice3A_779 = vector.extract_strided_slice %reshape3A_776 {offsets = [0, 1, 0, 0], sizes = [2, 1, 256, 128], strides = [1, 1, 1, 1]} : vector<2x2x256x128xf32> to vector<2x1x256x128xf32>
    %squeeze3A_780 = vector.shape_cast %slice3A_779 : vector<2x1x256x128xf32> to vector<2x256x128xf32>
    %iota3A_781 = tpu.iota {dimensions = array<i32: 0>} : vector<2x256x128xi32>
    %and3A_782 = arith.constant 1 : i32
    %and3A_783 = vector.broadcast %and3A_782 : i32 to vector<2x256x128xi32>
    %and3A_784 = arith.andi %iota3A_781, %and3A_783 : vector<2x256x128xi32>
    %ne3A_785 = arith.constant 0 : i32
    %ne3A_786 = vector.broadcast %ne3A_785 : i32 to vector<2x256x128xi32>
    %ne3A_787 = arith.cmpi ne, %and3A_784, %ne3A_786 : vector<2x256x128xi32>
    %min3A_788 = arith.minimumf %squeeze3A_778, %squeeze3A_780 : vector<2x256x128xf32>
    %max3A_789 = arith.maximumf %squeeze3A_778, %squeeze3A_780 : vector<2x256x128xf32>
    %select_n3A_790 = arith.select %ne3A_787, %min3A_788, %max3A_789 : vector<2x256x128xi1>, vector<2x256x128xf32>
    %select_n3A_791 = arith.select %ne3A_787, %max3A_789, %min3A_788 : vector<2x256x128xi1>, vector<2x256x128xf32>
    %broadcast_in_dim3A_792 = vector.shape_cast %select_n3A_790 : vector<2x256x128xf32> to vector<2x1x256x128xf32>
    %broadcast_in_dim3A_793 = vector.shape_cast %select_n3A_791 : vector<2x256x128xf32> to vector<2x1x256x128xf32>
    %concatenate3A_794 = tpu.concatenate %broadcast_in_dim3A_792, %broadcast_in_dim3A_793 in 1 : vector<2x1x256x128xf32>, vector<2x1x256x128xf32> -> vector<2x2x256x128xf32>
    %reshape3A_795 = vector.shape_cast %concatenate3A_794 : vector<2x2x256x128xf32> to vector<1024x128xf32>
    %reshape3A_796 = vector.shape_cast %reshape3A_795 : vector<1024x128xf32> to vector<4x2x128x128xf32>
    %slice3A_797 = vector.extract_strided_slice %reshape3A_796 {offsets = [0, 0, 0, 0], sizes = [4, 1, 128, 128], strides = [1, 1, 1, 1]} : vector<4x2x128x128xf32> to vector<4x1x128x128xf32>
    %squeeze3A_798 = vector.shape_cast %slice3A_797 : vector<4x1x128x128xf32> to vector<4x128x128xf32>
    %slice3A_799 = vector.extract_strided_slice %reshape3A_796 {offsets = [0, 1, 0, 0], sizes = [4, 1, 128, 128], strides = [1, 1, 1, 1]} : vector<4x2x128x128xf32> to vector<4x1x128x128xf32>
    %squeeze3A_800 = vector.shape_cast %slice3A_799 : vector<4x1x128x128xf32> to vector<4x128x128xf32>
    %iota3A_801 = tpu.iota {dimensions = array<i32: 0>} : vector<4x128x128xi32>
    %and3A_802 = arith.constant 2 : i32
    %and3A_803 = vector.broadcast %and3A_802 : i32 to vector<4x128x128xi32>
    %and3A_804 = arith.andi %iota3A_801, %and3A_803 : vector<4x128x128xi32>
    %ne3A_805 = arith.constant 0 : i32
    %ne3A_806 = vector.broadcast %ne3A_805 : i32 to vector<4x128x128xi32>
    %ne3A_807 = arith.cmpi ne, %and3A_804, %ne3A_806 : vector<4x128x128xi32>
    %min3A_808 = arith.minimumf %squeeze3A_798, %squeeze3A_800 : vector<4x128x128xf32>
    %max3A_809 = arith.maximumf %squeeze3A_798, %squeeze3A_800 : vector<4x128x128xf32>
    %select_n3A_810 = arith.select %ne3A_807, %min3A_808, %max3A_809 : vector<4x128x128xi1>, vector<4x128x128xf32>
    %select_n3A_811 = arith.select %ne3A_807, %max3A_809, %min3A_808 : vector<4x128x128xi1>, vector<4x128x128xf32>
    %broadcast_in_dim3A_812 = vector.shape_cast %select_n3A_810 : vector<4x128x128xf32> to vector<4x1x128x128xf32>
    %broadcast_in_dim3A_813 = vector.shape_cast %select_n3A_811 : vector<4x128x128xf32> to vector<4x1x128x128xf32>
    %concatenate3A_814 = tpu.concatenate %broadcast_in_dim3A_812, %broadcast_in_dim3A_813 in 1 : vector<4x1x128x128xf32>, vector<4x1x128x128xf32> -> vector<4x2x128x128xf32>
    %reshape3A_815 = vector.shape_cast %concatenate3A_814 : vector<4x2x128x128xf32> to vector<1024x128xf32>
    %reshape3A_816 = vector.shape_cast %reshape3A_815 : vector<1024x128xf32> to vector<8x2x64x128xf32>
    %slice3A_817 = vector.extract_strided_slice %reshape3A_816 {offsets = [0, 0, 0, 0], sizes = [8, 1, 64, 128], strides = [1, 1, 1, 1]} : vector<8x2x64x128xf32> to vector<8x1x64x128xf32>
    %squeeze3A_818 = vector.shape_cast %slice3A_817 : vector<8x1x64x128xf32> to vector<8x64x128xf32>
    %slice3A_819 = vector.extract_strided_slice %reshape3A_816 {offsets = [0, 1, 0, 0], sizes = [8, 1, 64, 128], strides = [1, 1, 1, 1]} : vector<8x2x64x128xf32> to vector<8x1x64x128xf32>
    %squeeze3A_820 = vector.shape_cast %slice3A_819 : vector<8x1x64x128xf32> to vector<8x64x128xf32>
    %iota3A_821 = tpu.iota {dimensions = array<i32: 0>} : vector<8x64x128xi32>
    %and3A_822 = arith.constant 4 : i32
    %and3A_823 = vector.broadcast %and3A_822 : i32 to vector<8x64x128xi32>
    %and3A_824 = arith.andi %iota3A_821, %and3A_823 : vector<8x64x128xi32>
    %ne3A_825 = arith.constant 0 : i32
    %ne3A_826 = vector.broadcast %ne3A_825 : i32 to vector<8x64x128xi32>
    %ne3A_827 = arith.cmpi ne, %and3A_824, %ne3A_826 : vector<8x64x128xi32>
    %min3A_828 = arith.minimumf %squeeze3A_818, %squeeze3A_820 : vector<8x64x128xf32>
    %max3A_829 = arith.maximumf %squeeze3A_818, %squeeze3A_820 : vector<8x64x128xf32>
    %select_n3A_830 = arith.select %ne3A_827, %min3A_828, %max3A_829 : vector<8x64x128xi1>, vector<8x64x128xf32>
    %select_n3A_831 = arith.select %ne3A_827, %max3A_829, %min3A_828 : vector<8x64x128xi1>, vector<8x64x128xf32>
    %broadcast_in_dim3A_832 = vector.shape_cast %select_n3A_830 : vector<8x64x128xf32> to vector<8x1x64x128xf32>
    %broadcast_in_dim3A_833 = vector.shape_cast %select_n3A_831 : vector<8x64x128xf32> to vector<8x1x64x128xf32>
    %concatenate3A_834 = tpu.concatenate %broadcast_in_dim3A_832, %broadcast_in_dim3A_833 in 1 : vector<8x1x64x128xf32>, vector<8x1x64x128xf32> -> vector<8x2x64x128xf32>
    %reshape3A_835 = vector.shape_cast %concatenate3A_834 : vector<8x2x64x128xf32> to vector<1024x128xf32>
    %reshape3A_836 = vector.shape_cast %reshape3A_835 : vector<1024x128xf32> to vector<16x2x32x128xf32>
    %slice3A_837 = vector.extract_strided_slice %reshape3A_836 {offsets = [0, 0, 0, 0], sizes = [16, 1, 32, 128], strides = [1, 1, 1, 1]} : vector<16x2x32x128xf32> to vector<16x1x32x128xf32>
    %squeeze3A_838 = vector.shape_cast %slice3A_837 : vector<16x1x32x128xf32> to vector<16x32x128xf32>
    %slice3A_839 = vector.extract_strided_slice %reshape3A_836 {offsets = [0, 1, 0, 0], sizes = [16, 1, 32, 128], strides = [1, 1, 1, 1]} : vector<16x2x32x128xf32> to vector<16x1x32x128xf32>
    %squeeze3A_840 = vector.shape_cast %slice3A_839 : vector<16x1x32x128xf32> to vector<16x32x128xf32>
    %iota3A_841 = tpu.iota {dimensions = array<i32: 0>} : vector<16x32x128xi32>
    %and3A_842 = arith.constant 8 : i32
    %and3A_843 = vector.broadcast %and3A_842 : i32 to vector<16x32x128xi32>
    %and3A_844 = arith.andi %iota3A_841, %and3A_843 : vector<16x32x128xi32>
    %ne3A_845 = arith.constant 0 : i32
    %ne3A_846 = vector.broadcast %ne3A_845 : i32 to vector<16x32x128xi32>
    %ne3A_847 = arith.cmpi ne, %and3A_844, %ne3A_846 : vector<16x32x128xi32>
    %min3A_848 = arith.minimumf %squeeze3A_838, %squeeze3A_840 : vector<16x32x128xf32>
    %max3A_849 = arith.maximumf %squeeze3A_838, %squeeze3A_840 : vector<16x32x128xf32>
    %select_n3A_850 = arith.select %ne3A_847, %min3A_848, %max3A_849 : vector<16x32x128xi1>, vector<16x32x128xf32>
    %select_n3A_851 = arith.select %ne3A_847, %max3A_849, %min3A_848 : vector<16x32x128xi1>, vector<16x32x128xf32>
    %broadcast_in_dim3A_852 = vector.shape_cast %select_n3A_850 : vector<16x32x128xf32> to vector<16x1x32x128xf32>
    %broadcast_in_dim3A_853 = vector.shape_cast %select_n3A_851 : vector<16x32x128xf32> to vector<16x1x32x128xf32>
    %concatenate3A_854 = tpu.concatenate %broadcast_in_dim3A_852, %broadcast_in_dim3A_853 in 1 : vector<16x1x32x128xf32>, vector<16x1x32x128xf32> -> vector<16x2x32x128xf32>
    %reshape3A_855 = vector.shape_cast %concatenate3A_854 : vector<16x2x32x128xf32> to vector<1024x128xf32>
    %reshape3A_856 = vector.shape_cast %reshape3A_855 : vector<1024x128xf32> to vector<32x2x16x128xf32>
    %slice3A_857 = vector.extract_strided_slice %reshape3A_856 {offsets = [0, 0, 0, 0], sizes = [32, 1, 16, 128], strides = [1, 1, 1, 1]} : vector<32x2x16x128xf32> to vector<32x1x16x128xf32>
    %squeeze3A_858 = vector.shape_cast %slice3A_857 : vector<32x1x16x128xf32> to vector<32x16x128xf32>
    %slice3A_859 = vector.extract_strided_slice %reshape3A_856 {offsets = [0, 1, 0, 0], sizes = [32, 1, 16, 128], strides = [1, 1, 1, 1]} : vector<32x2x16x128xf32> to vector<32x1x16x128xf32>
    %squeeze3A_860 = vector.shape_cast %slice3A_859 : vector<32x1x16x128xf32> to vector<32x16x128xf32>
    %iota3A_861 = tpu.iota {dimensions = array<i32: 0>} : vector<32x16x128xi32>
    %and3A_862 = arith.constant 16 : i32
    %and3A_863 = vector.broadcast %and3A_862 : i32 to vector<32x16x128xi32>
    %and3A_864 = arith.andi %iota3A_861, %and3A_863 : vector<32x16x128xi32>
    %ne3A_865 = arith.constant 0 : i32
    %ne3A_866 = vector.broadcast %ne3A_865 : i32 to vector<32x16x128xi32>
    %ne3A_867 = arith.cmpi ne, %and3A_864, %ne3A_866 : vector<32x16x128xi32>
    %min3A_868 = arith.minimumf %squeeze3A_858, %squeeze3A_860 : vector<32x16x128xf32>
    %max3A_869 = arith.maximumf %squeeze3A_858, %squeeze3A_860 : vector<32x16x128xf32>
    %select_n3A_870 = arith.select %ne3A_867, %min3A_868, %max3A_869 : vector<32x16x128xi1>, vector<32x16x128xf32>
    %select_n3A_871 = arith.select %ne3A_867, %max3A_869, %min3A_868 : vector<32x16x128xi1>, vector<32x16x128xf32>
    %broadcast_in_dim3A_872 = vector.shape_cast %select_n3A_870 : vector<32x16x128xf32> to vector<32x1x16x128xf32>
    %broadcast_in_dim3A_873 = vector.shape_cast %select_n3A_871 : vector<32x16x128xf32> to vector<32x1x16x128xf32>
    %concatenate3A_874 = tpu.concatenate %broadcast_in_dim3A_872, %broadcast_in_dim3A_873 in 1 : vector<32x1x16x128xf32>, vector<32x1x16x128xf32> -> vector<32x2x16x128xf32>
    %reshape3A_875 = vector.shape_cast %concatenate3A_874 : vector<32x2x16x128xf32> to vector<1024x128xf32>
    %reshape3A_876 = vector.shape_cast %reshape3A_875 : vector<1024x128xf32> to vector<64x2x8x128xf32>
    %slice3A_877 = vector.extract_strided_slice %reshape3A_876 {offsets = [0, 0, 0, 0], sizes = [64, 1, 8, 128], strides = [1, 1, 1, 1]} : vector<64x2x8x128xf32> to vector<64x1x8x128xf32>
    %squeeze3A_878 = vector.shape_cast %slice3A_877 : vector<64x1x8x128xf32> to vector<64x8x128xf32>
    %slice3A_879 = vector.extract_strided_slice %reshape3A_876 {offsets = [0, 1, 0, 0], sizes = [64, 1, 8, 128], strides = [1, 1, 1, 1]} : vector<64x2x8x128xf32> to vector<64x1x8x128xf32>
    %squeeze3A_880 = vector.shape_cast %slice3A_879 : vector<64x1x8x128xf32> to vector<64x8x128xf32>
    %iota3A_881 = tpu.iota {dimensions = array<i32: 0>} : vector<64x8x128xi32>
    %and3A_882 = arith.constant 32 : i32
    %and3A_883 = vector.broadcast %and3A_882 : i32 to vector<64x8x128xi32>
    %and3A_884 = arith.andi %iota3A_881, %and3A_883 : vector<64x8x128xi32>
    %ne3A_885 = arith.constant 0 : i32
    %ne3A_886 = vector.broadcast %ne3A_885 : i32 to vector<64x8x128xi32>
    %ne3A_887 = arith.cmpi ne, %and3A_884, %ne3A_886 : vector<64x8x128xi32>
    %min3A_888 = arith.minimumf %squeeze3A_878, %squeeze3A_880 : vector<64x8x128xf32>
    %max3A_889 = arith.maximumf %squeeze3A_878, %squeeze3A_880 : vector<64x8x128xf32>
    %select_n3A_890 = arith.select %ne3A_887, %min3A_888, %max3A_889 : vector<64x8x128xi1>, vector<64x8x128xf32>
    %select_n3A_891 = arith.select %ne3A_887, %max3A_889, %min3A_888 : vector<64x8x128xi1>, vector<64x8x128xf32>
    %broadcast_in_dim3A_892 = vector.shape_cast %select_n3A_890 : vector<64x8x128xf32> to vector<64x1x8x128xf32>
    %broadcast_in_dim3A_893 = vector.shape_cast %select_n3A_891 : vector<64x8x128xf32> to vector<64x1x8x128xf32>
    %concatenate3A_894 = tpu.concatenate %broadcast_in_dim3A_892, %broadcast_in_dim3A_893 in 1 : vector<64x1x8x128xf32>, vector<64x1x8x128xf32> -> vector<64x2x8x128xf32>
    %reshape3A_895 = vector.shape_cast %concatenate3A_894 : vector<64x2x8x128xf32> to vector<1024x128xf32>
    %and3A_896 = arith.constant 4 : i32
    %and3A_897 = vector.broadcast %and3A_896 : i32 to vector<1024x128xi32>
    %and3A_898 = arith.andi %iota3A, %and3A_897 : vector<1024x128xi32>
    %eq3A_899 = arith.constant 0 : i32
    %eq3A_900 = vector.broadcast %eq3A_899 : i32 to vector<1024x128xi32>
    %eq3A_901 = arith.cmpi eq, %and3A_898, %eq3A_900 : vector<1024x128xi32>
    %roll3A_902 = arith.constant 1020 : i32
    %roll3A_903 = tpu.dynamic_rotate %reshape3A_895 by %roll3A_902 dim 0 : vector<1024x128xf32>, i32 -> vector<1024x128xf32>
    %roll3A_904 = arith.constant 4 : i32
    %roll3A_905 = tpu.dynamic_rotate %reshape3A_895 by %roll3A_904 dim 0 : vector<1024x128xf32>, i32 -> vector<1024x128xf32>
    %select_n3A_906 = arith.select %eq3A_901, %roll3A_903, %roll3A_905 : vector<1024x128xi1>, vector<1024x128xf32>
    %and3A_907 = arith.constant 512 : i32
    %and3A_908 = vector.broadcast %and3A_907 : i32 to vector<1024x128xi32>
    %and3A_909 = arith.andi %iota3A, %and3A_908 : vector<1024x128xi32>
    %ne3A_910 = arith.constant 0 : i32
    %ne3A_911 = vector.broadcast %ne3A_910 : i32 to vector<1024x128xi32>
    %ne3A_912 = arith.cmpi ne, %and3A_909, %ne3A_911 : vector<1024x128xi32>
    %min3A_913 = arith.minimumf %reshape3A_895, %select_n3A_906 : vector<1024x128xf32>
    %max3A_914 = arith.maximumf %reshape3A_895, %select_n3A_906 : vector<1024x128xf32>
    %eq3A_915 = arith.xori %eq3A_901, %ne3A_912 : vector<1024x128xi1>
    %eq3A_916 = arith.constant dense<true> : vector<1024x128xi1>
    %eq3A_917 = arith.xori %eq3A_915, %eq3A_916 : vector<1024x128xi1>
    %select_n3A_918 = arith.select %eq3A_917, %min3A_913, %max3A_914 : vector<1024x128xi1>, vector<1024x128xf32>
    %and3A_919 = arith.constant 2 : i32
    %and3A_920 = vector.broadcast %and3A_919 : i32 to vector<1024x128xi32>
    %and3A_921 = arith.andi %iota3A, %and3A_920 : vector<1024x128xi32>
    %eq3A_922 = arith.constant 0 : i32
    %eq3A_923 = vector.broadcast %eq3A_922 : i32 to vector<1024x128xi32>
    %eq3A_924 = arith.cmpi eq, %and3A_921, %eq3A_923 : vector<1024x128xi32>
    %roll3A_925 = arith.constant 1022 : i32
    %roll3A_926 = tpu.dynamic_rotate %select_n3A_918 by %roll3A_925 dim 0 : vector<1024x128xf32>, i32 -> vector<1024x128xf32>
    %roll3A_927 = arith.constant 2 : i32
    %roll3A_928 = tpu.dynamic_rotate %select_n3A_918 by %roll3A_927 dim 0 : vector<1024x128xf32>, i32 -> vector<1024x128xf32>
    %select_n3A_929 = arith.select %eq3A_924, %roll3A_926, %roll3A_928 : vector<1024x128xi1>, vector<1024x128xf32>
    %and3A_930 = arith.constant 512 : i32
    %and3A_931 = vector.broadcast %and3A_930 : i32 to vector<1024x128xi32>
    %and3A_932 = arith.andi %iota3A, %and3A_931 : vector<1024x128xi32>
    %ne3A_933 = arith.constant 0 : i32
    %ne3A_934 = vector.broadcast %ne3A_933 : i32 to vector<1024x128xi32>
    %ne3A_935 = arith.cmpi ne, %and3A_932, %ne3A_934 : vector<1024x128xi32>
    %min3A_936 = arith.minimumf %select_n3A_918, %select_n3A_929 : vector<1024x128xf32>
    %max3A_937 = arith.maximumf %select_n3A_918, %select_n3A_929 : vector<1024x128xf32>
    %eq3A_938 = arith.xori %eq3A_924, %ne3A_935 : vector<1024x128xi1>
    %eq3A_939 = arith.constant dense<true> : vector<1024x128xi1>
    %eq3A_940 = arith.xori %eq3A_938, %eq3A_939 : vector<1024x128xi1>
    %select_n3A_941 = arith.select %eq3A_940, %min3A_936, %max3A_937 : vector<1024x128xi1>, vector<1024x128xf32>
    %and3A_942 = arith.constant 1 : i32
    %and3A_943 = vector.broadcast %and3A_942 : i32 to vector<1024x128xi32>
    %and3A_944 = arith.andi %iota3A, %and3A_943 : vector<1024x128xi32>
    %eq3A_945 = arith.constant 0 : i32
    %eq3A_946 = vector.broadcast %eq3A_945 : i32 to vector<1024x128xi32>
    %eq3A_947 = arith.cmpi eq, %and3A_944, %eq3A_946 : vector<1024x128xi32>
    %roll3A_948 = arith.constant 1023 : i32
    %roll3A_949 = tpu.dynamic_rotate %select_n3A_941 by %roll3A_948 dim 0 : vector<1024x128xf32>, i32 -> vector<1024x128xf32>
    %roll3A_950 = arith.constant 1 : i32
    %roll3A_951 = tpu.dynamic_rotate %select_n3A_941 by %roll3A_950 dim 0 : vector<1024x128xf32>, i32 -> vector<1024x128xf32>
    %select_n3A_952 = arith.select %eq3A_947, %roll3A_949, %roll3A_951 : vector<1024x128xi1>, vector<1024x128xf32>
    %and3A_953 = arith.constant 512 : i32
    %and3A_954 = vector.broadcast %and3A_953 : i32 to vector<1024x128xi32>
    %and3A_955 = arith.andi %iota3A, %and3A_954 : vector<1024x128xi32>
    %ne3A_956 = arith.constant 0 : i32
    %ne3A_957 = vector.broadcast %ne3A_956 : i32 to vector<1024x128xi32>
    %ne3A_958 = arith.cmpi ne, %and3A_955, %ne3A_957 : vector<1024x128xi32>
    %min3A_959 = arith.minimumf %select_n3A_941, %select_n3A_952 : vector<1024x128xf32>
    %max3A_960 = arith.maximumf %select_n3A_941, %select_n3A_952 : vector<1024x128xf32>
    %eq3A_961 = arith.xori %eq3A_947, %ne3A_958 : vector<1024x128xi1>
    %eq3A_962 = arith.constant dense<true> : vector<1024x128xi1>
    %eq3A_963 = arith.xori %eq3A_961, %eq3A_962 : vector<1024x128xi1>
    %select_n3A_964 = arith.select %eq3A_963, %min3A_959, %max3A_960 : vector<1024x128xi1>, vector<1024x128xf32>
    %reshape3A_965 = vector.shape_cast %select_n3A_964 : vector<1024x128xf32> to vector<1x2x512x128xf32>
    %slice3A_966 = vector.extract_strided_slice %reshape3A_965 {offsets = [0, 0, 0, 0], sizes = [1, 1, 512, 128], strides = [1, 1, 1, 1]} : vector<1x2x512x128xf32> to vector<1x1x512x128xf32>
    %squeeze3A_967 = vector.shape_cast %slice3A_966 : vector<1x1x512x128xf32> to vector<1x512x128xf32>
    %slice3A_968 = vector.extract_strided_slice %reshape3A_965 {offsets = [0, 1, 0, 0], sizes = [1, 1, 512, 128], strides = [1, 1, 1, 1]} : vector<1x2x512x128xf32> to vector<1x1x512x128xf32>
    %squeeze3A_969 = vector.shape_cast %slice3A_968 : vector<1x1x512x128xf32> to vector<1x512x128xf32>
    %iota3A_970 = tpu.iota {dimensions = array<i32: 2>} : vector<1x512x128xi32>
    %and3A_971 = arith.constant 1 : i32
    %and3A_972 = vector.broadcast %and3A_971 : i32 to vector<1x512x128xi32>
    %and3A_973 = arith.andi %iota3A_970, %and3A_972 : vector<1x512x128xi32>
    %ne3A_974 = arith.constant 0 : i32
    %ne3A_975 = vector.broadcast %ne3A_974 : i32 to vector<1x512x128xi32>
    %ne3A_976 = arith.cmpi ne, %and3A_973, %ne3A_975 : vector<1x512x128xi32>
    %min3A_977 = arith.minimumf %squeeze3A_967, %squeeze3A_969 : vector<1x512x128xf32>
    %max3A_978 = arith.maximumf %squeeze3A_967, %squeeze3A_969 : vector<1x512x128xf32>
    %select_n3A_979 = arith.select %ne3A_976, %min3A_977, %max3A_978 : vector<1x512x128xi1>, vector<1x512x128xf32>
    %select_n3A_980 = arith.select %ne3A_976, %max3A_978, %min3A_977 : vector<1x512x128xi1>, vector<1x512x128xf32>
    %broadcast_in_dim3A_981 = vector.shape_cast %select_n3A_979 : vector<1x512x128xf32> to vector<1x1x512x128xf32>
    %broadcast_in_dim3A_982 = vector.shape_cast %select_n3A_980 : vector<1x512x128xf32> to vector<1x1x512x128xf32>
    %concatenate3A_983 = tpu.concatenate %broadcast_in_dim3A_981, %broadcast_in_dim3A_982 in 1 : vector<1x1x512x128xf32>, vector<1x1x512x128xf32> -> vector<1x2x512x128xf32>
    %reshape3A_984 = vector.shape_cast %concatenate3A_983 : vector<1x2x512x128xf32> to vector<1024x128xf32>
    %reshape3A_985 = vector.shape_cast %reshape3A_984 : vector<1024x128xf32> to vector<2x2x256x128xf32>
    %slice3A_986 = vector.extract_strided_slice %reshape3A_985 {offsets = [0, 0, 0, 0], sizes = [2, 1, 256, 128], strides = [1, 1, 1, 1]} : vector<2x2x256x128xf32> to vector<2x1x256x128xf32>
    %squeeze3A_987 = vector.shape_cast %slice3A_986 : vector<2x1x256x128xf32> to vector<2x256x128xf32>
    %slice3A_988 = vector.extract_strided_slice %reshape3A_985 {offsets = [0, 1, 0, 0], sizes = [2, 1, 256, 128], strides = [1, 1, 1, 1]} : vector<2x2x256x128xf32> to vector<2x1x256x128xf32>
    %squeeze3A_989 = vector.shape_cast %slice3A_988 : vector<2x1x256x128xf32> to vector<2x256x128xf32>
    %iota3A_990 = tpu.iota {dimensions = array<i32: 2>} : vector<2x256x128xi32>
    %and3A_991 = arith.constant 1 : i32
    %and3A_992 = vector.broadcast %and3A_991 : i32 to vector<2x256x128xi32>
    %and3A_993 = arith.andi %iota3A_990, %and3A_992 : vector<2x256x128xi32>
    %ne3A_994 = arith.constant 0 : i32
    %ne3A_995 = vector.broadcast %ne3A_994 : i32 to vector<2x256x128xi32>
    %ne3A_996 = arith.cmpi ne, %and3A_993, %ne3A_995 : vector<2x256x128xi32>
    %min3A_997 = arith.minimumf %squeeze3A_987, %squeeze3A_989 : vector<2x256x128xf32>
    %max3A_998 = arith.maximumf %squeeze3A_987, %squeeze3A_989 : vector<2x256x128xf32>
    %select_n3A_999 = arith.select %ne3A_996, %min3A_997, %max3A_998 : vector<2x256x128xi1>, vector<2x256x128xf32>
    %select_n3A_1000 = arith.select %ne3A_996, %max3A_998, %min3A_997 : vector<2x256x128xi1>, vector<2x256x128xf32>
    %broadcast_in_dim3A_1001 = vector.shape_cast %select_n3A_999 : vector<2x256x128xf32> to vector<2x1x256x128xf32>
    %broadcast_in_dim3A_1002 = vector.shape_cast %select_n3A_1000 : vector<2x256x128xf32> to vector<2x1x256x128xf32>
    %concatenate3A_1003 = tpu.concatenate %broadcast_in_dim3A_1001, %broadcast_in_dim3A_1002 in 1 : vector<2x1x256x128xf32>, vector<2x1x256x128xf32> -> vector<2x2x256x128xf32>
    %reshape3A_1004 = vector.shape_cast %concatenate3A_1003 : vector<2x2x256x128xf32> to vector<1024x128xf32>
    %reshape3A_1005 = vector.shape_cast %reshape3A_1004 : vector<1024x128xf32> to vector<4x2x128x128xf32>
    %slice3A_1006 = vector.extract_strided_slice %reshape3A_1005 {offsets = [0, 0, 0, 0], sizes = [4, 1, 128, 128], strides = [1, 1, 1, 1]} : vector<4x2x128x128xf32> to vector<4x1x128x128xf32>
    %squeeze3A_1007 = vector.shape_cast %slice3A_1006 : vector<4x1x128x128xf32> to vector<4x128x128xf32>
    %slice3A_1008 = vector.extract_strided_slice %reshape3A_1005 {offsets = [0, 1, 0, 0], sizes = [4, 1, 128, 128], strides = [1, 1, 1, 1]} : vector<4x2x128x128xf32> to vector<4x1x128x128xf32>
    %squeeze3A_1009 = vector.shape_cast %slice3A_1008 : vector<4x1x128x128xf32> to vector<4x128x128xf32>
    %iota3A_1010 = tpu.iota {dimensions = array<i32: 2>} : vector<4x128x128xi32>
    %and3A_1011 = arith.constant 1 : i32
    %and3A_1012 = vector.broadcast %and3A_1011 : i32 to vector<4x128x128xi32>
    %and3A_1013 = arith.andi %iota3A_1010, %and3A_1012 : vector<4x128x128xi32>
    %ne3A_1014 = arith.constant 0 : i32
    %ne3A_1015 = vector.broadcast %ne3A_1014 : i32 to vector<4x128x128xi32>
    %ne3A_1016 = arith.cmpi ne, %and3A_1013, %ne3A_1015 : vector<4x128x128xi32>
    %min3A_1017 = arith.minimumf %squeeze3A_1007, %squeeze3A_1009 : vector<4x128x128xf32>
    %max3A_1018 = arith.maximumf %squeeze3A_1007, %squeeze3A_1009 : vector<4x128x128xf32>
    %select_n3A_1019 = arith.select %ne3A_1016, %min3A_1017, %max3A_1018 : vector<4x128x128xi1>, vector<4x128x128xf32>
    %select_n3A_1020 = arith.select %ne3A_1016, %max3A_1018, %min3A_1017 : vector<4x128x128xi1>, vector<4x128x128xf32>
    %broadcast_in_dim3A_1021 = vector.shape_cast %select_n3A_1019 : vector<4x128x128xf32> to vector<4x1x128x128xf32>
    %broadcast_in_dim3A_1022 = vector.shape_cast %select_n3A_1020 : vector<4x128x128xf32> to vector<4x1x128x128xf32>
    %concatenate3A_1023 = tpu.concatenate %broadcast_in_dim3A_1021, %broadcast_in_dim3A_1022 in 1 : vector<4x1x128x128xf32>, vector<4x1x128x128xf32> -> vector<4x2x128x128xf32>
    %reshape3A_1024 = vector.shape_cast %concatenate3A_1023 : vector<4x2x128x128xf32> to vector<1024x128xf32>
    %reshape3A_1025 = vector.shape_cast %reshape3A_1024 : vector<1024x128xf32> to vector<8x2x64x128xf32>
    %slice3A_1026 = vector.extract_strided_slice %reshape3A_1025 {offsets = [0, 0, 0, 0], sizes = [8, 1, 64, 128], strides = [1, 1, 1, 1]} : vector<8x2x64x128xf32> to vector<8x1x64x128xf32>
    %squeeze3A_1027 = vector.shape_cast %slice3A_1026 : vector<8x1x64x128xf32> to vector<8x64x128xf32>
    %slice3A_1028 = vector.extract_strided_slice %reshape3A_1025 {offsets = [0, 1, 0, 0], sizes = [8, 1, 64, 128], strides = [1, 1, 1, 1]} : vector<8x2x64x128xf32> to vector<8x1x64x128xf32>
    %squeeze3A_1029 = vector.shape_cast %slice3A_1028 : vector<8x1x64x128xf32> to vector<8x64x128xf32>
    %iota3A_1030 = tpu.iota {dimensions = array<i32: 2>} : vector<8x64x128xi32>
    %and3A_1031 = arith.constant 1 : i32
    %and3A_1032 = vector.broadcast %and3A_1031 : i32 to vector<8x64x128xi32>
    %and3A_1033 = arith.andi %iota3A_1030, %and3A_1032 : vector<8x64x128xi32>
    %ne3A_1034 = arith.constant 0 : i32
    %ne3A_1035 = vector.broadcast %ne3A_1034 : i32 to vector<8x64x128xi32>
    %ne3A_1036 = arith.cmpi ne, %and3A_1033, %ne3A_1035 : vector<8x64x128xi32>
    %min3A_1037 = arith.minimumf %squeeze3A_1027, %squeeze3A_1029 : vector<8x64x128xf32>
    %max3A_1038 = arith.maximumf %squeeze3A_1027, %squeeze3A_1029 : vector<8x64x128xf32>
    %select_n3A_1039 = arith.select %ne3A_1036, %min3A_1037, %max3A_1038 : vector<8x64x128xi1>, vector<8x64x128xf32>
    %select_n3A_1040 = arith.select %ne3A_1036, %max3A_1038, %min3A_1037 : vector<8x64x128xi1>, vector<8x64x128xf32>
    %broadcast_in_dim3A_1041 = vector.shape_cast %select_n3A_1039 : vector<8x64x128xf32> to vector<8x1x64x128xf32>
    %broadcast_in_dim3A_1042 = vector.shape_cast %select_n3A_1040 : vector<8x64x128xf32> to vector<8x1x64x128xf32>
    %concatenate3A_1043 = tpu.concatenate %broadcast_in_dim3A_1041, %broadcast_in_dim3A_1042 in 1 : vector<8x1x64x128xf32>, vector<8x1x64x128xf32> -> vector<8x2x64x128xf32>
    %reshape3A_1044 = vector.shape_cast %concatenate3A_1043 : vector<8x2x64x128xf32> to vector<1024x128xf32>
    %reshape3A_1045 = vector.shape_cast %reshape3A_1044 : vector<1024x128xf32> to vector<16x2x32x128xf32>
    %slice3A_1046 = vector.extract_strided_slice %reshape3A_1045 {offsets = [0, 0, 0, 0], sizes = [16, 1, 32, 128], strides = [1, 1, 1, 1]} : vector<16x2x32x128xf32> to vector<16x1x32x128xf32>
    %squeeze3A_1047 = vector.shape_cast %slice3A_1046 : vector<16x1x32x128xf32> to vector<16x32x128xf32>
    %slice3A_1048 = vector.extract_strided_slice %reshape3A_1045 {offsets = [0, 1, 0, 0], sizes = [16, 1, 32, 128], strides = [1, 1, 1, 1]} : vector<16x2x32x128xf32> to vector<16x1x32x128xf32>
    %squeeze3A_1049 = vector.shape_cast %slice3A_1048 : vector<16x1x32x128xf32> to vector<16x32x128xf32>
    %iota3A_1050 = tpu.iota {dimensions = array<i32: 2>} : vector<16x32x128xi32>
    %and3A_1051 = arith.constant 1 : i32
    %and3A_1052 = vector.broadcast %and3A_1051 : i32 to vector<16x32x128xi32>
    %and3A_1053 = arith.andi %iota3A_1050, %and3A_1052 : vector<16x32x128xi32>
    %ne3A_1054 = arith.constant 0 : i32
    %ne3A_1055 = vector.broadcast %ne3A_1054 : i32 to vector<16x32x128xi32>
    %ne3A_1056 = arith.cmpi ne, %and3A_1053, %ne3A_1055 : vector<16x32x128xi32>
    %min3A_1057 = arith.minimumf %squeeze3A_1047, %squeeze3A_1049 : vector<16x32x128xf32>
    %max3A_1058 = arith.maximumf %squeeze3A_1047, %squeeze3A_1049 : vector<16x32x128xf32>
    %select_n3A_1059 = arith.select %ne3A_1056, %min3A_1057, %max3A_1058 : vector<16x32x128xi1>, vector<16x32x128xf32>
    %select_n3A_1060 = arith.select %ne3A_1056, %max3A_1058, %min3A_1057 : vector<16x32x128xi1>, vector<16x32x128xf32>
    %broadcast_in_dim3A_1061 = vector.shape_cast %select_n3A_1059 : vector<16x32x128xf32> to vector<16x1x32x128xf32>
    %broadcast_in_dim3A_1062 = vector.shape_cast %select_n3A_1060 : vector<16x32x128xf32> to vector<16x1x32x128xf32>
    %concatenate3A_1063 = tpu.concatenate %broadcast_in_dim3A_1061, %broadcast_in_dim3A_1062 in 1 : vector<16x1x32x128xf32>, vector<16x1x32x128xf32> -> vector<16x2x32x128xf32>
    %reshape3A_1064 = vector.shape_cast %concatenate3A_1063 : vector<16x2x32x128xf32> to vector<1024x128xf32>
    %reshape3A_1065 = vector.shape_cast %reshape3A_1064 : vector<1024x128xf32> to vector<32x2x16x128xf32>
    %slice3A_1066 = vector.extract_strided_slice %reshape3A_1065 {offsets = [0, 0, 0, 0], sizes = [32, 1, 16, 128], strides = [1, 1, 1, 1]} : vector<32x2x16x128xf32> to vector<32x1x16x128xf32>
    %squeeze3A_1067 = vector.shape_cast %slice3A_1066 : vector<32x1x16x128xf32> to vector<32x16x128xf32>
    %slice3A_1068 = vector.extract_strided_slice %reshape3A_1065 {offsets = [0, 1, 0, 0], sizes = [32, 1, 16, 128], strides = [1, 1, 1, 1]} : vector<32x2x16x128xf32> to vector<32x1x16x128xf32>
    %squeeze3A_1069 = vector.shape_cast %slice3A_1068 : vector<32x1x16x128xf32> to vector<32x16x128xf32>
    %iota3A_1070 = tpu.iota {dimensions = array<i32: 2>} : vector<32x16x128xi32>
    %and3A_1071 = arith.constant 1 : i32
    %and3A_1072 = vector.broadcast %and3A_1071 : i32 to vector<32x16x128xi32>
    %and3A_1073 = arith.andi %iota3A_1070, %and3A_1072 : vector<32x16x128xi32>
    %ne3A_1074 = arith.constant 0 : i32
    %ne3A_1075 = vector.broadcast %ne3A_1074 : i32 to vector<32x16x128xi32>
    %ne3A_1076 = arith.cmpi ne, %and3A_1073, %ne3A_1075 : vector<32x16x128xi32>
    %min3A_1077 = arith.minimumf %squeeze3A_1067, %squeeze3A_1069 : vector<32x16x128xf32>
    %max3A_1078 = arith.maximumf %squeeze3A_1067, %squeeze3A_1069 : vector<32x16x128xf32>
    %select_n3A_1079 = arith.select %ne3A_1076, %min3A_1077, %max3A_1078 : vector<32x16x128xi1>, vector<32x16x128xf32>
    %select_n3A_1080 = arith.select %ne3A_1076, %max3A_1078, %min3A_1077 : vector<32x16x128xi1>, vector<32x16x128xf32>
    %broadcast_in_dim3A_1081 = vector.shape_cast %select_n3A_1079 : vector<32x16x128xf32> to vector<32x1x16x128xf32>
    %broadcast_in_dim3A_1082 = vector.shape_cast %select_n3A_1080 : vector<32x16x128xf32> to vector<32x1x16x128xf32>
    %concatenate3A_1083 = tpu.concatenate %broadcast_in_dim3A_1081, %broadcast_in_dim3A_1082 in 1 : vector<32x1x16x128xf32>, vector<32x1x16x128xf32> -> vector<32x2x16x128xf32>
    %reshape3A_1084 = vector.shape_cast %concatenate3A_1083 : vector<32x2x16x128xf32> to vector<1024x128xf32>
    %reshape3A_1085 = vector.shape_cast %reshape3A_1084 : vector<1024x128xf32> to vector<64x2x8x128xf32>
    %slice3A_1086 = vector.extract_strided_slice %reshape3A_1085 {offsets = [0, 0, 0, 0], sizes = [64, 1, 8, 128], strides = [1, 1, 1, 1]} : vector<64x2x8x128xf32> to vector<64x1x8x128xf32>
    %squeeze3A_1087 = vector.shape_cast %slice3A_1086 : vector<64x1x8x128xf32> to vector<64x8x128xf32>
    %slice3A_1088 = vector.extract_strided_slice %reshape3A_1085 {offsets = [0, 1, 0, 0], sizes = [64, 1, 8, 128], strides = [1, 1, 1, 1]} : vector<64x2x8x128xf32> to vector<64x1x8x128xf32>
    %squeeze3A_1089 = vector.shape_cast %slice3A_1088 : vector<64x1x8x128xf32> to vector<64x8x128xf32>
    %iota3A_1090 = tpu.iota {dimensions = array<i32: 2>} : vector<64x8x128xi32>
    %and3A_1091 = arith.constant 1 : i32
    %and3A_1092 = vector.broadcast %and3A_1091 : i32 to vector<64x8x128xi32>
    %and3A_1093 = arith.andi %iota3A_1090, %and3A_1092 : vector<64x8x128xi32>
    %ne3A_1094 = arith.constant 0 : i32
    %ne3A_1095 = vector.broadcast %ne3A_1094 : i32 to vector<64x8x128xi32>
    %ne3A_1096 = arith.cmpi ne, %and3A_1093, %ne3A_1095 : vector<64x8x128xi32>
    %min3A_1097 = arith.minimumf %squeeze3A_1087, %squeeze3A_1089 : vector<64x8x128xf32>
    %max3A_1098 = arith.maximumf %squeeze3A_1087, %squeeze3A_1089 : vector<64x8x128xf32>
    %select_n3A_1099 = arith.select %ne3A_1096, %min3A_1097, %max3A_1098 : vector<64x8x128xi1>, vector<64x8x128xf32>
    %select_n3A_1100 = arith.select %ne3A_1096, %max3A_1098, %min3A_1097 : vector<64x8x128xi1>, vector<64x8x128xf32>
    %broadcast_in_dim3A_1101 = vector.shape_cast %select_n3A_1099 : vector<64x8x128xf32> to vector<64x1x8x128xf32>
    %broadcast_in_dim3A_1102 = vector.shape_cast %select_n3A_1100 : vector<64x8x128xf32> to vector<64x1x8x128xf32>
    %concatenate3A_1103 = tpu.concatenate %broadcast_in_dim3A_1101, %broadcast_in_dim3A_1102 in 1 : vector<64x1x8x128xf32>, vector<64x1x8x128xf32> -> vector<64x2x8x128xf32>
    %reshape3A_1104 = vector.shape_cast %concatenate3A_1103 : vector<64x2x8x128xf32> to vector<1024x128xf32>
    %and3A_1105 = arith.constant 4 : i32
    %and3A_1106 = vector.broadcast %and3A_1105 : i32 to vector<1024x128xi32>
    %and3A_1107 = arith.andi %iota3A, %and3A_1106 : vector<1024x128xi32>
    %eq3A_1108 = arith.constant 0 : i32
    %eq3A_1109 = vector.broadcast %eq3A_1108 : i32 to vector<1024x128xi32>
    %eq3A_1110 = arith.cmpi eq, %and3A_1107, %eq3A_1109 : vector<1024x128xi32>
    %roll3A_1111 = arith.constant 1020 : i32
    %roll3A_1112 = tpu.dynamic_rotate %reshape3A_1104 by %roll3A_1111 dim 0 : vector<1024x128xf32>, i32 -> vector<1024x128xf32>
    %roll3A_1113 = arith.constant 4 : i32
    %roll3A_1114 = tpu.dynamic_rotate %reshape3A_1104 by %roll3A_1113 dim 0 : vector<1024x128xf32>, i32 -> vector<1024x128xf32>
    %select_n3A_1115 = arith.select %eq3A_1110, %roll3A_1112, %roll3A_1114 : vector<1024x128xi1>, vector<1024x128xf32>
    %and3A_1116 = arith.constant 1 : i32
    %and3A_1117 = vector.broadcast %and3A_1116 : i32 to vector<1024x128xi32>
    %and3A_1118 = arith.andi %iota3A_4, %and3A_1117 : vector<1024x128xi32>
    %ne3A_1119 = arith.constant 0 : i32
    %ne3A_1120 = vector.broadcast %ne3A_1119 : i32 to vector<1024x128xi32>
    %ne3A_1121 = arith.cmpi ne, %and3A_1118, %ne3A_1120 : vector<1024x128xi32>
    %min3A_1122 = arith.minimumf %reshape3A_1104, %select_n3A_1115 : vector<1024x128xf32>
    %max3A_1123 = arith.maximumf %reshape3A_1104, %select_n3A_1115 : vector<1024x128xf32>
    %eq3A_1124 = arith.xori %eq3A_1110, %ne3A_1121 : vector<1024x128xi1>
    %eq3A_1125 = arith.constant dense<true> : vector<1024x128xi1>
    %eq3A_1126 = arith.xori %eq3A_1124, %eq3A_1125 : vector<1024x128xi1>
    %select_n3A_1127 = arith.select %eq3A_1126, %min3A_1122, %max3A_1123 : vector<1024x128xi1>, vector<1024x128xf32>
    %and3A_1128 = arith.constant 2 : i32
    %and3A_1129 = vector.broadcast %and3A_1128 : i32 to vector<1024x128xi32>
    %and3A_1130 = arith.andi %iota3A, %and3A_1129 : vector<1024x128xi32>
    %eq3A_1131 = arith.constant 0 : i32
    %eq3A_1132 = vector.broadcast %eq3A_1131 : i32 to vector<1024x128xi32>
    %eq3A_1133 = arith.cmpi eq, %and3A_1130, %eq3A_1132 : vector<1024x128xi32>
    %roll3A_1134 = arith.constant 1022 : i32
    %roll3A_1135 = tpu.dynamic_rotate %select_n3A_1127 by %roll3A_1134 dim 0 : vector<1024x128xf32>, i32 -> vector<1024x128xf32>
    %roll3A_1136 = arith.constant 2 : i32
    %roll3A_1137 = tpu.dynamic_rotate %select_n3A_1127 by %roll3A_1136 dim 0 : vector<1024x128xf32>, i32 -> vector<1024x128xf32>
    %select_n3A_1138 = arith.select %eq3A_1133, %roll3A_1135, %roll3A_1137 : vector<1024x128xi1>, vector<1024x128xf32>
    %and3A_1139 = arith.constant 1 : i32
    %and3A_1140 = vector.broadcast %and3A_1139 : i32 to vector<1024x128xi32>
    %and3A_1141 = arith.andi %iota3A_4, %and3A_1140 : vector<1024x128xi32>
    %ne3A_1142 = arith.constant 0 : i32
    %ne3A_1143 = vector.broadcast %ne3A_1142 : i32 to vector<1024x128xi32>
    %ne3A_1144 = arith.cmpi ne, %and3A_1141, %ne3A_1143 : vector<1024x128xi32>
    %min3A_1145 = arith.minimumf %select_n3A_1127, %select_n3A_1138 : vector<1024x128xf32>
    %max3A_1146 = arith.maximumf %select_n3A_1127, %select_n3A_1138 : vector<1024x128xf32>
    %eq3A_1147 = arith.xori %eq3A_1133, %ne3A_1144 : vector<1024x128xi1>
    %eq3A_1148 = arith.constant dense<true> : vector<1024x128xi1>
    %eq3A_1149 = arith.xori %eq3A_1147, %eq3A_1148 : vector<1024x128xi1>
    %select_n3A_1150 = arith.select %eq3A_1149, %min3A_1145, %max3A_1146 : vector<1024x128xi1>, vector<1024x128xf32>
    %and3A_1151 = arith.constant 1 : i32
    %and3A_1152 = vector.broadcast %and3A_1151 : i32 to vector<1024x128xi32>
    %and3A_1153 = arith.andi %iota3A, %and3A_1152 : vector<1024x128xi32>
    %eq3A_1154 = arith.constant 0 : i32
    %eq3A_1155 = vector.broadcast %eq3A_1154 : i32 to vector<1024x128xi32>
    %eq3A_1156 = arith.cmpi eq, %and3A_1153, %eq3A_1155 : vector<1024x128xi32>
    %roll3A_1157 = arith.constant 1023 : i32
    %roll3A_1158 = tpu.dynamic_rotate %select_n3A_1150 by %roll3A_1157 dim 0 : vector<1024x128xf32>, i32 -> vector<1024x128xf32>
    %roll3A_1159 = arith.constant 1 : i32
    %roll3A_1160 = tpu.dynamic_rotate %select_n3A_1150 by %roll3A_1159 dim 0 : vector<1024x128xf32>, i32 -> vector<1024x128xf32>
    %select_n3A_1161 = arith.select %eq3A_1156, %roll3A_1158, %roll3A_1160 : vector<1024x128xi1>, vector<1024x128xf32>
    %and3A_1162 = arith.constant 1 : i32
    %and3A_1163 = vector.broadcast %and3A_1162 : i32 to vector<1024x128xi32>
    %and3A_1164 = arith.andi %iota3A_4, %and3A_1163 : vector<1024x128xi32>
    %ne3A_1165 = arith.constant 0 : i32
    %ne3A_1166 = vector.broadcast %ne3A_1165 : i32 to vector<1024x128xi32>
    %ne3A_1167 = arith.cmpi ne, %and3A_1164, %ne3A_1166 : vector<1024x128xi32>
    %min3A_1168 = arith.minimumf %select_n3A_1150, %select_n3A_1161 : vector<1024x128xf32>
    %max3A_1169 = arith.maximumf %select_n3A_1150, %select_n3A_1161 : vector<1024x128xf32>
    %eq3A_1170 = arith.xori %eq3A_1156, %ne3A_1167 : vector<1024x128xi1>
    %eq3A_1171 = arith.constant dense<true> : vector<1024x128xi1>
    %eq3A_1172 = arith.xori %eq3A_1170, %eq3A_1171 : vector<1024x128xi1>
    %select_n3A_1173 = arith.select %eq3A_1172, %min3A_1168, %max3A_1169 : vector<1024x128xi1>, vector<1024x128xf32>
    %and3A_1174 = arith.constant 1 : i32
    %and3A_1175 = vector.broadcast %and3A_1174 : i32 to vector<1024x128xi32>
    %and3A_1176 = arith.andi %iota3A_4, %and3A_1175 : vector<1024x128xi32>
    %eq3A_1177 = arith.constant 0 : i32
    %eq3A_1178 = vector.broadcast %eq3A_1177 : i32 to vector<1024x128xi32>
    %eq3A_1179 = arith.cmpi eq, %and3A_1176, %eq3A_1178 : vector<1024x128xi32>
    %roll3A_1180 = arith.constant 127 : i32
    %roll3A_1181 = tpu.dynamic_rotate %select_n3A_1173 by %roll3A_1180 dim 1 : vector<1024x128xf32>, i32 -> vector<1024x128xf32>
    %roll3A_1182 = arith.constant 1 : i32
    %roll3A_1183 = tpu.dynamic_rotate %select_n3A_1173 by %roll3A_1182 dim 1 : vector<1024x128xf32>, i32 -> vector<1024x128xf32>
    %select_n3A_1184 = arith.select %eq3A_1179, %roll3A_1181, %roll3A_1183 : vector<1024x128xi1>, vector<1024x128xf32>
    %and3A_1185 = arith.constant 2 : i32
    %and3A_1186 = vector.broadcast %and3A_1185 : i32 to vector<1024x128xi32>
    %and3A_1187 = arith.andi %iota3A_4, %and3A_1186 : vector<1024x128xi32>
    %ne3A_1188 = arith.constant 0 : i32
    %ne3A_1189 = vector.broadcast %ne3A_1188 : i32 to vector<1024x128xi32>
    %ne3A_1190 = arith.cmpi ne, %and3A_1187, %ne3A_1189 : vector<1024x128xi32>
    %min3A_1191 = arith.minimumf %select_n3A_1173, %select_n3A_1184 : vector<1024x128xf32>
    %max3A_1192 = arith.maximumf %select_n3A_1173, %select_n3A_1184 : vector<1024x128xf32>
    %eq3A_1193 = arith.xori %eq3A_1179, %ne3A_1190 : vector<1024x128xi1>
    %eq3A_1194 = arith.constant dense<true> : vector<1024x128xi1>
    %eq3A_1195 = arith.xori %eq3A_1193, %eq3A_1194 : vector<1024x128xi1>
    %select_n3A_1196 = arith.select %eq3A_1195, %min3A_1191, %max3A_1192 : vector<1024x128xi1>, vector<1024x128xf32>
    %reshape3A_1197 = vector.shape_cast %select_n3A_1196 : vector<1024x128xf32> to vector<1x2x512x128xf32>
    %slice3A_1198 = vector.extract_strided_slice %reshape3A_1197 {offsets = [0, 0, 0, 0], sizes = [1, 1, 512, 128], strides = [1, 1, 1, 1]} : vector<1x2x512x128xf32> to vector<1x1x512x128xf32>
    %squeeze3A_1199 = vector.shape_cast %slice3A_1198 : vector<1x1x512x128xf32> to vector<1x512x128xf32>
    %slice3A_1200 = vector.extract_strided_slice %reshape3A_1197 {offsets = [0, 1, 0, 0], sizes = [1, 1, 512, 128], strides = [1, 1, 1, 1]} : vector<1x2x512x128xf32> to vector<1x1x512x128xf32>
    %squeeze3A_1201 = vector.shape_cast %slice3A_1200 : vector<1x1x512x128xf32> to vector<1x512x128xf32>
    %iota3A_1202 = tpu.iota {dimensions = array<i32: 2>} : vector<1x512x128xi32>
    %and3A_1203 = arith.constant 2 : i32
    %and3A_1204 = vector.broadcast %and3A_1203 : i32 to vector<1x512x128xi32>
    %and3A_1205 = arith.andi %iota3A_1202, %and3A_1204 : vector<1x512x128xi32>
    %ne3A_1206 = arith.constant 0 : i32
    %ne3A_1207 = vector.broadcast %ne3A_1206 : i32 to vector<1x512x128xi32>
    %ne3A_1208 = arith.cmpi ne, %and3A_1205, %ne3A_1207 : vector<1x512x128xi32>
    %min3A_1209 = arith.minimumf %squeeze3A_1199, %squeeze3A_1201 : vector<1x512x128xf32>
    %max3A_1210 = arith.maximumf %squeeze3A_1199, %squeeze3A_1201 : vector<1x512x128xf32>
    %select_n3A_1211 = arith.select %ne3A_1208, %min3A_1209, %max3A_1210 : vector<1x512x128xi1>, vector<1x512x128xf32>
    %select_n3A_1212 = arith.select %ne3A_1208, %max3A_1210, %min3A_1209 : vector<1x512x128xi1>, vector<1x512x128xf32>
    %broadcast_in_dim3A_1213 = vector.shape_cast %select_n3A_1211 : vector<1x512x128xf32> to vector<1x1x512x128xf32>
    %broadcast_in_dim3A_1214 = vector.shape_cast %select_n3A_1212 : vector<1x512x128xf32> to vector<1x1x512x128xf32>
    %concatenate3A_1215 = tpu.concatenate %broadcast_in_dim3A_1213, %broadcast_in_dim3A_1214 in 1 : vector<1x1x512x128xf32>, vector<1x1x512x128xf32> -> vector<1x2x512x128xf32>
    %reshape3A_1216 = vector.shape_cast %concatenate3A_1215 : vector<1x2x512x128xf32> to vector<1024x128xf32>
    %reshape3A_1217 = vector.shape_cast %reshape3A_1216 : vector<1024x128xf32> to vector<2x2x256x128xf32>
    %slice3A_1218 = vector.extract_strided_slice %reshape3A_1217 {offsets = [0, 0, 0, 0], sizes = [2, 1, 256, 128], strides = [1, 1, 1, 1]} : vector<2x2x256x128xf32> to vector<2x1x256x128xf32>
    %squeeze3A_1219 = vector.shape_cast %slice3A_1218 : vector<2x1x256x128xf32> to vector<2x256x128xf32>
    %slice3A_1220 = vector.extract_strided_slice %reshape3A_1217 {offsets = [0, 1, 0, 0], sizes = [2, 1, 256, 128], strides = [1, 1, 1, 1]} : vector<2x2x256x128xf32> to vector<2x1x256x128xf32>
    %squeeze3A_1221 = vector.shape_cast %slice3A_1220 : vector<2x1x256x128xf32> to vector<2x256x128xf32>
    %iota3A_1222 = tpu.iota {dimensions = array<i32: 2>} : vector<2x256x128xi32>
    %and3A_1223 = arith.constant 2 : i32
    %and3A_1224 = vector.broadcast %and3A_1223 : i32 to vector<2x256x128xi32>
    %and3A_1225 = arith.andi %iota3A_1222, %and3A_1224 : vector<2x256x128xi32>
    %ne3A_1226 = arith.constant 0 : i32
    %ne3A_1227 = vector.broadcast %ne3A_1226 : i32 to vector<2x256x128xi32>
    %ne3A_1228 = arith.cmpi ne, %and3A_1225, %ne3A_1227 : vector<2x256x128xi32>
    %min3A_1229 = arith.minimumf %squeeze3A_1219, %squeeze3A_1221 : vector<2x256x128xf32>
    %max3A_1230 = arith.maximumf %squeeze3A_1219, %squeeze3A_1221 : vector<2x256x128xf32>
    %select_n3A_1231 = arith.select %ne3A_1228, %min3A_1229, %max3A_1230 : vector<2x256x128xi1>, vector<2x256x128xf32>
    %select_n3A_1232 = arith.select %ne3A_1228, %max3A_1230, %min3A_1229 : vector<2x256x128xi1>, vector<2x256x128xf32>
    %broadcast_in_dim3A_1233 = vector.shape_cast %select_n3A_1231 : vector<2x256x128xf32> to vector<2x1x256x128xf32>
    %broadcast_in_dim3A_1234 = vector.shape_cast %select_n3A_1232 : vector<2x256x128xf32> to vector<2x1x256x128xf32>
    %concatenate3A_1235 = tpu.concatenate %broadcast_in_dim3A_1233, %broadcast_in_dim3A_1234 in 1 : vector<2x1x256x128xf32>, vector<2x1x256x128xf32> -> vector<2x2x256x128xf32>
    %reshape3A_1236 = vector.shape_cast %concatenate3A_1235 : vector<2x2x256x128xf32> to vector<1024x128xf32>
    %reshape3A_1237 = vector.shape_cast %reshape3A_1236 : vector<1024x128xf32> to vector<4x2x128x128xf32>
    %slice3A_1238 = vector.extract_strided_slice %reshape3A_1237 {offsets = [0, 0, 0, 0], sizes = [4, 1, 128, 128], strides = [1, 1, 1, 1]} : vector<4x2x128x128xf32> to vector<4x1x128x128xf32>
    %squeeze3A_1239 = vector.shape_cast %slice3A_1238 : vector<4x1x128x128xf32> to vector<4x128x128xf32>
    %slice3A_1240 = vector.extract_strided_slice %reshape3A_1237 {offsets = [0, 1, 0, 0], sizes = [4, 1, 128, 128], strides = [1, 1, 1, 1]} : vector<4x2x128x128xf32> to vector<4x1x128x128xf32>
    %squeeze3A_1241 = vector.shape_cast %slice3A_1240 : vector<4x1x128x128xf32> to vector<4x128x128xf32>
    %iota3A_1242 = tpu.iota {dimensions = array<i32: 2>} : vector<4x128x128xi32>
    %and3A_1243 = arith.constant 2 : i32
    %and3A_1244 = vector.broadcast %and3A_1243 : i32 to vector<4x128x128xi32>
    %and3A_1245 = arith.andi %iota3A_1242, %and3A_1244 : vector<4x128x128xi32>
    %ne3A_1246 = arith.constant 0 : i32
    %ne3A_1247 = vector.broadcast %ne3A_1246 : i32 to vector<4x128x128xi32>
    %ne3A_1248 = arith.cmpi ne, %and3A_1245, %ne3A_1247 : vector<4x128x128xi32>
    %min3A_1249 = arith.minimumf %squeeze3A_1239, %squeeze3A_1241 : vector<4x128x128xf32>
    %max3A_1250 = arith.maximumf %squeeze3A_1239, %squeeze3A_1241 : vector<4x128x128xf32>
    %select_n3A_1251 = arith.select %ne3A_1248, %min3A_1249, %max3A_1250 : vector<4x128x128xi1>, vector<4x128x128xf32>
    %select_n3A_1252 = arith.select %ne3A_1248, %max3A_1250, %min3A_1249 : vector<4x128x128xi1>, vector<4x128x128xf32>
    %broadcast_in_dim3A_1253 = vector.shape_cast %select_n3A_1251 : vector<4x128x128xf32> to vector<4x1x128x128xf32>
    %broadcast_in_dim3A_1254 = vector.shape_cast %select_n3A_1252 : vector<4x128x128xf32> to vector<4x1x128x128xf32>
    %concatenate3A_1255 = tpu.concatenate %broadcast_in_dim3A_1253, %broadcast_in_dim3A_1254 in 1 : vector<4x1x128x128xf32>, vector<4x1x128x128xf32> -> vector<4x2x128x128xf32>
    %reshape3A_1256 = vector.shape_cast %concatenate3A_1255 : vector<4x2x128x128xf32> to vector<1024x128xf32>
    %reshape3A_1257 = vector.shape_cast %reshape3A_1256 : vector<1024x128xf32> to vector<8x2x64x128xf32>
    %slice3A_1258 = vector.extract_strided_slice %reshape3A_1257 {offsets = [0, 0, 0, 0], sizes = [8, 1, 64, 128], strides = [1, 1, 1, 1]} : vector<8x2x64x128xf32> to vector<8x1x64x128xf32>
    %squeeze3A_1259 = vector.shape_cast %slice3A_1258 : vector<8x1x64x128xf32> to vector<8x64x128xf32>
    %slice3A_1260 = vector.extract_strided_slice %reshape3A_1257 {offsets = [0, 1, 0, 0], sizes = [8, 1, 64, 128], strides = [1, 1, 1, 1]} : vector<8x2x64x128xf32> to vector<8x1x64x128xf32>
    %squeeze3A_1261 = vector.shape_cast %slice3A_1260 : vector<8x1x64x128xf32> to vector<8x64x128xf32>
    %iota3A_1262 = tpu.iota {dimensions = array<i32: 2>} : vector<8x64x128xi32>
    %and3A_1263 = arith.constant 2 : i32
    %and3A_1264 = vector.broadcast %and3A_1263 : i32 to vector<8x64x128xi32>
    %and3A_1265 = arith.andi %iota3A_1262, %and3A_1264 : vector<8x64x128xi32>
    %ne3A_1266 = arith.constant 0 : i32
    %ne3A_1267 = vector.broadcast %ne3A_1266 : i32 to vector<8x64x128xi32>
    %ne3A_1268 = arith.cmpi ne, %and3A_1265, %ne3A_1267 : vector<8x64x128xi32>
    %min3A_1269 = arith.minimumf %squeeze3A_1259, %squeeze3A_1261 : vector<8x64x128xf32>
    %max3A_1270 = arith.maximumf %squeeze3A_1259, %squeeze3A_1261 : vector<8x64x128xf32>
    %select_n3A_1271 = arith.select %ne3A_1268, %min3A_1269, %max3A_1270 : vector<8x64x128xi1>, vector<8x64x128xf32>
    %select_n3A_1272 = arith.select %ne3A_1268, %max3A_1270, %min3A_1269 : vector<8x64x128xi1>, vector<8x64x128xf32>
    %broadcast_in_dim3A_1273 = vector.shape_cast %select_n3A_1271 : vector<8x64x128xf32> to vector<8x1x64x128xf32>
    %broadcast_in_dim3A_1274 = vector.shape_cast %select_n3A_1272 : vector<8x64x128xf32> to vector<8x1x64x128xf32>
    %concatenate3A_1275 = tpu.concatenate %broadcast_in_dim3A_1273, %broadcast_in_dim3A_1274 in 1 : vector<8x1x64x128xf32>, vector<8x1x64x128xf32> -> vector<8x2x64x128xf32>
    %reshape3A_1276 = vector.shape_cast %concatenate3A_1275 : vector<8x2x64x128xf32> to vector<1024x128xf32>
    %reshape3A_1277 = vector.shape_cast %reshape3A_1276 : vector<1024x128xf32> to vector<16x2x32x128xf32>
    %slice3A_1278 = vector.extract_strided_slice %reshape3A_1277 {offsets = [0, 0, 0, 0], sizes = [16, 1, 32, 128], strides = [1, 1, 1, 1]} : vector<16x2x32x128xf32> to vector<16x1x32x128xf32>
    %squeeze3A_1279 = vector.shape_cast %slice3A_1278 : vector<16x1x32x128xf32> to vector<16x32x128xf32>
    %slice3A_1280 = vector.extract_strided_slice %reshape3A_1277 {offsets = [0, 1, 0, 0], sizes = [16, 1, 32, 128], strides = [1, 1, 1, 1]} : vector<16x2x32x128xf32> to vector<16x1x32x128xf32>
    %squeeze3A_1281 = vector.shape_cast %slice3A_1280 : vector<16x1x32x128xf32> to vector<16x32x128xf32>
    %iota3A_1282 = tpu.iota {dimensions = array<i32: 2>} : vector<16x32x128xi32>
    %and3A_1283 = arith.constant 2 : i32
    %and3A_1284 = vector.broadcast %and3A_1283 : i32 to vector<16x32x128xi32>
    %and3A_1285 = arith.andi %iota3A_1282, %and3A_1284 : vector<16x32x128xi32>
    %ne3A_1286 = arith.constant 0 : i32
    %ne3A_1287 = vector.broadcast %ne3A_1286 : i32 to vector<16x32x128xi32>
    %ne3A_1288 = arith.cmpi ne, %and3A_1285, %ne3A_1287 : vector<16x32x128xi32>
    %min3A_1289 = arith.minimumf %squeeze3A_1279, %squeeze3A_1281 : vector<16x32x128xf32>
    %max3A_1290 = arith.maximumf %squeeze3A_1279, %squeeze3A_1281 : vector<16x32x128xf32>
    %select_n3A_1291 = arith.select %ne3A_1288, %min3A_1289, %max3A_1290 : vector<16x32x128xi1>, vector<16x32x128xf32>
    %select_n3A_1292 = arith.select %ne3A_1288, %max3A_1290, %min3A_1289 : vector<16x32x128xi1>, vector<16x32x128xf32>
    %broadcast_in_dim3A_1293 = vector.shape_cast %select_n3A_1291 : vector<16x32x128xf32> to vector<16x1x32x128xf32>
    %broadcast_in_dim3A_1294 = vector.shape_cast %select_n3A_1292 : vector<16x32x128xf32> to vector<16x1x32x128xf32>
    %concatenate3A_1295 = tpu.concatenate %broadcast_in_dim3A_1293, %broadcast_in_dim3A_1294 in 1 : vector<16x1x32x128xf32>, vector<16x1x32x128xf32> -> vector<16x2x32x128xf32>
    %reshape3A_1296 = vector.shape_cast %concatenate3A_1295 : vector<16x2x32x128xf32> to vector<1024x128xf32>
    %reshape3A_1297 = vector.shape_cast %reshape3A_1296 : vector<1024x128xf32> to vector<32x2x16x128xf32>
    %slice3A_1298 = vector.extract_strided_slice %reshape3A_1297 {offsets = [0, 0, 0, 0], sizes = [32, 1, 16, 128], strides = [1, 1, 1, 1]} : vector<32x2x16x128xf32> to vector<32x1x16x128xf32>
    %squeeze3A_1299 = vector.shape_cast %slice3A_1298 : vector<32x1x16x128xf32> to vector<32x16x128xf32>
    %slice3A_1300 = vector.extract_strided_slice %reshape3A_1297 {offsets = [0, 1, 0, 0], sizes = [32, 1, 16, 128], strides = [1, 1, 1, 1]} : vector<32x2x16x128xf32> to vector<32x1x16x128xf32>
    %squeeze3A_1301 = vector.shape_cast %slice3A_1300 : vector<32x1x16x128xf32> to vector<32x16x128xf32>
    %iota3A_1302 = tpu.iota {dimensions = array<i32: 2>} : vector<32x16x128xi32>
    %and3A_1303 = arith.constant 2 : i32
    %and3A_1304 = vector.broadcast %and3A_1303 : i32 to vector<32x16x128xi32>
    %and3A_1305 = arith.andi %iota3A_1302, %and3A_1304 : vector<32x16x128xi32>
    %ne3A_1306 = arith.constant 0 : i32
    %ne3A_1307 = vector.broadcast %ne3A_1306 : i32 to vector<32x16x128xi32>
    %ne3A_1308 = arith.cmpi ne, %and3A_1305, %ne3A_1307 : vector<32x16x128xi32>
    %min3A_1309 = arith.minimumf %squeeze3A_1299, %squeeze3A_1301 : vector<32x16x128xf32>
    %max3A_1310 = arith.maximumf %squeeze3A_1299, %squeeze3A_1301 : vector<32x16x128xf32>
    %select_n3A_1311 = arith.select %ne3A_1308, %min3A_1309, %max3A_1310 : vector<32x16x128xi1>, vector<32x16x128xf32>
    %select_n3A_1312 = arith.select %ne3A_1308, %max3A_1310, %min3A_1309 : vector<32x16x128xi1>, vector<32x16x128xf32>
    %broadcast_in_dim3A_1313 = vector.shape_cast %select_n3A_1311 : vector<32x16x128xf32> to vector<32x1x16x128xf32>
    %broadcast_in_dim3A_1314 = vector.shape_cast %select_n3A_1312 : vector<32x16x128xf32> to vector<32x1x16x128xf32>
    %concatenate3A_1315 = tpu.concatenate %broadcast_in_dim3A_1313, %broadcast_in_dim3A_1314 in 1 : vector<32x1x16x128xf32>, vector<32x1x16x128xf32> -> vector<32x2x16x128xf32>
    %reshape3A_1316 = vector.shape_cast %concatenate3A_1315 : vector<32x2x16x128xf32> to vector<1024x128xf32>
    %reshape3A_1317 = vector.shape_cast %reshape3A_1316 : vector<1024x128xf32> to vector<64x2x8x128xf32>
    %slice3A_1318 = vector.extract_strided_slice %reshape3A_1317 {offsets = [0, 0, 0, 0], sizes = [64, 1, 8, 128], strides = [1, 1, 1, 1]} : vector<64x2x8x128xf32> to vector<64x1x8x128xf32>
    %squeeze3A_1319 = vector.shape_cast %slice3A_1318 : vector<64x1x8x128xf32> to vector<64x8x128xf32>
    %slice3A_1320 = vector.extract_strided_slice %reshape3A_1317 {offsets = [0, 1, 0, 0], sizes = [64, 1, 8, 128], strides = [1, 1, 1, 1]} : vector<64x2x8x128xf32> to vector<64x1x8x128xf32>
    %squeeze3A_1321 = vector.shape_cast %slice3A_1320 : vector<64x1x8x128xf32> to vector<64x8x128xf32>
    %iota3A_1322 = tpu.iota {dimensions = array<i32: 2>} : vector<64x8x128xi32>
    %and3A_1323 = arith.constant 2 : i32
    %and3A_1324 = vector.broadcast %and3A_1323 : i32 to vector<64x8x128xi32>
    %and3A_1325 = arith.andi %iota3A_1322, %and3A_1324 : vector<64x8x128xi32>
    %ne3A_1326 = arith.constant 0 : i32
    %ne3A_1327 = vector.broadcast %ne3A_1326 : i32 to vector<64x8x128xi32>
    %ne3A_1328 = arith.cmpi ne, %and3A_1325, %ne3A_1327 : vector<64x8x128xi32>
    %min3A_1329 = arith.minimumf %squeeze3A_1319, %squeeze3A_1321 : vector<64x8x128xf32>
    %max3A_1330 = arith.maximumf %squeeze3A_1319, %squeeze3A_1321 : vector<64x8x128xf32>
    %select_n3A_1331 = arith.select %ne3A_1328, %min3A_1329, %max3A_1330 : vector<64x8x128xi1>, vector<64x8x128xf32>
    %select_n3A_1332 = arith.select %ne3A_1328, %max3A_1330, %min3A_1329 : vector<64x8x128xi1>, vector<64x8x128xf32>
    %broadcast_in_dim3A_1333 = vector.shape_cast %select_n3A_1331 : vector<64x8x128xf32> to vector<64x1x8x128xf32>
    %broadcast_in_dim3A_1334 = vector.shape_cast %select_n3A_1332 : vector<64x8x128xf32> to vector<64x1x8x128xf32>
    %concatenate3A_1335 = tpu.concatenate %broadcast_in_dim3A_1333, %broadcast_in_dim3A_1334 in 1 : vector<64x1x8x128xf32>, vector<64x1x8x128xf32> -> vector<64x2x8x128xf32>
    %reshape3A_1336 = vector.shape_cast %concatenate3A_1335 : vector<64x2x8x128xf32> to vector<1024x128xf32>
    %and3A_1337 = arith.constant 4 : i32
    %and3A_1338 = vector.broadcast %and3A_1337 : i32 to vector<1024x128xi32>
    %and3A_1339 = arith.andi %iota3A, %and3A_1338 : vector<1024x128xi32>
    %eq3A_1340 = arith.constant 0 : i32
    %eq3A_1341 = vector.broadcast %eq3A_1340 : i32 to vector<1024x128xi32>
    %eq3A_1342 = arith.cmpi eq, %and3A_1339, %eq3A_1341 : vector<1024x128xi32>
    %roll3A_1343 = arith.constant 1020 : i32
    %roll3A_1344 = tpu.dynamic_rotate %reshape3A_1336 by %roll3A_1343 dim 0 : vector<1024x128xf32>, i32 -> vector<1024x128xf32>
    %roll3A_1345 = arith.constant 4 : i32
    %roll3A_1346 = tpu.dynamic_rotate %reshape3A_1336 by %roll3A_1345 dim 0 : vector<1024x128xf32>, i32 -> vector<1024x128xf32>
    %select_n3A_1347 = arith.select %eq3A_1342, %roll3A_1344, %roll3A_1346 : vector<1024x128xi1>, vector<1024x128xf32>
    %and3A_1348 = arith.constant 2 : i32
    %and3A_1349 = vector.broadcast %and3A_1348 : i32 to vector<1024x128xi32>
    %and3A_1350 = arith.andi %iota3A_4, %and3A_1349 : vector<1024x128xi32>
    %ne3A_1351 = arith.constant 0 : i32
    %ne3A_1352 = vector.broadcast %ne3A_1351 : i32 to vector<1024x128xi32>
    %ne3A_1353 = arith.cmpi ne, %and3A_1350, %ne3A_1352 : vector<1024x128xi32>
    %min3A_1354 = arith.minimumf %reshape3A_1336, %select_n3A_1347 : vector<1024x128xf32>
    %max3A_1355 = arith.maximumf %reshape3A_1336, %select_n3A_1347 : vector<1024x128xf32>
    %eq3A_1356 = arith.xori %eq3A_1342, %ne3A_1353 : vector<1024x128xi1>
    %eq3A_1357 = arith.constant dense<true> : vector<1024x128xi1>
    %eq3A_1358 = arith.xori %eq3A_1356, %eq3A_1357 : vector<1024x128xi1>
    %select_n3A_1359 = arith.select %eq3A_1358, %min3A_1354, %max3A_1355 : vector<1024x128xi1>, vector<1024x128xf32>
    %and3A_1360 = arith.constant 2 : i32
    %and3A_1361 = vector.broadcast %and3A_1360 : i32 to vector<1024x128xi32>
    %and3A_1362 = arith.andi %iota3A, %and3A_1361 : vector<1024x128xi32>
    %eq3A_1363 = arith.constant 0 : i32
    %eq3A_1364 = vector.broadcast %eq3A_1363 : i32 to vector<1024x128xi32>
    %eq3A_1365 = arith.cmpi eq, %and3A_1362, %eq3A_1364 : vector<1024x128xi32>
    %roll3A_1366 = arith.constant 1022 : i32
    %roll3A_1367 = tpu.dynamic_rotate %select_n3A_1359 by %roll3A_1366 dim 0 : vector<1024x128xf32>, i32 -> vector<1024x128xf32>
    %roll3A_1368 = arith.constant 2 : i32
    %roll3A_1369 = tpu.dynamic_rotate %select_n3A_1359 by %roll3A_1368 dim 0 : vector<1024x128xf32>, i32 -> vector<1024x128xf32>
    %select_n3A_1370 = arith.select %eq3A_1365, %roll3A_1367, %roll3A_1369 : vector<1024x128xi1>, vector<1024x128xf32>
    %and3A_1371 = arith.constant 2 : i32
    %and3A_1372 = vector.broadcast %and3A_1371 : i32 to vector<1024x128xi32>
    %and3A_1373 = arith.andi %iota3A_4, %and3A_1372 : vector<1024x128xi32>
    %ne3A_1374 = arith.constant 0 : i32
    %ne3A_1375 = vector.broadcast %ne3A_1374 : i32 to vector<1024x128xi32>
    %ne3A_1376 = arith.cmpi ne, %and3A_1373, %ne3A_1375 : vector<1024x128xi32>
    %min3A_1377 = arith.minimumf %select_n3A_1359, %select_n3A_1370 : vector<1024x128xf32>
    %max3A_1378 = arith.maximumf %select_n3A_1359, %select_n3A_1370 : vector<1024x128xf32>
    %eq3A_1379 = arith.xori %eq3A_1365, %ne3A_1376 : vector<1024x128xi1>
    %eq3A_1380 = arith.constant dense<true> : vector<1024x128xi1>
    %eq3A_1381 = arith.xori %eq3A_1379, %eq3A_1380 : vector<1024x128xi1>
    %select_n3A_1382 = arith.select %eq3A_1381, %min3A_1377, %max3A_1378 : vector<1024x128xi1>, vector<1024x128xf32>
    %and3A_1383 = arith.constant 1 : i32
    %and3A_1384 = vector.broadcast %and3A_1383 : i32 to vector<1024x128xi32>
    %and3A_1385 = arith.andi %iota3A, %and3A_1384 : vector<1024x128xi32>
    %eq3A_1386 = arith.constant 0 : i32
    %eq3A_1387 = vector.broadcast %eq3A_1386 : i32 to vector<1024x128xi32>
    %eq3A_1388 = arith.cmpi eq, %and3A_1385, %eq3A_1387 : vector<1024x128xi32>
    %roll3A_1389 = arith.constant 1023 : i32
    %roll3A_1390 = tpu.dynamic_rotate %select_n3A_1382 by %roll3A_1389 dim 0 : vector<1024x128xf32>, i32 -> vector<1024x128xf32>
    %roll3A_1391 = arith.constant 1 : i32
    %roll3A_1392 = tpu.dynamic_rotate %select_n3A_1382 by %roll3A_1391 dim 0 : vector<1024x128xf32>, i32 -> vector<1024x128xf32>
    %select_n3A_1393 = arith.select %eq3A_1388, %roll3A_1390, %roll3A_1392 : vector<1024x128xi1>, vector<1024x128xf32>
    %and3A_1394 = arith.constant 2 : i32
    %and3A_1395 = vector.broadcast %and3A_1394 : i32 to vector<1024x128xi32>
    %and3A_1396 = arith.andi %iota3A_4, %and3A_1395 : vector<1024x128xi32>
    %ne3A_1397 = arith.constant 0 : i32
    %ne3A_1398 = vector.broadcast %ne3A_1397 : i32 to vector<1024x128xi32>
    %ne3A_1399 = arith.cmpi ne, %and3A_1396, %ne3A_1398 : vector<1024x128xi32>
    %min3A_1400 = arith.minimumf %select_n3A_1382, %select_n3A_1393 : vector<1024x128xf32>
    %max3A_1401 = arith.maximumf %select_n3A_1382, %select_n3A_1393 : vector<1024x128xf32>
    %eq3A_1402 = arith.xori %eq3A_1388, %ne3A_1399 : vector<1024x128xi1>
    %eq3A_1403 = arith.constant dense<true> : vector<1024x128xi1>
    %eq3A_1404 = arith.xori %eq3A_1402, %eq3A_1403 : vector<1024x128xi1>
    %select_n3A_1405 = arith.select %eq3A_1404, %min3A_1400, %max3A_1401 : vector<1024x128xi1>, vector<1024x128xf32>
    %and3A_1406 = arith.constant 2 : i32
    %and3A_1407 = vector.broadcast %and3A_1406 : i32 to vector<1024x128xi32>
    %and3A_1408 = arith.andi %iota3A_4, %and3A_1407 : vector<1024x128xi32>
    %eq3A_1409 = arith.constant 0 : i32
    %eq3A_1410 = vector.broadcast %eq3A_1409 : i32 to vector<1024x128xi32>
    %eq3A_1411 = arith.cmpi eq, %and3A_1408, %eq3A_1410 : vector<1024x128xi32>
    %roll3A_1412 = arith.constant 126 : i32
    %roll3A_1413 = tpu.dynamic_rotate %select_n3A_1405 by %roll3A_1412 dim 1 : vector<1024x128xf32>, i32 -> vector<1024x128xf32>
    %roll3A_1414 = arith.constant 2 : i32
    %roll3A_1415 = tpu.dynamic_rotate %select_n3A_1405 by %roll3A_1414 dim 1 : vector<1024x128xf32>, i32 -> vector<1024x128xf32>
    %select_n3A_1416 = arith.select %eq3A_1411, %roll3A_1413, %roll3A_1415 : vector<1024x128xi1>, vector<1024x128xf32>
    %and3A_1417 = arith.constant 4 : i32
    %and3A_1418 = vector.broadcast %and3A_1417 : i32 to vector<1024x128xi32>
    %and3A_1419 = arith.andi %iota3A_4, %and3A_1418 : vector<1024x128xi32>
    %ne3A_1420 = arith.constant 0 : i32
    %ne3A_1421 = vector.broadcast %ne3A_1420 : i32 to vector<1024x128xi32>
    %ne3A_1422 = arith.cmpi ne, %and3A_1419, %ne3A_1421 : vector<1024x128xi32>
    %min3A_1423 = arith.minimumf %select_n3A_1405, %select_n3A_1416 : vector<1024x128xf32>
    %max3A_1424 = arith.maximumf %select_n3A_1405, %select_n3A_1416 : vector<1024x128xf32>
    %eq3A_1425 = arith.xori %eq3A_1411, %ne3A_1422 : vector<1024x128xi1>
    %eq3A_1426 = arith.constant dense<true> : vector<1024x128xi1>
    %eq3A_1427 = arith.xori %eq3A_1425, %eq3A_1426 : vector<1024x128xi1>
    %select_n3A_1428 = arith.select %eq3A_1427, %min3A_1423, %max3A_1424 : vector<1024x128xi1>, vector<1024x128xf32>
    %and3A_1429 = arith.constant 1 : i32
    %and3A_1430 = vector.broadcast %and3A_1429 : i32 to vector<1024x128xi32>
    %and3A_1431 = arith.andi %iota3A_4, %and3A_1430 : vector<1024x128xi32>
    %eq3A_1432 = arith.constant 0 : i32
    %eq3A_1433 = vector.broadcast %eq3A_1432 : i32 to vector<1024x128xi32>
    %eq3A_1434 = arith.cmpi eq, %and3A_1431, %eq3A_1433 : vector<1024x128xi32>
    %roll3A_1435 = arith.constant 127 : i32
    %roll3A_1436 = tpu.dynamic_rotate %select_n3A_1428 by %roll3A_1435 dim 1 : vector<1024x128xf32>, i32 -> vector<1024x128xf32>
    %roll3A_1437 = arith.constant 1 : i32
    %roll3A_1438 = tpu.dynamic_rotate %select_n3A_1428 by %roll3A_1437 dim 1 : vector<1024x128xf32>, i32 -> vector<1024x128xf32>
    %select_n3A_1439 = arith.select %eq3A_1434, %roll3A_1436, %roll3A_1438 : vector<1024x128xi1>, vector<1024x128xf32>
    %and3A_1440 = arith.constant 4 : i32
    %and3A_1441 = vector.broadcast %and3A_1440 : i32 to vector<1024x128xi32>
    %and3A_1442 = arith.andi %iota3A_4, %and3A_1441 : vector<1024x128xi32>
    %ne3A_1443 = arith.constant 0 : i32
    %ne3A_1444 = vector.broadcast %ne3A_1443 : i32 to vector<1024x128xi32>
    %ne3A_1445 = arith.cmpi ne, %and3A_1442, %ne3A_1444 : vector<1024x128xi32>
    %min3A_1446 = arith.minimumf %select_n3A_1428, %select_n3A_1439 : vector<1024x128xf32>
    %max3A_1447 = arith.maximumf %select_n3A_1428, %select_n3A_1439 : vector<1024x128xf32>
    %eq3A_1448 = arith.xori %eq3A_1434, %ne3A_1445 : vector<1024x128xi1>
    %eq3A_1449 = arith.constant dense<true> : vector<1024x128xi1>
    %eq3A_1450 = arith.xori %eq3A_1448, %eq3A_1449 : vector<1024x128xi1>
    %select_n3A_1451 = arith.select %eq3A_1450, %min3A_1446, %max3A_1447 : vector<1024x128xi1>, vector<1024x128xf32>
    %reshape3A_1452 = vector.shape_cast %select_n3A_1451 : vector<1024x128xf32> to vector<1x2x512x128xf32>
    %slice3A_1453 = vector.extract_strided_slice %reshape3A_1452 {offsets = [0, 0, 0, 0], sizes = [1, 1, 512, 128], strides = [1, 1, 1, 1]} : vector<1x2x512x128xf32> to vector<1x1x512x128xf32>
    %squeeze3A_1454 = vector.shape_cast %slice3A_1453 : vector<1x1x512x128xf32> to vector<1x512x128xf32>
    %slice3A_1455 = vector.extract_strided_slice %reshape3A_1452 {offsets = [0, 1, 0, 0], sizes = [1, 1, 512, 128], strides = [1, 1, 1, 1]} : vector<1x2x512x128xf32> to vector<1x1x512x128xf32>
    %squeeze3A_1456 = vector.shape_cast %slice3A_1455 : vector<1x1x512x128xf32> to vector<1x512x128xf32>
    %iota3A_1457 = tpu.iota {dimensions = array<i32: 2>} : vector<1x512x128xi32>
    %and3A_1458 = arith.constant 4 : i32
    %and3A_1459 = vector.broadcast %and3A_1458 : i32 to vector<1x512x128xi32>
    %and3A_1460 = arith.andi %iota3A_1457, %and3A_1459 : vector<1x512x128xi32>
    %ne3A_1461 = arith.constant 0 : i32
    %ne3A_1462 = vector.broadcast %ne3A_1461 : i32 to vector<1x512x128xi32>
    %ne3A_1463 = arith.cmpi ne, %and3A_1460, %ne3A_1462 : vector<1x512x128xi32>
    %min3A_1464 = arith.minimumf %squeeze3A_1454, %squeeze3A_1456 : vector<1x512x128xf32>
    %max3A_1465 = arith.maximumf %squeeze3A_1454, %squeeze3A_1456 : vector<1x512x128xf32>
    %select_n3A_1466 = arith.select %ne3A_1463, %min3A_1464, %max3A_1465 : vector<1x512x128xi1>, vector<1x512x128xf32>
    %select_n3A_1467 = arith.select %ne3A_1463, %max3A_1465, %min3A_1464 : vector<1x512x128xi1>, vector<1x512x128xf32>
    %broadcast_in_dim3A_1468 = vector.shape_cast %select_n3A_1466 : vector<1x512x128xf32> to vector<1x1x512x128xf32>
    %broadcast_in_dim3A_1469 = vector.shape_cast %select_n3A_1467 : vector<1x512x128xf32> to vector<1x1x512x128xf32>
    %concatenate3A_1470 = tpu.concatenate %broadcast_in_dim3A_1468, %broadcast_in_dim3A_1469 in 1 : vector<1x1x512x128xf32>, vector<1x1x512x128xf32> -> vector<1x2x512x128xf32>
    %reshape3A_1471 = vector.shape_cast %concatenate3A_1470 : vector<1x2x512x128xf32> to vector<1024x128xf32>
    %reshape3A_1472 = vector.shape_cast %reshape3A_1471 : vector<1024x128xf32> to vector<2x2x256x128xf32>
    %slice3A_1473 = vector.extract_strided_slice %reshape3A_1472 {offsets = [0, 0, 0, 0], sizes = [2, 1, 256, 128], strides = [1, 1, 1, 1]} : vector<2x2x256x128xf32> to vector<2x1x256x128xf32>
    %squeeze3A_1474 = vector.shape_cast %slice3A_1473 : vector<2x1x256x128xf32> to vector<2x256x128xf32>
    %slice3A_1475 = vector.extract_strided_slice %reshape3A_1472 {offsets = [0, 1, 0, 0], sizes = [2, 1, 256, 128], strides = [1, 1, 1, 1]} : vector<2x2x256x128xf32> to vector<2x1x256x128xf32>
    %squeeze3A_1476 = vector.shape_cast %slice3A_1475 : vector<2x1x256x128xf32> to vector<2x256x128xf32>
    %iota3A_1477 = tpu.iota {dimensions = array<i32: 2>} : vector<2x256x128xi32>
    %and3A_1478 = arith.constant 4 : i32
    %and3A_1479 = vector.broadcast %and3A_1478 : i32 to vector<2x256x128xi32>
    %and3A_1480 = arith.andi %iota3A_1477, %and3A_1479 : vector<2x256x128xi32>
    %ne3A_1481 = arith.constant 0 : i32
    %ne3A_1482 = vector.broadcast %ne3A_1481 : i32 to vector<2x256x128xi32>
    %ne3A_1483 = arith.cmpi ne, %and3A_1480, %ne3A_1482 : vector<2x256x128xi32>
    %min3A_1484 = arith.minimumf %squeeze3A_1474, %squeeze3A_1476 : vector<2x256x128xf32>
    %max3A_1485 = arith.maximumf %squeeze3A_1474, %squeeze3A_1476 : vector<2x256x128xf32>
    %select_n3A_1486 = arith.select %ne3A_1483, %min3A_1484, %max3A_1485 : vector<2x256x128xi1>, vector<2x256x128xf32>
    %select_n3A_1487 = arith.select %ne3A_1483, %max3A_1485, %min3A_1484 : vector<2x256x128xi1>, vector<2x256x128xf32>
    %broadcast_in_dim3A_1488 = vector.shape_cast %select_n3A_1486 : vector<2x256x128xf32> to vector<2x1x256x128xf32>
    %broadcast_in_dim3A_1489 = vector.shape_cast %select_n3A_1487 : vector<2x256x128xf32> to vector<2x1x256x128xf32>
    %concatenate3A_1490 = tpu.concatenate %broadcast_in_dim3A_1488, %broadcast_in_dim3A_1489 in 1 : vector<2x1x256x128xf32>, vector<2x1x256x128xf32> -> vector<2x2x256x128xf32>
    %reshape3A_1491 = vector.shape_cast %concatenate3A_1490 : vector<2x2x256x128xf32> to vector<1024x128xf32>
    %reshape3A_1492 = vector.shape_cast %reshape3A_1491 : vector<1024x128xf32> to vector<4x2x128x128xf32>
    %slice3A_1493 = vector.extract_strided_slice %reshape3A_1492 {offsets = [0, 0, 0, 0], sizes = [4, 1, 128, 128], strides = [1, 1, 1, 1]} : vector<4x2x128x128xf32> to vector<4x1x128x128xf32>
    %squeeze3A_1494 = vector.shape_cast %slice3A_1493 : vector<4x1x128x128xf32> to vector<4x128x128xf32>
    %slice3A_1495 = vector.extract_strided_slice %reshape3A_1492 {offsets = [0, 1, 0, 0], sizes = [4, 1, 128, 128], strides = [1, 1, 1, 1]} : vector<4x2x128x128xf32> to vector<4x1x128x128xf32>
    %squeeze3A_1496 = vector.shape_cast %slice3A_1495 : vector<4x1x128x128xf32> to vector<4x128x128xf32>
    %iota3A_1497 = tpu.iota {dimensions = array<i32: 2>} : vector<4x128x128xi32>
    %and3A_1498 = arith.constant 4 : i32
    %and3A_1499 = vector.broadcast %and3A_1498 : i32 to vector<4x128x128xi32>
    %and3A_1500 = arith.andi %iota3A_1497, %and3A_1499 : vector<4x128x128xi32>
    %ne3A_1501 = arith.constant 0 : i32
    %ne3A_1502 = vector.broadcast %ne3A_1501 : i32 to vector<4x128x128xi32>
    %ne3A_1503 = arith.cmpi ne, %and3A_1500, %ne3A_1502 : vector<4x128x128xi32>
    %min3A_1504 = arith.minimumf %squeeze3A_1494, %squeeze3A_1496 : vector<4x128x128xf32>
    %max3A_1505 = arith.maximumf %squeeze3A_1494, %squeeze3A_1496 : vector<4x128x128xf32>
    %select_n3A_1506 = arith.select %ne3A_1503, %min3A_1504, %max3A_1505 : vector<4x128x128xi1>, vector<4x128x128xf32>
    %select_n3A_1507 = arith.select %ne3A_1503, %max3A_1505, %min3A_1504 : vector<4x128x128xi1>, vector<4x128x128xf32>
    %broadcast_in_dim3A_1508 = vector.shape_cast %select_n3A_1506 : vector<4x128x128xf32> to vector<4x1x128x128xf32>
    %broadcast_in_dim3A_1509 = vector.shape_cast %select_n3A_1507 : vector<4x128x128xf32> to vector<4x1x128x128xf32>
    %concatenate3A_1510 = tpu.concatenate %broadcast_in_dim3A_1508, %broadcast_in_dim3A_1509 in 1 : vector<4x1x128x128xf32>, vector<4x1x128x128xf32> -> vector<4x2x128x128xf32>
    %reshape3A_1511 = vector.shape_cast %concatenate3A_1510 : vector<4x2x128x128xf32> to vector<1024x128xf32>
    %reshape3A_1512 = vector.shape_cast %reshape3A_1511 : vector<1024x128xf32> to vector<8x2x64x128xf32>
    %slice3A_1513 = vector.extract_strided_slice %reshape3A_1512 {offsets = [0, 0, 0, 0], sizes = [8, 1, 64, 128], strides = [1, 1, 1, 1]} : vector<8x2x64x128xf32> to vector<8x1x64x128xf32>
    %squeeze3A_1514 = vector.shape_cast %slice3A_1513 : vector<8x1x64x128xf32> to vector<8x64x128xf32>
    %slice3A_1515 = vector.extract_strided_slice %reshape3A_1512 {offsets = [0, 1, 0, 0], sizes = [8, 1, 64, 128], strides = [1, 1, 1, 1]} : vector<8x2x64x128xf32> to vector<8x1x64x128xf32>
    %squeeze3A_1516 = vector.shape_cast %slice3A_1515 : vector<8x1x64x128xf32> to vector<8x64x128xf32>
    %iota3A_1517 = tpu.iota {dimensions = array<i32: 2>} : vector<8x64x128xi32>
    %and3A_1518 = arith.constant 4 : i32
    %and3A_1519 = vector.broadcast %and3A_1518 : i32 to vector<8x64x128xi32>
    %and3A_1520 = arith.andi %iota3A_1517, %and3A_1519 : vector<8x64x128xi32>
    %ne3A_1521 = arith.constant 0 : i32
    %ne3A_1522 = vector.broadcast %ne3A_1521 : i32 to vector<8x64x128xi32>
    %ne3A_1523 = arith.cmpi ne, %and3A_1520, %ne3A_1522 : vector<8x64x128xi32>
    %min3A_1524 = arith.minimumf %squeeze3A_1514, %squeeze3A_1516 : vector<8x64x128xf32>
    %max3A_1525 = arith.maximumf %squeeze3A_1514, %squeeze3A_1516 : vector<8x64x128xf32>
    %select_n3A_1526 = arith.select %ne3A_1523, %min3A_1524, %max3A_1525 : vector<8x64x128xi1>, vector<8x64x128xf32>
    %select_n3A_1527 = arith.select %ne3A_1523, %max3A_1525, %min3A_1524 : vector<8x64x128xi1>, vector<8x64x128xf32>
    %broadcast_in_dim3A_1528 = vector.shape_cast %select_n3A_1526 : vector<8x64x128xf32> to vector<8x1x64x128xf32>
    %broadcast_in_dim3A_1529 = vector.shape_cast %select_n3A_1527 : vector<8x64x128xf32> to vector<8x1x64x128xf32>
    %concatenate3A_1530 = tpu.concatenate %broadcast_in_dim3A_1528, %broadcast_in_dim3A_1529 in 1 : vector<8x1x64x128xf32>, vector<8x1x64x128xf32> -> vector<8x2x64x128xf32>
    %reshape3A_1531 = vector.shape_cast %concatenate3A_1530 : vector<8x2x64x128xf32> to vector<1024x128xf32>
    %reshape3A_1532 = vector.shape_cast %reshape3A_1531 : vector<1024x128xf32> to vector<16x2x32x128xf32>
    %slice3A_1533 = vector.extract_strided_slice %reshape3A_1532 {offsets = [0, 0, 0, 0], sizes = [16, 1, 32, 128], strides = [1, 1, 1, 1]} : vector<16x2x32x128xf32> to vector<16x1x32x128xf32>
    %squeeze3A_1534 = vector.shape_cast %slice3A_1533 : vector<16x1x32x128xf32> to vector<16x32x128xf32>
    %slice3A_1535 = vector.extract_strided_slice %reshape3A_1532 {offsets = [0, 1, 0, 0], sizes = [16, 1, 32, 128], strides = [1, 1, 1, 1]} : vector<16x2x32x128xf32> to vector<16x1x32x128xf32>
    %squeeze3A_1536 = vector.shape_cast %slice3A_1535 : vector<16x1x32x128xf32> to vector<16x32x128xf32>
    %iota3A_1537 = tpu.iota {dimensions = array<i32: 2>} : vector<16x32x128xi32>
    %and3A_1538 = arith.constant 4 : i32
    %and3A_1539 = vector.broadcast %and3A_1538 : i32 to vector<16x32x128xi32>
    %and3A_1540 = arith.andi %iota3A_1537, %and3A_1539 : vector<16x32x128xi32>
    %ne3A_1541 = arith.constant 0 : i32
    %ne3A_1542 = vector.broadcast %ne3A_1541 : i32 to vector<16x32x128xi32>
    %ne3A_1543 = arith.cmpi ne, %and3A_1540, %ne3A_1542 : vector<16x32x128xi32>
    %min3A_1544 = arith.minimumf %squeeze3A_1534, %squeeze3A_1536 : vector<16x32x128xf32>
    %max3A_1545 = arith.maximumf %squeeze3A_1534, %squeeze3A_1536 : vector<16x32x128xf32>
    %select_n3A_1546 = arith.select %ne3A_1543, %min3A_1544, %max3A_1545 : vector<16x32x128xi1>, vector<16x32x128xf32>
    %select_n3A_1547 = arith.select %ne3A_1543, %max3A_1545, %min3A_1544 : vector<16x32x128xi1>, vector<16x32x128xf32>
    %broadcast_in_dim3A_1548 = vector.shape_cast %select_n3A_1546 : vector<16x32x128xf32> to vector<16x1x32x128xf32>
    %broadcast_in_dim3A_1549 = vector.shape_cast %select_n3A_1547 : vector<16x32x128xf32> to vector<16x1x32x128xf32>
    %concatenate3A_1550 = tpu.concatenate %broadcast_in_dim3A_1548, %broadcast_in_dim3A_1549 in 1 : vector<16x1x32x128xf32>, vector<16x1x32x128xf32> -> vector<16x2x32x128xf32>
    %reshape3A_1551 = vector.shape_cast %concatenate3A_1550 : vector<16x2x32x128xf32> to vector<1024x128xf32>
    %reshape3A_1552 = vector.shape_cast %reshape3A_1551 : vector<1024x128xf32> to vector<32x2x16x128xf32>
    %slice3A_1553 = vector.extract_strided_slice %reshape3A_1552 {offsets = [0, 0, 0, 0], sizes = [32, 1, 16, 128], strides = [1, 1, 1, 1]} : vector<32x2x16x128xf32> to vector<32x1x16x128xf32>
    %squeeze3A_1554 = vector.shape_cast %slice3A_1553 : vector<32x1x16x128xf32> to vector<32x16x128xf32>
    %slice3A_1555 = vector.extract_strided_slice %reshape3A_1552 {offsets = [0, 1, 0, 0], sizes = [32, 1, 16, 128], strides = [1, 1, 1, 1]} : vector<32x2x16x128xf32> to vector<32x1x16x128xf32>
    %squeeze3A_1556 = vector.shape_cast %slice3A_1555 : vector<32x1x16x128xf32> to vector<32x16x128xf32>
    %iota3A_1557 = tpu.iota {dimensions = array<i32: 2>} : vector<32x16x128xi32>
    %and3A_1558 = arith.constant 4 : i32
    %and3A_1559 = vector.broadcast %and3A_1558 : i32 to vector<32x16x128xi32>
    %and3A_1560 = arith.andi %iota3A_1557, %and3A_1559 : vector<32x16x128xi32>
    %ne3A_1561 = arith.constant 0 : i32
    %ne3A_1562 = vector.broadcast %ne3A_1561 : i32 to vector<32x16x128xi32>
    %ne3A_1563 = arith.cmpi ne, %and3A_1560, %ne3A_1562 : vector<32x16x128xi32>
    %min3A_1564 = arith.minimumf %squeeze3A_1554, %squeeze3A_1556 : vector<32x16x128xf32>
    %max3A_1565 = arith.maximumf %squeeze3A_1554, %squeeze3A_1556 : vector<32x16x128xf32>
    %select_n3A_1566 = arith.select %ne3A_1563, %min3A_1564, %max3A_1565 : vector<32x16x128xi1>, vector<32x16x128xf32>
    %select_n3A_1567 = arith.select %ne3A_1563, %max3A_1565, %min3A_1564 : vector<32x16x128xi1>, vector<32x16x128xf32>
    %broadcast_in_dim3A_1568 = vector.shape_cast %select_n3A_1566 : vector<32x16x128xf32> to vector<32x1x16x128xf32>
    %broadcast_in_dim3A_1569 = vector.shape_cast %select_n3A_1567 : vector<32x16x128xf32> to vector<32x1x16x128xf32>
    %concatenate3A_1570 = tpu.concatenate %broadcast_in_dim3A_1568, %broadcast_in_dim3A_1569 in 1 : vector<32x1x16x128xf32>, vector<32x1x16x128xf32> -> vector<32x2x16x128xf32>
    %reshape3A_1571 = vector.shape_cast %concatenate3A_1570 : vector<32x2x16x128xf32> to vector<1024x128xf32>
    %reshape3A_1572 = vector.shape_cast %reshape3A_1571 : vector<1024x128xf32> to vector<64x2x8x128xf32>
    %slice3A_1573 = vector.extract_strided_slice %reshape3A_1572 {offsets = [0, 0, 0, 0], sizes = [64, 1, 8, 128], strides = [1, 1, 1, 1]} : vector<64x2x8x128xf32> to vector<64x1x8x128xf32>
    %squeeze3A_1574 = vector.shape_cast %slice3A_1573 : vector<64x1x8x128xf32> to vector<64x8x128xf32>
    %slice3A_1575 = vector.extract_strided_slice %reshape3A_1572 {offsets = [0, 1, 0, 0], sizes = [64, 1, 8, 128], strides = [1, 1, 1, 1]} : vector<64x2x8x128xf32> to vector<64x1x8x128xf32>
    %squeeze3A_1576 = vector.shape_cast %slice3A_1575 : vector<64x1x8x128xf32> to vector<64x8x128xf32>
    %iota3A_1577 = tpu.iota {dimensions = array<i32: 2>} : vector<64x8x128xi32>
    %and3A_1578 = arith.constant 4 : i32
    %and3A_1579 = vector.broadcast %and3A_1578 : i32 to vector<64x8x128xi32>
    %and3A_1580 = arith.andi %iota3A_1577, %and3A_1579 : vector<64x8x128xi32>
    %ne3A_1581 = arith.constant 0 : i32
    %ne3A_1582 = vector.broadcast %ne3A_1581 : i32 to vector<64x8x128xi32>
    %ne3A_1583 = arith.cmpi ne, %and3A_1580, %ne3A_1582 : vector<64x8x128xi32>
    %min3A_1584 = arith.minimumf %squeeze3A_1574, %squeeze3A_1576 : vector<64x8x128xf32>
    %max3A_1585 = arith.maximumf %squeeze3A_1574, %squeeze3A_1576 : vector<64x8x128xf32>
    %select_n3A_1586 = arith.select %ne3A_1583, %min3A_1584, %max3A_1585 : vector<64x8x128xi1>, vector<64x8x128xf32>
    %select_n3A_1587 = arith.select %ne3A_1583, %max3A_1585, %min3A_1584 : vector<64x8x128xi1>, vector<64x8x128xf32>
    %broadcast_in_dim3A_1588 = vector.shape_cast %select_n3A_1586 : vector<64x8x128xf32> to vector<64x1x8x128xf32>
    %broadcast_in_dim3A_1589 = vector.shape_cast %select_n3A_1587 : vector<64x8x128xf32> to vector<64x1x8x128xf32>
    %concatenate3A_1590 = tpu.concatenate %broadcast_in_dim3A_1588, %broadcast_in_dim3A_1589 in 1 : vector<64x1x8x128xf32>, vector<64x1x8x128xf32> -> vector<64x2x8x128xf32>
    %reshape3A_1591 = vector.shape_cast %concatenate3A_1590 : vector<64x2x8x128xf32> to vector<1024x128xf32>
    %and3A_1592 = arith.constant 4 : i32
    %and3A_1593 = vector.broadcast %and3A_1592 : i32 to vector<1024x128xi32>
    %and3A_1594 = arith.andi %iota3A, %and3A_1593 : vector<1024x128xi32>
    %eq3A_1595 = arith.constant 0 : i32
    %eq3A_1596 = vector.broadcast %eq3A_1595 : i32 to vector<1024x128xi32>
    %eq3A_1597 = arith.cmpi eq, %and3A_1594, %eq3A_1596 : vector<1024x128xi32>
    %roll3A_1598 = arith.constant 1020 : i32
    %roll3A_1599 = tpu.dynamic_rotate %reshape3A_1591 by %roll3A_1598 dim 0 : vector<1024x128xf32>, i32 -> vector<1024x128xf32>
    %roll3A_1600 = arith.constant 4 : i32
    %roll3A_1601 = tpu.dynamic_rotate %reshape3A_1591 by %roll3A_1600 dim 0 : vector<1024x128xf32>, i32 -> vector<1024x128xf32>
    %select_n3A_1602 = arith.select %eq3A_1597, %roll3A_1599, %roll3A_1601 : vector<1024x128xi1>, vector<1024x128xf32>
    %and3A_1603 = arith.constant 4 : i32
    %and3A_1604 = vector.broadcast %and3A_1603 : i32 to vector<1024x128xi32>
    %and3A_1605 = arith.andi %iota3A_4, %and3A_1604 : vector<1024x128xi32>
    %ne3A_1606 = arith.constant 0 : i32
    %ne3A_1607 = vector.broadcast %ne3A_1606 : i32 to vector<1024x128xi32>
    %ne3A_1608 = arith.cmpi ne, %and3A_1605, %ne3A_1607 : vector<1024x128xi32>
    %min3A_1609 = arith.minimumf %reshape3A_1591, %select_n3A_1602 : vector<1024x128xf32>
    %max3A_1610 = arith.maximumf %reshape3A_1591, %select_n3A_1602 : vector<1024x128xf32>
    %eq3A_1611 = arith.xori %eq3A_1597, %ne3A_1608 : vector<1024x128xi1>
    %eq3A_1612 = arith.constant dense<true> : vector<1024x128xi1>
    %eq3A_1613 = arith.xori %eq3A_1611, %eq3A_1612 : vector<1024x128xi1>
    %select_n3A_1614 = arith.select %eq3A_1613, %min3A_1609, %max3A_1610 : vector<1024x128xi1>, vector<1024x128xf32>
    %and3A_1615 = arith.constant 2 : i32
    %and3A_1616 = vector.broadcast %and3A_1615 : i32 to vector<1024x128xi32>
    %and3A_1617 = arith.andi %iota3A, %and3A_1616 : vector<1024x128xi32>
    %eq3A_1618 = arith.constant 0 : i32
    %eq3A_1619 = vector.broadcast %eq3A_1618 : i32 to vector<1024x128xi32>
    %eq3A_1620 = arith.cmpi eq, %and3A_1617, %eq3A_1619 : vector<1024x128xi32>
    %roll3A_1621 = arith.constant 1022 : i32
    %roll3A_1622 = tpu.dynamic_rotate %select_n3A_1614 by %roll3A_1621 dim 0 : vector<1024x128xf32>, i32 -> vector<1024x128xf32>
    %roll3A_1623 = arith.constant 2 : i32
    %roll3A_1624 = tpu.dynamic_rotate %select_n3A_1614 by %roll3A_1623 dim 0 : vector<1024x128xf32>, i32 -> vector<1024x128xf32>
    %select_n3A_1625 = arith.select %eq3A_1620, %roll3A_1622, %roll3A_1624 : vector<1024x128xi1>, vector<1024x128xf32>
    %and3A_1626 = arith.constant 4 : i32
    %and3A_1627 = vector.broadcast %and3A_1626 : i32 to vector<1024x128xi32>
    %and3A_1628 = arith.andi %iota3A_4, %and3A_1627 : vector<1024x128xi32>
    %ne3A_1629 = arith.constant 0 : i32
    %ne3A_1630 = vector.broadcast %ne3A_1629 : i32 to vector<1024x128xi32>
    %ne3A_1631 = arith.cmpi ne, %and3A_1628, %ne3A_1630 : vector<1024x128xi32>
    %min3A_1632 = arith.minimumf %select_n3A_1614, %select_n3A_1625 : vector<1024x128xf32>
    %max3A_1633 = arith.maximumf %select_n3A_1614, %select_n3A_1625 : vector<1024x128xf32>
    %eq3A_1634 = arith.xori %eq3A_1620, %ne3A_1631 : vector<1024x128xi1>
    %eq3A_1635 = arith.constant dense<true> : vector<1024x128xi1>
    %eq3A_1636 = arith.xori %eq3A_1634, %eq3A_1635 : vector<1024x128xi1>
    %select_n3A_1637 = arith.select %eq3A_1636, %min3A_1632, %max3A_1633 : vector<1024x128xi1>, vector<1024x128xf32>
    %and3A_1638 = arith.constant 1 : i32
    %and3A_1639 = vector.broadcast %and3A_1638 : i32 to vector<1024x128xi32>
    %and3A_1640 = arith.andi %iota3A, %and3A_1639 : vector<1024x128xi32>
    %eq3A_1641 = arith.constant 0 : i32
    %eq3A_1642 = vector.broadcast %eq3A_1641 : i32 to vector<1024x128xi32>
    %eq3A_1643 = arith.cmpi eq, %and3A_1640, %eq3A_1642 : vector<1024x128xi32>
    %roll3A_1644 = arith.constant 1023 : i32
    %roll3A_1645 = tpu.dynamic_rotate %select_n3A_1637 by %roll3A_1644 dim 0 : vector<1024x128xf32>, i32 -> vector<1024x128xf32>
    %roll3A_1646 = arith.constant 1 : i32
    %roll3A_1647 = tpu.dynamic_rotate %select_n3A_1637 by %roll3A_1646 dim 0 : vector<1024x128xf32>, i32 -> vector<1024x128xf32>
    %select_n3A_1648 = arith.select %eq3A_1643, %roll3A_1645, %roll3A_1647 : vector<1024x128xi1>, vector<1024x128xf32>
    %and3A_1649 = arith.constant 4 : i32
    %and3A_1650 = vector.broadcast %and3A_1649 : i32 to vector<1024x128xi32>
    %and3A_1651 = arith.andi %iota3A_4, %and3A_1650 : vector<1024x128xi32>
    %ne3A_1652 = arith.constant 0 : i32
    %ne3A_1653 = vector.broadcast %ne3A_1652 : i32 to vector<1024x128xi32>
    %ne3A_1654 = arith.cmpi ne, %and3A_1651, %ne3A_1653 : vector<1024x128xi32>
    %min3A_1655 = arith.minimumf %select_n3A_1637, %select_n3A_1648 : vector<1024x128xf32>
    %max3A_1656 = arith.maximumf %select_n3A_1637, %select_n3A_1648 : vector<1024x128xf32>
    %eq3A_1657 = arith.xori %eq3A_1643, %ne3A_1654 : vector<1024x128xi1>
    %eq3A_1658 = arith.constant dense<true> : vector<1024x128xi1>
    %eq3A_1659 = arith.xori %eq3A_1657, %eq3A_1658 : vector<1024x128xi1>
    %select_n3A_1660 = arith.select %eq3A_1659, %min3A_1655, %max3A_1656 : vector<1024x128xi1>, vector<1024x128xf32>
    %and3A_1661 = arith.constant 4 : i32
    %and3A_1662 = vector.broadcast %and3A_1661 : i32 to vector<1024x128xi32>
    %and3A_1663 = arith.andi %iota3A_4, %and3A_1662 : vector<1024x128xi32>
    %eq3A_1664 = arith.constant 0 : i32
    %eq3A_1665 = vector.broadcast %eq3A_1664 : i32 to vector<1024x128xi32>
    %eq3A_1666 = arith.cmpi eq, %and3A_1663, %eq3A_1665 : vector<1024x128xi32>
    %roll3A_1667 = arith.constant 124 : i32
    %roll3A_1668 = tpu.dynamic_rotate %select_n3A_1660 by %roll3A_1667 dim 1 : vector<1024x128xf32>, i32 -> vector<1024x128xf32>
    %roll3A_1669 = arith.constant 4 : i32
    %roll3A_1670 = tpu.dynamic_rotate %select_n3A_1660 by %roll3A_1669 dim 1 : vector<1024x128xf32>, i32 -> vector<1024x128xf32>
    %select_n3A_1671 = arith.select %eq3A_1666, %roll3A_1668, %roll3A_1670 : vector<1024x128xi1>, vector<1024x128xf32>
    %and3A_1672 = arith.constant 8 : i32
    %and3A_1673 = vector.broadcast %and3A_1672 : i32 to vector<1024x128xi32>
    %and3A_1674 = arith.andi %iota3A_4, %and3A_1673 : vector<1024x128xi32>
    %ne3A_1675 = arith.constant 0 : i32
    %ne3A_1676 = vector.broadcast %ne3A_1675 : i32 to vector<1024x128xi32>
    %ne3A_1677 = arith.cmpi ne, %and3A_1674, %ne3A_1676 : vector<1024x128xi32>
    %min3A_1678 = arith.minimumf %select_n3A_1660, %select_n3A_1671 : vector<1024x128xf32>
    %max3A_1679 = arith.maximumf %select_n3A_1660, %select_n3A_1671 : vector<1024x128xf32>
    %eq3A_1680 = arith.xori %eq3A_1666, %ne3A_1677 : vector<1024x128xi1>
    %eq3A_1681 = arith.constant dense<true> : vector<1024x128xi1>
    %eq3A_1682 = arith.xori %eq3A_1680, %eq3A_1681 : vector<1024x128xi1>
    %select_n3A_1683 = arith.select %eq3A_1682, %min3A_1678, %max3A_1679 : vector<1024x128xi1>, vector<1024x128xf32>
    %and3A_1684 = arith.constant 2 : i32
    %and3A_1685 = vector.broadcast %and3A_1684 : i32 to vector<1024x128xi32>
    %and3A_1686 = arith.andi %iota3A_4, %and3A_1685 : vector<1024x128xi32>
    %eq3A_1687 = arith.constant 0 : i32
    %eq3A_1688 = vector.broadcast %eq3A_1687 : i32 to vector<1024x128xi32>
    %eq3A_1689 = arith.cmpi eq, %and3A_1686, %eq3A_1688 : vector<1024x128xi32>
    %roll3A_1690 = arith.constant 126 : i32
    %roll3A_1691 = tpu.dynamic_rotate %select_n3A_1683 by %roll3A_1690 dim 1 : vector<1024x128xf32>, i32 -> vector<1024x128xf32>
    %roll3A_1692 = arith.constant 2 : i32
    %roll3A_1693 = tpu.dynamic_rotate %select_n3A_1683 by %roll3A_1692 dim 1 : vector<1024x128xf32>, i32 -> vector<1024x128xf32>
    %select_n3A_1694 = arith.select %eq3A_1689, %roll3A_1691, %roll3A_1693 : vector<1024x128xi1>, vector<1024x128xf32>
    %and3A_1695 = arith.constant 8 : i32
    %and3A_1696 = vector.broadcast %and3A_1695 : i32 to vector<1024x128xi32>
    %and3A_1697 = arith.andi %iota3A_4, %and3A_1696 : vector<1024x128xi32>
    %ne3A_1698 = arith.constant 0 : i32
    %ne3A_1699 = vector.broadcast %ne3A_1698 : i32 to vector<1024x128xi32>
    %ne3A_1700 = arith.cmpi ne, %and3A_1697, %ne3A_1699 : vector<1024x128xi32>
    %min3A_1701 = arith.minimumf %select_n3A_1683, %select_n3A_1694 : vector<1024x128xf32>
    %max3A_1702 = arith.maximumf %select_n3A_1683, %select_n3A_1694 : vector<1024x128xf32>
    %eq3A_1703 = arith.xori %eq3A_1689, %ne3A_1700 : vector<1024x128xi1>
    %eq3A_1704 = arith.constant dense<true> : vector<1024x128xi1>
    %eq3A_1705 = arith.xori %eq3A_1703, %eq3A_1704 : vector<1024x128xi1>
    %select_n3A_1706 = arith.select %eq3A_1705, %min3A_1701, %max3A_1702 : vector<1024x128xi1>, vector<1024x128xf32>
    %and3A_1707 = arith.constant 1 : i32
    %and3A_1708 = vector.broadcast %and3A_1707 : i32 to vector<1024x128xi32>
    %and3A_1709 = arith.andi %iota3A_4, %and3A_1708 : vector<1024x128xi32>
    %eq3A_1710 = arith.constant 0 : i32
    %eq3A_1711 = vector.broadcast %eq3A_1710 : i32 to vector<1024x128xi32>
    %eq3A_1712 = arith.cmpi eq, %and3A_1709, %eq3A_1711 : vector<1024x128xi32>
    %roll3A_1713 = arith.constant 127 : i32
    %roll3A_1714 = tpu.dynamic_rotate %select_n3A_1706 by %roll3A_1713 dim 1 : vector<1024x128xf32>, i32 -> vector<1024x128xf32>
    %roll3A_1715 = arith.constant 1 : i32
    %roll3A_1716 = tpu.dynamic_rotate %select_n3A_1706 by %roll3A_1715 dim 1 : vector<1024x128xf32>, i32 -> vector<1024x128xf32>
    %select_n3A_1717 = arith.select %eq3A_1712, %roll3A_1714, %roll3A_1716 : vector<1024x128xi1>, vector<1024x128xf32>
    %and3A_1718 = arith.constant 8 : i32
    %and3A_1719 = vector.broadcast %and3A_1718 : i32 to vector<1024x128xi32>
    %and3A_1720 = arith.andi %iota3A_4, %and3A_1719 : vector<1024x128xi32>
    %ne3A_1721 = arith.constant 0 : i32
    %ne3A_1722 = vector.broadcast %ne3A_1721 : i32 to vector<1024x128xi32>
    %ne3A_1723 = arith.cmpi ne, %and3A_1720, %ne3A_1722 : vector<1024x128xi32>
    %min3A_1724 = arith.minimumf %select_n3A_1706, %select_n3A_1717 : vector<1024x128xf32>
    %max3A_1725 = arith.maximumf %select_n3A_1706, %select_n3A_1717 : vector<1024x128xf32>
    %eq3A_1726 = arith.xori %eq3A_1712, %ne3A_1723 : vector<1024x128xi1>
    %eq3A_1727 = arith.constant dense<true> : vector<1024x128xi1>
    %eq3A_1728 = arith.xori %eq3A_1726, %eq3A_1727 : vector<1024x128xi1>
    %select_n3A_1729 = arith.select %eq3A_1728, %min3A_1724, %max3A_1725 : vector<1024x128xi1>, vector<1024x128xf32>
    %reshape3A_1730 = vector.shape_cast %select_n3A_1729 : vector<1024x128xf32> to vector<1x2x512x128xf32>
    %slice3A_1731 = vector.extract_strided_slice %reshape3A_1730 {offsets = [0, 0, 0, 0], sizes = [1, 1, 512, 128], strides = [1, 1, 1, 1]} : vector<1x2x512x128xf32> to vector<1x1x512x128xf32>
    %squeeze3A_1732 = vector.shape_cast %slice3A_1731 : vector<1x1x512x128xf32> to vector<1x512x128xf32>
    %slice3A_1733 = vector.extract_strided_slice %reshape3A_1730 {offsets = [0, 1, 0, 0], sizes = [1, 1, 512, 128], strides = [1, 1, 1, 1]} : vector<1x2x512x128xf32> to vector<1x1x512x128xf32>
    %squeeze3A_1734 = vector.shape_cast %slice3A_1733 : vector<1x1x512x128xf32> to vector<1x512x128xf32>
    %iota3A_1735 = tpu.iota {dimensions = array<i32: 2>} : vector<1x512x128xi32>
    %and3A_1736 = arith.constant 8 : i32
    %and3A_1737 = vector.broadcast %and3A_1736 : i32 to vector<1x512x128xi32>
    %and3A_1738 = arith.andi %iota3A_1735, %and3A_1737 : vector<1x512x128xi32>
    %ne3A_1739 = arith.constant 0 : i32
    %ne3A_1740 = vector.broadcast %ne3A_1739 : i32 to vector<1x512x128xi32>
    %ne3A_1741 = arith.cmpi ne, %and3A_1738, %ne3A_1740 : vector<1x512x128xi32>
    %min3A_1742 = arith.minimumf %squeeze3A_1732, %squeeze3A_1734 : vector<1x512x128xf32>
    %max3A_1743 = arith.maximumf %squeeze3A_1732, %squeeze3A_1734 : vector<1x512x128xf32>
    %select_n3A_1744 = arith.select %ne3A_1741, %min3A_1742, %max3A_1743 : vector<1x512x128xi1>, vector<1x512x128xf32>
    %select_n3A_1745 = arith.select %ne3A_1741, %max3A_1743, %min3A_1742 : vector<1x512x128xi1>, vector<1x512x128xf32>
    %broadcast_in_dim3A_1746 = vector.shape_cast %select_n3A_1744 : vector<1x512x128xf32> to vector<1x1x512x128xf32>
    %broadcast_in_dim3A_1747 = vector.shape_cast %select_n3A_1745 : vector<1x512x128xf32> to vector<1x1x512x128xf32>
    %concatenate3A_1748 = tpu.concatenate %broadcast_in_dim3A_1746, %broadcast_in_dim3A_1747 in 1 : vector<1x1x512x128xf32>, vector<1x1x512x128xf32> -> vector<1x2x512x128xf32>
    %reshape3A_1749 = vector.shape_cast %concatenate3A_1748 : vector<1x2x512x128xf32> to vector<1024x128xf32>
    %reshape3A_1750 = vector.shape_cast %reshape3A_1749 : vector<1024x128xf32> to vector<2x2x256x128xf32>
    %slice3A_1751 = vector.extract_strided_slice %reshape3A_1750 {offsets = [0, 0, 0, 0], sizes = [2, 1, 256, 128], strides = [1, 1, 1, 1]} : vector<2x2x256x128xf32> to vector<2x1x256x128xf32>
    %squeeze3A_1752 = vector.shape_cast %slice3A_1751 : vector<2x1x256x128xf32> to vector<2x256x128xf32>
    %slice3A_1753 = vector.extract_strided_slice %reshape3A_1750 {offsets = [0, 1, 0, 0], sizes = [2, 1, 256, 128], strides = [1, 1, 1, 1]} : vector<2x2x256x128xf32> to vector<2x1x256x128xf32>
    %squeeze3A_1754 = vector.shape_cast %slice3A_1753 : vector<2x1x256x128xf32> to vector<2x256x128xf32>
    %iota3A_1755 = tpu.iota {dimensions = array<i32: 2>} : vector<2x256x128xi32>
    %and3A_1756 = arith.constant 8 : i32
    %and3A_1757 = vector.broadcast %and3A_1756 : i32 to vector<2x256x128xi32>
    %and3A_1758 = arith.andi %iota3A_1755, %and3A_1757 : vector<2x256x128xi32>
    %ne3A_1759 = arith.constant 0 : i32
    %ne3A_1760 = vector.broadcast %ne3A_1759 : i32 to vector<2x256x128xi32>
    %ne3A_1761 = arith.cmpi ne, %and3A_1758, %ne3A_1760 : vector<2x256x128xi32>
    %min3A_1762 = arith.minimumf %squeeze3A_1752, %squeeze3A_1754 : vector<2x256x128xf32>
    %max3A_1763 = arith.maximumf %squeeze3A_1752, %squeeze3A_1754 : vector<2x256x128xf32>
    %select_n3A_1764 = arith.select %ne3A_1761, %min3A_1762, %max3A_1763 : vector<2x256x128xi1>, vector<2x256x128xf32>
    %select_n3A_1765 = arith.select %ne3A_1761, %max3A_1763, %min3A_1762 : vector<2x256x128xi1>, vector<2x256x128xf32>
    %broadcast_in_dim3A_1766 = vector.shape_cast %select_n3A_1764 : vector<2x256x128xf32> to vector<2x1x256x128xf32>
    %broadcast_in_dim3A_1767 = vector.shape_cast %select_n3A_1765 : vector<2x256x128xf32> to vector<2x1x256x128xf32>
    %concatenate3A_1768 = tpu.concatenate %broadcast_in_dim3A_1766, %broadcast_in_dim3A_1767 in 1 : vector<2x1x256x128xf32>, vector<2x1x256x128xf32> -> vector<2x2x256x128xf32>
    %reshape3A_1769 = vector.shape_cast %concatenate3A_1768 : vector<2x2x256x128xf32> to vector<1024x128xf32>
    %reshape3A_1770 = vector.shape_cast %reshape3A_1769 : vector<1024x128xf32> to vector<4x2x128x128xf32>
    %slice3A_1771 = vector.extract_strided_slice %reshape3A_1770 {offsets = [0, 0, 0, 0], sizes = [4, 1, 128, 128], strides = [1, 1, 1, 1]} : vector<4x2x128x128xf32> to vector<4x1x128x128xf32>
    %squeeze3A_1772 = vector.shape_cast %slice3A_1771 : vector<4x1x128x128xf32> to vector<4x128x128xf32>
    %slice3A_1773 = vector.extract_strided_slice %reshape3A_1770 {offsets = [0, 1, 0, 0], sizes = [4, 1, 128, 128], strides = [1, 1, 1, 1]} : vector<4x2x128x128xf32> to vector<4x1x128x128xf32>
    %squeeze3A_1774 = vector.shape_cast %slice3A_1773 : vector<4x1x128x128xf32> to vector<4x128x128xf32>
    %iota3A_1775 = tpu.iota {dimensions = array<i32: 2>} : vector<4x128x128xi32>
    %and3A_1776 = arith.constant 8 : i32
    %and3A_1777 = vector.broadcast %and3A_1776 : i32 to vector<4x128x128xi32>
    %and3A_1778 = arith.andi %iota3A_1775, %and3A_1777 : vector<4x128x128xi32>
    %ne3A_1779 = arith.constant 0 : i32
    %ne3A_1780 = vector.broadcast %ne3A_1779 : i32 to vector<4x128x128xi32>
    %ne3A_1781 = arith.cmpi ne, %and3A_1778, %ne3A_1780 : vector<4x128x128xi32>
    %min3A_1782 = arith.minimumf %squeeze3A_1772, %squeeze3A_1774 : vector<4x128x128xf32>
    %max3A_1783 = arith.maximumf %squeeze3A_1772, %squeeze3A_1774 : vector<4x128x128xf32>
    %select_n3A_1784 = arith.select %ne3A_1781, %min3A_1782, %max3A_1783 : vector<4x128x128xi1>, vector<4x128x128xf32>
    %select_n3A_1785 = arith.select %ne3A_1781, %max3A_1783, %min3A_1782 : vector<4x128x128xi1>, vector<4x128x128xf32>
    %broadcast_in_dim3A_1786 = vector.shape_cast %select_n3A_1784 : vector<4x128x128xf32> to vector<4x1x128x128xf32>
    %broadcast_in_dim3A_1787 = vector.shape_cast %select_n3A_1785 : vector<4x128x128xf32> to vector<4x1x128x128xf32>
    %concatenate3A_1788 = tpu.concatenate %broadcast_in_dim3A_1786, %broadcast_in_dim3A_1787 in 1 : vector<4x1x128x128xf32>, vector<4x1x128x128xf32> -> vector<4x2x128x128xf32>
    %reshape3A_1789 = vector.shape_cast %concatenate3A_1788 : vector<4x2x128x128xf32> to vector<1024x128xf32>
    %reshape3A_1790 = vector.shape_cast %reshape3A_1789 : vector<1024x128xf32> to vector<8x2x64x128xf32>
    %slice3A_1791 = vector.extract_strided_slice %reshape3A_1790 {offsets = [0, 0, 0, 0], sizes = [8, 1, 64, 128], strides = [1, 1, 1, 1]} : vector<8x2x64x128xf32> to vector<8x1x64x128xf32>
    %squeeze3A_1792 = vector.shape_cast %slice3A_1791 : vector<8x1x64x128xf32> to vector<8x64x128xf32>
    %slice3A_1793 = vector.extract_strided_slice %reshape3A_1790 {offsets = [0, 1, 0, 0], sizes = [8, 1, 64, 128], strides = [1, 1, 1, 1]} : vector<8x2x64x128xf32> to vector<8x1x64x128xf32>
    %squeeze3A_1794 = vector.shape_cast %slice3A_1793 : vector<8x1x64x128xf32> to vector<8x64x128xf32>
    %iota3A_1795 = tpu.iota {dimensions = array<i32: 2>} : vector<8x64x128xi32>
    %and3A_1796 = arith.constant 8 : i32
    %and3A_1797 = vector.broadcast %and3A_1796 : i32 to vector<8x64x128xi32>
    %and3A_1798 = arith.andi %iota3A_1795, %and3A_1797 : vector<8x64x128xi32>
    %ne3A_1799 = arith.constant 0 : i32
    %ne3A_1800 = vector.broadcast %ne3A_1799 : i32 to vector<8x64x128xi32>
    %ne3A_1801 = arith.cmpi ne, %and3A_1798, %ne3A_1800 : vector<8x64x128xi32>
    %min3A_1802 = arith.minimumf %squeeze3A_1792, %squeeze3A_1794 : vector<8x64x128xf32>
    %max3A_1803 = arith.maximumf %squeeze3A_1792, %squeeze3A_1794 : vector<8x64x128xf32>
    %select_n3A_1804 = arith.select %ne3A_1801, %min3A_1802, %max3A_1803 : vector<8x64x128xi1>, vector<8x64x128xf32>
    %select_n3A_1805 = arith.select %ne3A_1801, %max3A_1803, %min3A_1802 : vector<8x64x128xi1>, vector<8x64x128xf32>
    %broadcast_in_dim3A_1806 = vector.shape_cast %select_n3A_1804 : vector<8x64x128xf32> to vector<8x1x64x128xf32>
    %broadcast_in_dim3A_1807 = vector.shape_cast %select_n3A_1805 : vector<8x64x128xf32> to vector<8x1x64x128xf32>
    %concatenate3A_1808 = tpu.concatenate %broadcast_in_dim3A_1806, %broadcast_in_dim3A_1807 in 1 : vector<8x1x64x128xf32>, vector<8x1x64x128xf32> -> vector<8x2x64x128xf32>
    %reshape3A_1809 = vector.shape_cast %concatenate3A_1808 : vector<8x2x64x128xf32> to vector<1024x128xf32>
    %reshape3A_1810 = vector.shape_cast %reshape3A_1809 : vector<1024x128xf32> to vector<16x2x32x128xf32>
    %slice3A_1811 = vector.extract_strided_slice %reshape3A_1810 {offsets = [0, 0, 0, 0], sizes = [16, 1, 32, 128], strides = [1, 1, 1, 1]} : vector<16x2x32x128xf32> to vector<16x1x32x128xf32>
    %squeeze3A_1812 = vector.shape_cast %slice3A_1811 : vector<16x1x32x128xf32> to vector<16x32x128xf32>
    %slice3A_1813 = vector.extract_strided_slice %reshape3A_1810 {offsets = [0, 1, 0, 0], sizes = [16, 1, 32, 128], strides = [1, 1, 1, 1]} : vector<16x2x32x128xf32> to vector<16x1x32x128xf32>
    %squeeze3A_1814 = vector.shape_cast %slice3A_1813 : vector<16x1x32x128xf32> to vector<16x32x128xf32>
    %iota3A_1815 = tpu.iota {dimensions = array<i32: 2>} : vector<16x32x128xi32>
    %and3A_1816 = arith.constant 8 : i32
    %and3A_1817 = vector.broadcast %and3A_1816 : i32 to vector<16x32x128xi32>
    %and3A_1818 = arith.andi %iota3A_1815, %and3A_1817 : vector<16x32x128xi32>
    %ne3A_1819 = arith.constant 0 : i32
    %ne3A_1820 = vector.broadcast %ne3A_1819 : i32 to vector<16x32x128xi32>
    %ne3A_1821 = arith.cmpi ne, %and3A_1818, %ne3A_1820 : vector<16x32x128xi32>
    %min3A_1822 = arith.minimumf %squeeze3A_1812, %squeeze3A_1814 : vector<16x32x128xf32>
    %max3A_1823 = arith.maximumf %squeeze3A_1812, %squeeze3A_1814 : vector<16x32x128xf32>
    %select_n3A_1824 = arith.select %ne3A_1821, %min3A_1822, %max3A_1823 : vector<16x32x128xi1>, vector<16x32x128xf32>
    %select_n3A_1825 = arith.select %ne3A_1821, %max3A_1823, %min3A_1822 : vector<16x32x128xi1>, vector<16x32x128xf32>
    %broadcast_in_dim3A_1826 = vector.shape_cast %select_n3A_1824 : vector<16x32x128xf32> to vector<16x1x32x128xf32>
    %broadcast_in_dim3A_1827 = vector.shape_cast %select_n3A_1825 : vector<16x32x128xf32> to vector<16x1x32x128xf32>
    %concatenate3A_1828 = tpu.concatenate %broadcast_in_dim3A_1826, %broadcast_in_dim3A_1827 in 1 : vector<16x1x32x128xf32>, vector<16x1x32x128xf32> -> vector<16x2x32x128xf32>
    %reshape3A_1829 = vector.shape_cast %concatenate3A_1828 : vector<16x2x32x128xf32> to vector<1024x128xf32>
    %reshape3A_1830 = vector.shape_cast %reshape3A_1829 : vector<1024x128xf32> to vector<32x2x16x128xf32>
    %slice3A_1831 = vector.extract_strided_slice %reshape3A_1830 {offsets = [0, 0, 0, 0], sizes = [32, 1, 16, 128], strides = [1, 1, 1, 1]} : vector<32x2x16x128xf32> to vector<32x1x16x128xf32>
    %squeeze3A_1832 = vector.shape_cast %slice3A_1831 : vector<32x1x16x128xf32> to vector<32x16x128xf32>
    %slice3A_1833 = vector.extract_strided_slice %reshape3A_1830 {offsets = [0, 1, 0, 0], sizes = [32, 1, 16, 128], strides = [1, 1, 1, 1]} : vector<32x2x16x128xf32> to vector<32x1x16x128xf32>
    %squeeze3A_1834 = vector.shape_cast %slice3A_1833 : vector<32x1x16x128xf32> to vector<32x16x128xf32>
    %iota3A_1835 = tpu.iota {dimensions = array<i32: 2>} : vector<32x16x128xi32>
    %and3A_1836 = arith.constant 8 : i32
    %and3A_1837 = vector.broadcast %and3A_1836 : i32 to vector<32x16x128xi32>
    %and3A_1838 = arith.andi %iota3A_1835, %and3A_1837 : vector<32x16x128xi32>
    %ne3A_1839 = arith.constant 0 : i32
    %ne3A_1840 = vector.broadcast %ne3A_1839 : i32 to vector<32x16x128xi32>
    %ne3A_1841 = arith.cmpi ne, %and3A_1838, %ne3A_1840 : vector<32x16x128xi32>
    %min3A_1842 = arith.minimumf %squeeze3A_1832, %squeeze3A_1834 : vector<32x16x128xf32>
    %max3A_1843 = arith.maximumf %squeeze3A_1832, %squeeze3A_1834 : vector<32x16x128xf32>
    %select_n3A_1844 = arith.select %ne3A_1841, %min3A_1842, %max3A_1843 : vector<32x16x128xi1>, vector<32x16x128xf32>
    %select_n3A_1845 = arith.select %ne3A_1841, %max3A_1843, %min3A_1842 : vector<32x16x128xi1>, vector<32x16x128xf32>
    %broadcast_in_dim3A_1846 = vector.shape_cast %select_n3A_1844 : vector<32x16x128xf32> to vector<32x1x16x128xf32>
    %broadcast_in_dim3A_1847 = vector.shape_cast %select_n3A_1845 : vector<32x16x128xf32> to vector<32x1x16x128xf32>
    %concatenate3A_1848 = tpu.concatenate %broadcast_in_dim3A_1846, %broadcast_in_dim3A_1847 in 1 : vector<32x1x16x128xf32>, vector<32x1x16x128xf32> -> vector<32x2x16x128xf32>
    %reshape3A_1849 = vector.shape_cast %concatenate3A_1848 : vector<32x2x16x128xf32> to vector<1024x128xf32>
    %reshape3A_1850 = vector.shape_cast %reshape3A_1849 : vector<1024x128xf32> to vector<64x2x8x128xf32>
    %slice3A_1851 = vector.extract_strided_slice %reshape3A_1850 {offsets = [0, 0, 0, 0], sizes = [64, 1, 8, 128], strides = [1, 1, 1, 1]} : vector<64x2x8x128xf32> to vector<64x1x8x128xf32>
    %squeeze3A_1852 = vector.shape_cast %slice3A_1851 : vector<64x1x8x128xf32> to vector<64x8x128xf32>
    %slice3A_1853 = vector.extract_strided_slice %reshape3A_1850 {offsets = [0, 1, 0, 0], sizes = [64, 1, 8, 128], strides = [1, 1, 1, 1]} : vector<64x2x8x128xf32> to vector<64x1x8x128xf32>
    %squeeze3A_1854 = vector.shape_cast %slice3A_1853 : vector<64x1x8x128xf32> to vector<64x8x128xf32>
    %iota3A_1855 = tpu.iota {dimensions = array<i32: 2>} : vector<64x8x128xi32>
    %and3A_1856 = arith.constant 8 : i32
    %and3A_1857 = vector.broadcast %and3A_1856 : i32 to vector<64x8x128xi32>
    %and3A_1858 = arith.andi %iota3A_1855, %and3A_1857 : vector<64x8x128xi32>
    %ne3A_1859 = arith.constant 0 : i32
    %ne3A_1860 = vector.broadcast %ne3A_1859 : i32 to vector<64x8x128xi32>
    %ne3A_1861 = arith.cmpi ne, %and3A_1858, %ne3A_1860 : vector<64x8x128xi32>
    %min3A_1862 = arith.minimumf %squeeze3A_1852, %squeeze3A_1854 : vector<64x8x128xf32>
    %max3A_1863 = arith.maximumf %squeeze3A_1852, %squeeze3A_1854 : vector<64x8x128xf32>
    %select_n3A_1864 = arith.select %ne3A_1861, %min3A_1862, %max3A_1863 : vector<64x8x128xi1>, vector<64x8x128xf32>
    %select_n3A_1865 = arith.select %ne3A_1861, %max3A_1863, %min3A_1862 : vector<64x8x128xi1>, vector<64x8x128xf32>
    %broadcast_in_dim3A_1866 = vector.shape_cast %select_n3A_1864 : vector<64x8x128xf32> to vector<64x1x8x128xf32>
    %broadcast_in_dim3A_1867 = vector.shape_cast %select_n3A_1865 : vector<64x8x128xf32> to vector<64x1x8x128xf32>
    %concatenate3A_1868 = tpu.concatenate %broadcast_in_dim3A_1866, %broadcast_in_dim3A_1867 in 1 : vector<64x1x8x128xf32>, vector<64x1x8x128xf32> -> vector<64x2x8x128xf32>
    %reshape3A_1869 = vector.shape_cast %concatenate3A_1868 : vector<64x2x8x128xf32> to vector<1024x128xf32>
    %and3A_1870 = arith.constant 4 : i32
    %and3A_1871 = vector.broadcast %and3A_1870 : i32 to vector<1024x128xi32>
    %and3A_1872 = arith.andi %iota3A, %and3A_1871 : vector<1024x128xi32>
    %eq3A_1873 = arith.constant 0 : i32
    %eq3A_1874 = vector.broadcast %eq3A_1873 : i32 to vector<1024x128xi32>
    %eq3A_1875 = arith.cmpi eq, %and3A_1872, %eq3A_1874 : vector<1024x128xi32>
    %roll3A_1876 = arith.constant 1020 : i32
    %roll3A_1877 = tpu.dynamic_rotate %reshape3A_1869 by %roll3A_1876 dim 0 : vector<1024x128xf32>, i32 -> vector<1024x128xf32>
    %roll3A_1878 = arith.constant 4 : i32
    %roll3A_1879 = tpu.dynamic_rotate %reshape3A_1869 by %roll3A_1878 dim 0 : vector<1024x128xf32>, i32 -> vector<1024x128xf32>
    %select_n3A_1880 = arith.select %eq3A_1875, %roll3A_1877, %roll3A_1879 : vector<1024x128xi1>, vector<1024x128xf32>
    %and3A_1881 = arith.constant 8 : i32
    %and3A_1882 = vector.broadcast %and3A_1881 : i32 to vector<1024x128xi32>
    %and3A_1883 = arith.andi %iota3A_4, %and3A_1882 : vector<1024x128xi32>
    %ne3A_1884 = arith.constant 0 : i32
    %ne3A_1885 = vector.broadcast %ne3A_1884 : i32 to vector<1024x128xi32>
    %ne3A_1886 = arith.cmpi ne, %and3A_1883, %ne3A_1885 : vector<1024x128xi32>
    %min3A_1887 = arith.minimumf %reshape3A_1869, %select_n3A_1880 : vector<1024x128xf32>
    %max3A_1888 = arith.maximumf %reshape3A_1869, %select_n3A_1880 : vector<1024x128xf32>
    %eq3A_1889 = arith.xori %eq3A_1875, %ne3A_1886 : vector<1024x128xi1>
    %eq3A_1890 = arith.constant dense<true> : vector<1024x128xi1>
    %eq3A_1891 = arith.xori %eq3A_1889, %eq3A_1890 : vector<1024x128xi1>
    %select_n3A_1892 = arith.select %eq3A_1891, %min3A_1887, %max3A_1888 : vector<1024x128xi1>, vector<1024x128xf32>
    %and3A_1893 = arith.constant 2 : i32
    %and3A_1894 = vector.broadcast %and3A_1893 : i32 to vector<1024x128xi32>
    %and3A_1895 = arith.andi %iota3A, %and3A_1894 : vector<1024x128xi32>
    %eq3A_1896 = arith.constant 0 : i32
    %eq3A_1897 = vector.broadcast %eq3A_1896 : i32 to vector<1024x128xi32>
    %eq3A_1898 = arith.cmpi eq, %and3A_1895, %eq3A_1897 : vector<1024x128xi32>
    %roll3A_1899 = arith.constant 1022 : i32
    %roll3A_1900 = tpu.dynamic_rotate %select_n3A_1892 by %roll3A_1899 dim 0 : vector<1024x128xf32>, i32 -> vector<1024x128xf32>
    %roll3A_1901 = arith.constant 2 : i32
    %roll3A_1902 = tpu.dynamic_rotate %select_n3A_1892 by %roll3A_1901 dim 0 : vector<1024x128xf32>, i32 -> vector<1024x128xf32>
    %select_n3A_1903 = arith.select %eq3A_1898, %roll3A_1900, %roll3A_1902 : vector<1024x128xi1>, vector<1024x128xf32>
    %and3A_1904 = arith.constant 8 : i32
    %and3A_1905 = vector.broadcast %and3A_1904 : i32 to vector<1024x128xi32>
    %and3A_1906 = arith.andi %iota3A_4, %and3A_1905 : vector<1024x128xi32>
    %ne3A_1907 = arith.constant 0 : i32
    %ne3A_1908 = vector.broadcast %ne3A_1907 : i32 to vector<1024x128xi32>
    %ne3A_1909 = arith.cmpi ne, %and3A_1906, %ne3A_1908 : vector<1024x128xi32>
    %min3A_1910 = arith.minimumf %select_n3A_1892, %select_n3A_1903 : vector<1024x128xf32>
    %max3A_1911 = arith.maximumf %select_n3A_1892, %select_n3A_1903 : vector<1024x128xf32>
    %eq3A_1912 = arith.xori %eq3A_1898, %ne3A_1909 : vector<1024x128xi1>
    %eq3A_1913 = arith.constant dense<true> : vector<1024x128xi1>
    %eq3A_1914 = arith.xori %eq3A_1912, %eq3A_1913 : vector<1024x128xi1>
    %select_n3A_1915 = arith.select %eq3A_1914, %min3A_1910, %max3A_1911 : vector<1024x128xi1>, vector<1024x128xf32>
    %and3A_1916 = arith.constant 1 : i32
    %and3A_1917 = vector.broadcast %and3A_1916 : i32 to vector<1024x128xi32>
    %and3A_1918 = arith.andi %iota3A, %and3A_1917 : vector<1024x128xi32>
    %eq3A_1919 = arith.constant 0 : i32
    %eq3A_1920 = vector.broadcast %eq3A_1919 : i32 to vector<1024x128xi32>
    %eq3A_1921 = arith.cmpi eq, %and3A_1918, %eq3A_1920 : vector<1024x128xi32>
    %roll3A_1922 = arith.constant 1023 : i32
    %roll3A_1923 = tpu.dynamic_rotate %select_n3A_1915 by %roll3A_1922 dim 0 : vector<1024x128xf32>, i32 -> vector<1024x128xf32>
    %roll3A_1924 = arith.constant 1 : i32
    %roll3A_1925 = tpu.dynamic_rotate %select_n3A_1915 by %roll3A_1924 dim 0 : vector<1024x128xf32>, i32 -> vector<1024x128xf32>
    %select_n3A_1926 = arith.select %eq3A_1921, %roll3A_1923, %roll3A_1925 : vector<1024x128xi1>, vector<1024x128xf32>
    %and3A_1927 = arith.constant 8 : i32
    %and3A_1928 = vector.broadcast %and3A_1927 : i32 to vector<1024x128xi32>
    %and3A_1929 = arith.andi %iota3A_4, %and3A_1928 : vector<1024x128xi32>
    %ne3A_1930 = arith.constant 0 : i32
    %ne3A_1931 = vector.broadcast %ne3A_1930 : i32 to vector<1024x128xi32>
    %ne3A_1932 = arith.cmpi ne, %and3A_1929, %ne3A_1931 : vector<1024x128xi32>
    %min3A_1933 = arith.minimumf %select_n3A_1915, %select_n3A_1926 : vector<1024x128xf32>
    %max3A_1934 = arith.maximumf %select_n3A_1915, %select_n3A_1926 : vector<1024x128xf32>
    %eq3A_1935 = arith.xori %eq3A_1921, %ne3A_1932 : vector<1024x128xi1>
    %eq3A_1936 = arith.constant dense<true> : vector<1024x128xi1>
    %eq3A_1937 = arith.xori %eq3A_1935, %eq3A_1936 : vector<1024x128xi1>
    %select_n3A_1938 = arith.select %eq3A_1937, %min3A_1933, %max3A_1934 : vector<1024x128xi1>, vector<1024x128xf32>
    %and3A_1939 = arith.constant 8 : i32
    %and3A_1940 = vector.broadcast %and3A_1939 : i32 to vector<1024x128xi32>
    %and3A_1941 = arith.andi %iota3A_4, %and3A_1940 : vector<1024x128xi32>
    %eq3A_1942 = arith.constant 0 : i32
    %eq3A_1943 = vector.broadcast %eq3A_1942 : i32 to vector<1024x128xi32>
    %eq3A_1944 = arith.cmpi eq, %and3A_1941, %eq3A_1943 : vector<1024x128xi32>
    %roll3A_1945 = arith.constant 120 : i32
    %roll3A_1946 = tpu.dynamic_rotate %select_n3A_1938 by %roll3A_1945 dim 1 : vector<1024x128xf32>, i32 -> vector<1024x128xf32>
    %roll3A_1947 = arith.constant 8 : i32
    %roll3A_1948 = tpu.dynamic_rotate %select_n3A_1938 by %roll3A_1947 dim 1 : vector<1024x128xf32>, i32 -> vector<1024x128xf32>
    %select_n3A_1949 = arith.select %eq3A_1944, %roll3A_1946, %roll3A_1948 : vector<1024x128xi1>, vector<1024x128xf32>
    %and3A_1950 = arith.constant 16 : i32
    %and3A_1951 = vector.broadcast %and3A_1950 : i32 to vector<1024x128xi32>
    %and3A_1952 = arith.andi %iota3A_4, %and3A_1951 : vector<1024x128xi32>
    %ne3A_1953 = arith.constant 0 : i32
    %ne3A_1954 = vector.broadcast %ne3A_1953 : i32 to vector<1024x128xi32>
    %ne3A_1955 = arith.cmpi ne, %and3A_1952, %ne3A_1954 : vector<1024x128xi32>
    %min3A_1956 = arith.minimumf %select_n3A_1938, %select_n3A_1949 : vector<1024x128xf32>
    %max3A_1957 = arith.maximumf %select_n3A_1938, %select_n3A_1949 : vector<1024x128xf32>
    %eq3A_1958 = arith.xori %eq3A_1944, %ne3A_1955 : vector<1024x128xi1>
    %eq3A_1959 = arith.constant dense<true> : vector<1024x128xi1>
    %eq3A_1960 = arith.xori %eq3A_1958, %eq3A_1959 : vector<1024x128xi1>
    %select_n3A_1961 = arith.select %eq3A_1960, %min3A_1956, %max3A_1957 : vector<1024x128xi1>, vector<1024x128xf32>
    %and3A_1962 = arith.constant 4 : i32
    %and3A_1963 = vector.broadcast %and3A_1962 : i32 to vector<1024x128xi32>
    %and3A_1964 = arith.andi %iota3A_4, %and3A_1963 : vector<1024x128xi32>
    %eq3A_1965 = arith.constant 0 : i32
    %eq3A_1966 = vector.broadcast %eq3A_1965 : i32 to vector<1024x128xi32>
    %eq3A_1967 = arith.cmpi eq, %and3A_1964, %eq3A_1966 : vector<1024x128xi32>
    %roll3A_1968 = arith.constant 124 : i32
    %roll3A_1969 = tpu.dynamic_rotate %select_n3A_1961 by %roll3A_1968 dim 1 : vector<1024x128xf32>, i32 -> vector<1024x128xf32>
    %roll3A_1970 = arith.constant 4 : i32
    %roll3A_1971 = tpu.dynamic_rotate %select_n3A_1961 by %roll3A_1970 dim 1 : vector<1024x128xf32>, i32 -> vector<1024x128xf32>
    %select_n3A_1972 = arith.select %eq3A_1967, %roll3A_1969, %roll3A_1971 : vector<1024x128xi1>, vector<1024x128xf32>
    %and3A_1973 = arith.constant 16 : i32
    %and3A_1974 = vector.broadcast %and3A_1973 : i32 to vector<1024x128xi32>
    %and3A_1975 = arith.andi %iota3A_4, %and3A_1974 : vector<1024x128xi32>
    %ne3A_1976 = arith.constant 0 : i32
    %ne3A_1977 = vector.broadcast %ne3A_1976 : i32 to vector<1024x128xi32>
    %ne3A_1978 = arith.cmpi ne, %and3A_1975, %ne3A_1977 : vector<1024x128xi32>
    %min3A_1979 = arith.minimumf %select_n3A_1961, %select_n3A_1972 : vector<1024x128xf32>
    %max3A_1980 = arith.maximumf %select_n3A_1961, %select_n3A_1972 : vector<1024x128xf32>
    %eq3A_1981 = arith.xori %eq3A_1967, %ne3A_1978 : vector<1024x128xi1>
    %eq3A_1982 = arith.constant dense<true> : vector<1024x128xi1>
    %eq3A_1983 = arith.xori %eq3A_1981, %eq3A_1982 : vector<1024x128xi1>
    %select_n3A_1984 = arith.select %eq3A_1983, %min3A_1979, %max3A_1980 : vector<1024x128xi1>, vector<1024x128xf32>
    %and3A_1985 = arith.constant 2 : i32
    %and3A_1986 = vector.broadcast %and3A_1985 : i32 to vector<1024x128xi32>
    %and3A_1987 = arith.andi %iota3A_4, %and3A_1986 : vector<1024x128xi32>
    %eq3A_1988 = arith.constant 0 : i32
    %eq3A_1989 = vector.broadcast %eq3A_1988 : i32 to vector<1024x128xi32>
    %eq3A_1990 = arith.cmpi eq, %and3A_1987, %eq3A_1989 : vector<1024x128xi32>
    %roll3A_1991 = arith.constant 126 : i32
    %roll3A_1992 = tpu.dynamic_rotate %select_n3A_1984 by %roll3A_1991 dim 1 : vector<1024x128xf32>, i32 -> vector<1024x128xf32>
    %roll3A_1993 = arith.constant 2 : i32
    %roll3A_1994 = tpu.dynamic_rotate %select_n3A_1984 by %roll3A_1993 dim 1 : vector<1024x128xf32>, i32 -> vector<1024x128xf32>
    %select_n3A_1995 = arith.select %eq3A_1990, %roll3A_1992, %roll3A_1994 : vector<1024x128xi1>, vector<1024x128xf32>
    %and3A_1996 = arith.constant 16 : i32
    %and3A_1997 = vector.broadcast %and3A_1996 : i32 to vector<1024x128xi32>
    %and3A_1998 = arith.andi %iota3A_4, %and3A_1997 : vector<1024x128xi32>
    %ne3A_1999 = arith.constant 0 : i32
    %ne3A_2000 = vector.broadcast %ne3A_1999 : i32 to vector<1024x128xi32>
    %ne3A_2001 = arith.cmpi ne, %and3A_1998, %ne3A_2000 : vector<1024x128xi32>
    %min3A_2002 = arith.minimumf %select_n3A_1984, %select_n3A_1995 : vector<1024x128xf32>
    %max3A_2003 = arith.maximumf %select_n3A_1984, %select_n3A_1995 : vector<1024x128xf32>
    %eq3A_2004 = arith.xori %eq3A_1990, %ne3A_2001 : vector<1024x128xi1>
    %eq3A_2005 = arith.constant dense<true> : vector<1024x128xi1>
    %eq3A_2006 = arith.xori %eq3A_2004, %eq3A_2005 : vector<1024x128xi1>
    %select_n3A_2007 = arith.select %eq3A_2006, %min3A_2002, %max3A_2003 : vector<1024x128xi1>, vector<1024x128xf32>
    %and3A_2008 = arith.constant 1 : i32
    %and3A_2009 = vector.broadcast %and3A_2008 : i32 to vector<1024x128xi32>
    %and3A_2010 = arith.andi %iota3A_4, %and3A_2009 : vector<1024x128xi32>
    %eq3A_2011 = arith.constant 0 : i32
    %eq3A_2012 = vector.broadcast %eq3A_2011 : i32 to vector<1024x128xi32>
    %eq3A_2013 = arith.cmpi eq, %and3A_2010, %eq3A_2012 : vector<1024x128xi32>
    %roll3A_2014 = arith.constant 127 : i32
    %roll3A_2015 = tpu.dynamic_rotate %select_n3A_2007 by %roll3A_2014 dim 1 : vector<1024x128xf32>, i32 -> vector<1024x128xf32>
    %roll3A_2016 = arith.constant 1 : i32
    %roll3A_2017 = tpu.dynamic_rotate %select_n3A_2007 by %roll3A_2016 dim 1 : vector<1024x128xf32>, i32 -> vector<1024x128xf32>
    %select_n3A_2018 = arith.select %eq3A_2013, %roll3A_2015, %roll3A_2017 : vector<1024x128xi1>, vector<1024x128xf32>
    %and3A_2019 = arith.constant 16 : i32
    %and3A_2020 = vector.broadcast %and3A_2019 : i32 to vector<1024x128xi32>
    %and3A_2021 = arith.andi %iota3A_4, %and3A_2020 : vector<1024x128xi32>
    %ne3A_2022 = arith.constant 0 : i32
    %ne3A_2023 = vector.broadcast %ne3A_2022 : i32 to vector<1024x128xi32>
    %ne3A_2024 = arith.cmpi ne, %and3A_2021, %ne3A_2023 : vector<1024x128xi32>
    %min3A_2025 = arith.minimumf %select_n3A_2007, %select_n3A_2018 : vector<1024x128xf32>
    %max3A_2026 = arith.maximumf %select_n3A_2007, %select_n3A_2018 : vector<1024x128xf32>
    %eq3A_2027 = arith.xori %eq3A_2013, %ne3A_2024 : vector<1024x128xi1>
    %eq3A_2028 = arith.constant dense<true> : vector<1024x128xi1>
    %eq3A_2029 = arith.xori %eq3A_2027, %eq3A_2028 : vector<1024x128xi1>
    %select_n3A_2030 = arith.select %eq3A_2029, %min3A_2025, %max3A_2026 : vector<1024x128xi1>, vector<1024x128xf32>
    %reshape3A_2031 = vector.shape_cast %select_n3A_2030 : vector<1024x128xf32> to vector<1x2x512x128xf32>
    %slice3A_2032 = vector.extract_strided_slice %reshape3A_2031 {offsets = [0, 0, 0, 0], sizes = [1, 1, 512, 128], strides = [1, 1, 1, 1]} : vector<1x2x512x128xf32> to vector<1x1x512x128xf32>
    %squeeze3A_2033 = vector.shape_cast %slice3A_2032 : vector<1x1x512x128xf32> to vector<1x512x128xf32>
    %slice3A_2034 = vector.extract_strided_slice %reshape3A_2031 {offsets = [0, 1, 0, 0], sizes = [1, 1, 512, 128], strides = [1, 1, 1, 1]} : vector<1x2x512x128xf32> to vector<1x1x512x128xf32>
    %squeeze3A_2035 = vector.shape_cast %slice3A_2034 : vector<1x1x512x128xf32> to vector<1x512x128xf32>
    %iota3A_2036 = tpu.iota {dimensions = array<i32: 2>} : vector<1x512x128xi32>
    %and3A_2037 = arith.constant 16 : i32
    %and3A_2038 = vector.broadcast %and3A_2037 : i32 to vector<1x512x128xi32>
    %and3A_2039 = arith.andi %iota3A_2036, %and3A_2038 : vector<1x512x128xi32>
    %ne3A_2040 = arith.constant 0 : i32
    %ne3A_2041 = vector.broadcast %ne3A_2040 : i32 to vector<1x512x128xi32>
    %ne3A_2042 = arith.cmpi ne, %and3A_2039, %ne3A_2041 : vector<1x512x128xi32>
    %min3A_2043 = arith.minimumf %squeeze3A_2033, %squeeze3A_2035 : vector<1x512x128xf32>
    %max3A_2044 = arith.maximumf %squeeze3A_2033, %squeeze3A_2035 : vector<1x512x128xf32>
    %select_n3A_2045 = arith.select %ne3A_2042, %min3A_2043, %max3A_2044 : vector<1x512x128xi1>, vector<1x512x128xf32>
    %select_n3A_2046 = arith.select %ne3A_2042, %max3A_2044, %min3A_2043 : vector<1x512x128xi1>, vector<1x512x128xf32>
    %broadcast_in_dim3A_2047 = vector.shape_cast %select_n3A_2045 : vector<1x512x128xf32> to vector<1x1x512x128xf32>
    %broadcast_in_dim3A_2048 = vector.shape_cast %select_n3A_2046 : vector<1x512x128xf32> to vector<1x1x512x128xf32>
    %concatenate3A_2049 = tpu.concatenate %broadcast_in_dim3A_2047, %broadcast_in_dim3A_2048 in 1 : vector<1x1x512x128xf32>, vector<1x1x512x128xf32> -> vector<1x2x512x128xf32>
    %reshape3A_2050 = vector.shape_cast %concatenate3A_2049 : vector<1x2x512x128xf32> to vector<1024x128xf32>
    %reshape3A_2051 = vector.shape_cast %reshape3A_2050 : vector<1024x128xf32> to vector<2x2x256x128xf32>
    %slice3A_2052 = vector.extract_strided_slice %reshape3A_2051 {offsets = [0, 0, 0, 0], sizes = [2, 1, 256, 128], strides = [1, 1, 1, 1]} : vector<2x2x256x128xf32> to vector<2x1x256x128xf32>
    %squeeze3A_2053 = vector.shape_cast %slice3A_2052 : vector<2x1x256x128xf32> to vector<2x256x128xf32>
    %slice3A_2054 = vector.extract_strided_slice %reshape3A_2051 {offsets = [0, 1, 0, 0], sizes = [2, 1, 256, 128], strides = [1, 1, 1, 1]} : vector<2x2x256x128xf32> to vector<2x1x256x128xf32>
    %squeeze3A_2055 = vector.shape_cast %slice3A_2054 : vector<2x1x256x128xf32> to vector<2x256x128xf32>
    %iota3A_2056 = tpu.iota {dimensions = array<i32: 2>} : vector<2x256x128xi32>
    %and3A_2057 = arith.constant 16 : i32
    %and3A_2058 = vector.broadcast %and3A_2057 : i32 to vector<2x256x128xi32>
    %and3A_2059 = arith.andi %iota3A_2056, %and3A_2058 : vector<2x256x128xi32>
    %ne3A_2060 = arith.constant 0 : i32
    %ne3A_2061 = vector.broadcast %ne3A_2060 : i32 to vector<2x256x128xi32>
    %ne3A_2062 = arith.cmpi ne, %and3A_2059, %ne3A_2061 : vector<2x256x128xi32>
    %min3A_2063 = arith.minimumf %squeeze3A_2053, %squeeze3A_2055 : vector<2x256x128xf32>
    %max3A_2064 = arith.maximumf %squeeze3A_2053, %squeeze3A_2055 : vector<2x256x128xf32>
    %select_n3A_2065 = arith.select %ne3A_2062, %min3A_2063, %max3A_2064 : vector<2x256x128xi1>, vector<2x256x128xf32>
    %select_n3A_2066 = arith.select %ne3A_2062, %max3A_2064, %min3A_2063 : vector<2x256x128xi1>, vector<2x256x128xf32>
    %broadcast_in_dim3A_2067 = vector.shape_cast %select_n3A_2065 : vector<2x256x128xf32> to vector<2x1x256x128xf32>
    %broadcast_in_dim3A_2068 = vector.shape_cast %select_n3A_2066 : vector<2x256x128xf32> to vector<2x1x256x128xf32>
    %concatenate3A_2069 = tpu.concatenate %broadcast_in_dim3A_2067, %broadcast_in_dim3A_2068 in 1 : vector<2x1x256x128xf32>, vector<2x1x256x128xf32> -> vector<2x2x256x128xf32>
    %reshape3A_2070 = vector.shape_cast %concatenate3A_2069 : vector<2x2x256x128xf32> to vector<1024x128xf32>
    %reshape3A_2071 = vector.shape_cast %reshape3A_2070 : vector<1024x128xf32> to vector<4x2x128x128xf32>
    %slice3A_2072 = vector.extract_strided_slice %reshape3A_2071 {offsets = [0, 0, 0, 0], sizes = [4, 1, 128, 128], strides = [1, 1, 1, 1]} : vector<4x2x128x128xf32> to vector<4x1x128x128xf32>
    %squeeze3A_2073 = vector.shape_cast %slice3A_2072 : vector<4x1x128x128xf32> to vector<4x128x128xf32>
    %slice3A_2074 = vector.extract_strided_slice %reshape3A_2071 {offsets = [0, 1, 0, 0], sizes = [4, 1, 128, 128], strides = [1, 1, 1, 1]} : vector<4x2x128x128xf32> to vector<4x1x128x128xf32>
    %squeeze3A_2075 = vector.shape_cast %slice3A_2074 : vector<4x1x128x128xf32> to vector<4x128x128xf32>
    %iota3A_2076 = tpu.iota {dimensions = array<i32: 2>} : vector<4x128x128xi32>
    %and3A_2077 = arith.constant 16 : i32
    %and3A_2078 = vector.broadcast %and3A_2077 : i32 to vector<4x128x128xi32>
    %and3A_2079 = arith.andi %iota3A_2076, %and3A_2078 : vector<4x128x128xi32>
    %ne3A_2080 = arith.constant 0 : i32
    %ne3A_2081 = vector.broadcast %ne3A_2080 : i32 to vector<4x128x128xi32>
    %ne3A_2082 = arith.cmpi ne, %and3A_2079, %ne3A_2081 : vector<4x128x128xi32>
    %min3A_2083 = arith.minimumf %squeeze3A_2073, %squeeze3A_2075 : vector<4x128x128xf32>
    %max3A_2084 = arith.maximumf %squeeze3A_2073, %squeeze3A_2075 : vector<4x128x128xf32>
    %select_n3A_2085 = arith.select %ne3A_2082, %min3A_2083, %max3A_2084 : vector<4x128x128xi1>, vector<4x128x128xf32>
    %select_n3A_2086 = arith.select %ne3A_2082, %max3A_2084, %min3A_2083 : vector<4x128x128xi1>, vector<4x128x128xf32>
    %broadcast_in_dim3A_2087 = vector.shape_cast %select_n3A_2085 : vector<4x128x128xf32> to vector<4x1x128x128xf32>
    %broadcast_in_dim3A_2088 = vector.shape_cast %select_n3A_2086 : vector<4x128x128xf32> to vector<4x1x128x128xf32>
    %concatenate3A_2089 = tpu.concatenate %broadcast_in_dim3A_2087, %broadcast_in_dim3A_2088 in 1 : vector<4x1x128x128xf32>, vector<4x1x128x128xf32> -> vector<4x2x128x128xf32>
    %reshape3A_2090 = vector.shape_cast %concatenate3A_2089 : vector<4x2x128x128xf32> to vector<1024x128xf32>
    %reshape3A_2091 = vector.shape_cast %reshape3A_2090 : vector<1024x128xf32> to vector<8x2x64x128xf32>
    %slice3A_2092 = vector.extract_strided_slice %reshape3A_2091 {offsets = [0, 0, 0, 0], sizes = [8, 1, 64, 128], strides = [1, 1, 1, 1]} : vector<8x2x64x128xf32> to vector<8x1x64x128xf32>
    %squeeze3A_2093 = vector.shape_cast %slice3A_2092 : vector<8x1x64x128xf32> to vector<8x64x128xf32>
    %slice3A_2094 = vector.extract_strided_slice %reshape3A_2091 {offsets = [0, 1, 0, 0], sizes = [8, 1, 64, 128], strides = [1, 1, 1, 1]} : vector<8x2x64x128xf32> to vector<8x1x64x128xf32>
    %squeeze3A_2095 = vector.shape_cast %slice3A_2094 : vector<8x1x64x128xf32> to vector<8x64x128xf32>
    %iota3A_2096 = tpu.iota {dimensions = array<i32: 2>} : vector<8x64x128xi32>
    %and3A_2097 = arith.constant 16 : i32
    %and3A_2098 = vector.broadcast %and3A_2097 : i32 to vector<8x64x128xi32>
    %and3A_2099 = arith.andi %iota3A_2096, %and3A_2098 : vector<8x64x128xi32>
    %ne3A_2100 = arith.constant 0 : i32
    %ne3A_2101 = vector.broadcast %ne3A_2100 : i32 to vector<8x64x128xi32>
    %ne3A_2102 = arith.cmpi ne, %and3A_2099, %ne3A_2101 : vector<8x64x128xi32>
    %min3A_2103 = arith.minimumf %squeeze3A_2093, %squeeze3A_2095 : vector<8x64x128xf32>
    %max3A_2104 = arith.maximumf %squeeze3A_2093, %squeeze3A_2095 : vector<8x64x128xf32>
    %select_n3A_2105 = arith.select %ne3A_2102, %min3A_2103, %max3A_2104 : vector<8x64x128xi1>, vector<8x64x128xf32>
    %select_n3A_2106 = arith.select %ne3A_2102, %max3A_2104, %min3A_2103 : vector<8x64x128xi1>, vector<8x64x128xf32>
    %broadcast_in_dim3A_2107 = vector.shape_cast %select_n3A_2105 : vector<8x64x128xf32> to vector<8x1x64x128xf32>
    %broadcast_in_dim3A_2108 = vector.shape_cast %select_n3A_2106 : vector<8x64x128xf32> to vector<8x1x64x128xf32>
    %concatenate3A_2109 = tpu.concatenate %broadcast_in_dim3A_2107, %broadcast_in_dim3A_2108 in 1 : vector<8x1x64x128xf32>, vector<8x1x64x128xf32> -> vector<8x2x64x128xf32>
    %reshape3A_2110 = vector.shape_cast %concatenate3A_2109 : vector<8x2x64x128xf32> to vector<1024x128xf32>
    %reshape3A_2111 = vector.shape_cast %reshape3A_2110 : vector<1024x128xf32> to vector<16x2x32x128xf32>
    %slice3A_2112 = vector.extract_strided_slice %reshape3A_2111 {offsets = [0, 0, 0, 0], sizes = [16, 1, 32, 128], strides = [1, 1, 1, 1]} : vector<16x2x32x128xf32> to vector<16x1x32x128xf32>
    %squeeze3A_2113 = vector.shape_cast %slice3A_2112 : vector<16x1x32x128xf32> to vector<16x32x128xf32>
    %slice3A_2114 = vector.extract_strided_slice %reshape3A_2111 {offsets = [0, 1, 0, 0], sizes = [16, 1, 32, 128], strides = [1, 1, 1, 1]} : vector<16x2x32x128xf32> to vector<16x1x32x128xf32>
    %squeeze3A_2115 = vector.shape_cast %slice3A_2114 : vector<16x1x32x128xf32> to vector<16x32x128xf32>
    %iota3A_2116 = tpu.iota {dimensions = array<i32: 2>} : vector<16x32x128xi32>
    %and3A_2117 = arith.constant 16 : i32
    %and3A_2118 = vector.broadcast %and3A_2117 : i32 to vector<16x32x128xi32>
    %and3A_2119 = arith.andi %iota3A_2116, %and3A_2118 : vector<16x32x128xi32>
    %ne3A_2120 = arith.constant 0 : i32
    %ne3A_2121 = vector.broadcast %ne3A_2120 : i32 to vector<16x32x128xi32>
    %ne3A_2122 = arith.cmpi ne, %and3A_2119, %ne3A_2121 : vector<16x32x128xi32>
    %min3A_2123 = arith.minimumf %squeeze3A_2113, %squeeze3A_2115 : vector<16x32x128xf32>
    %max3A_2124 = arith.maximumf %squeeze3A_2113, %squeeze3A_2115 : vector<16x32x128xf32>
    %select_n3A_2125 = arith.select %ne3A_2122, %min3A_2123, %max3A_2124 : vector<16x32x128xi1>, vector<16x32x128xf32>
    %select_n3A_2126 = arith.select %ne3A_2122, %max3A_2124, %min3A_2123 : vector<16x32x128xi1>, vector<16x32x128xf32>
    %broadcast_in_dim3A_2127 = vector.shape_cast %select_n3A_2125 : vector<16x32x128xf32> to vector<16x1x32x128xf32>
    %broadcast_in_dim3A_2128 = vector.shape_cast %select_n3A_2126 : vector<16x32x128xf32> to vector<16x1x32x128xf32>
    %concatenate3A_2129 = tpu.concatenate %broadcast_in_dim3A_2127, %broadcast_in_dim3A_2128 in 1 : vector<16x1x32x128xf32>, vector<16x1x32x128xf32> -> vector<16x2x32x128xf32>
    %reshape3A_2130 = vector.shape_cast %concatenate3A_2129 : vector<16x2x32x128xf32> to vector<1024x128xf32>
    %reshape3A_2131 = vector.shape_cast %reshape3A_2130 : vector<1024x128xf32> to vector<32x2x16x128xf32>
    %slice3A_2132 = vector.extract_strided_slice %reshape3A_2131 {offsets = [0, 0, 0, 0], sizes = [32, 1, 16, 128], strides = [1, 1, 1, 1]} : vector<32x2x16x128xf32> to vector<32x1x16x128xf32>
    %squeeze3A_2133 = vector.shape_cast %slice3A_2132 : vector<32x1x16x128xf32> to vector<32x16x128xf32>
    %slice3A_2134 = vector.extract_strided_slice %reshape3A_2131 {offsets = [0, 1, 0, 0], sizes = [32, 1, 16, 128], strides = [1, 1, 1, 1]} : vector<32x2x16x128xf32> to vector<32x1x16x128xf32>
    %squeeze3A_2135 = vector.shape_cast %slice3A_2134 : vector<32x1x16x128xf32> to vector<32x16x128xf32>
    %iota3A_2136 = tpu.iota {dimensions = array<i32: 2>} : vector<32x16x128xi32>
    %and3A_2137 = arith.constant 16 : i32
    %and3A_2138 = vector.broadcast %and3A_2137 : i32 to vector<32x16x128xi32>
    %and3A_2139 = arith.andi %iota3A_2136, %and3A_2138 : vector<32x16x128xi32>
    %ne3A_2140 = arith.constant 0 : i32
    %ne3A_2141 = vector.broadcast %ne3A_2140 : i32 to vector<32x16x128xi32>
    %ne3A_2142 = arith.cmpi ne, %and3A_2139, %ne3A_2141 : vector<32x16x128xi32>
    %min3A_2143 = arith.minimumf %squeeze3A_2133, %squeeze3A_2135 : vector<32x16x128xf32>
    %max3A_2144 = arith.maximumf %squeeze3A_2133, %squeeze3A_2135 : vector<32x16x128xf32>
    %select_n3A_2145 = arith.select %ne3A_2142, %min3A_2143, %max3A_2144 : vector<32x16x128xi1>, vector<32x16x128xf32>
    %select_n3A_2146 = arith.select %ne3A_2142, %max3A_2144, %min3A_2143 : vector<32x16x128xi1>, vector<32x16x128xf32>
    %broadcast_in_dim3A_2147 = vector.shape_cast %select_n3A_2145 : vector<32x16x128xf32> to vector<32x1x16x128xf32>
    %broadcast_in_dim3A_2148 = vector.shape_cast %select_n3A_2146 : vector<32x16x128xf32> to vector<32x1x16x128xf32>
    %concatenate3A_2149 = tpu.concatenate %broadcast_in_dim3A_2147, %broadcast_in_dim3A_2148 in 1 : vector<32x1x16x128xf32>, vector<32x1x16x128xf32> -> vector<32x2x16x128xf32>
    %reshape3A_2150 = vector.shape_cast %concatenate3A_2149 : vector<32x2x16x128xf32> to vector<1024x128xf32>
    %reshape3A_2151 = vector.shape_cast %reshape3A_2150 : vector<1024x128xf32> to vector<64x2x8x128xf32>
    %slice3A_2152 = vector.extract_strided_slice %reshape3A_2151 {offsets = [0, 0, 0, 0], sizes = [64, 1, 8, 128], strides = [1, 1, 1, 1]} : vector<64x2x8x128xf32> to vector<64x1x8x128xf32>
    %squeeze3A_2153 = vector.shape_cast %slice3A_2152 : vector<64x1x8x128xf32> to vector<64x8x128xf32>
    %slice3A_2154 = vector.extract_strided_slice %reshape3A_2151 {offsets = [0, 1, 0, 0], sizes = [64, 1, 8, 128], strides = [1, 1, 1, 1]} : vector<64x2x8x128xf32> to vector<64x1x8x128xf32>
    %squeeze3A_2155 = vector.shape_cast %slice3A_2154 : vector<64x1x8x128xf32> to vector<64x8x128xf32>
    %iota3A_2156 = tpu.iota {dimensions = array<i32: 2>} : vector<64x8x128xi32>
    %and3A_2157 = arith.constant 16 : i32
    %and3A_2158 = vector.broadcast %and3A_2157 : i32 to vector<64x8x128xi32>
    %and3A_2159 = arith.andi %iota3A_2156, %and3A_2158 : vector<64x8x128xi32>
    %ne3A_2160 = arith.constant 0 : i32
    %ne3A_2161 = vector.broadcast %ne3A_2160 : i32 to vector<64x8x128xi32>
    %ne3A_2162 = arith.cmpi ne, %and3A_2159, %ne3A_2161 : vector<64x8x128xi32>
    %min3A_2163 = arith.minimumf %squeeze3A_2153, %squeeze3A_2155 : vector<64x8x128xf32>
    %max3A_2164 = arith.maximumf %squeeze3A_2153, %squeeze3A_2155 : vector<64x8x128xf32>
    %select_n3A_2165 = arith.select %ne3A_2162, %min3A_2163, %max3A_2164 : vector<64x8x128xi1>, vector<64x8x128xf32>
    %select_n3A_2166 = arith.select %ne3A_2162, %max3A_2164, %min3A_2163 : vector<64x8x128xi1>, vector<64x8x128xf32>
    %broadcast_in_dim3A_2167 = vector.shape_cast %select_n3A_2165 : vector<64x8x128xf32> to vector<64x1x8x128xf32>
    %broadcast_in_dim3A_2168 = vector.shape_cast %select_n3A_2166 : vector<64x8x128xf32> to vector<64x1x8x128xf32>
    %concatenate3A_2169 = tpu.concatenate %broadcast_in_dim3A_2167, %broadcast_in_dim3A_2168 in 1 : vector<64x1x8x128xf32>, vector<64x1x8x128xf32> -> vector<64x2x8x128xf32>
    %reshape3A_2170 = vector.shape_cast %concatenate3A_2169 : vector<64x2x8x128xf32> to vector<1024x128xf32>
    %and3A_2171 = arith.constant 4 : i32
    %and3A_2172 = vector.broadcast %and3A_2171 : i32 to vector<1024x128xi32>
    %and3A_2173 = arith.andi %iota3A, %and3A_2172 : vector<1024x128xi32>
    %eq3A_2174 = arith.constant 0 : i32
    %eq3A_2175 = vector.broadcast %eq3A_2174 : i32 to vector<1024x128xi32>
    %eq3A_2176 = arith.cmpi eq, %and3A_2173, %eq3A_2175 : vector<1024x128xi32>
    %roll3A_2177 = arith.constant 1020 : i32
    %roll3A_2178 = tpu.dynamic_rotate %reshape3A_2170 by %roll3A_2177 dim 0 : vector<1024x128xf32>, i32 -> vector<1024x128xf32>
    %roll3A_2179 = arith.constant 4 : i32
    %roll3A_2180 = tpu.dynamic_rotate %reshape3A_2170 by %roll3A_2179 dim 0 : vector<1024x128xf32>, i32 -> vector<1024x128xf32>
    %select_n3A_2181 = arith.select %eq3A_2176, %roll3A_2178, %roll3A_2180 : vector<1024x128xi1>, vector<1024x128xf32>
    %and3A_2182 = arith.constant 16 : i32
    %and3A_2183 = vector.broadcast %and3A_2182 : i32 to vector<1024x128xi32>
    %and3A_2184 = arith.andi %iota3A_4, %and3A_2183 : vector<1024x128xi32>
    %ne3A_2185 = arith.constant 0 : i32
    %ne3A_2186 = vector.broadcast %ne3A_2185 : i32 to vector<1024x128xi32>
    %ne3A_2187 = arith.cmpi ne, %and3A_2184, %ne3A_2186 : vector<1024x128xi32>
    %min3A_2188 = arith.minimumf %reshape3A_2170, %select_n3A_2181 : vector<1024x128xf32>
    %max3A_2189 = arith.maximumf %reshape3A_2170, %select_n3A_2181 : vector<1024x128xf32>
    %eq3A_2190 = arith.xori %eq3A_2176, %ne3A_2187 : vector<1024x128xi1>
    %eq3A_2191 = arith.constant dense<true> : vector<1024x128xi1>
    %eq3A_2192 = arith.xori %eq3A_2190, %eq3A_2191 : vector<1024x128xi1>
    %select_n3A_2193 = arith.select %eq3A_2192, %min3A_2188, %max3A_2189 : vector<1024x128xi1>, vector<1024x128xf32>
    %and3A_2194 = arith.constant 2 : i32
    %and3A_2195 = vector.broadcast %and3A_2194 : i32 to vector<1024x128xi32>
    %and3A_2196 = arith.andi %iota3A, %and3A_2195 : vector<1024x128xi32>
    %eq3A_2197 = arith.constant 0 : i32
    %eq3A_2198 = vector.broadcast %eq3A_2197 : i32 to vector<1024x128xi32>
    %eq3A_2199 = arith.cmpi eq, %and3A_2196, %eq3A_2198 : vector<1024x128xi32>
    %roll3A_2200 = arith.constant 1022 : i32
    %roll3A_2201 = tpu.dynamic_rotate %select_n3A_2193 by %roll3A_2200 dim 0 : vector<1024x128xf32>, i32 -> vector<1024x128xf32>
    %roll3A_2202 = arith.constant 2 : i32
    %roll3A_2203 = tpu.dynamic_rotate %select_n3A_2193 by %roll3A_2202 dim 0 : vector<1024x128xf32>, i32 -> vector<1024x128xf32>
    %select_n3A_2204 = arith.select %eq3A_2199, %roll3A_2201, %roll3A_2203 : vector<1024x128xi1>, vector<1024x128xf32>
    %and3A_2205 = arith.constant 16 : i32
    %and3A_2206 = vector.broadcast %and3A_2205 : i32 to vector<1024x128xi32>
    %and3A_2207 = arith.andi %iota3A_4, %and3A_2206 : vector<1024x128xi32>
    %ne3A_2208 = arith.constant 0 : i32
    %ne3A_2209 = vector.broadcast %ne3A_2208 : i32 to vector<1024x128xi32>
    %ne3A_2210 = arith.cmpi ne, %and3A_2207, %ne3A_2209 : vector<1024x128xi32>
    %min3A_2211 = arith.minimumf %select_n3A_2193, %select_n3A_2204 : vector<1024x128xf32>
    %max3A_2212 = arith.maximumf %select_n3A_2193, %select_n3A_2204 : vector<1024x128xf32>
    %eq3A_2213 = arith.xori %eq3A_2199, %ne3A_2210 : vector<1024x128xi1>
    %eq3A_2214 = arith.constant dense<true> : vector<1024x128xi1>
    %eq3A_2215 = arith.xori %eq3A_2213, %eq3A_2214 : vector<1024x128xi1>
    %select_n3A_2216 = arith.select %eq3A_2215, %min3A_2211, %max3A_2212 : vector<1024x128xi1>, vector<1024x128xf32>
    %and3A_2217 = arith.constant 1 : i32
    %and3A_2218 = vector.broadcast %and3A_2217 : i32 to vector<1024x128xi32>
    %and3A_2219 = arith.andi %iota3A, %and3A_2218 : vector<1024x128xi32>
    %eq3A_2220 = arith.constant 0 : i32
    %eq3A_2221 = vector.broadcast %eq3A_2220 : i32 to vector<1024x128xi32>
    %eq3A_2222 = arith.cmpi eq, %and3A_2219, %eq3A_2221 : vector<1024x128xi32>
    %roll3A_2223 = arith.constant 1023 : i32
    %roll3A_2224 = tpu.dynamic_rotate %select_n3A_2216 by %roll3A_2223 dim 0 : vector<1024x128xf32>, i32 -> vector<1024x128xf32>
    %roll3A_2225 = arith.constant 1 : i32
    %roll3A_2226 = tpu.dynamic_rotate %select_n3A_2216 by %roll3A_2225 dim 0 : vector<1024x128xf32>, i32 -> vector<1024x128xf32>
    %select_n3A_2227 = arith.select %eq3A_2222, %roll3A_2224, %roll3A_2226 : vector<1024x128xi1>, vector<1024x128xf32>
    %and3A_2228 = arith.constant 16 : i32
    %and3A_2229 = vector.broadcast %and3A_2228 : i32 to vector<1024x128xi32>
    %and3A_2230 = arith.andi %iota3A_4, %and3A_2229 : vector<1024x128xi32>
    %ne3A_2231 = arith.constant 0 : i32
    %ne3A_2232 = vector.broadcast %ne3A_2231 : i32 to vector<1024x128xi32>
    %ne3A_2233 = arith.cmpi ne, %and3A_2230, %ne3A_2232 : vector<1024x128xi32>
    %min3A_2234 = arith.minimumf %select_n3A_2216, %select_n3A_2227 : vector<1024x128xf32>
    %max3A_2235 = arith.maximumf %select_n3A_2216, %select_n3A_2227 : vector<1024x128xf32>
    %eq3A_2236 = arith.xori %eq3A_2222, %ne3A_2233 : vector<1024x128xi1>
    %eq3A_2237 = arith.constant dense<true> : vector<1024x128xi1>
    %eq3A_2238 = arith.xori %eq3A_2236, %eq3A_2237 : vector<1024x128xi1>
    %select_n3A_2239 = arith.select %eq3A_2238, %min3A_2234, %max3A_2235 : vector<1024x128xi1>, vector<1024x128xf32>
    %and3A_2240 = arith.constant 16 : i32
    %and3A_2241 = vector.broadcast %and3A_2240 : i32 to vector<1024x128xi32>
    %and3A_2242 = arith.andi %iota3A_4, %and3A_2241 : vector<1024x128xi32>
    %eq3A_2243 = arith.constant 0 : i32
    %eq3A_2244 = vector.broadcast %eq3A_2243 : i32 to vector<1024x128xi32>
    %eq3A_2245 = arith.cmpi eq, %and3A_2242, %eq3A_2244 : vector<1024x128xi32>
    %roll3A_2246 = arith.constant 112 : i32
    %roll3A_2247 = tpu.dynamic_rotate %select_n3A_2239 by %roll3A_2246 dim 1 : vector<1024x128xf32>, i32 -> vector<1024x128xf32>
    %roll3A_2248 = arith.constant 16 : i32
    %roll3A_2249 = tpu.dynamic_rotate %select_n3A_2239 by %roll3A_2248 dim 1 : vector<1024x128xf32>, i32 -> vector<1024x128xf32>
    %select_n3A_2250 = arith.select %eq3A_2245, %roll3A_2247, %roll3A_2249 : vector<1024x128xi1>, vector<1024x128xf32>
    %and3A_2251 = arith.constant 32 : i32
    %and3A_2252 = vector.broadcast %and3A_2251 : i32 to vector<1024x128xi32>
    %and3A_2253 = arith.andi %iota3A_4, %and3A_2252 : vector<1024x128xi32>
    %ne3A_2254 = arith.constant 0 : i32
    %ne3A_2255 = vector.broadcast %ne3A_2254 : i32 to vector<1024x128xi32>
    %ne3A_2256 = arith.cmpi ne, %and3A_2253, %ne3A_2255 : vector<1024x128xi32>
    %min3A_2257 = arith.minimumf %select_n3A_2239, %select_n3A_2250 : vector<1024x128xf32>
    %max3A_2258 = arith.maximumf %select_n3A_2239, %select_n3A_2250 : vector<1024x128xf32>
    %eq3A_2259 = arith.xori %eq3A_2245, %ne3A_2256 : vector<1024x128xi1>
    %eq3A_2260 = arith.constant dense<true> : vector<1024x128xi1>
    %eq3A_2261 = arith.xori %eq3A_2259, %eq3A_2260 : vector<1024x128xi1>
    %select_n3A_2262 = arith.select %eq3A_2261, %min3A_2257, %max3A_2258 : vector<1024x128xi1>, vector<1024x128xf32>
    %and3A_2263 = arith.constant 8 : i32
    %and3A_2264 = vector.broadcast %and3A_2263 : i32 to vector<1024x128xi32>
    %and3A_2265 = arith.andi %iota3A_4, %and3A_2264 : vector<1024x128xi32>
    %eq3A_2266 = arith.constant 0 : i32
    %eq3A_2267 = vector.broadcast %eq3A_2266 : i32 to vector<1024x128xi32>
    %eq3A_2268 = arith.cmpi eq, %and3A_2265, %eq3A_2267 : vector<1024x128xi32>
    %roll3A_2269 = arith.constant 120 : i32
    %roll3A_2270 = tpu.dynamic_rotate %select_n3A_2262 by %roll3A_2269 dim 1 : vector<1024x128xf32>, i32 -> vector<1024x128xf32>
    %roll3A_2271 = arith.constant 8 : i32
    %roll3A_2272 = tpu.dynamic_rotate %select_n3A_2262 by %roll3A_2271 dim 1 : vector<1024x128xf32>, i32 -> vector<1024x128xf32>
    %select_n3A_2273 = arith.select %eq3A_2268, %roll3A_2270, %roll3A_2272 : vector<1024x128xi1>, vector<1024x128xf32>
    %and3A_2274 = arith.constant 32 : i32
    %and3A_2275 = vector.broadcast %and3A_2274 : i32 to vector<1024x128xi32>
    %and3A_2276 = arith.andi %iota3A_4, %and3A_2275 : vector<1024x128xi32>
    %ne3A_2277 = arith.constant 0 : i32
    %ne3A_2278 = vector.broadcast %ne3A_2277 : i32 to vector<1024x128xi32>
    %ne3A_2279 = arith.cmpi ne, %and3A_2276, %ne3A_2278 : vector<1024x128xi32>
    %min3A_2280 = arith.minimumf %select_n3A_2262, %select_n3A_2273 : vector<1024x128xf32>
    %max3A_2281 = arith.maximumf %select_n3A_2262, %select_n3A_2273 : vector<1024x128xf32>
    %eq3A_2282 = arith.xori %eq3A_2268, %ne3A_2279 : vector<1024x128xi1>
    %eq3A_2283 = arith.constant dense<true> : vector<1024x128xi1>
    %eq3A_2284 = arith.xori %eq3A_2282, %eq3A_2283 : vector<1024x128xi1>
    %select_n3A_2285 = arith.select %eq3A_2284, %min3A_2280, %max3A_2281 : vector<1024x128xi1>, vector<1024x128xf32>
    %and3A_2286 = arith.constant 4 : i32
    %and3A_2287 = vector.broadcast %and3A_2286 : i32 to vector<1024x128xi32>
    %and3A_2288 = arith.andi %iota3A_4, %and3A_2287 : vector<1024x128xi32>
    %eq3A_2289 = arith.constant 0 : i32
    %eq3A_2290 = vector.broadcast %eq3A_2289 : i32 to vector<1024x128xi32>
    %eq3A_2291 = arith.cmpi eq, %and3A_2288, %eq3A_2290 : vector<1024x128xi32>
    %roll3A_2292 = arith.constant 124 : i32
    %roll3A_2293 = tpu.dynamic_rotate %select_n3A_2285 by %roll3A_2292 dim 1 : vector<1024x128xf32>, i32 -> vector<1024x128xf32>
    %roll3A_2294 = arith.constant 4 : i32
    %roll3A_2295 = tpu.dynamic_rotate %select_n3A_2285 by %roll3A_2294 dim 1 : vector<1024x128xf32>, i32 -> vector<1024x128xf32>
    %select_n3A_2296 = arith.select %eq3A_2291, %roll3A_2293, %roll3A_2295 : vector<1024x128xi1>, vector<1024x128xf32>
    %and3A_2297 = arith.constant 32 : i32
    %and3A_2298 = vector.broadcast %and3A_2297 : i32 to vector<1024x128xi32>
    %and3A_2299 = arith.andi %iota3A_4, %and3A_2298 : vector<1024x128xi32>
    %ne3A_2300 = arith.constant 0 : i32
    %ne3A_2301 = vector.broadcast %ne3A_2300 : i32 to vector<1024x128xi32>
    %ne3A_2302 = arith.cmpi ne, %and3A_2299, %ne3A_2301 : vector<1024x128xi32>
    %min3A_2303 = arith.minimumf %select_n3A_2285, %select_n3A_2296 : vector<1024x128xf32>
    %max3A_2304 = arith.maximumf %select_n3A_2285, %select_n3A_2296 : vector<1024x128xf32>
    %eq3A_2305 = arith.xori %eq3A_2291, %ne3A_2302 : vector<1024x128xi1>
    %eq3A_2306 = arith.constant dense<true> : vector<1024x128xi1>
    %eq3A_2307 = arith.xori %eq3A_2305, %eq3A_2306 : vector<1024x128xi1>
    %select_n3A_2308 = arith.select %eq3A_2307, %min3A_2303, %max3A_2304 : vector<1024x128xi1>, vector<1024x128xf32>
    %and3A_2309 = arith.constant 2 : i32
    %and3A_2310 = vector.broadcast %and3A_2309 : i32 to vector<1024x128xi32>
    %and3A_2311 = arith.andi %iota3A_4, %and3A_2310 : vector<1024x128xi32>
    %eq3A_2312 = arith.constant 0 : i32
    %eq3A_2313 = vector.broadcast %eq3A_2312 : i32 to vector<1024x128xi32>
    %eq3A_2314 = arith.cmpi eq, %and3A_2311, %eq3A_2313 : vector<1024x128xi32>
    %roll3A_2315 = arith.constant 126 : i32
    %roll3A_2316 = tpu.dynamic_rotate %select_n3A_2308 by %roll3A_2315 dim 1 : vector<1024x128xf32>, i32 -> vector<1024x128xf32>
    %roll3A_2317 = arith.constant 2 : i32
    %roll3A_2318 = tpu.dynamic_rotate %select_n3A_2308 by %roll3A_2317 dim 1 : vector<1024x128xf32>, i32 -> vector<1024x128xf32>
    %select_n3A_2319 = arith.select %eq3A_2314, %roll3A_2316, %roll3A_2318 : vector<1024x128xi1>, vector<1024x128xf32>
    %and3A_2320 = arith.constant 32 : i32
    %and3A_2321 = vector.broadcast %and3A_2320 : i32 to vector<1024x128xi32>
    %and3A_2322 = arith.andi %iota3A_4, %and3A_2321 : vector<1024x128xi32>
    %ne3A_2323 = arith.constant 0 : i32
    %ne3A_2324 = vector.broadcast %ne3A_2323 : i32 to vector<1024x128xi32>
    %ne3A_2325 = arith.cmpi ne, %and3A_2322, %ne3A_2324 : vector<1024x128xi32>
    %min3A_2326 = arith.minimumf %select_n3A_2308, %select_n3A_2319 : vector<1024x128xf32>
    %max3A_2327 = arith.maximumf %select_n3A_2308, %select_n3A_2319 : vector<1024x128xf32>
    %eq3A_2328 = arith.xori %eq3A_2314, %ne3A_2325 : vector<1024x128xi1>
    %eq3A_2329 = arith.constant dense<true> : vector<1024x128xi1>
    %eq3A_2330 = arith.xori %eq3A_2328, %eq3A_2329 : vector<1024x128xi1>
    %select_n3A_2331 = arith.select %eq3A_2330, %min3A_2326, %max3A_2327 : vector<1024x128xi1>, vector<1024x128xf32>
    %and3A_2332 = arith.constant 1 : i32
    %and3A_2333 = vector.broadcast %and3A_2332 : i32 to vector<1024x128xi32>
    %and3A_2334 = arith.andi %iota3A_4, %and3A_2333 : vector<1024x128xi32>
    %eq3A_2335 = arith.constant 0 : i32
    %eq3A_2336 = vector.broadcast %eq3A_2335 : i32 to vector<1024x128xi32>
    %eq3A_2337 = arith.cmpi eq, %and3A_2334, %eq3A_2336 : vector<1024x128xi32>
    %roll3A_2338 = arith.constant 127 : i32
    %roll3A_2339 = tpu.dynamic_rotate %select_n3A_2331 by %roll3A_2338 dim 1 : vector<1024x128xf32>, i32 -> vector<1024x128xf32>
    %roll3A_2340 = arith.constant 1 : i32
    %roll3A_2341 = tpu.dynamic_rotate %select_n3A_2331 by %roll3A_2340 dim 1 : vector<1024x128xf32>, i32 -> vector<1024x128xf32>
    %select_n3A_2342 = arith.select %eq3A_2337, %roll3A_2339, %roll3A_2341 : vector<1024x128xi1>, vector<1024x128xf32>
    %and3A_2343 = arith.constant 32 : i32
    %and3A_2344 = vector.broadcast %and3A_2343 : i32 to vector<1024x128xi32>
    %and3A_2345 = arith.andi %iota3A_4, %and3A_2344 : vector<1024x128xi32>
    %ne3A_2346 = arith.constant 0 : i32
    %ne3A_2347 = vector.broadcast %ne3A_2346 : i32 to vector<1024x128xi32>
    %ne3A_2348 = arith.cmpi ne, %and3A_2345, %ne3A_2347 : vector<1024x128xi32>
    %min3A_2349 = arith.minimumf %select_n3A_2331, %select_n3A_2342 : vector<1024x128xf32>
    %max3A_2350 = arith.maximumf %select_n3A_2331, %select_n3A_2342 : vector<1024x128xf32>
    %eq3A_2351 = arith.xori %eq3A_2337, %ne3A_2348 : vector<1024x128xi1>
    %eq3A_2352 = arith.constant dense<true> : vector<1024x128xi1>
    %eq3A_2353 = arith.xori %eq3A_2351, %eq3A_2352 : vector<1024x128xi1>
    %select_n3A_2354 = arith.select %eq3A_2353, %min3A_2349, %max3A_2350 : vector<1024x128xi1>, vector<1024x128xf32>
    %reshape3A_2355 = vector.shape_cast %select_n3A_2354 : vector<1024x128xf32> to vector<1x2x512x128xf32>
    %slice3A_2356 = vector.extract_strided_slice %reshape3A_2355 {offsets = [0, 0, 0, 0], sizes = [1, 1, 512, 128], strides = [1, 1, 1, 1]} : vector<1x2x512x128xf32> to vector<1x1x512x128xf32>
    %squeeze3A_2357 = vector.shape_cast %slice3A_2356 : vector<1x1x512x128xf32> to vector<1x512x128xf32>
    %slice3A_2358 = vector.extract_strided_slice %reshape3A_2355 {offsets = [0, 1, 0, 0], sizes = [1, 1, 512, 128], strides = [1, 1, 1, 1]} : vector<1x2x512x128xf32> to vector<1x1x512x128xf32>
    %squeeze3A_2359 = vector.shape_cast %slice3A_2358 : vector<1x1x512x128xf32> to vector<1x512x128xf32>
    %iota3A_2360 = tpu.iota {dimensions = array<i32: 2>} : vector<1x512x128xi32>
    %and3A_2361 = arith.constant 32 : i32
    %and3A_2362 = vector.broadcast %and3A_2361 : i32 to vector<1x512x128xi32>
    %and3A_2363 = arith.andi %iota3A_2360, %and3A_2362 : vector<1x512x128xi32>
    %ne3A_2364 = arith.constant 0 : i32
    %ne3A_2365 = vector.broadcast %ne3A_2364 : i32 to vector<1x512x128xi32>
    %ne3A_2366 = arith.cmpi ne, %and3A_2363, %ne3A_2365 : vector<1x512x128xi32>
    %min3A_2367 = arith.minimumf %squeeze3A_2357, %squeeze3A_2359 : vector<1x512x128xf32>
    %max3A_2368 = arith.maximumf %squeeze3A_2357, %squeeze3A_2359 : vector<1x512x128xf32>
    %select_n3A_2369 = arith.select %ne3A_2366, %min3A_2367, %max3A_2368 : vector<1x512x128xi1>, vector<1x512x128xf32>
    %select_n3A_2370 = arith.select %ne3A_2366, %max3A_2368, %min3A_2367 : vector<1x512x128xi1>, vector<1x512x128xf32>
    %broadcast_in_dim3A_2371 = vector.shape_cast %select_n3A_2369 : vector<1x512x128xf32> to vector<1x1x512x128xf32>
    %broadcast_in_dim3A_2372 = vector.shape_cast %select_n3A_2370 : vector<1x512x128xf32> to vector<1x1x512x128xf32>
    %concatenate3A_2373 = tpu.concatenate %broadcast_in_dim3A_2371, %broadcast_in_dim3A_2372 in 1 : vector<1x1x512x128xf32>, vector<1x1x512x128xf32> -> vector<1x2x512x128xf32>
    %reshape3A_2374 = vector.shape_cast %concatenate3A_2373 : vector<1x2x512x128xf32> to vector<1024x128xf32>
    %reshape3A_2375 = vector.shape_cast %reshape3A_2374 : vector<1024x128xf32> to vector<2x2x256x128xf32>
    %slice3A_2376 = vector.extract_strided_slice %reshape3A_2375 {offsets = [0, 0, 0, 0], sizes = [2, 1, 256, 128], strides = [1, 1, 1, 1]} : vector<2x2x256x128xf32> to vector<2x1x256x128xf32>
    %squeeze3A_2377 = vector.shape_cast %slice3A_2376 : vector<2x1x256x128xf32> to vector<2x256x128xf32>
    %slice3A_2378 = vector.extract_strided_slice %reshape3A_2375 {offsets = [0, 1, 0, 0], sizes = [2, 1, 256, 128], strides = [1, 1, 1, 1]} : vector<2x2x256x128xf32> to vector<2x1x256x128xf32>
    %squeeze3A_2379 = vector.shape_cast %slice3A_2378 : vector<2x1x256x128xf32> to vector<2x256x128xf32>
    %iota3A_2380 = tpu.iota {dimensions = array<i32: 2>} : vector<2x256x128xi32>
    %and3A_2381 = arith.constant 32 : i32
    %and3A_2382 = vector.broadcast %and3A_2381 : i32 to vector<2x256x128xi32>
    %and3A_2383 = arith.andi %iota3A_2380, %and3A_2382 : vector<2x256x128xi32>
    %ne3A_2384 = arith.constant 0 : i32
    %ne3A_2385 = vector.broadcast %ne3A_2384 : i32 to vector<2x256x128xi32>
    %ne3A_2386 = arith.cmpi ne, %and3A_2383, %ne3A_2385 : vector<2x256x128xi32>
    %min3A_2387 = arith.minimumf %squeeze3A_2377, %squeeze3A_2379 : vector<2x256x128xf32>
    %max3A_2388 = arith.maximumf %squeeze3A_2377, %squeeze3A_2379 : vector<2x256x128xf32>
    %select_n3A_2389 = arith.select %ne3A_2386, %min3A_2387, %max3A_2388 : vector<2x256x128xi1>, vector<2x256x128xf32>
    %select_n3A_2390 = arith.select %ne3A_2386, %max3A_2388, %min3A_2387 : vector<2x256x128xi1>, vector<2x256x128xf32>
    %broadcast_in_dim3A_2391 = vector.shape_cast %select_n3A_2389 : vector<2x256x128xf32> to vector<2x1x256x128xf32>
    %broadcast_in_dim3A_2392 = vector.shape_cast %select_n3A_2390 : vector<2x256x128xf32> to vector<2x1x256x128xf32>
    %concatenate3A_2393 = tpu.concatenate %broadcast_in_dim3A_2391, %broadcast_in_dim3A_2392 in 1 : vector<2x1x256x128xf32>, vector<2x1x256x128xf32> -> vector<2x2x256x128xf32>
    %reshape3A_2394 = vector.shape_cast %concatenate3A_2393 : vector<2x2x256x128xf32> to vector<1024x128xf32>
    %reshape3A_2395 = vector.shape_cast %reshape3A_2394 : vector<1024x128xf32> to vector<4x2x128x128xf32>
    %slice3A_2396 = vector.extract_strided_slice %reshape3A_2395 {offsets = [0, 0, 0, 0], sizes = [4, 1, 128, 128], strides = [1, 1, 1, 1]} : vector<4x2x128x128xf32> to vector<4x1x128x128xf32>
    %squeeze3A_2397 = vector.shape_cast %slice3A_2396 : vector<4x1x128x128xf32> to vector<4x128x128xf32>
    %slice3A_2398 = vector.extract_strided_slice %reshape3A_2395 {offsets = [0, 1, 0, 0], sizes = [4, 1, 128, 128], strides = [1, 1, 1, 1]} : vector<4x2x128x128xf32> to vector<4x1x128x128xf32>
    %squeeze3A_2399 = vector.shape_cast %slice3A_2398 : vector<4x1x128x128xf32> to vector<4x128x128xf32>
    %iota3A_2400 = tpu.iota {dimensions = array<i32: 2>} : vector<4x128x128xi32>
    %and3A_2401 = arith.constant 32 : i32
    %and3A_2402 = vector.broadcast %and3A_2401 : i32 to vector<4x128x128xi32>
    %and3A_2403 = arith.andi %iota3A_2400, %and3A_2402 : vector<4x128x128xi32>
    %ne3A_2404 = arith.constant 0 : i32
    %ne3A_2405 = vector.broadcast %ne3A_2404 : i32 to vector<4x128x128xi32>
    %ne3A_2406 = arith.cmpi ne, %and3A_2403, %ne3A_2405 : vector<4x128x128xi32>
    %min3A_2407 = arith.minimumf %squeeze3A_2397, %squeeze3A_2399 : vector<4x128x128xf32>
    %max3A_2408 = arith.maximumf %squeeze3A_2397, %squeeze3A_2399 : vector<4x128x128xf32>
    %select_n3A_2409 = arith.select %ne3A_2406, %min3A_2407, %max3A_2408 : vector<4x128x128xi1>, vector<4x128x128xf32>
    %select_n3A_2410 = arith.select %ne3A_2406, %max3A_2408, %min3A_2407 : vector<4x128x128xi1>, vector<4x128x128xf32>
    %broadcast_in_dim3A_2411 = vector.shape_cast %select_n3A_2409 : vector<4x128x128xf32> to vector<4x1x128x128xf32>
    %broadcast_in_dim3A_2412 = vector.shape_cast %select_n3A_2410 : vector<4x128x128xf32> to vector<4x1x128x128xf32>
    %concatenate3A_2413 = tpu.concatenate %broadcast_in_dim3A_2411, %broadcast_in_dim3A_2412 in 1 : vector<4x1x128x128xf32>, vector<4x1x128x128xf32> -> vector<4x2x128x128xf32>
    %reshape3A_2414 = vector.shape_cast %concatenate3A_2413 : vector<4x2x128x128xf32> to vector<1024x128xf32>
    %reshape3A_2415 = vector.shape_cast %reshape3A_2414 : vector<1024x128xf32> to vector<8x2x64x128xf32>
    %slice3A_2416 = vector.extract_strided_slice %reshape3A_2415 {offsets = [0, 0, 0, 0], sizes = [8, 1, 64, 128], strides = [1, 1, 1, 1]} : vector<8x2x64x128xf32> to vector<8x1x64x128xf32>
    %squeeze3A_2417 = vector.shape_cast %slice3A_2416 : vector<8x1x64x128xf32> to vector<8x64x128xf32>
    %slice3A_2418 = vector.extract_strided_slice %reshape3A_2415 {offsets = [0, 1, 0, 0], sizes = [8, 1, 64, 128], strides = [1, 1, 1, 1]} : vector<8x2x64x128xf32> to vector<8x1x64x128xf32>
    %squeeze3A_2419 = vector.shape_cast %slice3A_2418 : vector<8x1x64x128xf32> to vector<8x64x128xf32>
    %iota3A_2420 = tpu.iota {dimensions = array<i32: 2>} : vector<8x64x128xi32>
    %and3A_2421 = arith.constant 32 : i32
    %and3A_2422 = vector.broadcast %and3A_2421 : i32 to vector<8x64x128xi32>
    %and3A_2423 = arith.andi %iota3A_2420, %and3A_2422 : vector<8x64x128xi32>
    %ne3A_2424 = arith.constant 0 : i32
    %ne3A_2425 = vector.broadcast %ne3A_2424 : i32 to vector<8x64x128xi32>
    %ne3A_2426 = arith.cmpi ne, %and3A_2423, %ne3A_2425 : vector<8x64x128xi32>
    %min3A_2427 = arith.minimumf %squeeze3A_2417, %squeeze3A_2419 : vector<8x64x128xf32>
    %max3A_2428 = arith.maximumf %squeeze3A_2417, %squeeze3A_2419 : vector<8x64x128xf32>
    %select_n3A_2429 = arith.select %ne3A_2426, %min3A_2427, %max3A_2428 : vector<8x64x128xi1>, vector<8x64x128xf32>
    %select_n3A_2430 = arith.select %ne3A_2426, %max3A_2428, %min3A_2427 : vector<8x64x128xi1>, vector<8x64x128xf32>
    %broadcast_in_dim3A_2431 = vector.shape_cast %select_n3A_2429 : vector<8x64x128xf32> to vector<8x1x64x128xf32>
    %broadcast_in_dim3A_2432 = vector.shape_cast %select_n3A_2430 : vector<8x64x128xf32> to vector<8x1x64x128xf32>
    %concatenate3A_2433 = tpu.concatenate %broadcast_in_dim3A_2431, %broadcast_in_dim3A_2432 in 1 : vector<8x1x64x128xf32>, vector<8x1x64x128xf32> -> vector<8x2x64x128xf32>
    %reshape3A_2434 = vector.shape_cast %concatenate3A_2433 : vector<8x2x64x128xf32> to vector<1024x128xf32>
    %reshape3A_2435 = vector.shape_cast %reshape3A_2434 : vector<1024x128xf32> to vector<16x2x32x128xf32>
    %slice3A_2436 = vector.extract_strided_slice %reshape3A_2435 {offsets = [0, 0, 0, 0], sizes = [16, 1, 32, 128], strides = [1, 1, 1, 1]} : vector<16x2x32x128xf32> to vector<16x1x32x128xf32>
    %squeeze3A_2437 = vector.shape_cast %slice3A_2436 : vector<16x1x32x128xf32> to vector<16x32x128xf32>
    %slice3A_2438 = vector.extract_strided_slice %reshape3A_2435 {offsets = [0, 1, 0, 0], sizes = [16, 1, 32, 128], strides = [1, 1, 1, 1]} : vector<16x2x32x128xf32> to vector<16x1x32x128xf32>
    %squeeze3A_2439 = vector.shape_cast %slice3A_2438 : vector<16x1x32x128xf32> to vector<16x32x128xf32>
    %iota3A_2440 = tpu.iota {dimensions = array<i32: 2>} : vector<16x32x128xi32>
    %and3A_2441 = arith.constant 32 : i32
    %and3A_2442 = vector.broadcast %and3A_2441 : i32 to vector<16x32x128xi32>
    %and3A_2443 = arith.andi %iota3A_2440, %and3A_2442 : vector<16x32x128xi32>
    %ne3A_2444 = arith.constant 0 : i32
    %ne3A_2445 = vector.broadcast %ne3A_2444 : i32 to vector<16x32x128xi32>
    %ne3A_2446 = arith.cmpi ne, %and3A_2443, %ne3A_2445 : vector<16x32x128xi32>
    %min3A_2447 = arith.minimumf %squeeze3A_2437, %squeeze3A_2439 : vector<16x32x128xf32>
    %max3A_2448 = arith.maximumf %squeeze3A_2437, %squeeze3A_2439 : vector<16x32x128xf32>
    %select_n3A_2449 = arith.select %ne3A_2446, %min3A_2447, %max3A_2448 : vector<16x32x128xi1>, vector<16x32x128xf32>
    %select_n3A_2450 = arith.select %ne3A_2446, %max3A_2448, %min3A_2447 : vector<16x32x128xi1>, vector<16x32x128xf32>
    %broadcast_in_dim3A_2451 = vector.shape_cast %select_n3A_2449 : vector<16x32x128xf32> to vector<16x1x32x128xf32>
    %broadcast_in_dim3A_2452 = vector.shape_cast %select_n3A_2450 : vector<16x32x128xf32> to vector<16x1x32x128xf32>
    %concatenate3A_2453 = tpu.concatenate %broadcast_in_dim3A_2451, %broadcast_in_dim3A_2452 in 1 : vector<16x1x32x128xf32>, vector<16x1x32x128xf32> -> vector<16x2x32x128xf32>
    %reshape3A_2454 = vector.shape_cast %concatenate3A_2453 : vector<16x2x32x128xf32> to vector<1024x128xf32>
    %reshape3A_2455 = vector.shape_cast %reshape3A_2454 : vector<1024x128xf32> to vector<32x2x16x128xf32>
    %slice3A_2456 = vector.extract_strided_slice %reshape3A_2455 {offsets = [0, 0, 0, 0], sizes = [32, 1, 16, 128], strides = [1, 1, 1, 1]} : vector<32x2x16x128xf32> to vector<32x1x16x128xf32>
    %squeeze3A_2457 = vector.shape_cast %slice3A_2456 : vector<32x1x16x128xf32> to vector<32x16x128xf32>
    %slice3A_2458 = vector.extract_strided_slice %reshape3A_2455 {offsets = [0, 1, 0, 0], sizes = [32, 1, 16, 128], strides = [1, 1, 1, 1]} : vector<32x2x16x128xf32> to vector<32x1x16x128xf32>
    %squeeze3A_2459 = vector.shape_cast %slice3A_2458 : vector<32x1x16x128xf32> to vector<32x16x128xf32>
    %iota3A_2460 = tpu.iota {dimensions = array<i32: 2>} : vector<32x16x128xi32>
    %and3A_2461 = arith.constant 32 : i32
    %and3A_2462 = vector.broadcast %and3A_2461 : i32 to vector<32x16x128xi32>
    %and3A_2463 = arith.andi %iota3A_2460, %and3A_2462 : vector<32x16x128xi32>
    %ne3A_2464 = arith.constant 0 : i32
    %ne3A_2465 = vector.broadcast %ne3A_2464 : i32 to vector<32x16x128xi32>
    %ne3A_2466 = arith.cmpi ne, %and3A_2463, %ne3A_2465 : vector<32x16x128xi32>
    %min3A_2467 = arith.minimumf %squeeze3A_2457, %squeeze3A_2459 : vector<32x16x128xf32>
    %max3A_2468 = arith.maximumf %squeeze3A_2457, %squeeze3A_2459 : vector<32x16x128xf32>
    %select_n3A_2469 = arith.select %ne3A_2466, %min3A_2467, %max3A_2468 : vector<32x16x128xi1>, vector<32x16x128xf32>
    %select_n3A_2470 = arith.select %ne3A_2466, %max3A_2468, %min3A_2467 : vector<32x16x128xi1>, vector<32x16x128xf32>
    %broadcast_in_dim3A_2471 = vector.shape_cast %select_n3A_2469 : vector<32x16x128xf32> to vector<32x1x16x128xf32>
    %broadcast_in_dim3A_2472 = vector.shape_cast %select_n3A_2470 : vector<32x16x128xf32> to vector<32x1x16x128xf32>
    %concatenate3A_2473 = tpu.concatenate %broadcast_in_dim3A_2471, %broadcast_in_dim3A_2472 in 1 : vector<32x1x16x128xf32>, vector<32x1x16x128xf32> -> vector<32x2x16x128xf32>
    %reshape3A_2474 = vector.shape_cast %concatenate3A_2473 : vector<32x2x16x128xf32> to vector<1024x128xf32>
    %reshape3A_2475 = vector.shape_cast %reshape3A_2474 : vector<1024x128xf32> to vector<64x2x8x128xf32>
    %slice3A_2476 = vector.extract_strided_slice %reshape3A_2475 {offsets = [0, 0, 0, 0], sizes = [64, 1, 8, 128], strides = [1, 1, 1, 1]} : vector<64x2x8x128xf32> to vector<64x1x8x128xf32>
    %squeeze3A_2477 = vector.shape_cast %slice3A_2476 : vector<64x1x8x128xf32> to vector<64x8x128xf32>
    %slice3A_2478 = vector.extract_strided_slice %reshape3A_2475 {offsets = [0, 1, 0, 0], sizes = [64, 1, 8, 128], strides = [1, 1, 1, 1]} : vector<64x2x8x128xf32> to vector<64x1x8x128xf32>
    %squeeze3A_2479 = vector.shape_cast %slice3A_2478 : vector<64x1x8x128xf32> to vector<64x8x128xf32>
    %iota3A_2480 = tpu.iota {dimensions = array<i32: 2>} : vector<64x8x128xi32>
    %and3A_2481 = arith.constant 32 : i32
    %and3A_2482 = vector.broadcast %and3A_2481 : i32 to vector<64x8x128xi32>
    %and3A_2483 = arith.andi %iota3A_2480, %and3A_2482 : vector<64x8x128xi32>
    %ne3A_2484 = arith.constant 0 : i32
    %ne3A_2485 = vector.broadcast %ne3A_2484 : i32 to vector<64x8x128xi32>
    %ne3A_2486 = arith.cmpi ne, %and3A_2483, %ne3A_2485 : vector<64x8x128xi32>
    %min3A_2487 = arith.minimumf %squeeze3A_2477, %squeeze3A_2479 : vector<64x8x128xf32>
    %max3A_2488 = arith.maximumf %squeeze3A_2477, %squeeze3A_2479 : vector<64x8x128xf32>
    %select_n3A_2489 = arith.select %ne3A_2486, %min3A_2487, %max3A_2488 : vector<64x8x128xi1>, vector<64x8x128xf32>
    %select_n3A_2490 = arith.select %ne3A_2486, %max3A_2488, %min3A_2487 : vector<64x8x128xi1>, vector<64x8x128xf32>
    %broadcast_in_dim3A_2491 = vector.shape_cast %select_n3A_2489 : vector<64x8x128xf32> to vector<64x1x8x128xf32>
    %broadcast_in_dim3A_2492 = vector.shape_cast %select_n3A_2490 : vector<64x8x128xf32> to vector<64x1x8x128xf32>
    %concatenate3A_2493 = tpu.concatenate %broadcast_in_dim3A_2491, %broadcast_in_dim3A_2492 in 1 : vector<64x1x8x128xf32>, vector<64x1x8x128xf32> -> vector<64x2x8x128xf32>
    %reshape3A_2494 = vector.shape_cast %concatenate3A_2493 : vector<64x2x8x128xf32> to vector<1024x128xf32>
    %and3A_2495 = arith.constant 4 : i32
    %and3A_2496 = vector.broadcast %and3A_2495 : i32 to vector<1024x128xi32>
    %and3A_2497 = arith.andi %iota3A, %and3A_2496 : vector<1024x128xi32>
    %eq3A_2498 = arith.constant 0 : i32
    %eq3A_2499 = vector.broadcast %eq3A_2498 : i32 to vector<1024x128xi32>
    %eq3A_2500 = arith.cmpi eq, %and3A_2497, %eq3A_2499 : vector<1024x128xi32>
    %roll3A_2501 = arith.constant 1020 : i32
    %roll3A_2502 = tpu.dynamic_rotate %reshape3A_2494 by %roll3A_2501 dim 0 : vector<1024x128xf32>, i32 -> vector<1024x128xf32>
    %roll3A_2503 = arith.constant 4 : i32
    %roll3A_2504 = tpu.dynamic_rotate %reshape3A_2494 by %roll3A_2503 dim 0 : vector<1024x128xf32>, i32 -> vector<1024x128xf32>
    %select_n3A_2505 = arith.select %eq3A_2500, %roll3A_2502, %roll3A_2504 : vector<1024x128xi1>, vector<1024x128xf32>
    %and3A_2506 = arith.constant 32 : i32
    %and3A_2507 = vector.broadcast %and3A_2506 : i32 to vector<1024x128xi32>
    %and3A_2508 = arith.andi %iota3A_4, %and3A_2507 : vector<1024x128xi32>
    %ne3A_2509 = arith.constant 0 : i32
    %ne3A_2510 = vector.broadcast %ne3A_2509 : i32 to vector<1024x128xi32>
    %ne3A_2511 = arith.cmpi ne, %and3A_2508, %ne3A_2510 : vector<1024x128xi32>
    %min3A_2512 = arith.minimumf %reshape3A_2494, %select_n3A_2505 : vector<1024x128xf32>
    %max3A_2513 = arith.maximumf %reshape3A_2494, %select_n3A_2505 : vector<1024x128xf32>
    %eq3A_2514 = arith.xori %eq3A_2500, %ne3A_2511 : vector<1024x128xi1>
    %eq3A_2515 = arith.constant dense<true> : vector<1024x128xi1>
    %eq3A_2516 = arith.xori %eq3A_2514, %eq3A_2515 : vector<1024x128xi1>
    %select_n3A_2517 = arith.select %eq3A_2516, %min3A_2512, %max3A_2513 : vector<1024x128xi1>, vector<1024x128xf32>
    %and3A_2518 = arith.constant 2 : i32
    %and3A_2519 = vector.broadcast %and3A_2518 : i32 to vector<1024x128xi32>
    %and3A_2520 = arith.andi %iota3A, %and3A_2519 : vector<1024x128xi32>
    %eq3A_2521 = arith.constant 0 : i32
    %eq3A_2522 = vector.broadcast %eq3A_2521 : i32 to vector<1024x128xi32>
    %eq3A_2523 = arith.cmpi eq, %and3A_2520, %eq3A_2522 : vector<1024x128xi32>
    %roll3A_2524 = arith.constant 1022 : i32
    %roll3A_2525 = tpu.dynamic_rotate %select_n3A_2517 by %roll3A_2524 dim 0 : vector<1024x128xf32>, i32 -> vector<1024x128xf32>
    %roll3A_2526 = arith.constant 2 : i32
    %roll3A_2527 = tpu.dynamic_rotate %select_n3A_2517 by %roll3A_2526 dim 0 : vector<1024x128xf32>, i32 -> vector<1024x128xf32>
    %select_n3A_2528 = arith.select %eq3A_2523, %roll3A_2525, %roll3A_2527 : vector<1024x128xi1>, vector<1024x128xf32>
    %and3A_2529 = arith.constant 32 : i32
    %and3A_2530 = vector.broadcast %and3A_2529 : i32 to vector<1024x128xi32>
    %and3A_2531 = arith.andi %iota3A_4, %and3A_2530 : vector<1024x128xi32>
    %ne3A_2532 = arith.constant 0 : i32
    %ne3A_2533 = vector.broadcast %ne3A_2532 : i32 to vector<1024x128xi32>
    %ne3A_2534 = arith.cmpi ne, %and3A_2531, %ne3A_2533 : vector<1024x128xi32>
    %min3A_2535 = arith.minimumf %select_n3A_2517, %select_n3A_2528 : vector<1024x128xf32>
    %max3A_2536 = arith.maximumf %select_n3A_2517, %select_n3A_2528 : vector<1024x128xf32>
    %eq3A_2537 = arith.xori %eq3A_2523, %ne3A_2534 : vector<1024x128xi1>
    %eq3A_2538 = arith.constant dense<true> : vector<1024x128xi1>
    %eq3A_2539 = arith.xori %eq3A_2537, %eq3A_2538 : vector<1024x128xi1>
    %select_n3A_2540 = arith.select %eq3A_2539, %min3A_2535, %max3A_2536 : vector<1024x128xi1>, vector<1024x128xf32>
    %and3A_2541 = arith.constant 1 : i32
    %and3A_2542 = vector.broadcast %and3A_2541 : i32 to vector<1024x128xi32>
    %and3A_2543 = arith.andi %iota3A, %and3A_2542 : vector<1024x128xi32>
    %eq3A_2544 = arith.constant 0 : i32
    %eq3A_2545 = vector.broadcast %eq3A_2544 : i32 to vector<1024x128xi32>
    %eq3A_2546 = arith.cmpi eq, %and3A_2543, %eq3A_2545 : vector<1024x128xi32>
    %roll3A_2547 = arith.constant 1023 : i32
    %roll3A_2548 = tpu.dynamic_rotate %select_n3A_2540 by %roll3A_2547 dim 0 : vector<1024x128xf32>, i32 -> vector<1024x128xf32>
    %roll3A_2549 = arith.constant 1 : i32
    %roll3A_2550 = tpu.dynamic_rotate %select_n3A_2540 by %roll3A_2549 dim 0 : vector<1024x128xf32>, i32 -> vector<1024x128xf32>
    %select_n3A_2551 = arith.select %eq3A_2546, %roll3A_2548, %roll3A_2550 : vector<1024x128xi1>, vector<1024x128xf32>
    %and3A_2552 = arith.constant 32 : i32
    %and3A_2553 = vector.broadcast %and3A_2552 : i32 to vector<1024x128xi32>
    %and3A_2554 = arith.andi %iota3A_4, %and3A_2553 : vector<1024x128xi32>
    %ne3A_2555 = arith.constant 0 : i32
    %ne3A_2556 = vector.broadcast %ne3A_2555 : i32 to vector<1024x128xi32>
    %ne3A_2557 = arith.cmpi ne, %and3A_2554, %ne3A_2556 : vector<1024x128xi32>
    %min3A_2558 = arith.minimumf %select_n3A_2540, %select_n3A_2551 : vector<1024x128xf32>
    %max3A_2559 = arith.maximumf %select_n3A_2540, %select_n3A_2551 : vector<1024x128xf32>
    %eq3A_2560 = arith.xori %eq3A_2546, %ne3A_2557 : vector<1024x128xi1>
    %eq3A_2561 = arith.constant dense<true> : vector<1024x128xi1>
    %eq3A_2562 = arith.xori %eq3A_2560, %eq3A_2561 : vector<1024x128xi1>
    %select_n3A_2563 = arith.select %eq3A_2562, %min3A_2558, %max3A_2559 : vector<1024x128xi1>, vector<1024x128xf32>
    %and3A_2564 = arith.constant 32 : i32
    %and3A_2565 = vector.broadcast %and3A_2564 : i32 to vector<1024x128xi32>
    %and3A_2566 = arith.andi %iota3A_4, %and3A_2565 : vector<1024x128xi32>
    %eq3A_2567 = arith.constant 0 : i32
    %eq3A_2568 = vector.broadcast %eq3A_2567 : i32 to vector<1024x128xi32>
    %eq3A_2569 = arith.cmpi eq, %and3A_2566, %eq3A_2568 : vector<1024x128xi32>
    %roll3A_2570 = arith.constant 96 : i32
    %roll3A_2571 = tpu.dynamic_rotate %select_n3A_2563 by %roll3A_2570 dim 1 : vector<1024x128xf32>, i32 -> vector<1024x128xf32>
    %roll3A_2572 = arith.constant 32 : i32
    %roll3A_2573 = tpu.dynamic_rotate %select_n3A_2563 by %roll3A_2572 dim 1 : vector<1024x128xf32>, i32 -> vector<1024x128xf32>
    %select_n3A_2574 = arith.select %eq3A_2569, %roll3A_2571, %roll3A_2573 : vector<1024x128xi1>, vector<1024x128xf32>
    %and3A_2575 = arith.constant 64 : i32
    %and3A_2576 = vector.broadcast %and3A_2575 : i32 to vector<1024x128xi32>
    %and3A_2577 = arith.andi %iota3A_4, %and3A_2576 : vector<1024x128xi32>
    %ne3A_2578 = arith.constant 0 : i32
    %ne3A_2579 = vector.broadcast %ne3A_2578 : i32 to vector<1024x128xi32>
    %ne3A_2580 = arith.cmpi ne, %and3A_2577, %ne3A_2579 : vector<1024x128xi32>
    %min3A_2581 = arith.minimumf %select_n3A_2563, %select_n3A_2574 : vector<1024x128xf32>
    %max3A_2582 = arith.maximumf %select_n3A_2563, %select_n3A_2574 : vector<1024x128xf32>
    %eq3A_2583 = arith.xori %eq3A_2569, %ne3A_2580 : vector<1024x128xi1>
    %eq3A_2584 = arith.constant dense<true> : vector<1024x128xi1>
    %eq3A_2585 = arith.xori %eq3A_2583, %eq3A_2584 : vector<1024x128xi1>
    %select_n3A_2586 = arith.select %eq3A_2585, %min3A_2581, %max3A_2582 : vector<1024x128xi1>, vector<1024x128xf32>
    %and3A_2587 = arith.constant 16 : i32
    %and3A_2588 = vector.broadcast %and3A_2587 : i32 to vector<1024x128xi32>
    %and3A_2589 = arith.andi %iota3A_4, %and3A_2588 : vector<1024x128xi32>
    %eq3A_2590 = arith.constant 0 : i32
    %eq3A_2591 = vector.broadcast %eq3A_2590 : i32 to vector<1024x128xi32>
    %eq3A_2592 = arith.cmpi eq, %and3A_2589, %eq3A_2591 : vector<1024x128xi32>
    %roll3A_2593 = arith.constant 112 : i32
    %roll3A_2594 = tpu.dynamic_rotate %select_n3A_2586 by %roll3A_2593 dim 1 : vector<1024x128xf32>, i32 -> vector<1024x128xf32>
    %roll3A_2595 = arith.constant 16 : i32
    %roll3A_2596 = tpu.dynamic_rotate %select_n3A_2586 by %roll3A_2595 dim 1 : vector<1024x128xf32>, i32 -> vector<1024x128xf32>
    %select_n3A_2597 = arith.select %eq3A_2592, %roll3A_2594, %roll3A_2596 : vector<1024x128xi1>, vector<1024x128xf32>
    %and3A_2598 = arith.constant 64 : i32
    %and3A_2599 = vector.broadcast %and3A_2598 : i32 to vector<1024x128xi32>
    %and3A_2600 = arith.andi %iota3A_4, %and3A_2599 : vector<1024x128xi32>
    %ne3A_2601 = arith.constant 0 : i32
    %ne3A_2602 = vector.broadcast %ne3A_2601 : i32 to vector<1024x128xi32>
    %ne3A_2603 = arith.cmpi ne, %and3A_2600, %ne3A_2602 : vector<1024x128xi32>
    %min3A_2604 = arith.minimumf %select_n3A_2586, %select_n3A_2597 : vector<1024x128xf32>
    %max3A_2605 = arith.maximumf %select_n3A_2586, %select_n3A_2597 : vector<1024x128xf32>
    %eq3A_2606 = arith.xori %eq3A_2592, %ne3A_2603 : vector<1024x128xi1>
    %eq3A_2607 = arith.constant dense<true> : vector<1024x128xi1>
    %eq3A_2608 = arith.xori %eq3A_2606, %eq3A_2607 : vector<1024x128xi1>
    %select_n3A_2609 = arith.select %eq3A_2608, %min3A_2604, %max3A_2605 : vector<1024x128xi1>, vector<1024x128xf32>
    %and3A_2610 = arith.constant 8 : i32
    %and3A_2611 = vector.broadcast %and3A_2610 : i32 to vector<1024x128xi32>
    %and3A_2612 = arith.andi %iota3A_4, %and3A_2611 : vector<1024x128xi32>
    %eq3A_2613 = arith.constant 0 : i32
    %eq3A_2614 = vector.broadcast %eq3A_2613 : i32 to vector<1024x128xi32>
    %eq3A_2615 = arith.cmpi eq, %and3A_2612, %eq3A_2614 : vector<1024x128xi32>
    %roll3A_2616 = arith.constant 120 : i32
    %roll3A_2617 = tpu.dynamic_rotate %select_n3A_2609 by %roll3A_2616 dim 1 : vector<1024x128xf32>, i32 -> vector<1024x128xf32>
    %roll3A_2618 = arith.constant 8 : i32
    %roll3A_2619 = tpu.dynamic_rotate %select_n3A_2609 by %roll3A_2618 dim 1 : vector<1024x128xf32>, i32 -> vector<1024x128xf32>
    %select_n3A_2620 = arith.select %eq3A_2615, %roll3A_2617, %roll3A_2619 : vector<1024x128xi1>, vector<1024x128xf32>
    %and3A_2621 = arith.constant 64 : i32
    %and3A_2622 = vector.broadcast %and3A_2621 : i32 to vector<1024x128xi32>
    %and3A_2623 = arith.andi %iota3A_4, %and3A_2622 : vector<1024x128xi32>
    %ne3A_2624 = arith.constant 0 : i32
    %ne3A_2625 = vector.broadcast %ne3A_2624 : i32 to vector<1024x128xi32>
    %ne3A_2626 = arith.cmpi ne, %and3A_2623, %ne3A_2625 : vector<1024x128xi32>
    %min3A_2627 = arith.minimumf %select_n3A_2609, %select_n3A_2620 : vector<1024x128xf32>
    %max3A_2628 = arith.maximumf %select_n3A_2609, %select_n3A_2620 : vector<1024x128xf32>
    %eq3A_2629 = arith.xori %eq3A_2615, %ne3A_2626 : vector<1024x128xi1>
    %eq3A_2630 = arith.constant dense<true> : vector<1024x128xi1>
    %eq3A_2631 = arith.xori %eq3A_2629, %eq3A_2630 : vector<1024x128xi1>
    %select_n3A_2632 = arith.select %eq3A_2631, %min3A_2627, %max3A_2628 : vector<1024x128xi1>, vector<1024x128xf32>
    %and3A_2633 = arith.constant 4 : i32
    %and3A_2634 = vector.broadcast %and3A_2633 : i32 to vector<1024x128xi32>
    %and3A_2635 = arith.andi %iota3A_4, %and3A_2634 : vector<1024x128xi32>
    %eq3A_2636 = arith.constant 0 : i32
    %eq3A_2637 = vector.broadcast %eq3A_2636 : i32 to vector<1024x128xi32>
    %eq3A_2638 = arith.cmpi eq, %and3A_2635, %eq3A_2637 : vector<1024x128xi32>
    %roll3A_2639 = arith.constant 124 : i32
    %roll3A_2640 = tpu.dynamic_rotate %select_n3A_2632 by %roll3A_2639 dim 1 : vector<1024x128xf32>, i32 -> vector<1024x128xf32>
    %roll3A_2641 = arith.constant 4 : i32
    %roll3A_2642 = tpu.dynamic_rotate %select_n3A_2632 by %roll3A_2641 dim 1 : vector<1024x128xf32>, i32 -> vector<1024x128xf32>
    %select_n3A_2643 = arith.select %eq3A_2638, %roll3A_2640, %roll3A_2642 : vector<1024x128xi1>, vector<1024x128xf32>
    %and3A_2644 = arith.constant 64 : i32
    %and3A_2645 = vector.broadcast %and3A_2644 : i32 to vector<1024x128xi32>
    %and3A_2646 = arith.andi %iota3A_4, %and3A_2645 : vector<1024x128xi32>
    %ne3A_2647 = arith.constant 0 : i32
    %ne3A_2648 = vector.broadcast %ne3A_2647 : i32 to vector<1024x128xi32>
    %ne3A_2649 = arith.cmpi ne, %and3A_2646, %ne3A_2648 : vector<1024x128xi32>
    %min3A_2650 = arith.minimumf %select_n3A_2632, %select_n3A_2643 : vector<1024x128xf32>
    %max3A_2651 = arith.maximumf %select_n3A_2632, %select_n3A_2643 : vector<1024x128xf32>
    %eq3A_2652 = arith.xori %eq3A_2638, %ne3A_2649 : vector<1024x128xi1>
    %eq3A_2653 = arith.constant dense<true> : vector<1024x128xi1>
    %eq3A_2654 = arith.xori %eq3A_2652, %eq3A_2653 : vector<1024x128xi1>
    %select_n3A_2655 = arith.select %eq3A_2654, %min3A_2650, %max3A_2651 : vector<1024x128xi1>, vector<1024x128xf32>
    %and3A_2656 = arith.constant 2 : i32
    %and3A_2657 = vector.broadcast %and3A_2656 : i32 to vector<1024x128xi32>
    %and3A_2658 = arith.andi %iota3A_4, %and3A_2657 : vector<1024x128xi32>
    %eq3A_2659 = arith.constant 0 : i32
    %eq3A_2660 = vector.broadcast %eq3A_2659 : i32 to vector<1024x128xi32>
    %eq3A_2661 = arith.cmpi eq, %and3A_2658, %eq3A_2660 : vector<1024x128xi32>
    %roll3A_2662 = arith.constant 126 : i32
    %roll3A_2663 = tpu.dynamic_rotate %select_n3A_2655 by %roll3A_2662 dim 1 : vector<1024x128xf32>, i32 -> vector<1024x128xf32>
    %roll3A_2664 = arith.constant 2 : i32
    %roll3A_2665 = tpu.dynamic_rotate %select_n3A_2655 by %roll3A_2664 dim 1 : vector<1024x128xf32>, i32 -> vector<1024x128xf32>
    %select_n3A_2666 = arith.select %eq3A_2661, %roll3A_2663, %roll3A_2665 : vector<1024x128xi1>, vector<1024x128xf32>
    %and3A_2667 = arith.constant 64 : i32
    %and3A_2668 = vector.broadcast %and3A_2667 : i32 to vector<1024x128xi32>
    %and3A_2669 = arith.andi %iota3A_4, %and3A_2668 : vector<1024x128xi32>
    %ne3A_2670 = arith.constant 0 : i32
    %ne3A_2671 = vector.broadcast %ne3A_2670 : i32 to vector<1024x128xi32>
    %ne3A_2672 = arith.cmpi ne, %and3A_2669, %ne3A_2671 : vector<1024x128xi32>
    %min3A_2673 = arith.minimumf %select_n3A_2655, %select_n3A_2666 : vector<1024x128xf32>
    %max3A_2674 = arith.maximumf %select_n3A_2655, %select_n3A_2666 : vector<1024x128xf32>
    %eq3A_2675 = arith.xori %eq3A_2661, %ne3A_2672 : vector<1024x128xi1>
    %eq3A_2676 = arith.constant dense<true> : vector<1024x128xi1>
    %eq3A_2677 = arith.xori %eq3A_2675, %eq3A_2676 : vector<1024x128xi1>
    %select_n3A_2678 = arith.select %eq3A_2677, %min3A_2673, %max3A_2674 : vector<1024x128xi1>, vector<1024x128xf32>
    %and3A_2679 = arith.constant 1 : i32
    %and3A_2680 = vector.broadcast %and3A_2679 : i32 to vector<1024x128xi32>
    %and3A_2681 = arith.andi %iota3A_4, %and3A_2680 : vector<1024x128xi32>
    %eq3A_2682 = arith.constant 0 : i32
    %eq3A_2683 = vector.broadcast %eq3A_2682 : i32 to vector<1024x128xi32>
    %eq3A_2684 = arith.cmpi eq, %and3A_2681, %eq3A_2683 : vector<1024x128xi32>
    %roll3A_2685 = arith.constant 127 : i32
    %roll3A_2686 = tpu.dynamic_rotate %select_n3A_2678 by %roll3A_2685 dim 1 : vector<1024x128xf32>, i32 -> vector<1024x128xf32>
    %roll3A_2687 = arith.constant 1 : i32
    %roll3A_2688 = tpu.dynamic_rotate %select_n3A_2678 by %roll3A_2687 dim 1 : vector<1024x128xf32>, i32 -> vector<1024x128xf32>
    %select_n3A_2689 = arith.select %eq3A_2684, %roll3A_2686, %roll3A_2688 : vector<1024x128xi1>, vector<1024x128xf32>
    %and3A_2690 = arith.constant 64 : i32
    %and3A_2691 = vector.broadcast %and3A_2690 : i32 to vector<1024x128xi32>
    %and3A_2692 = arith.andi %iota3A_4, %and3A_2691 : vector<1024x128xi32>
    %ne3A_2693 = arith.constant 0 : i32
    %ne3A_2694 = vector.broadcast %ne3A_2693 : i32 to vector<1024x128xi32>
    %ne3A_2695 = arith.cmpi ne, %and3A_2692, %ne3A_2694 : vector<1024x128xi32>
    %min3A_2696 = arith.minimumf %select_n3A_2678, %select_n3A_2689 : vector<1024x128xf32>
    %max3A_2697 = arith.maximumf %select_n3A_2678, %select_n3A_2689 : vector<1024x128xf32>
    %eq3A_2698 = arith.xori %eq3A_2684, %ne3A_2695 : vector<1024x128xi1>
    %eq3A_2699 = arith.constant dense<true> : vector<1024x128xi1>
    %eq3A_2700 = arith.xori %eq3A_2698, %eq3A_2699 : vector<1024x128xi1>
    %select_n3A_2701 = arith.select %eq3A_2700, %min3A_2696, %max3A_2697 : vector<1024x128xi1>, vector<1024x128xf32>
    %reshape3A_2702 = vector.shape_cast %select_n3A_2701 : vector<1024x128xf32> to vector<1x2x512x128xf32>
    %slice3A_2703 = vector.extract_strided_slice %reshape3A_2702 {offsets = [0, 0, 0, 0], sizes = [1, 1, 512, 128], strides = [1, 1, 1, 1]} : vector<1x2x512x128xf32> to vector<1x1x512x128xf32>
    %squeeze3A_2704 = vector.shape_cast %slice3A_2703 : vector<1x1x512x128xf32> to vector<1x512x128xf32>
    %slice3A_2705 = vector.extract_strided_slice %reshape3A_2702 {offsets = [0, 1, 0, 0], sizes = [1, 1, 512, 128], strides = [1, 1, 1, 1]} : vector<1x2x512x128xf32> to vector<1x1x512x128xf32>
    %squeeze3A_2706 = vector.shape_cast %slice3A_2705 : vector<1x1x512x128xf32> to vector<1x512x128xf32>
    %iota3A_2707 = tpu.iota {dimensions = array<i32: 2>} : vector<1x512x128xi32>
    %and3A_2708 = arith.constant 64 : i32
    %and3A_2709 = vector.broadcast %and3A_2708 : i32 to vector<1x512x128xi32>
    %and3A_2710 = arith.andi %iota3A_2707, %and3A_2709 : vector<1x512x128xi32>
    %ne3A_2711 = arith.constant 0 : i32
    %ne3A_2712 = vector.broadcast %ne3A_2711 : i32 to vector<1x512x128xi32>
    %ne3A_2713 = arith.cmpi ne, %and3A_2710, %ne3A_2712 : vector<1x512x128xi32>
    %min3A_2714 = arith.minimumf %squeeze3A_2704, %squeeze3A_2706 : vector<1x512x128xf32>
    %max3A_2715 = arith.maximumf %squeeze3A_2704, %squeeze3A_2706 : vector<1x512x128xf32>
    %select_n3A_2716 = arith.select %ne3A_2713, %min3A_2714, %max3A_2715 : vector<1x512x128xi1>, vector<1x512x128xf32>
    %select_n3A_2717 = arith.select %ne3A_2713, %max3A_2715, %min3A_2714 : vector<1x512x128xi1>, vector<1x512x128xf32>
    %broadcast_in_dim3A_2718 = vector.shape_cast %select_n3A_2716 : vector<1x512x128xf32> to vector<1x1x512x128xf32>
    %broadcast_in_dim3A_2719 = vector.shape_cast %select_n3A_2717 : vector<1x512x128xf32> to vector<1x1x512x128xf32>
    %concatenate3A_2720 = tpu.concatenate %broadcast_in_dim3A_2718, %broadcast_in_dim3A_2719 in 1 : vector<1x1x512x128xf32>, vector<1x1x512x128xf32> -> vector<1x2x512x128xf32>
    %reshape3A_2721 = vector.shape_cast %concatenate3A_2720 : vector<1x2x512x128xf32> to vector<1024x128xf32>
    %reshape3A_2722 = vector.shape_cast %reshape3A_2721 : vector<1024x128xf32> to vector<2x2x256x128xf32>
    %slice3A_2723 = vector.extract_strided_slice %reshape3A_2722 {offsets = [0, 0, 0, 0], sizes = [2, 1, 256, 128], strides = [1, 1, 1, 1]} : vector<2x2x256x128xf32> to vector<2x1x256x128xf32>
    %squeeze3A_2724 = vector.shape_cast %slice3A_2723 : vector<2x1x256x128xf32> to vector<2x256x128xf32>
    %slice3A_2725 = vector.extract_strided_slice %reshape3A_2722 {offsets = [0, 1, 0, 0], sizes = [2, 1, 256, 128], strides = [1, 1, 1, 1]} : vector<2x2x256x128xf32> to vector<2x1x256x128xf32>
    %squeeze3A_2726 = vector.shape_cast %slice3A_2725 : vector<2x1x256x128xf32> to vector<2x256x128xf32>
    %iota3A_2727 = tpu.iota {dimensions = array<i32: 2>} : vector<2x256x128xi32>
    %and3A_2728 = arith.constant 64 : i32
    %and3A_2729 = vector.broadcast %and3A_2728 : i32 to vector<2x256x128xi32>
    %and3A_2730 = arith.andi %iota3A_2727, %and3A_2729 : vector<2x256x128xi32>
    %ne3A_2731 = arith.constant 0 : i32
    %ne3A_2732 = vector.broadcast %ne3A_2731 : i32 to vector<2x256x128xi32>
    %ne3A_2733 = arith.cmpi ne, %and3A_2730, %ne3A_2732 : vector<2x256x128xi32>
    %min3A_2734 = arith.minimumf %squeeze3A_2724, %squeeze3A_2726 : vector<2x256x128xf32>
    %max3A_2735 = arith.maximumf %squeeze3A_2724, %squeeze3A_2726 : vector<2x256x128xf32>
    %select_n3A_2736 = arith.select %ne3A_2733, %min3A_2734, %max3A_2735 : vector<2x256x128xi1>, vector<2x256x128xf32>
    %select_n3A_2737 = arith.select %ne3A_2733, %max3A_2735, %min3A_2734 : vector<2x256x128xi1>, vector<2x256x128xf32>
    %broadcast_in_dim3A_2738 = vector.shape_cast %select_n3A_2736 : vector<2x256x128xf32> to vector<2x1x256x128xf32>
    %broadcast_in_dim3A_2739 = vector.shape_cast %select_n3A_2737 : vector<2x256x128xf32> to vector<2x1x256x128xf32>
    %concatenate3A_2740 = tpu.concatenate %broadcast_in_dim3A_2738, %broadcast_in_dim3A_2739 in 1 : vector<2x1x256x128xf32>, vector<2x1x256x128xf32> -> vector<2x2x256x128xf32>
    %reshape3A_2741 = vector.shape_cast %concatenate3A_2740 : vector<2x2x256x128xf32> to vector<1024x128xf32>
    %reshape3A_2742 = vector.shape_cast %reshape3A_2741 : vector<1024x128xf32> to vector<4x2x128x128xf32>
    %slice3A_2743 = vector.extract_strided_slice %reshape3A_2742 {offsets = [0, 0, 0, 0], sizes = [4, 1, 128, 128], strides = [1, 1, 1, 1]} : vector<4x2x128x128xf32> to vector<4x1x128x128xf32>
    %squeeze3A_2744 = vector.shape_cast %slice3A_2743 : vector<4x1x128x128xf32> to vector<4x128x128xf32>
    %slice3A_2745 = vector.extract_strided_slice %reshape3A_2742 {offsets = [0, 1, 0, 0], sizes = [4, 1, 128, 128], strides = [1, 1, 1, 1]} : vector<4x2x128x128xf32> to vector<4x1x128x128xf32>
    %squeeze3A_2746 = vector.shape_cast %slice3A_2745 : vector<4x1x128x128xf32> to vector<4x128x128xf32>
    %iota3A_2747 = tpu.iota {dimensions = array<i32: 2>} : vector<4x128x128xi32>
    %and3A_2748 = arith.constant 64 : i32
    %and3A_2749 = vector.broadcast %and3A_2748 : i32 to vector<4x128x128xi32>
    %and3A_2750 = arith.andi %iota3A_2747, %and3A_2749 : vector<4x128x128xi32>
    %ne3A_2751 = arith.constant 0 : i32
    %ne3A_2752 = vector.broadcast %ne3A_2751 : i32 to vector<4x128x128xi32>
    %ne3A_2753 = arith.cmpi ne, %and3A_2750, %ne3A_2752 : vector<4x128x128xi32>
    %min3A_2754 = arith.minimumf %squeeze3A_2744, %squeeze3A_2746 : vector<4x128x128xf32>
    %max3A_2755 = arith.maximumf %squeeze3A_2744, %squeeze3A_2746 : vector<4x128x128xf32>
    %select_n3A_2756 = arith.select %ne3A_2753, %min3A_2754, %max3A_2755 : vector<4x128x128xi1>, vector<4x128x128xf32>
    %select_n3A_2757 = arith.select %ne3A_2753, %max3A_2755, %min3A_2754 : vector<4x128x128xi1>, vector<4x128x128xf32>
    %broadcast_in_dim3A_2758 = vector.shape_cast %select_n3A_2756 : vector<4x128x128xf32> to vector<4x1x128x128xf32>
    %broadcast_in_dim3A_2759 = vector.shape_cast %select_n3A_2757 : vector<4x128x128xf32> to vector<4x1x128x128xf32>
    %concatenate3A_2760 = tpu.concatenate %broadcast_in_dim3A_2758, %broadcast_in_dim3A_2759 in 1 : vector<4x1x128x128xf32>, vector<4x1x128x128xf32> -> vector<4x2x128x128xf32>
    %reshape3A_2761 = vector.shape_cast %concatenate3A_2760 : vector<4x2x128x128xf32> to vector<1024x128xf32>
    %reshape3A_2762 = vector.shape_cast %reshape3A_2761 : vector<1024x128xf32> to vector<8x2x64x128xf32>
    %slice3A_2763 = vector.extract_strided_slice %reshape3A_2762 {offsets = [0, 0, 0, 0], sizes = [8, 1, 64, 128], strides = [1, 1, 1, 1]} : vector<8x2x64x128xf32> to vector<8x1x64x128xf32>
    %squeeze3A_2764 = vector.shape_cast %slice3A_2763 : vector<8x1x64x128xf32> to vector<8x64x128xf32>
    %slice3A_2765 = vector.extract_strided_slice %reshape3A_2762 {offsets = [0, 1, 0, 0], sizes = [8, 1, 64, 128], strides = [1, 1, 1, 1]} : vector<8x2x64x128xf32> to vector<8x1x64x128xf32>
    %squeeze3A_2766 = vector.shape_cast %slice3A_2765 : vector<8x1x64x128xf32> to vector<8x64x128xf32>
    %iota3A_2767 = tpu.iota {dimensions = array<i32: 2>} : vector<8x64x128xi32>
    %and3A_2768 = arith.constant 64 : i32
    %and3A_2769 = vector.broadcast %and3A_2768 : i32 to vector<8x64x128xi32>
    %and3A_2770 = arith.andi %iota3A_2767, %and3A_2769 : vector<8x64x128xi32>
    %ne3A_2771 = arith.constant 0 : i32
    %ne3A_2772 = vector.broadcast %ne3A_2771 : i32 to vector<8x64x128xi32>
    %ne3A_2773 = arith.cmpi ne, %and3A_2770, %ne3A_2772 : vector<8x64x128xi32>
    %min3A_2774 = arith.minimumf %squeeze3A_2764, %squeeze3A_2766 : vector<8x64x128xf32>
    %max3A_2775 = arith.maximumf %squeeze3A_2764, %squeeze3A_2766 : vector<8x64x128xf32>
    %select_n3A_2776 = arith.select %ne3A_2773, %min3A_2774, %max3A_2775 : vector<8x64x128xi1>, vector<8x64x128xf32>
    %select_n3A_2777 = arith.select %ne3A_2773, %max3A_2775, %min3A_2774 : vector<8x64x128xi1>, vector<8x64x128xf32>
    %broadcast_in_dim3A_2778 = vector.shape_cast %select_n3A_2776 : vector<8x64x128xf32> to vector<8x1x64x128xf32>
    %broadcast_in_dim3A_2779 = vector.shape_cast %select_n3A_2777 : vector<8x64x128xf32> to vector<8x1x64x128xf32>
    %concatenate3A_2780 = tpu.concatenate %broadcast_in_dim3A_2778, %broadcast_in_dim3A_2779 in 1 : vector<8x1x64x128xf32>, vector<8x1x64x128xf32> -> vector<8x2x64x128xf32>
    %reshape3A_2781 = vector.shape_cast %concatenate3A_2780 : vector<8x2x64x128xf32> to vector<1024x128xf32>
    %reshape3A_2782 = vector.shape_cast %reshape3A_2781 : vector<1024x128xf32> to vector<16x2x32x128xf32>
    %slice3A_2783 = vector.extract_strided_slice %reshape3A_2782 {offsets = [0, 0, 0, 0], sizes = [16, 1, 32, 128], strides = [1, 1, 1, 1]} : vector<16x2x32x128xf32> to vector<16x1x32x128xf32>
    %squeeze3A_2784 = vector.shape_cast %slice3A_2783 : vector<16x1x32x128xf32> to vector<16x32x128xf32>
    %slice3A_2785 = vector.extract_strided_slice %reshape3A_2782 {offsets = [0, 1, 0, 0], sizes = [16, 1, 32, 128], strides = [1, 1, 1, 1]} : vector<16x2x32x128xf32> to vector<16x1x32x128xf32>
    %squeeze3A_2786 = vector.shape_cast %slice3A_2785 : vector<16x1x32x128xf32> to vector<16x32x128xf32>
    %iota3A_2787 = tpu.iota {dimensions = array<i32: 2>} : vector<16x32x128xi32>
    %and3A_2788 = arith.constant 64 : i32
    %and3A_2789 = vector.broadcast %and3A_2788 : i32 to vector<16x32x128xi32>
    %and3A_2790 = arith.andi %iota3A_2787, %and3A_2789 : vector<16x32x128xi32>
    %ne3A_2791 = arith.constant 0 : i32
    %ne3A_2792 = vector.broadcast %ne3A_2791 : i32 to vector<16x32x128xi32>
    %ne3A_2793 = arith.cmpi ne, %and3A_2790, %ne3A_2792 : vector<16x32x128xi32>
    %min3A_2794 = arith.minimumf %squeeze3A_2784, %squeeze3A_2786 : vector<16x32x128xf32>
    %max3A_2795 = arith.maximumf %squeeze3A_2784, %squeeze3A_2786 : vector<16x32x128xf32>
    %select_n3A_2796 = arith.select %ne3A_2793, %min3A_2794, %max3A_2795 : vector<16x32x128xi1>, vector<16x32x128xf32>
    %select_n3A_2797 = arith.select %ne3A_2793, %max3A_2795, %min3A_2794 : vector<16x32x128xi1>, vector<16x32x128xf32>
    %broadcast_in_dim3A_2798 = vector.shape_cast %select_n3A_2796 : vector<16x32x128xf32> to vector<16x1x32x128xf32>
    %broadcast_in_dim3A_2799 = vector.shape_cast %select_n3A_2797 : vector<16x32x128xf32> to vector<16x1x32x128xf32>
    %concatenate3A_2800 = tpu.concatenate %broadcast_in_dim3A_2798, %broadcast_in_dim3A_2799 in 1 : vector<16x1x32x128xf32>, vector<16x1x32x128xf32> -> vector<16x2x32x128xf32>
    %reshape3A_2801 = vector.shape_cast %concatenate3A_2800 : vector<16x2x32x128xf32> to vector<1024x128xf32>
    %reshape3A_2802 = vector.shape_cast %reshape3A_2801 : vector<1024x128xf32> to vector<32x2x16x128xf32>
    %slice3A_2803 = vector.extract_strided_slice %reshape3A_2802 {offsets = [0, 0, 0, 0], sizes = [32, 1, 16, 128], strides = [1, 1, 1, 1]} : vector<32x2x16x128xf32> to vector<32x1x16x128xf32>
    %squeeze3A_2804 = vector.shape_cast %slice3A_2803 : vector<32x1x16x128xf32> to vector<32x16x128xf32>
    %slice3A_2805 = vector.extract_strided_slice %reshape3A_2802 {offsets = [0, 1, 0, 0], sizes = [32, 1, 16, 128], strides = [1, 1, 1, 1]} : vector<32x2x16x128xf32> to vector<32x1x16x128xf32>
    %squeeze3A_2806 = vector.shape_cast %slice3A_2805 : vector<32x1x16x128xf32> to vector<32x16x128xf32>
    %iota3A_2807 = tpu.iota {dimensions = array<i32: 2>} : vector<32x16x128xi32>
    %and3A_2808 = arith.constant 64 : i32
    %and3A_2809 = vector.broadcast %and3A_2808 : i32 to vector<32x16x128xi32>
    %and3A_2810 = arith.andi %iota3A_2807, %and3A_2809 : vector<32x16x128xi32>
    %ne3A_2811 = arith.constant 0 : i32
    %ne3A_2812 = vector.broadcast %ne3A_2811 : i32 to vector<32x16x128xi32>
    %ne3A_2813 = arith.cmpi ne, %and3A_2810, %ne3A_2812 : vector<32x16x128xi32>
    %min3A_2814 = arith.minimumf %squeeze3A_2804, %squeeze3A_2806 : vector<32x16x128xf32>
    %max3A_2815 = arith.maximumf %squeeze3A_2804, %squeeze3A_2806 : vector<32x16x128xf32>
    %select_n3A_2816 = arith.select %ne3A_2813, %min3A_2814, %max3A_2815 : vector<32x16x128xi1>, vector<32x16x128xf32>
    %select_n3A_2817 = arith.select %ne3A_2813, %max3A_2815, %min3A_2814 : vector<32x16x128xi1>, vector<32x16x128xf32>
    %broadcast_in_dim3A_2818 = vector.shape_cast %select_n3A_2816 : vector<32x16x128xf32> to vector<32x1x16x128xf32>
    %broadcast_in_dim3A_2819 = vector.shape_cast %select_n3A_2817 : vector<32x16x128xf32> to vector<32x1x16x128xf32>
    %concatenate3A_2820 = tpu.concatenate %broadcast_in_dim3A_2818, %broadcast_in_dim3A_2819 in 1 : vector<32x1x16x128xf32>, vector<32x1x16x128xf32> -> vector<32x2x16x128xf32>
    %reshape3A_2821 = vector.shape_cast %concatenate3A_2820 : vector<32x2x16x128xf32> to vector<1024x128xf32>
    %reshape3A_2822 = vector.shape_cast %reshape3A_2821 : vector<1024x128xf32> to vector<64x2x8x128xf32>
    %slice3A_2823 = vector.extract_strided_slice %reshape3A_2822 {offsets = [0, 0, 0, 0], sizes = [64, 1, 8, 128], strides = [1, 1, 1, 1]} : vector<64x2x8x128xf32> to vector<64x1x8x128xf32>
    %squeeze3A_2824 = vector.shape_cast %slice3A_2823 : vector<64x1x8x128xf32> to vector<64x8x128xf32>
    %slice3A_2825 = vector.extract_strided_slice %reshape3A_2822 {offsets = [0, 1, 0, 0], sizes = [64, 1, 8, 128], strides = [1, 1, 1, 1]} : vector<64x2x8x128xf32> to vector<64x1x8x128xf32>
    %squeeze3A_2826 = vector.shape_cast %slice3A_2825 : vector<64x1x8x128xf32> to vector<64x8x128xf32>
    %iota3A_2827 = tpu.iota {dimensions = array<i32: 2>} : vector<64x8x128xi32>
    %and3A_2828 = arith.constant 64 : i32
    %and3A_2829 = vector.broadcast %and3A_2828 : i32 to vector<64x8x128xi32>
    %and3A_2830 = arith.andi %iota3A_2827, %and3A_2829 : vector<64x8x128xi32>
    %ne3A_2831 = arith.constant 0 : i32
    %ne3A_2832 = vector.broadcast %ne3A_2831 : i32 to vector<64x8x128xi32>
    %ne3A_2833 = arith.cmpi ne, %and3A_2830, %ne3A_2832 : vector<64x8x128xi32>
    %min3A_2834 = arith.minimumf %squeeze3A_2824, %squeeze3A_2826 : vector<64x8x128xf32>
    %max3A_2835 = arith.maximumf %squeeze3A_2824, %squeeze3A_2826 : vector<64x8x128xf32>
    %select_n3A_2836 = arith.select %ne3A_2833, %min3A_2834, %max3A_2835 : vector<64x8x128xi1>, vector<64x8x128xf32>
    %select_n3A_2837 = arith.select %ne3A_2833, %max3A_2835, %min3A_2834 : vector<64x8x128xi1>, vector<64x8x128xf32>
    %broadcast_in_dim3A_2838 = vector.shape_cast %select_n3A_2836 : vector<64x8x128xf32> to vector<64x1x8x128xf32>
    %broadcast_in_dim3A_2839 = vector.shape_cast %select_n3A_2837 : vector<64x8x128xf32> to vector<64x1x8x128xf32>
    %concatenate3A_2840 = tpu.concatenate %broadcast_in_dim3A_2838, %broadcast_in_dim3A_2839 in 1 : vector<64x1x8x128xf32>, vector<64x1x8x128xf32> -> vector<64x2x8x128xf32>
    %reshape3A_2841 = vector.shape_cast %concatenate3A_2840 : vector<64x2x8x128xf32> to vector<1024x128xf32>
    %and3A_2842 = arith.constant 4 : i32
    %and3A_2843 = vector.broadcast %and3A_2842 : i32 to vector<1024x128xi32>
    %and3A_2844 = arith.andi %iota3A, %and3A_2843 : vector<1024x128xi32>
    %eq3A_2845 = arith.constant 0 : i32
    %eq3A_2846 = vector.broadcast %eq3A_2845 : i32 to vector<1024x128xi32>
    %eq3A_2847 = arith.cmpi eq, %and3A_2844, %eq3A_2846 : vector<1024x128xi32>
    %roll3A_2848 = arith.constant 1020 : i32
    %roll3A_2849 = tpu.dynamic_rotate %reshape3A_2841 by %roll3A_2848 dim 0 : vector<1024x128xf32>, i32 -> vector<1024x128xf32>
    %roll3A_2850 = arith.constant 4 : i32
    %roll3A_2851 = tpu.dynamic_rotate %reshape3A_2841 by %roll3A_2850 dim 0 : vector<1024x128xf32>, i32 -> vector<1024x128xf32>
    %select_n3A_2852 = arith.select %eq3A_2847, %roll3A_2849, %roll3A_2851 : vector<1024x128xi1>, vector<1024x128xf32>
    %and3A_2853 = arith.constant 64 : i32
    %and3A_2854 = vector.broadcast %and3A_2853 : i32 to vector<1024x128xi32>
    %and3A_2855 = arith.andi %iota3A_4, %and3A_2854 : vector<1024x128xi32>
    %ne3A_2856 = arith.constant 0 : i32
    %ne3A_2857 = vector.broadcast %ne3A_2856 : i32 to vector<1024x128xi32>
    %ne3A_2858 = arith.cmpi ne, %and3A_2855, %ne3A_2857 : vector<1024x128xi32>
    %min3A_2859 = arith.minimumf %reshape3A_2841, %select_n3A_2852 : vector<1024x128xf32>
    %max3A_2860 = arith.maximumf %reshape3A_2841, %select_n3A_2852 : vector<1024x128xf32>
    %eq3A_2861 = arith.xori %eq3A_2847, %ne3A_2858 : vector<1024x128xi1>
    %eq3A_2862 = arith.constant dense<true> : vector<1024x128xi1>
    %eq3A_2863 = arith.xori %eq3A_2861, %eq3A_2862 : vector<1024x128xi1>
    %select_n3A_2864 = arith.select %eq3A_2863, %min3A_2859, %max3A_2860 : vector<1024x128xi1>, vector<1024x128xf32>
    %and3A_2865 = arith.constant 2 : i32
    %and3A_2866 = vector.broadcast %and3A_2865 : i32 to vector<1024x128xi32>
    %and3A_2867 = arith.andi %iota3A, %and3A_2866 : vector<1024x128xi32>
    %eq3A_2868 = arith.constant 0 : i32
    %eq3A_2869 = vector.broadcast %eq3A_2868 : i32 to vector<1024x128xi32>
    %eq3A_2870 = arith.cmpi eq, %and3A_2867, %eq3A_2869 : vector<1024x128xi32>
    %roll3A_2871 = arith.constant 1022 : i32
    %roll3A_2872 = tpu.dynamic_rotate %select_n3A_2864 by %roll3A_2871 dim 0 : vector<1024x128xf32>, i32 -> vector<1024x128xf32>
    %roll3A_2873 = arith.constant 2 : i32
    %roll3A_2874 = tpu.dynamic_rotate %select_n3A_2864 by %roll3A_2873 dim 0 : vector<1024x128xf32>, i32 -> vector<1024x128xf32>
    %select_n3A_2875 = arith.select %eq3A_2870, %roll3A_2872, %roll3A_2874 : vector<1024x128xi1>, vector<1024x128xf32>
    %and3A_2876 = arith.constant 64 : i32
    %and3A_2877 = vector.broadcast %and3A_2876 : i32 to vector<1024x128xi32>
    %and3A_2878 = arith.andi %iota3A_4, %and3A_2877 : vector<1024x128xi32>
    %ne3A_2879 = arith.constant 0 : i32
    %ne3A_2880 = vector.broadcast %ne3A_2879 : i32 to vector<1024x128xi32>
    %ne3A_2881 = arith.cmpi ne, %and3A_2878, %ne3A_2880 : vector<1024x128xi32>
    %min3A_2882 = arith.minimumf %select_n3A_2864, %select_n3A_2875 : vector<1024x128xf32>
    %max3A_2883 = arith.maximumf %select_n3A_2864, %select_n3A_2875 : vector<1024x128xf32>
    %eq3A_2884 = arith.xori %eq3A_2870, %ne3A_2881 : vector<1024x128xi1>
    %eq3A_2885 = arith.constant dense<true> : vector<1024x128xi1>
    %eq3A_2886 = arith.xori %eq3A_2884, %eq3A_2885 : vector<1024x128xi1>
    %select_n3A_2887 = arith.select %eq3A_2886, %min3A_2882, %max3A_2883 : vector<1024x128xi1>, vector<1024x128xf32>
    %and3A_2888 = arith.constant 1 : i32
    %and3A_2889 = vector.broadcast %and3A_2888 : i32 to vector<1024x128xi32>
    %and3A_2890 = arith.andi %iota3A, %and3A_2889 : vector<1024x128xi32>
    %eq3A_2891 = arith.constant 0 : i32
    %eq3A_2892 = vector.broadcast %eq3A_2891 : i32 to vector<1024x128xi32>
    %eq3A_2893 = arith.cmpi eq, %and3A_2890, %eq3A_2892 : vector<1024x128xi32>
    %roll3A_2894 = arith.constant 1023 : i32
    %roll3A_2895 = tpu.dynamic_rotate %select_n3A_2887 by %roll3A_2894 dim 0 : vector<1024x128xf32>, i32 -> vector<1024x128xf32>
    %roll3A_2896 = arith.constant 1 : i32
    %roll3A_2897 = tpu.dynamic_rotate %select_n3A_2887 by %roll3A_2896 dim 0 : vector<1024x128xf32>, i32 -> vector<1024x128xf32>
    %select_n3A_2898 = arith.select %eq3A_2893, %roll3A_2895, %roll3A_2897 : vector<1024x128xi1>, vector<1024x128xf32>
    %and3A_2899 = arith.constant 64 : i32
    %and3A_2900 = vector.broadcast %and3A_2899 : i32 to vector<1024x128xi32>
    %and3A_2901 = arith.andi %iota3A_4, %and3A_2900 : vector<1024x128xi32>
    %ne3A_2902 = arith.constant 0 : i32
    %ne3A_2903 = vector.broadcast %ne3A_2902 : i32 to vector<1024x128xi32>
    %ne3A_2904 = arith.cmpi ne, %and3A_2901, %ne3A_2903 : vector<1024x128xi32>
    %min3A_2905 = arith.minimumf %select_n3A_2887, %select_n3A_2898 : vector<1024x128xf32>
    %max3A_2906 = arith.maximumf %select_n3A_2887, %select_n3A_2898 : vector<1024x128xf32>
    %eq3A_2907 = arith.xori %eq3A_2893, %ne3A_2904 : vector<1024x128xi1>
    %eq3A_2908 = arith.constant dense<true> : vector<1024x128xi1>
    %eq3A_2909 = arith.xori %eq3A_2907, %eq3A_2908 : vector<1024x128xi1>
    %select_n3A_2910 = arith.select %eq3A_2909, %min3A_2905, %max3A_2906 : vector<1024x128xi1>, vector<1024x128xf32>
    %and3A_2911 = arith.constant 64 : i32
    %and3A_2912 = vector.broadcast %and3A_2911 : i32 to vector<1024x128xi32>
    %and3A_2913 = arith.andi %iota3A_4, %and3A_2912 : vector<1024x128xi32>
    %eq3A_2914 = arith.constant 0 : i32
    %eq3A_2915 = vector.broadcast %eq3A_2914 : i32 to vector<1024x128xi32>
    %eq3A_2916 = arith.cmpi eq, %and3A_2913, %eq3A_2915 : vector<1024x128xi32>
    %roll3A_2917 = arith.constant 64 : i32
    %roll3A_2918 = tpu.dynamic_rotate %select_n3A_2910 by %roll3A_2917 dim 1 : vector<1024x128xf32>, i32 -> vector<1024x128xf32>
    %roll3A_2919 = arith.constant 64 : i32
    %roll3A_2920 = tpu.dynamic_rotate %select_n3A_2910 by %roll3A_2919 dim 1 : vector<1024x128xf32>, i32 -> vector<1024x128xf32>
    %select_n3A_2921 = arith.select %eq3A_2916, %roll3A_2918, %roll3A_2920 : vector<1024x128xi1>, vector<1024x128xf32>
    %broadcast_in_dim3A_2922 = arith.constant false
    %broadcast_in_dim3A_2923 = vector.broadcast %broadcast_in_dim3A_2922 : i1 to vector<1024x128xi1>
    %min3A_2924 = arith.minimumf %select_n3A_2910, %select_n3A_2921 : vector<1024x128xf32>
    %max3A_2925 = arith.maximumf %select_n3A_2910, %select_n3A_2921 : vector<1024x128xf32>
    %eq3A_2926 = arith.xori %eq3A_2916, %broadcast_in_dim3A_2923 : vector<1024x128xi1>
    %eq3A_2927 = arith.constant dense<true> : vector<1024x128xi1>
    %eq3A_2928 = arith.xori %eq3A_2926, %eq3A_2927 : vector<1024x128xi1>
    %select_n3A_2929 = arith.select %eq3A_2928, %min3A_2924, %max3A_2925 : vector<1024x128xi1>, vector<1024x128xf32>
    %and3A_2930 = arith.constant 32 : i32
    %and3A_2931 = vector.broadcast %and3A_2930 : i32 to vector<1024x128xi32>
    %and3A_2932 = arith.andi %iota3A_4, %and3A_2931 : vector<1024x128xi32>
    %eq3A_2933 = arith.constant 0 : i32
    %eq3A_2934 = vector.broadcast %eq3A_2933 : i32 to vector<1024x128xi32>
    %eq3A_2935 = arith.cmpi eq, %and3A_2932, %eq3A_2934 : vector<1024x128xi32>
    %roll3A_2936 = arith.constant 96 : i32
    %roll3A_2937 = tpu.dynamic_rotate %select_n3A_2929 by %roll3A_2936 dim 1 : vector<1024x128xf32>, i32 -> vector<1024x128xf32>
    %roll3A_2938 = arith.constant 32 : i32
    %roll3A_2939 = tpu.dynamic_rotate %select_n3A_2929 by %roll3A_2938 dim 1 : vector<1024x128xf32>, i32 -> vector<1024x128xf32>
    %select_n3A_2940 = arith.select %eq3A_2935, %roll3A_2937, %roll3A_2939 : vector<1024x128xi1>, vector<1024x128xf32>
    %broadcast_in_dim3A_2941 = arith.constant false
    %broadcast_in_dim3A_2942 = vector.broadcast %broadcast_in_dim3A_2941 : i1 to vector<1024x128xi1>
    %min3A_2943 = arith.minimumf %select_n3A_2929, %select_n3A_2940 : vector<1024x128xf32>
    %max3A_2944 = arith.maximumf %select_n3A_2929, %select_n3A_2940 : vector<1024x128xf32>
    %eq3A_2945 = arith.xori %eq3A_2935, %broadcast_in_dim3A_2942 : vector<1024x128xi1>
    %eq3A_2946 = arith.constant dense<true> : vector<1024x128xi1>
    %eq3A_2947 = arith.xori %eq3A_2945, %eq3A_2946 : vector<1024x128xi1>
    %select_n3A_2948 = arith.select %eq3A_2947, %min3A_2943, %max3A_2944 : vector<1024x128xi1>, vector<1024x128xf32>
    %and3A_2949 = arith.constant 16 : i32
    %and3A_2950 = vector.broadcast %and3A_2949 : i32 to vector<1024x128xi32>
    %and3A_2951 = arith.andi %iota3A_4, %and3A_2950 : vector<1024x128xi32>
    %eq3A_2952 = arith.constant 0 : i32
    %eq3A_2953 = vector.broadcast %eq3A_2952 : i32 to vector<1024x128xi32>
    %eq3A_2954 = arith.cmpi eq, %and3A_2951, %eq3A_2953 : vector<1024x128xi32>
    %roll3A_2955 = arith.constant 112 : i32
    %roll3A_2956 = tpu.dynamic_rotate %select_n3A_2948 by %roll3A_2955 dim 1 : vector<1024x128xf32>, i32 -> vector<1024x128xf32>
    %roll3A_2957 = arith.constant 16 : i32
    %roll3A_2958 = tpu.dynamic_rotate %select_n3A_2948 by %roll3A_2957 dim 1 : vector<1024x128xf32>, i32 -> vector<1024x128xf32>
    %select_n3A_2959 = arith.select %eq3A_2954, %roll3A_2956, %roll3A_2958 : vector<1024x128xi1>, vector<1024x128xf32>
    %broadcast_in_dim3A_2960 = arith.constant false
    %broadcast_in_dim3A_2961 = vector.broadcast %broadcast_in_dim3A_2960 : i1 to vector<1024x128xi1>
    %min3A_2962 = arith.minimumf %select_n3A_2948, %select_n3A_2959 : vector<1024x128xf32>
    %max3A_2963 = arith.maximumf %select_n3A_2948, %select_n3A_2959 : vector<1024x128xf32>
    %eq3A_2964 = arith.xori %eq3A_2954, %broadcast_in_dim3A_2961 : vector<1024x128xi1>
    %eq3A_2965 = arith.constant dense<true> : vector<1024x128xi1>
    %eq3A_2966 = arith.xori %eq3A_2964, %eq3A_2965 : vector<1024x128xi1>
    %select_n3A_2967 = arith.select %eq3A_2966, %min3A_2962, %max3A_2963 : vector<1024x128xi1>, vector<1024x128xf32>
    %and3A_2968 = arith.constant 8 : i32
    %and3A_2969 = vector.broadcast %and3A_2968 : i32 to vector<1024x128xi32>
    %and3A_2970 = arith.andi %iota3A_4, %and3A_2969 : vector<1024x128xi32>
    %eq3A_2971 = arith.constant 0 : i32
    %eq3A_2972 = vector.broadcast %eq3A_2971 : i32 to vector<1024x128xi32>
    %eq3A_2973 = arith.cmpi eq, %and3A_2970, %eq3A_2972 : vector<1024x128xi32>
    %roll3A_2974 = arith.constant 120 : i32
    %roll3A_2975 = tpu.dynamic_rotate %select_n3A_2967 by %roll3A_2974 dim 1 : vector<1024x128xf32>, i32 -> vector<1024x128xf32>
    %roll3A_2976 = arith.constant 8 : i32
    %roll3A_2977 = tpu.dynamic_rotate %select_n3A_2967 by %roll3A_2976 dim 1 : vector<1024x128xf32>, i32 -> vector<1024x128xf32>
    %select_n3A_2978 = arith.select %eq3A_2973, %roll3A_2975, %roll3A_2977 : vector<1024x128xi1>, vector<1024x128xf32>
    %broadcast_in_dim3A_2979 = arith.constant false
    %broadcast_in_dim3A_2980 = vector.broadcast %broadcast_in_dim3A_2979 : i1 to vector<1024x128xi1>
    %min3A_2981 = arith.minimumf %select_n3A_2967, %select_n3A_2978 : vector<1024x128xf32>
    %max3A_2982 = arith.maximumf %select_n3A_2967, %select_n3A_2978 : vector<1024x128xf32>
    %eq3A_2983 = arith.xori %eq3A_2973, %broadcast_in_dim3A_2980 : vector<1024x128xi1>
    %eq3A_2984 = arith.constant dense<true> : vector<1024x128xi1>
    %eq3A_2985 = arith.xori %eq3A_2983, %eq3A_2984 : vector<1024x128xi1>
    %select_n3A_2986 = arith.select %eq3A_2985, %min3A_2981, %max3A_2982 : vector<1024x128xi1>, vector<1024x128xf32>
    %and3A_2987 = arith.constant 4 : i32
    %and3A_2988 = vector.broadcast %and3A_2987 : i32 to vector<1024x128xi32>
    %and3A_2989 = arith.andi %iota3A_4, %and3A_2988 : vector<1024x128xi32>
    %eq3A_2990 = arith.constant 0 : i32
    %eq3A_2991 = vector.broadcast %eq3A_2990 : i32 to vector<1024x128xi32>
    %eq3A_2992 = arith.cmpi eq, %and3A_2989, %eq3A_2991 : vector<1024x128xi32>
    %roll3A_2993 = arith.constant 124 : i32
    %roll3A_2994 = tpu.dynamic_rotate %select_n3A_2986 by %roll3A_2993 dim 1 : vector<1024x128xf32>, i32 -> vector<1024x128xf32>
    %roll3A_2995 = arith.constant 4 : i32
    %roll3A_2996 = tpu.dynamic_rotate %select_n3A_2986 by %roll3A_2995 dim 1 : vector<1024x128xf32>, i32 -> vector<1024x128xf32>
    %select_n3A_2997 = arith.select %eq3A_2992, %roll3A_2994, %roll3A_2996 : vector<1024x128xi1>, vector<1024x128xf32>
    %broadcast_in_dim3A_2998 = arith.constant false
    %broadcast_in_dim3A_2999 = vector.broadcast %broadcast_in_dim3A_2998 : i1 to vector<1024x128xi1>
    %min3A_3000 = arith.minimumf %select_n3A_2986, %select_n3A_2997 : vector<1024x128xf32>
    %max3A_3001 = arith.maximumf %select_n3A_2986, %select_n3A_2997 : vector<1024x128xf32>
    %eq3A_3002 = arith.xori %eq3A_2992, %broadcast_in_dim3A_2999 : vector<1024x128xi1>
    %eq3A_3003 = arith.constant dense<true> : vector<1024x128xi1>
    %eq3A_3004 = arith.xori %eq3A_3002, %eq3A_3003 : vector<1024x128xi1>
    %select_n3A_3005 = arith.select %eq3A_3004, %min3A_3000, %max3A_3001 : vector<1024x128xi1>, vector<1024x128xf32>
    %and3A_3006 = arith.constant 2 : i32
    %and3A_3007 = vector.broadcast %and3A_3006 : i32 to vector<1024x128xi32>
    %and3A_3008 = arith.andi %iota3A_4, %and3A_3007 : vector<1024x128xi32>
    %eq3A_3009 = arith.constant 0 : i32
    %eq3A_3010 = vector.broadcast %eq3A_3009 : i32 to vector<1024x128xi32>
    %eq3A_3011 = arith.cmpi eq, %and3A_3008, %eq3A_3010 : vector<1024x128xi32>
    %roll3A_3012 = arith.constant 126 : i32
    %roll3A_3013 = tpu.dynamic_rotate %select_n3A_3005 by %roll3A_3012 dim 1 : vector<1024x128xf32>, i32 -> vector<1024x128xf32>
    %roll3A_3014 = arith.constant 2 : i32
    %roll3A_3015 = tpu.dynamic_rotate %select_n3A_3005 by %roll3A_3014 dim 1 : vector<1024x128xf32>, i32 -> vector<1024x128xf32>
    %select_n3A_3016 = arith.select %eq3A_3011, %roll3A_3013, %roll3A_3015 : vector<1024x128xi1>, vector<1024x128xf32>
    %broadcast_in_dim3A_3017 = arith.constant false
    %broadcast_in_dim3A_3018 = vector.broadcast %broadcast_in_dim3A_3017 : i1 to vector<1024x128xi1>
    %min3A_3019 = arith.minimumf %select_n3A_3005, %select_n3A_3016 : vector<1024x128xf32>
    %max3A_3020 = arith.maximumf %select_n3A_3005, %select_n3A_3016 : vector<1024x128xf32>
    %eq3A_3021 = arith.xori %eq3A_3011, %broadcast_in_dim3A_3018 : vector<1024x128xi1>
    %eq3A_3022 = arith.constant dense<true> : vector<1024x128xi1>
    %eq3A_3023 = arith.xori %eq3A_3021, %eq3A_3022 : vector<1024x128xi1>
    %select_n3A_3024 = arith.select %eq3A_3023, %min3A_3019, %max3A_3020 : vector<1024x128xi1>, vector<1024x128xf32>
    %and3A_3025 = arith.constant 1 : i32
    %and3A_3026 = vector.broadcast %and3A_3025 : i32 to vector<1024x128xi32>
    %and3A_3027 = arith.andi %iota3A_4, %and3A_3026 : vector<1024x128xi32>
    %eq3A_3028 = arith.constant 0 : i32
    %eq3A_3029 = vector.broadcast %eq3A_3028 : i32 to vector<1024x128xi32>
    %eq3A_3030 = arith.cmpi eq, %and3A_3027, %eq3A_3029 : vector<1024x128xi32>
    %roll3A_3031 = arith.constant 127 : i32
    %roll3A_3032 = tpu.dynamic_rotate %select_n3A_3024 by %roll3A_3031 dim 1 : vector<1024x128xf32>, i32 -> vector<1024x128xf32>
    %roll3A_3033 = arith.constant 1 : i32
    %roll3A_3034 = tpu.dynamic_rotate %select_n3A_3024 by %roll3A_3033 dim 1 : vector<1024x128xf32>, i32 -> vector<1024x128xf32>
    %select_n3A_3035 = arith.select %eq3A_3030, %roll3A_3032, %roll3A_3034 : vector<1024x128xi1>, vector<1024x128xf32>
    %broadcast_in_dim3A_3036 = arith.constant false
    %broadcast_in_dim3A_3037 = vector.broadcast %broadcast_in_dim3A_3036 : i1 to vector<1024x128xi1>
    %min3A_3038 = arith.minimumf %select_n3A_3024, %select_n3A_3035 : vector<1024x128xf32>
    %max3A_3039 = arith.maximumf %select_n3A_3024, %select_n3A_3035 : vector<1024x128xf32>
    %eq3A_3040 = arith.xori %eq3A_3030, %broadcast_in_dim3A_3037 : vector<1024x128xi1>
    %eq3A_3041 = arith.constant dense<true> : vector<1024x128xi1>
    %eq3A_3042 = arith.xori %eq3A_3040, %eq3A_3041 : vector<1024x128xi1>
    %select_n3A_3043 = arith.select %eq3A_3042, %min3A_3038, %max3A_3039 : vector<1024x128xi1>, vector<1024x128xf32>
    %reshape3A_3044 = vector.shape_cast %select_n3A_3043 : vector<1024x128xf32> to vector<1x2x512x128xf32>
    %slice3A_3045 = vector.extract_strided_slice %reshape3A_3044 {offsets = [0, 0, 0, 0], sizes = [1, 1, 512, 128], strides = [1, 1, 1, 1]} : vector<1x2x512x128xf32> to vector<1x1x512x128xf32>
    %squeeze3A_3046 = vector.shape_cast %slice3A_3045 : vector<1x1x512x128xf32> to vector<1x512x128xf32>
    %slice3A_3047 = vector.extract_strided_slice %reshape3A_3044 {offsets = [0, 1, 0, 0], sizes = [1, 1, 512, 128], strides = [1, 1, 1, 1]} : vector<1x2x512x128xf32> to vector<1x1x512x128xf32>
    %squeeze3A_3048 = vector.shape_cast %slice3A_3047 : vector<1x1x512x128xf32> to vector<1x512x128xf32>
    %iota3A_3049 = tpu.iota {dimensions = array<i32: 2>} : vector<1x512x128xi32>
    %and3A_3050 = arith.constant 128 : i32
    %and3A_3051 = vector.broadcast %and3A_3050 : i32 to vector<1x512x128xi32>
    %and3A_3052 = arith.andi %iota3A_3049, %and3A_3051 : vector<1x512x128xi32>
    %ne3A_3053 = arith.constant 0 : i32
    %ne3A_3054 = vector.broadcast %ne3A_3053 : i32 to vector<1x512x128xi32>
    %ne3A_3055 = arith.cmpi ne, %and3A_3052, %ne3A_3054 : vector<1x512x128xi32>
    %min3A_3056 = arith.minimumf %squeeze3A_3046, %squeeze3A_3048 : vector<1x512x128xf32>
    %max3A_3057 = arith.maximumf %squeeze3A_3046, %squeeze3A_3048 : vector<1x512x128xf32>
    %select_n3A_3058 = arith.select %ne3A_3055, %min3A_3056, %max3A_3057 : vector<1x512x128xi1>, vector<1x512x128xf32>
    %select_n3A_3059 = arith.select %ne3A_3055, %max3A_3057, %min3A_3056 : vector<1x512x128xi1>, vector<1x512x128xf32>
    %broadcast_in_dim3A_3060 = vector.shape_cast %select_n3A_3058 : vector<1x512x128xf32> to vector<1x1x512x128xf32>
    %broadcast_in_dim3A_3061 = vector.shape_cast %select_n3A_3059 : vector<1x512x128xf32> to vector<1x1x512x128xf32>
    %concatenate3A_3062 = tpu.concatenate %broadcast_in_dim3A_3060, %broadcast_in_dim3A_3061 in 1 : vector<1x1x512x128xf32>, vector<1x1x512x128xf32> -> vector<1x2x512x128xf32>
    %reshape3A_3063 = vector.shape_cast %concatenate3A_3062 : vector<1x2x512x128xf32> to vector<1024x128xf32>
    %reshape3A_3064 = vector.shape_cast %reshape3A_3063 : vector<1024x128xf32> to vector<2x2x256x128xf32>
    %slice3A_3065 = vector.extract_strided_slice %reshape3A_3064 {offsets = [0, 0, 0, 0], sizes = [2, 1, 256, 128], strides = [1, 1, 1, 1]} : vector<2x2x256x128xf32> to vector<2x1x256x128xf32>
    %squeeze3A_3066 = vector.shape_cast %slice3A_3065 : vector<2x1x256x128xf32> to vector<2x256x128xf32>
    %slice3A_3067 = vector.extract_strided_slice %reshape3A_3064 {offsets = [0, 1, 0, 0], sizes = [2, 1, 256, 128], strides = [1, 1, 1, 1]} : vector<2x2x256x128xf32> to vector<2x1x256x128xf32>
    %squeeze3A_3068 = vector.shape_cast %slice3A_3067 : vector<2x1x256x128xf32> to vector<2x256x128xf32>
    %iota3A_3069 = tpu.iota {dimensions = array<i32: 2>} : vector<2x256x128xi32>
    %and3A_3070 = arith.constant 128 : i32
    %and3A_3071 = vector.broadcast %and3A_3070 : i32 to vector<2x256x128xi32>
    %and3A_3072 = arith.andi %iota3A_3069, %and3A_3071 : vector<2x256x128xi32>
    %ne3A_3073 = arith.constant 0 : i32
    %ne3A_3074 = vector.broadcast %ne3A_3073 : i32 to vector<2x256x128xi32>
    %ne3A_3075 = arith.cmpi ne, %and3A_3072, %ne3A_3074 : vector<2x256x128xi32>
    %min3A_3076 = arith.minimumf %squeeze3A_3066, %squeeze3A_3068 : vector<2x256x128xf32>
    %max3A_3077 = arith.maximumf %squeeze3A_3066, %squeeze3A_3068 : vector<2x256x128xf32>
    %select_n3A_3078 = arith.select %ne3A_3075, %min3A_3076, %max3A_3077 : vector<2x256x128xi1>, vector<2x256x128xf32>
    %select_n3A_3079 = arith.select %ne3A_3075, %max3A_3077, %min3A_3076 : vector<2x256x128xi1>, vector<2x256x128xf32>
    %broadcast_in_dim3A_3080 = vector.shape_cast %select_n3A_3078 : vector<2x256x128xf32> to vector<2x1x256x128xf32>
    %broadcast_in_dim3A_3081 = vector.shape_cast %select_n3A_3079 : vector<2x256x128xf32> to vector<2x1x256x128xf32>
    %concatenate3A_3082 = tpu.concatenate %broadcast_in_dim3A_3080, %broadcast_in_dim3A_3081 in 1 : vector<2x1x256x128xf32>, vector<2x1x256x128xf32> -> vector<2x2x256x128xf32>
    %reshape3A_3083 = vector.shape_cast %concatenate3A_3082 : vector<2x2x256x128xf32> to vector<1024x128xf32>
    %reshape3A_3084 = vector.shape_cast %reshape3A_3083 : vector<1024x128xf32> to vector<4x2x128x128xf32>
    %slice3A_3085 = vector.extract_strided_slice %reshape3A_3084 {offsets = [0, 0, 0, 0], sizes = [4, 1, 128, 128], strides = [1, 1, 1, 1]} : vector<4x2x128x128xf32> to vector<4x1x128x128xf32>
    %squeeze3A_3086 = vector.shape_cast %slice3A_3085 : vector<4x1x128x128xf32> to vector<4x128x128xf32>
    %slice3A_3087 = vector.extract_strided_slice %reshape3A_3084 {offsets = [0, 1, 0, 0], sizes = [4, 1, 128, 128], strides = [1, 1, 1, 1]} : vector<4x2x128x128xf32> to vector<4x1x128x128xf32>
    %squeeze3A_3088 = vector.shape_cast %slice3A_3087 : vector<4x1x128x128xf32> to vector<4x128x128xf32>
    %iota3A_3089 = tpu.iota {dimensions = array<i32: 2>} : vector<4x128x128xi32>
    %and3A_3090 = arith.constant 128 : i32
    %and3A_3091 = vector.broadcast %and3A_3090 : i32 to vector<4x128x128xi32>
    %and3A_3092 = arith.andi %iota3A_3089, %and3A_3091 : vector<4x128x128xi32>
    %ne3A_3093 = arith.constant 0 : i32
    %ne3A_3094 = vector.broadcast %ne3A_3093 : i32 to vector<4x128x128xi32>
    %ne3A_3095 = arith.cmpi ne, %and3A_3092, %ne3A_3094 : vector<4x128x128xi32>
    %min3A_3096 = arith.minimumf %squeeze3A_3086, %squeeze3A_3088 : vector<4x128x128xf32>
    %max3A_3097 = arith.maximumf %squeeze3A_3086, %squeeze3A_3088 : vector<4x128x128xf32>
    %select_n3A_3098 = arith.select %ne3A_3095, %min3A_3096, %max3A_3097 : vector<4x128x128xi1>, vector<4x128x128xf32>
    %select_n3A_3099 = arith.select %ne3A_3095, %max3A_3097, %min3A_3096 : vector<4x128x128xi1>, vector<4x128x128xf32>
    %broadcast_in_dim3A_3100 = vector.shape_cast %select_n3A_3098 : vector<4x128x128xf32> to vector<4x1x128x128xf32>
    %broadcast_in_dim3A_3101 = vector.shape_cast %select_n3A_3099 : vector<4x128x128xf32> to vector<4x1x128x128xf32>
    %concatenate3A_3102 = tpu.concatenate %broadcast_in_dim3A_3100, %broadcast_in_dim3A_3101 in 1 : vector<4x1x128x128xf32>, vector<4x1x128x128xf32> -> vector<4x2x128x128xf32>
    %reshape3A_3103 = vector.shape_cast %concatenate3A_3102 : vector<4x2x128x128xf32> to vector<1024x128xf32>
    %reshape3A_3104 = vector.shape_cast %reshape3A_3103 : vector<1024x128xf32> to vector<8x2x64x128xf32>
    %slice3A_3105 = vector.extract_strided_slice %reshape3A_3104 {offsets = [0, 0, 0, 0], sizes = [8, 1, 64, 128], strides = [1, 1, 1, 1]} : vector<8x2x64x128xf32> to vector<8x1x64x128xf32>
    %squeeze3A_3106 = vector.shape_cast %slice3A_3105 : vector<8x1x64x128xf32> to vector<8x64x128xf32>
    %slice3A_3107 = vector.extract_strided_slice %reshape3A_3104 {offsets = [0, 1, 0, 0], sizes = [8, 1, 64, 128], strides = [1, 1, 1, 1]} : vector<8x2x64x128xf32> to vector<8x1x64x128xf32>
    %squeeze3A_3108 = vector.shape_cast %slice3A_3107 : vector<8x1x64x128xf32> to vector<8x64x128xf32>
    %iota3A_3109 = tpu.iota {dimensions = array<i32: 2>} : vector<8x64x128xi32>
    %and3A_3110 = arith.constant 128 : i32
    %and3A_3111 = vector.broadcast %and3A_3110 : i32 to vector<8x64x128xi32>
    %and3A_3112 = arith.andi %iota3A_3109, %and3A_3111 : vector<8x64x128xi32>
    %ne3A_3113 = arith.constant 0 : i32
    %ne3A_3114 = vector.broadcast %ne3A_3113 : i32 to vector<8x64x128xi32>
    %ne3A_3115 = arith.cmpi ne, %and3A_3112, %ne3A_3114 : vector<8x64x128xi32>
    %min3A_3116 = arith.minimumf %squeeze3A_3106, %squeeze3A_3108 : vector<8x64x128xf32>
    %max3A_3117 = arith.maximumf %squeeze3A_3106, %squeeze3A_3108 : vector<8x64x128xf32>
    %select_n3A_3118 = arith.select %ne3A_3115, %min3A_3116, %max3A_3117 : vector<8x64x128xi1>, vector<8x64x128xf32>
    %select_n3A_3119 = arith.select %ne3A_3115, %max3A_3117, %min3A_3116 : vector<8x64x128xi1>, vector<8x64x128xf32>
    %broadcast_in_dim3A_3120 = vector.shape_cast %select_n3A_3118 : vector<8x64x128xf32> to vector<8x1x64x128xf32>
    %broadcast_in_dim3A_3121 = vector.shape_cast %select_n3A_3119 : vector<8x64x128xf32> to vector<8x1x64x128xf32>
    %concatenate3A_3122 = tpu.concatenate %broadcast_in_dim3A_3120, %broadcast_in_dim3A_3121 in 1 : vector<8x1x64x128xf32>, vector<8x1x64x128xf32> -> vector<8x2x64x128xf32>
    %reshape3A_3123 = vector.shape_cast %concatenate3A_3122 : vector<8x2x64x128xf32> to vector<1024x128xf32>
    %reshape3A_3124 = vector.shape_cast %reshape3A_3123 : vector<1024x128xf32> to vector<16x2x32x128xf32>
    %slice3A_3125 = vector.extract_strided_slice %reshape3A_3124 {offsets = [0, 0, 0, 0], sizes = [16, 1, 32, 128], strides = [1, 1, 1, 1]} : vector<16x2x32x128xf32> to vector<16x1x32x128xf32>
    %squeeze3A_3126 = vector.shape_cast %slice3A_3125 : vector<16x1x32x128xf32> to vector<16x32x128xf32>
    %slice3A_3127 = vector.extract_strided_slice %reshape3A_3124 {offsets = [0, 1, 0, 0], sizes = [16, 1, 32, 128], strides = [1, 1, 1, 1]} : vector<16x2x32x128xf32> to vector<16x1x32x128xf32>
    %squeeze3A_3128 = vector.shape_cast %slice3A_3127 : vector<16x1x32x128xf32> to vector<16x32x128xf32>
    %iota3A_3129 = tpu.iota {dimensions = array<i32: 2>} : vector<16x32x128xi32>
    %and3A_3130 = arith.constant 128 : i32
    %and3A_3131 = vector.broadcast %and3A_3130 : i32 to vector<16x32x128xi32>
    %and3A_3132 = arith.andi %iota3A_3129, %and3A_3131 : vector<16x32x128xi32>
    %ne3A_3133 = arith.constant 0 : i32
    %ne3A_3134 = vector.broadcast %ne3A_3133 : i32 to vector<16x32x128xi32>
    %ne3A_3135 = arith.cmpi ne, %and3A_3132, %ne3A_3134 : vector<16x32x128xi32>
    %min3A_3136 = arith.minimumf %squeeze3A_3126, %squeeze3A_3128 : vector<16x32x128xf32>
    %max3A_3137 = arith.maximumf %squeeze3A_3126, %squeeze3A_3128 : vector<16x32x128xf32>
    %select_n3A_3138 = arith.select %ne3A_3135, %min3A_3136, %max3A_3137 : vector<16x32x128xi1>, vector<16x32x128xf32>
    %select_n3A_3139 = arith.select %ne3A_3135, %max3A_3137, %min3A_3136 : vector<16x32x128xi1>, vector<16x32x128xf32>
    %broadcast_in_dim3A_3140 = vector.shape_cast %select_n3A_3138 : vector<16x32x128xf32> to vector<16x1x32x128xf32>
    %broadcast_in_dim3A_3141 = vector.shape_cast %select_n3A_3139 : vector<16x32x128xf32> to vector<16x1x32x128xf32>
    %concatenate3A_3142 = tpu.concatenate %broadcast_in_dim3A_3140, %broadcast_in_dim3A_3141 in 1 : vector<16x1x32x128xf32>, vector<16x1x32x128xf32> -> vector<16x2x32x128xf32>
    %reshape3A_3143 = vector.shape_cast %concatenate3A_3142 : vector<16x2x32x128xf32> to vector<1024x128xf32>
    %reshape3A_3144 = vector.shape_cast %reshape3A_3143 : vector<1024x128xf32> to vector<32x2x16x128xf32>
    %slice3A_3145 = vector.extract_strided_slice %reshape3A_3144 {offsets = [0, 0, 0, 0], sizes = [32, 1, 16, 128], strides = [1, 1, 1, 1]} : vector<32x2x16x128xf32> to vector<32x1x16x128xf32>
    %squeeze3A_3146 = vector.shape_cast %slice3A_3145 : vector<32x1x16x128xf32> to vector<32x16x128xf32>
    %slice3A_3147 = vector.extract_strided_slice %reshape3A_3144 {offsets = [0, 1, 0, 0], sizes = [32, 1, 16, 128], strides = [1, 1, 1, 1]} : vector<32x2x16x128xf32> to vector<32x1x16x128xf32>
    %squeeze3A_3148 = vector.shape_cast %slice3A_3147 : vector<32x1x16x128xf32> to vector<32x16x128xf32>
    %iota3A_3149 = tpu.iota {dimensions = array<i32: 2>} : vector<32x16x128xi32>
    %and3A_3150 = arith.constant 128 : i32
    %and3A_3151 = vector.broadcast %and3A_3150 : i32 to vector<32x16x128xi32>
    %and3A_3152 = arith.andi %iota3A_3149, %and3A_3151 : vector<32x16x128xi32>
    %ne3A_3153 = arith.constant 0 : i32
    %ne3A_3154 = vector.broadcast %ne3A_3153 : i32 to vector<32x16x128xi32>
    %ne3A_3155 = arith.cmpi ne, %and3A_3152, %ne3A_3154 : vector<32x16x128xi32>
    %min3A_3156 = arith.minimumf %squeeze3A_3146, %squeeze3A_3148 : vector<32x16x128xf32>
    %max3A_3157 = arith.maximumf %squeeze3A_3146, %squeeze3A_3148 : vector<32x16x128xf32>
    %select_n3A_3158 = arith.select %ne3A_3155, %min3A_3156, %max3A_3157 : vector<32x16x128xi1>, vector<32x16x128xf32>
    %select_n3A_3159 = arith.select %ne3A_3155, %max3A_3157, %min3A_3156 : vector<32x16x128xi1>, vector<32x16x128xf32>
    %broadcast_in_dim3A_3160 = vector.shape_cast %select_n3A_3158 : vector<32x16x128xf32> to vector<32x1x16x128xf32>
    %broadcast_in_dim3A_3161 = vector.shape_cast %select_n3A_3159 : vector<32x16x128xf32> to vector<32x1x16x128xf32>
    %concatenate3A_3162 = tpu.concatenate %broadcast_in_dim3A_3160, %broadcast_in_dim3A_3161 in 1 : vector<32x1x16x128xf32>, vector<32x1x16x128xf32> -> vector<32x2x16x128xf32>
    %reshape3A_3163 = vector.shape_cast %concatenate3A_3162 : vector<32x2x16x128xf32> to vector<1024x128xf32>
    %reshape3A_3164 = vector.shape_cast %reshape3A_3163 : vector<1024x128xf32> to vector<64x2x8x128xf32>
    %slice3A_3165 = vector.extract_strided_slice %reshape3A_3164 {offsets = [0, 0, 0, 0], sizes = [64, 1, 8, 128], strides = [1, 1, 1, 1]} : vector<64x2x8x128xf32> to vector<64x1x8x128xf32>
    %squeeze3A_3166 = vector.shape_cast %slice3A_3165 : vector<64x1x8x128xf32> to vector<64x8x128xf32>
    %slice3A_3167 = vector.extract_strided_slice %reshape3A_3164 {offsets = [0, 1, 0, 0], sizes = [64, 1, 8, 128], strides = [1, 1, 1, 1]} : vector<64x2x8x128xf32> to vector<64x1x8x128xf32>
    %squeeze3A_3168 = vector.shape_cast %slice3A_3167 : vector<64x1x8x128xf32> to vector<64x8x128xf32>
    %iota3A_3169 = tpu.iota {dimensions = array<i32: 2>} : vector<64x8x128xi32>
    %and3A_3170 = arith.constant 128 : i32
    %and3A_3171 = vector.broadcast %and3A_3170 : i32 to vector<64x8x128xi32>
    %and3A_3172 = arith.andi %iota3A_3169, %and3A_3171 : vector<64x8x128xi32>
    %ne3A_3173 = arith.constant 0 : i32
    %ne3A_3174 = vector.broadcast %ne3A_3173 : i32 to vector<64x8x128xi32>
    %ne3A_3175 = arith.cmpi ne, %and3A_3172, %ne3A_3174 : vector<64x8x128xi32>
    %min3A_3176 = arith.minimumf %squeeze3A_3166, %squeeze3A_3168 : vector<64x8x128xf32>
    %max3A_3177 = arith.maximumf %squeeze3A_3166, %squeeze3A_3168 : vector<64x8x128xf32>
    %select_n3A_3178 = arith.select %ne3A_3175, %min3A_3176, %max3A_3177 : vector<64x8x128xi1>, vector<64x8x128xf32>
    %select_n3A_3179 = arith.select %ne3A_3175, %max3A_3177, %min3A_3176 : vector<64x8x128xi1>, vector<64x8x128xf32>
    %broadcast_in_dim3A_3180 = vector.shape_cast %select_n3A_3178 : vector<64x8x128xf32> to vector<64x1x8x128xf32>
    %broadcast_in_dim3A_3181 = vector.shape_cast %select_n3A_3179 : vector<64x8x128xf32> to vector<64x1x8x128xf32>
    %concatenate3A_3182 = tpu.concatenate %broadcast_in_dim3A_3180, %broadcast_in_dim3A_3181 in 1 : vector<64x1x8x128xf32>, vector<64x1x8x128xf32> -> vector<64x2x8x128xf32>
    %reshape3A_3183 = vector.shape_cast %concatenate3A_3182 : vector<64x2x8x128xf32> to vector<1024x128xf32>
    %and3A_3184 = arith.constant 4 : i32
    %and3A_3185 = vector.broadcast %and3A_3184 : i32 to vector<1024x128xi32>
    %and3A_3186 = arith.andi %iota3A, %and3A_3185 : vector<1024x128xi32>
    %eq3A_3187 = arith.constant 0 : i32
    %eq3A_3188 = vector.broadcast %eq3A_3187 : i32 to vector<1024x128xi32>
    %eq3A_3189 = arith.cmpi eq, %and3A_3186, %eq3A_3188 : vector<1024x128xi32>
    %roll3A_3190 = arith.constant 1020 : i32
    %roll3A_3191 = tpu.dynamic_rotate %reshape3A_3183 by %roll3A_3190 dim 0 : vector<1024x128xf32>, i32 -> vector<1024x128xf32>
    %roll3A_3192 = arith.constant 4 : i32
    %roll3A_3193 = tpu.dynamic_rotate %reshape3A_3183 by %roll3A_3192 dim 0 : vector<1024x128xf32>, i32 -> vector<1024x128xf32>
    %select_n3A_3194 = arith.select %eq3A_3189, %roll3A_3191, %roll3A_3193 : vector<1024x128xi1>, vector<1024x128xf32>
    %broadcast_in_dim3A_3195 = arith.constant false
    %broadcast_in_dim3A_3196 = vector.broadcast %broadcast_in_dim3A_3195 : i1 to vector<1024x128xi1>
    %min3A_3197 = arith.minimumf %reshape3A_3183, %select_n3A_3194 : vector<1024x128xf32>
    %max3A_3198 = arith.maximumf %reshape3A_3183, %select_n3A_3194 : vector<1024x128xf32>
    %eq3A_3199 = arith.xori %eq3A_3189, %broadcast_in_dim3A_3196 : vector<1024x128xi1>
    %eq3A_3200 = arith.constant dense<true> : vector<1024x128xi1>
    %eq3A_3201 = arith.xori %eq3A_3199, %eq3A_3200 : vector<1024x128xi1>
    %select_n3A_3202 = arith.select %eq3A_3201, %min3A_3197, %max3A_3198 : vector<1024x128xi1>, vector<1024x128xf32>
    %and3A_3203 = arith.constant 2 : i32
    %and3A_3204 = vector.broadcast %and3A_3203 : i32 to vector<1024x128xi32>
    %and3A_3205 = arith.andi %iota3A, %and3A_3204 : vector<1024x128xi32>
    %eq3A_3206 = arith.constant 0 : i32
    %eq3A_3207 = vector.broadcast %eq3A_3206 : i32 to vector<1024x128xi32>
    %eq3A_3208 = arith.cmpi eq, %and3A_3205, %eq3A_3207 : vector<1024x128xi32>
    %roll3A_3209 = arith.constant 1022 : i32
    %roll3A_3210 = tpu.dynamic_rotate %select_n3A_3202 by %roll3A_3209 dim 0 : vector<1024x128xf32>, i32 -> vector<1024x128xf32>
    %roll3A_3211 = arith.constant 2 : i32
    %roll3A_3212 = tpu.dynamic_rotate %select_n3A_3202 by %roll3A_3211 dim 0 : vector<1024x128xf32>, i32 -> vector<1024x128xf32>
    %select_n3A_3213 = arith.select %eq3A_3208, %roll3A_3210, %roll3A_3212 : vector<1024x128xi1>, vector<1024x128xf32>
    %broadcast_in_dim3A_3214 = arith.constant false
    %broadcast_in_dim3A_3215 = vector.broadcast %broadcast_in_dim3A_3214 : i1 to vector<1024x128xi1>
    %min3A_3216 = arith.minimumf %select_n3A_3202, %select_n3A_3213 : vector<1024x128xf32>
    %max3A_3217 = arith.maximumf %select_n3A_3202, %select_n3A_3213 : vector<1024x128xf32>
    %eq3A_3218 = arith.xori %eq3A_3208, %broadcast_in_dim3A_3215 : vector<1024x128xi1>
    %eq3A_3219 = arith.constant dense<true> : vector<1024x128xi1>
    %eq3A_3220 = arith.xori %eq3A_3218, %eq3A_3219 : vector<1024x128xi1>
    %select_n3A_3221 = arith.select %eq3A_3220, %min3A_3216, %max3A_3217 : vector<1024x128xi1>, vector<1024x128xf32>
    %and3A_3222 = arith.constant 1 : i32
    %and3A_3223 = vector.broadcast %and3A_3222 : i32 to vector<1024x128xi32>
    %and3A_3224 = arith.andi %iota3A, %and3A_3223 : vector<1024x128xi32>
    %eq3A_3225 = arith.constant 0 : i32
    %eq3A_3226 = vector.broadcast %eq3A_3225 : i32 to vector<1024x128xi32>
    %eq3A_3227 = arith.cmpi eq, %and3A_3224, %eq3A_3226 : vector<1024x128xi32>
    %roll3A_3228 = arith.constant 1023 : i32
    %roll3A_3229 = tpu.dynamic_rotate %select_n3A_3221 by %roll3A_3228 dim 0 : vector<1024x128xf32>, i32 -> vector<1024x128xf32>
    %roll3A_3230 = arith.constant 1 : i32
    %roll3A_3231 = tpu.dynamic_rotate %select_n3A_3221 by %roll3A_3230 dim 0 : vector<1024x128xf32>, i32 -> vector<1024x128xf32>
    %select_n3A_3232 = arith.select %eq3A_3227, %roll3A_3229, %roll3A_3231 : vector<1024x128xi1>, vector<1024x128xf32>
    %broadcast_in_dim3A_3233 = arith.constant false
    %broadcast_in_dim3A_3234 = vector.broadcast %broadcast_in_dim3A_3233 : i1 to vector<1024x128xi1>
    %min3A_3235 = arith.minimumf %select_n3A_3221, %select_n3A_3232 : vector<1024x128xf32>
    %max3A_3236 = arith.maximumf %select_n3A_3221, %select_n3A_3232 : vector<1024x128xf32>
    %eq3A_3237 = arith.xori %eq3A_3227, %broadcast_in_dim3A_3234 : vector<1024x128xi1>
    %eq3A_3238 = arith.constant dense<true> : vector<1024x128xi1>
    %eq3A_3239 = arith.xori %eq3A_3237, %eq3A_3238 : vector<1024x128xi1>
    %select_n3A_3240 = arith.select %eq3A_3239, %min3A_3235, %max3A_3236 : vector<1024x128xi1>, vector<1024x128xf32>
    %swap3A = arith.constant 0 : index
    %swap3A_3241 = arith.constant 0 : index
    %swap3A_3242 = arith.constant 0 : index
    %swap3A_3243 = vector.load %arg2[%swap3A, %swap3A_3241, %swap3A_3242] : memref<1x1024x128xf32, #tpu.memory_space<vmem>>, vector<1x1024x128xf32>
    %swap3A_3244 = vector.shape_cast %swap3A_3243 : vector<1x1024x128xf32> to vector<1024x128xf32>
    %swap3A_3245 = vector.shape_cast %select_n3A_3240 : vector<1024x128xf32> to vector<1x1024x128xf32>
    tpu.vector_store %arg2[%swap3A, %swap3A_3241, %swap3A_3242], %swap3A_3245 {strides = array<i32>} : memref<1x1024x128xf32, #tpu.memory_space<vmem>>, vector<1x1024x128xf32>,
    return
  }
  func.func @transform_0(%arg0: i32) -> (i32, i32, i32) {
    %c0_i32 = arith.constant 0 : i32
    %c0_i32_0 = arith.constant 0 : i32
    %c0_i32_1 = arith.constant 0 : i32
    return %arg0, %c0_i32, %c0_i32_0 : i32, i32, i32
  }
  func.func @transform_1(%arg0: i32) -> (i32, i32, i32) {
    %c0_i32 = arith.constant 0 : i32
    %c0_i32_0 = arith.constant 0 : i32
    %c0_i32_1 = arith.constant 0 : i32
    return %arg0, %c0_i32, %c0_i32_0 : i32, i32, i32
  }
}

module attributes {stable_mosaic.version = 14 : i64} {
  func.func @_sample_body(%arg0: i32, %arg1: memref<1x1024x128xf32, #tpu.memory_space<vmem>>, %arg2: memref<1x1024x128xf32, #tpu.memory_space<vmem>>, %arg3: memref<1x1024x128xf32, #tpu.memory_space<vmem>>, %arg4: memref<1x1024x128xf32, #tpu.memory_space<vmem>>, %arg5: memref<1x1024x128xi32, #tpu.memory_space<vmem>>, %arg6: memref<1x1024x128xf32, #tpu.memory_space<vmem>>, %arg7: memref<1x1x128xi32, #tpu.memory_space<vmem>>) attributes {dimension_semantics = [#tpu.dimension_semantics<parallel>], iteration_bounds = array<i64: 128>, scalar_prefetch = 0 : i64, scratch_operands = 0 : i64, tpu.core_type = #tpu.core_type<tc>, window_params = [{transform_indices = @transform_0, window_bounds = array<i64: 1, 1024, 128>}, {transform_indices = @transform_1, window_bounds = array<i64: 1, 1024, 128>}, {transform_indices = @transform_2, window_bounds = array<i64: 1, 1024, 128>}, {transform_indices = @transform_3, window_bounds = array<i64: 1, 1024, 128>}, {pipeline_mode = #tpu.pipeline_mode<synchronous>, transform_indices = @transform_4, window_bounds = array<i64: 1, 1024, 128>}, {pipeline_mode = #tpu.pipeline_mode<synchronous>, transform_indices = @transform_5, window_bounds = array<i64: 1, 1024, 128>}, {transform_indices = @transform_6, window_bounds = array<i64: 1, 1, 128>}]} {
    %get3A = arith.constant 0 : index
    %get3A_0 = arith.constant 0 : index
    %get3A_1 = arith.constant 0 : index
    %get3A_2 = vector.load %arg1[%get3A, %get3A_0, %get3A_1] : memref<1x1024x128xf32, #tpu.memory_space<vmem>>, vector<1x1024x128xf32>
    %get3A_3 = vector.shape_cast %get3A_2 : vector<1x1024x128xf32> to vector<1024x128xf32>
    %get3A_4 = arith.constant 0 : index
    %get3A_5 = arith.constant 0 : index
    %get3A_6 = arith.constant 0 : index
    %get3A_7 = vector.load %arg2[%get3A_4, %get3A_5, %get3A_6] : memref<1x1024x128xf32, #tpu.memory_space<vmem>>, vector<1x1024x128xf32>
    %get3A_8 = vector.shape_cast %get3A_7 : vector<1x1024x128xf32> to vector<1024x128xf32>
    %get3A_9 = arith.constant 0 : index
    %get3A_10 = arith.constant 0 : index
    %get3A_11 = arith.constant 0 : index
    %get3A_12 = vector.load %arg3[%get3A_9, %get3A_10, %get3A_11] : memref<1x1024x128xf32, #tpu.memory_space<vmem>>, vector<1x1024x128xf32>
    %get3A_13 = vector.shape_cast %get3A_12 : vector<1x1024x128xf32> to vector<1024x128xf32>
    %get3A_14 = arith.constant 0 : index
    %get3A_15 = arith.constant 0 : index
    %get3A_16 = arith.constant 0 : index
    %get3A_17 = vector.load %arg4[%get3A_14, %get3A_15, %get3A_16] : memref<1x1024x128xf32, #tpu.memory_space<vmem>>, vector<1x1024x128xf32>
    %get3A_18 = vector.shape_cast %get3A_17 : vector<1x1024x128xf32> to vector<1024x128xf32>
    %get3A_19 = arith.constant 0 : index
    %get3A_20 = arith.constant 0 : index
    %get3A_21 = arith.constant 0 : index
    %get3A_22 = vector.load %arg5[%get3A_19, %get3A_20, %get3A_21] : memref<1x1024x128xi32, #tpu.memory_space<vmem>>, vector<1x1024x128xi32>
    %get3A_23 = vector.shape_cast %get3A_22 : vector<1x1024x128xi32> to vector<1024x128xi32>
    %get3A_24 = arith.constant 0 : index
    %get3A_25 = arith.constant 0 : index
    %get3A_26 = arith.constant 0 : index
    %get3A_27 = vector.load %arg6[%get3A_24, %get3A_25, %get3A_26] : memref<1x1024x128xf32, #tpu.memory_space<vmem>>, vector<1x1024x128xf32>
    %get3A_28 = vector.shape_cast %get3A_27 : vector<1x1024x128xf32> to vector<1024x128xf32>
    %sub3A = arith.subf %get3A_8, %get3A_3 : vector<1024x128xf32>
    %le3A = arith.constant 0.949999988 : f32
    %le3A_29 = vector.broadcast %le3A : f32 to vector<1024x128xf32>
    %le3A_30 = arith.cmpf ole, %sub3A, %le3A_29 : vector<1024x128xf32>
    %gt3A = arith.constant 0.000000e+00 : f32
    %gt3A_31 = vector.broadcast %gt3A : f32 to vector<1024x128xf32>
    %gt3A_32 = arith.cmpf ogt, %get3A_3, %gt3A_31 : vector<1024x128xf32>
    %and3A = arith.andi %le3A_30, %gt3A_32 : vector<1024x128xi1>
    %log3A = math.log %get3A_13 : vector<1024x128xf32>
    %neg3A = arith.constant 0.000000e+00 : f32
    %neg3A_33 = vector.broadcast %neg3A : f32 to vector<1024x128xf32>
    %neg3A_34 = arith.subf %neg3A_33, %log3A : vector<1024x128xf32>
    %log3A_35 = math.log %neg3A_34 : vector<1024x128xf32>
    %neg3A_36 = arith.constant 0.000000e+00 : f32
    %neg3A_37 = vector.broadcast %neg3A_36 : f32 to vector<1024x128xf32>
    %neg3A_38 = arith.subf %neg3A_37, %log3A_35 : vector<1024x128xf32>
    %jit3A = arith.constant 1.000000e+00 : f32
    %broadcast_in_dim3A = vector.broadcast %jit3A : f32 to vector<1024x128xf32>
    %select_n3A = arith.select %and3A, %get3A_3, %broadcast_in_dim3A : vector<1024x128xi1>, vector<1024x128xf32>
    %log3A_39 = math.log %select_n3A : vector<1024x128xf32>
    %add3A = arith.addf %log3A_39, %neg3A_38 : vector<1024x128xf32>
    %select_n3A_40 = arith.select %and3A, %add3A, %get3A_28 : vector<1024x128xi1>, vector<1024x128xf32>
    %iota3A = tpu.iota {dimensions = array<i32: 1>} : vector<1x128xi32>
    %broadcast_in_dim3A_41 = arith.constant 0 : i32
    %broadcast_in_dim3A_42 = vector.broadcast %broadcast_in_dim3A_41 : i32 to vector<1x128xi32>
    %reduce_max3A = vector.shape_cast %select_n3A_40 : vector<1024x128xf32> to vector<1x1024x128xf32>
    %reduce_max3A_43 = arith.constant dense<0xFF800000> : vector<1xf32>
    %reduce_max3A_44 = vector.multi_reduction <maximumf>, %reduce_max3A, %reduce_max3A_43 [1, 2] : vector<1x1024x128xf32> to vector<1xf32>
    %reduce_max3A_45 = vector.shape_cast %reduce_max3A_44 : vector<1xf32> to vector<1x1x1xf32>
    %reduce_max3A_46 = vector.extract %reduce_max3A_45[0, 0, 0] : f32 from vector<1x1x1xf32>
    %eq3A = vector.broadcast %reduce_max3A_46 : f32 to vector<1024x128xf32>
    %eq3A_47 = arith.cmpf oeq, %select_n3A_40, %eq3A : vector<1024x128xf32>
    %jit3A_48 = arith.constant 2147483647 : i32
    %broadcast_in_dim3A_49 = vector.broadcast %jit3A_48 : i32 to vector<1024x128xi32>
    %select_n3A_50 = arith.select %eq3A_47, %get3A_23, %broadcast_in_dim3A_49 : vector<1024x128xi1>, vector<1024x128xi32>
    %reduce_min3A = vector.shape_cast %select_n3A_50 : vector<1024x128xi32> to vector<1x1024x128xi32>
    %reduce_min3A_51 = arith.constant dense<2147483647> : vector<1xi32>
    %reduce_min3A_52 = vector.multi_reduction <minsi>, %reduce_min3A, %reduce_min3A_51 [1, 2] : vector<1x1024x128xi32> to vector<1xi32>
    %reduce_min3A_53 = vector.shape_cast %reduce_min3A_52 : vector<1xi32> to vector<1x1x1xi32>
    %reduce_min3A_54 = vector.extract %reduce_min3A_53[0, 0, 0] : i32 from vector<1x1x1xi32>
    %jit3A_55 = arith.constant -1.000000e+00 : f32
    %broadcast_in_dim3A_56 = vector.broadcast %jit3A_55 : f32 to vector<1024x128xf32>
    %select_n3A_57 = arith.select %eq3A_47, %get3A_3, %broadcast_in_dim3A_56 : vector<1024x128xi1>, vector<1024x128xf32>
    %reduce_max3A_58 = vector.shape_cast %select_n3A_57 : vector<1024x128xf32> to vector<1x1024x128xf32>
    %reduce_max3A_59 = arith.constant dense<0xFF800000> : vector<1xf32>
    %reduce_max3A_60 = vector.multi_reduction <maximumf>, %reduce_max3A_58, %reduce_max3A_59 [1, 2] : vector<1x1024x128xf32> to vector<1xf32>
    %reduce_max3A_61 = vector.shape_cast %reduce_max3A_60 : vector<1xf32> to vector<1x1x1xf32>
    %reduce_max3A_62 = vector.extract %reduce_max3A_61[0, 0, 0] : f32 from vector<1x1x1xf32>
    %eq3A_63 = vector.broadcast %reduce_max3A_62 : f32 to vector<1024x128xf32>
    %eq3A_64 = arith.cmpf oeq, %get3A_18, %eq3A_63 : vector<1024x128xf32>
    %convert_element_type3A = arith.extui %eq3A_64 : vector<1024x128xi1> to vector<1024x128xi32>
    %reduce_sum3A = vector.shape_cast %convert_element_type3A : vector<1024x128xi32> to vector<1x1024x128xi32>
    %reduce_sum3A_65 = arith.constant dense<0> : vector<1xi32>
    %reduce_sum3A_66 = vector.multi_reduction <add>, %reduce_sum3A, %reduce_sum3A_65 [1, 2] : vector<1x1024x128xi32> to vector<1xi32>
    %reduce_sum3A_67 = vector.shape_cast %reduce_sum3A_66 : vector<1xi32> to vector<1x1x1xi32>
    %reduce_sum3A_68 = vector.extract %reduce_sum3A_67[0, 0, 0] : i32 from vector<1x1x1xi32>
    %eq3A_69 = arith.constant 1 : i32
    %eq3A_70 = arith.cmpi eq, %reduce_sum3A_68, %eq3A_69 : i32
    %convert_element_type3A_71 = arith.extui %eq3A_70 : i1 to i32
    %cond3A = arith.constant 2147483647 : i32
    %cond3A_72 = arith.constant 0 : i32
    %cond3A_73 = arith.cmpi ne, %convert_element_type3A_71, %cond3A_72 : i32
    %cond3A_74 = scf.if %cond3A_73 -> (i32) {
      %broadcast_in_dim3A_277 = vector.broadcast %cond3A : i32 to vector<1024x128xi32>
      %select_n3A_278 = arith.select %eq3A_64, %get3A_23, %broadcast_in_dim3A_277 : vector<1024x128xi1>, vector<1024x128xi32>
      %reduce_min3A_279 = vector.shape_cast %select_n3A_278 : vector<1024x128xi32> to vector<1x1024x128xi32>
      %reduce_min3A_280 = arith.constant dense<2147483647> : vector<1xi32>
      %reduce_min3A_281 = vector.multi_reduction <minsi>, %reduce_min3A_279, %reduce_min3A_280 [1, 2] : vector<1x1024x128xi32> to vector<1xi32>
      %reduce_min3A_282 = vector.shape_cast %reduce_min3A_281 : vector<1xi32> to vector<1x1x1xi32>
      %reduce_min3A_283 = vector.extract %reduce_min3A_282[0, 0, 0] : i32 from vector<1x1x1xi32>
      scf.yield %reduce_min3A_283 : i32
    } else {
      %iota3A_277 = tpu.iota {dimensions = array<i32: 0>} : vector<1024x128xi32>
      %iota3A_278 = tpu.iota {dimensions = array<i32: 1>} : vector<1024x128xi32>
      %gt3A_279 = vector.broadcast %reduce_max3A_62 : f32 to vector<1024x128xf32>
      %gt3A_280 = arith.cmpf ogt, %get3A_18, %gt3A_279 : vector<1024x128xf32>
      %jit3A_281 = arith.constant 1 : i32
      %jit3A_282 = arith.constant 0 : i32
      %broadcast_in_dim3A_283 = vector.broadcast %jit3A_281 : i32 to vector<1024x128xi32>
      %broadcast_in_dim3A_284 = vector.broadcast %jit3A_282 : i32 to vector<1024x128xi32>
      %select_n3A_285 = arith.select %gt3A_280, %broadcast_in_dim3A_283, %broadcast_in_dim3A_284 : vector<1024x128xi1>, vector<1024x128xi32>
      %reduce_sum3A_286 = vector.shape_cast %select_n3A_285 : vector<1024x128xi32> to vector<1x1024x128xi32>
      %reduce_sum3A_287 = arith.constant dense<0> : vector<1xi32>
      %reduce_sum3A_288 = vector.multi_reduction <add>, %reduce_sum3A_286, %reduce_sum3A_287 [1, 2] : vector<1x1024x128xi32> to vector<1xi32>
      %reduce_sum3A_289 = vector.shape_cast %reduce_sum3A_288 : vector<1xi32> to vector<1x1x1xi32>
      %reduce_sum3A_290 = vector.extract %reduce_sum3A_289[0, 0, 0] : i32 from vector<1x1x1xi32>
      %sub3A_291 = arith.subi %reduce_min3A_54, %reduce_sum3A_290 : i32
      %ge3A = arith.constant 1 : i32
      %ge3A_292 = vector.broadcast %ge3A : i32 to vector<1024x128xi32>
      %ge3A_293 = arith.cmpi sge, %iota3A_277, %ge3A_292 : vector<1024x128xi32>
      %roll3A = arith.constant 1 : i32
      %roll3A_294 = tpu.dynamic_rotate %convert_element_type3A by %roll3A dim 0 : vector<1024x128xi32>, i32 -> vector<1024x128xi32>
      %jit3A_295 = arith.constant 0 : i32
      %broadcast_in_dim3A_296 = vector.broadcast %jit3A_295 : i32 to vector<1024x128xi32>
      %select_n3A_297 = arith.select %ge3A_293, %roll3A_294, %broadcast_in_dim3A_296 : vector<1024x128xi1>, vector<1024x128xi32>
      %add3A_298 = arith.addi %convert_element_type3A, %select_n3A_297 : vector<1024x128xi32>
      %ge3A_299 = arith.constant 2 : i32
      %ge3A_300 = vector.broadcast %ge3A_299 : i32 to vector<1024x128xi32>
      %ge3A_301 = arith.cmpi sge, %iota3A_277, %ge3A_300 : vector<1024x128xi32>
      %roll3A_302 = arith.constant 2 : i32
      %roll3A_303 = tpu.dynamic_rotate %add3A_298 by %roll3A_302 dim 0 : vector<1024x128xi32>, i32 -> vector<1024x128xi32>
      %jit3A_304 = arith.constant 0 : i32
      %broadcast_in_dim3A_305 = vector.broadcast %jit3A_304 : i32 to vector<1024x128xi32>
      %select_n3A_306 = arith.select %ge3A_301, %roll3A_303, %broadcast_in_dim3A_305 : vector<1024x128xi1>, vector<1024x128xi32>
      %add3A_307 = arith.addi %add3A_298, %select_n3A_306 : vector<1024x128xi32>
      %ge3A_308 = arith.constant 4 : i32
      %ge3A_309 = vector.broadcast %ge3A_308 : i32 to vector<1024x128xi32>
      %ge3A_310 = arith.cmpi sge, %iota3A_277, %ge3A_309 : vector<1024x128xi32>
      %roll3A_311 = arith.constant 4 : i32
      %roll3A_312 = tpu.dynamic_rotate %add3A_307 by %roll3A_311 dim 0 : vector<1024x128xi32>, i32 -> vector<1024x128xi32>
      %jit3A_313 = arith.constant 0 : i32
      %broadcast_in_dim3A_314 = vector.broadcast %jit3A_313 : i32 to vector<1024x128xi32>
      %select_n3A_315 = arith.select %ge3A_310, %roll3A_312, %broadcast_in_dim3A_314 : vector<1024x128xi1>, vector<1024x128xi32>
      %add3A_316 = arith.addi %add3A_307, %select_n3A_315 : vector<1024x128xi32>
      %ge3A_317 = arith.constant 8 : i32
      %ge3A_318 = vector.broadcast %ge3A_317 : i32 to vector<1024x128xi32>
      %ge3A_319 = arith.cmpi sge, %iota3A_277, %ge3A_318 : vector<1024x128xi32>
      %roll3A_320 = arith.constant 8 : i32
      %roll3A_321 = tpu.dynamic_rotate %add3A_316 by %roll3A_320 dim 0 : vector<1024x128xi32>, i32 -> vector<1024x128xi32>
      %jit3A_322 = arith.constant 0 : i32
      %broadcast_in_dim3A_323 = vector.broadcast %jit3A_322 : i32 to vector<1024x128xi32>
      %select_n3A_324 = arith.select %ge3A_319, %roll3A_321, %broadcast_in_dim3A_323 : vector<1024x128xi1>, vector<1024x128xi32>
      %add3A_325 = arith.addi %add3A_316, %select_n3A_324 : vector<1024x128xi32>
      %ge3A_326 = arith.constant 16 : i32
      %ge3A_327 = vector.broadcast %ge3A_326 : i32 to vector<1024x128xi32>
      %ge3A_328 = arith.cmpi sge, %iota3A_277, %ge3A_327 : vector<1024x128xi32>
      %roll3A_329 = arith.constant 16 : i32
      %roll3A_330 = tpu.dynamic_rotate %add3A_325 by %roll3A_329 dim 0 : vector<1024x128xi32>, i32 -> vector<1024x128xi32>
      %jit3A_331 = arith.constant 0 : i32
      %broadcast_in_dim3A_332 = vector.broadcast %jit3A_331 : i32 to vector<1024x128xi32>
      %select_n3A_333 = arith.select %ge3A_328, %roll3A_330, %broadcast_in_dim3A_332 : vector<1024x128xi1>, vector<1024x128xi32>
      %add3A_334 = arith.addi %add3A_325, %select_n3A_333 : vector<1024x128xi32>
      %ge3A_335 = arith.constant 32 : i32
      %ge3A_336 = vector.broadcast %ge3A_335 : i32 to vector<1024x128xi32>
      %ge3A_337 = arith.cmpi sge, %iota3A_277, %ge3A_336 : vector<1024x128xi32>
      %roll3A_338 = arith.constant 32 : i32
      %roll3A_339 = tpu.dynamic_rotate %add3A_334 by %roll3A_338 dim 0 : vector<1024x128xi32>, i32 -> vector<1024x128xi32>
      %jit3A_340 = arith.constant 0 : i32
      %broadcast_in_dim3A_341 = vector.broadcast %jit3A_340 : i32 to vector<1024x128xi32>
      %select_n3A_342 = arith.select %ge3A_337, %roll3A_339, %broadcast_in_dim3A_341 : vector<1024x128xi1>, vector<1024x128xi32>
      %add3A_343 = arith.addi %add3A_334, %select_n3A_342 : vector<1024x128xi32>
      %ge3A_344 = arith.constant 64 : i32
      %ge3A_345 = vector.broadcast %ge3A_344 : i32 to vector<1024x128xi32>
      %ge3A_346 = arith.cmpi sge, %iota3A_277, %ge3A_345 : vector<1024x128xi32>
      %roll3A_347 = arith.constant 64 : i32
      %roll3A_348 = tpu.dynamic_rotate %add3A_343 by %roll3A_347 dim 0 : vector<1024x128xi32>, i32 -> vector<1024x128xi32>
      %jit3A_349 = arith.constant 0 : i32
      %broadcast_in_dim3A_350 = vector.broadcast %jit3A_349 : i32 to vector<1024x128xi32>
      %select_n3A_351 = arith.select %ge3A_346, %roll3A_348, %broadcast_in_dim3A_350 : vector<1024x128xi1>, vector<1024x128xi32>
      %add3A_352 = arith.addi %add3A_343, %select_n3A_351 : vector<1024x128xi32>
      %ge3A_353 = arith.constant 128 : i32
      %ge3A_354 = vector.broadcast %ge3A_353 : i32 to vector<1024x128xi32>
      %ge3A_355 = arith.cmpi sge, %iota3A_277, %ge3A_354 : vector<1024x128xi32>
      %roll3A_356 = arith.constant 128 : i32
      %roll3A_357 = tpu.dynamic_rotate %add3A_352 by %roll3A_356 dim 0 : vector<1024x128xi32>, i32 -> vector<1024x128xi32>
      %jit3A_358 = arith.constant 0 : i32
      %broadcast_in_dim3A_359 = vector.broadcast %jit3A_358 : i32 to vector<1024x128xi32>
      %select_n3A_360 = arith.select %ge3A_355, %roll3A_357, %broadcast_in_dim3A_359 : vector<1024x128xi1>, vector<1024x128xi32>
      %add3A_361 = arith.addi %add3A_352, %select_n3A_360 : vector<1024x128xi32>
      %ge3A_362 = arith.constant 256 : i32
      %ge3A_363 = vector.broadcast %ge3A_362 : i32 to vector<1024x128xi32>
      %ge3A_364 = arith.cmpi sge, %iota3A_277, %ge3A_363 : vector<1024x128xi32>
      %roll3A_365 = arith.constant 256 : i32
      %roll3A_366 = tpu.dynamic_rotate %add3A_361 by %roll3A_365 dim 0 : vector<1024x128xi32>, i32 -> vector<1024x128xi32>
      %jit3A_367 = arith.constant 0 : i32
      %broadcast_in_dim3A_368 = vector.broadcast %jit3A_367 : i32 to vector<1024x128xi32>
      %select_n3A_369 = arith.select %ge3A_364, %roll3A_366, %broadcast_in_dim3A_368 : vector<1024x128xi1>, vector<1024x128xi32>
      %add3A_370 = arith.addi %add3A_361, %select_n3A_369 : vector<1024x128xi32>
      %ge3A_371 = arith.constant 512 : i32
      %ge3A_372 = vector.broadcast %ge3A_371 : i32 to vector<1024x128xi32>
      %ge3A_373 = arith.cmpi sge, %iota3A_277, %ge3A_372 : vector<1024x128xi32>
      %roll3A_374 = arith.constant 512 : i32
      %roll3A_375 = tpu.dynamic_rotate %add3A_370 by %roll3A_374 dim 0 : vector<1024x128xi32>, i32 -> vector<1024x128xi32>
      %jit3A_376 = arith.constant 0 : i32
      %broadcast_in_dim3A_377 = vector.broadcast %jit3A_376 : i32 to vector<1024x128xi32>
      %select_n3A_378 = arith.select %ge3A_373, %roll3A_375, %broadcast_in_dim3A_377 : vector<1024x128xi1>, vector<1024x128xi32>
      %add3A_379 = arith.addi %add3A_370, %select_n3A_378 : vector<1024x128xi32>
      %sub3A_380 = arith.subi %add3A_379, %convert_element_type3A : vector<1024x128xi32>
      %reduce_sum3A_381 = arith.constant dense<0> : vector<128xi32>
      %reduce_sum3A_382 = vector.multi_reduction <add>, %convert_element_type3A, %reduce_sum3A_381 [0] : vector<1024x128xi32> to vector<128xi32>
      %broadcast_in_dim3A_383 = vector.shape_cast %reduce_sum3A_382 : vector<128xi32> to vector<1x128xi32>
      %broadcast_in_dim3A_384 = vector.shape_cast %broadcast_in_dim3A_383 : vector<1x128xi32> to vector<1x128xi32>
      %broadcast_in_dim3A_385 = vector.broadcast %broadcast_in_dim3A_384 : vector<1x128xi32> to vector<1024x128xi32>
      %ge3A_386 = arith.constant 1 : i32
      %ge3A_387 = vector.broadcast %ge3A_386 : i32 to vector<1024x128xi32>
      %ge3A_388 = arith.cmpi sge, %iota3A_278, %ge3A_387 : vector<1024x128xi32>
      %roll3A_389 = arith.constant 1 : i32
      %roll3A_390 = tpu.dynamic_rotate %broadcast_in_dim3A_385 by %roll3A_389 dim 1 : vector<1024x128xi32>, i32 -> vector<1024x128xi32>
      %jit3A_391 = arith.constant 0 : i32
      %broadcast_in_dim3A_392 = vector.broadcast %jit3A_391 : i32 to vector<1024x128xi32>
      %select_n3A_393 = arith.select %ge3A_388, %roll3A_390, %broadcast_in_dim3A_392 : vector<1024x128xi1>, vector<1024x128xi32>
      %add3A_394 = arith.addi %broadcast_in_dim3A_385, %select_n3A_393 : vector<1024x128xi32>
      %ge3A_395 = arith.constant 2 : i32
      %ge3A_396 = vector.broadcast %ge3A_395 : i32 to vector<1024x128xi32>
      %ge3A_397 = arith.cmpi sge, %iota3A_278, %ge3A_396 : vector<1024x128xi32>
      %roll3A_398 = arith.constant 2 : i32
      %roll3A_399 = tpu.dynamic_rotate %add3A_394 by %roll3A_398 dim 1 : vector<1024x128xi32>, i32 -> vector<1024x128xi32>
      %jit3A_400 = arith.constant 0 : i32
      %broadcast_in_dim3A_401 = vector.broadcast %jit3A_400 : i32 to vector<1024x128xi32>
      %select_n3A_402 = arith.select %ge3A_397, %roll3A_399, %broadcast_in_dim3A_401 : vector<1024x128xi1>, vector<1024x128xi32>
      %add3A_403 = arith.addi %add3A_394, %select_n3A_402 : vector<1024x128xi32>
      %ge3A_404 = arith.constant 4 : i32
      %ge3A_405 = vector.broadcast %ge3A_404 : i32 to vector<1024x128xi32>
      %ge3A_406 = arith.cmpi sge, %iota3A_278, %ge3A_405 : vector<1024x128xi32>
      %roll3A_407 = arith.constant 4 : i32
      %roll3A_408 = tpu.dynamic_rotate %add3A_403 by %roll3A_407 dim 1 : vector<1024x128xi32>, i32 -> vector<1024x128xi32>
      %jit3A_409 = arith.constant 0 : i32
      %broadcast_in_dim3A_410 = vector.broadcast %jit3A_409 : i32 to vector<1024x128xi32>
      %select_n3A_411 = arith.select %ge3A_406, %roll3A_408, %broadcast_in_dim3A_410 : vector<1024x128xi1>, vector<1024x128xi32>
      %add3A_412 = arith.addi %add3A_403, %select_n3A_411 : vector<1024x128xi32>
      %ge3A_413 = arith.constant 8 : i32
      %ge3A_414 = vector.broadcast %ge3A_413 : i32 to vector<1024x128xi32>
      %ge3A_415 = arith.cmpi sge, %iota3A_278, %ge3A_414 : vector<1024x128xi32>
      %roll3A_416 = arith.constant 8 : i32
      %roll3A_417 = tpu.dynamic_rotate %add3A_412 by %roll3A_416 dim 1 : vector<1024x128xi32>, i32 -> vector<1024x128xi32>
      %jit3A_418 = arith.constant 0 : i32
      %broadcast_in_dim3A_419 = vector.broadcast %jit3A_418 : i32 to vector<1024x128xi32>
      %select_n3A_420 = arith.select %ge3A_415, %roll3A_417, %broadcast_in_dim3A_419 : vector<1024x128xi1>, vector<1024x128xi32>
      %add3A_421 = arith.addi %add3A_412, %select_n3A_420 : vector<1024x128xi32>
      %ge3A_422 = arith.constant 16 : i32
      %ge3A_423 = vector.broadcast %ge3A_422 : i32 to vector<1024x128xi32>
      %ge3A_424 = arith.cmpi sge, %iota3A_278, %ge3A_423 : vector<1024x128xi32>
      %roll3A_425 = arith.constant 16 : i32
      %roll3A_426 = tpu.dynamic_rotate %add3A_421 by %roll3A_425 dim 1 : vector<1024x128xi32>, i32 -> vector<1024x128xi32>
      %jit3A_427 = arith.constant 0 : i32
      %broadcast_in_dim3A_428 = vector.broadcast %jit3A_427 : i32 to vector<1024x128xi32>
      %select_n3A_429 = arith.select %ge3A_424, %roll3A_426, %broadcast_in_dim3A_428 : vector<1024x128xi1>, vector<1024x128xi32>
      %add3A_430 = arith.addi %add3A_421, %select_n3A_429 : vector<1024x128xi32>
      %ge3A_431 = arith.constant 32 : i32
      %ge3A_432 = vector.broadcast %ge3A_431 : i32 to vector<1024x128xi32>
      %ge3A_433 = arith.cmpi sge, %iota3A_278, %ge3A_432 : vector<1024x128xi32>
      %roll3A_434 = arith.constant 32 : i32
      %roll3A_435 = tpu.dynamic_rotate %add3A_430 by %roll3A_434 dim 1 : vector<1024x128xi32>, i32 -> vector<1024x128xi32>
      %jit3A_436 = arith.constant 0 : i32
      %broadcast_in_dim3A_437 = vector.broadcast %jit3A_436 : i32 to vector<1024x128xi32>
      %select_n3A_438 = arith.select %ge3A_433, %roll3A_435, %broadcast_in_dim3A_437 : vector<1024x128xi1>, vector<1024x128xi32>
      %add3A_439 = arith.addi %add3A_430, %select_n3A_438 : vector<1024x128xi32>
      %ge3A_440 = arith.constant 64 : i32
      %ge3A_441 = vector.broadcast %ge3A_440 : i32 to vector<1024x128xi32>
      %ge3A_442 = arith.cmpi sge, %iota3A_278, %ge3A_441 : vector<1024x128xi32>
      %roll3A_443 = arith.constant 64 : i32
      %roll3A_444 = tpu.dynamic_rotate %add3A_439 by %roll3A_443 dim 1 : vector<1024x128xi32>, i32 -> vector<1024x128xi32>
      %jit3A_445 = arith.constant 0 : i32
      %broadcast_in_dim3A_446 = vector.broadcast %jit3A_445 : i32 to vector<1024x128xi32>
      %select_n3A_447 = arith.select %ge3A_442, %roll3A_444, %broadcast_in_dim3A_446 : vector<1024x128xi1>, vector<1024x128xi32>
      %add3A_448 = arith.addi %add3A_439, %select_n3A_447 : vector<1024x128xi32>
      %sub3A_449 = arith.subi %add3A_448, %broadcast_in_dim3A_385 : vector<1024x128xi32>
      %add3A_450 = arith.addi %sub3A_380, %sub3A_449 : vector<1024x128xi32>
      %eq3A_451 = arith.constant 1 : i32
      %eq3A_452 = vector.broadcast %eq3A_451 : i32 to vector<1024x128xi32>
      %eq3A_453 = arith.cmpi eq, %convert_element_type3A, %eq3A_452 : vector<1024x128xi32>
      %eq3A_454 = vector.broadcast %sub3A_291 : i32 to vector<1024x128xi32>
      %eq3A_455 = arith.cmpi eq, %add3A_450, %eq3A_454 : vector<1024x128xi32>
      %and3A_456 = arith.andi %eq3A_453, %eq3A_455 : vector<1024x128xi1>
      %broadcast_in_dim3A_457 = vector.broadcast %cond3A : i32 to vector<1024x128xi32>
      %select_n3A_458 = arith.select %and3A_456, %get3A_23, %broadcast_in_dim3A_457 : vector<1024x128xi1>, vector<1024x128xi32>
      %reduce_min3A_459 = vector.shape_cast %select_n3A_458 : vector<1024x128xi32> to vector<1x1024x128xi32>
      %reduce_min3A_460 = arith.constant dense<2147483647> : vector<1xi32>
      %reduce_min3A_461 = vector.multi_reduction <minsi>, %reduce_min3A_459, %reduce_min3A_460 [1, 2] : vector<1x1024x128xi32> to vector<1xi32>
      %reduce_min3A_462 = vector.shape_cast %reduce_min3A_461 : vector<1xi32> to vector<1x1x1xi32>
      %reduce_min3A_463 = vector.extract %reduce_min3A_462[0, 0, 0] : i32 from vector<1x1x1xi32>
      scf.yield %reduce_min3A_463 : i32
    }
    %eq3A_75 = arith.constant 0 : i32
    %eq3A_76 = vector.broadcast %eq3A_75 : i32 to vector<1x128xi32>
    %eq3A_77 = arith.cmpi eq, %iota3A, %eq3A_76 : vector<1x128xi32>
    %broadcast_in_dim3A_78 = vector.broadcast %cond3A_74 : i32 to vector<1x128xi32>
    %select_n3A_79 = arith.select %eq3A_77, %broadcast_in_dim3A_78, %broadcast_in_dim3A_42 : vector<1x128xi1>, vector<1x128xi32>
    %eq3A_80 = vector.broadcast %reduce_min3A_54 : i32 to vector<1024x128xi32>
    %eq3A_81 = arith.cmpi eq, %get3A_23, %eq3A_80 : vector<1024x128xi32>
    %jit3A_82 = arith.constant -3.000000e+30 : f32
    %broadcast_in_dim3A_83 = vector.broadcast %jit3A_82 : f32 to vector<1024x128xf32>
    %select_n3A_84 = arith.select %eq3A_81, %broadcast_in_dim3A_83, %select_n3A_40 : vector<1024x128xi1>, vector<1024x128xf32>
    %reduce_max3A_85 = vector.shape_cast %select_n3A_84 : vector<1024x128xf32> to vector<1x1024x128xf32>
    %reduce_max3A_86 = arith.constant dense<0xFF800000> : vector<1xf32>
    %reduce_max3A_87 = vector.multi_reduction <maximumf>, %reduce_max3A_85, %reduce_max3A_86 [1, 2] : vector<1x1024x128xf32> to vector<1xf32>
    %reduce_max3A_88 = vector.shape_cast %reduce_max3A_87 : vector<1xf32> to vector<1x1x1xf32>
    %reduce_max3A_89 = vector.extract %reduce_max3A_88[0, 0, 0] : f32 from vector<1x1x1xf32>
    %eq3A_90 = vector.broadcast %reduce_max3A_89 : f32 to vector<1024x128xf32>
    %eq3A_91 = arith.cmpf oeq, %select_n3A_84, %eq3A_90 : vector<1024x128xf32>
    %jit3A_92 = arith.constant 2147483647 : i32
    %broadcast_in_dim3A_93 = vector.broadcast %jit3A_92 : i32 to vector<1024x128xi32>
    %select_n3A_94 = arith.select %eq3A_91, %get3A_23, %broadcast_in_dim3A_93 : vector<1024x128xi1>, vector<1024x128xi32>
    %reduce_min3A_95 = vector.shape_cast %select_n3A_94 : vector<1024x128xi32> to vector<1x1024x128xi32>
    %reduce_min3A_96 = arith.constant dense<2147483647> : vector<1xi32>
    %reduce_min3A_97 = vector.multi_reduction <minsi>, %reduce_min3A_95, %reduce_min3A_96 [1, 2] : vector<1x1024x128xi32> to vector<1xi32>
    %reduce_min3A_98 = vector.shape_cast %reduce_min3A_97 : vector<1xi32> to vector<1x1x1xi32>
    %reduce_min3A_99 = vector.extract %reduce_min3A_98[0, 0, 0] : i32 from vector<1x1x1xi32>
    %jit3A_100 = arith.constant -1.000000e+00 : f32
    %broadcast_in_dim3A_101 = vector.broadcast %jit3A_100 : f32 to vector<1024x128xf32>
    %select_n3A_102 = arith.select %eq3A_91, %get3A_3, %broadcast_in_dim3A_101 : vector<1024x128xi1>, vector<1024x128xf32>
    %reduce_max3A_103 = vector.shape_cast %select_n3A_102 : vector<1024x128xf32> to vector<1x1024x128xf32>
    %reduce_max3A_104 = arith.constant dense<0xFF800000> : vector<1xf32>
    %reduce_max3A_105 = vector.multi_reduction <maximumf>, %reduce_max3A_103, %reduce_max3A_104 [1, 2] : vector<1x1024x128xf32> to vector<1xf32>
    %reduce_max3A_106 = vector.shape_cast %reduce_max3A_105 : vector<1xf32> to vector<1x1x1xf32>
    %reduce_max3A_107 = vector.extract %reduce_max3A_106[0, 0, 0] : f32 from vector<1x1x1xf32>
    %eq3A_108 = vector.broadcast %reduce_max3A_107 : f32 to vector<1024x128xf32>
    %eq3A_109 = arith.cmpf oeq, %get3A_18, %eq3A_108 : vector<1024x128xf32>
    %convert_element_type3A_110 = arith.extui %eq3A_109 : vector<1024x128xi1> to vector<1024x128xi32>
    %reduce_sum3A_111 = vector.shape_cast %convert_element_type3A_110 : vector<1024x128xi32> to vector<1x1024x128xi32>
    %reduce_sum3A_112 = arith.constant dense<0> : vector<1xi32>
    %reduce_sum3A_113 = vector.multi_reduction <add>, %reduce_sum3A_111, %reduce_sum3A_112 [1, 2] : vector<1x1024x128xi32> to vector<1xi32>
    %reduce_sum3A_114 = vector.shape_cast %reduce_sum3A_113 : vector<1xi32> to vector<1x1x1xi32>
    %reduce_sum3A_115 = vector.extract %reduce_sum3A_114[0, 0, 0] : i32 from vector<1x1x1xi32>
    %eq3A_116 = arith.constant 1 : i32
    %eq3A_117 = arith.cmpi eq, %reduce_sum3A_115, %eq3A_116 : i32
    %convert_element_type3A_118 = arith.extui %eq3A_117 : i1 to i32
    %cond3A_119 = arith.constant 2147483647 : i32
    %cond3A_120 = arith.constant 0 : i32
    %cond3A_121 = arith.cmpi ne, %convert_element_type3A_118, %cond3A_120 : i32
    %cond3A_122 = scf.if %cond3A_121 -> (i32) {
      %broadcast_in_dim3A_277 = vector.broadcast %cond3A_119 : i32 to vector<1024x128xi32>
      %select_n3A_278 = arith.select %eq3A_109, %get3A_23, %broadcast_in_dim3A_277 : vector<1024x128xi1>, vector<1024x128xi32>
      %reduce_min3A_279 = vector.shape_cast %select_n3A_278 : vector<1024x128xi32> to vector<1x1024x128xi32>
      %reduce_min3A_280 = arith.constant dense<2147483647> : vector<1xi32>
      %reduce_min3A_281 = vector.multi_reduction <minsi>, %reduce_min3A_279, %reduce_min3A_280 [1, 2] : vector<1x1024x128xi32> to vector<1xi32>
      %reduce_min3A_282 = vector.shape_cast %reduce_min3A_281 : vector<1xi32> to vector<1x1x1xi32>
      %reduce_min3A_283 = vector.extract %reduce_min3A_282[0, 0, 0] : i32 from vector<1x1x1xi32>
      scf.yield %reduce_min3A_283 : i32
    } else {
      %iota3A_277 = tpu.iota {dimensions = array<i32: 0>} : vector<1024x128xi32>
      %iota3A_278 = tpu.iota {dimensions = array<i32: 1>} : vector<1024x128xi32>
      %gt3A_279 = vector.broadcast %reduce_max3A_107 : f32 to vector<1024x128xf32>
      %gt3A_280 = arith.cmpf ogt, %get3A_18, %gt3A_279 : vector<1024x128xf32>
      %jit3A_281 = arith.constant 1 : i32
      %jit3A_282 = arith.constant 0 : i32
      %broadcast_in_dim3A_283 = vector.broadcast %jit3A_281 : i32 to vector<1024x128xi32>
      %broadcast_in_dim3A_284 = vector.broadcast %jit3A_282 : i32 to vector<1024x128xi32>
      %select_n3A_285 = arith.select %gt3A_280, %broadcast_in_dim3A_283, %broadcast_in_dim3A_284 : vector<1024x128xi1>, vector<1024x128xi32>
      %reduce_sum3A_286 = vector.shape_cast %select_n3A_285 : vector<1024x128xi32> to vector<1x1024x128xi32>
      %reduce_sum3A_287 = arith.constant dense<0> : vector<1xi32>
      %reduce_sum3A_288 = vector.multi_reduction <add>, %reduce_sum3A_286, %reduce_sum3A_287 [1, 2] : vector<1x1024x128xi32> to vector<1xi32>
      %reduce_sum3A_289 = vector.shape_cast %reduce_sum3A_288 : vector<1xi32> to vector<1x1x1xi32>
      %reduce_sum3A_290 = vector.extract %reduce_sum3A_289[0, 0, 0] : i32 from vector<1x1x1xi32>
      %sub3A_291 = arith.subi %reduce_min3A_99, %reduce_sum3A_290 : i32
      %ge3A = arith.constant 1 : i32
      %ge3A_292 = vector.broadcast %ge3A : i32 to vector<1024x128xi32>
      %ge3A_293 = arith.cmpi sge, %iota3A_277, %ge3A_292 : vector<1024x128xi32>
      %roll3A = arith.constant 1 : i32
      %roll3A_294 = tpu.dynamic_rotate %convert_element_type3A_110 by %roll3A dim 0 : vector<1024x128xi32>, i32 -> vector<1024x128xi32>
      %jit3A_295 = arith.constant 0 : i32
      %broadcast_in_dim3A_296 = vector.broadcast %jit3A_295 : i32 to vector<1024x128xi32>
      %select_n3A_297 = arith.select %ge3A_293, %roll3A_294, %broadcast_in_dim3A_296 : vector<1024x128xi1>, vector<1024x128xi32>
      %add3A_298 = arith.addi %convert_element_type3A_110, %select_n3A_297 : vector<1024x128xi32>
      %ge3A_299 = arith.constant 2 : i32
      %ge3A_300 = vector.broadcast %ge3A_299 : i32 to vector<1024x128xi32>
      %ge3A_301 = arith.cmpi sge, %iota3A_277, %ge3A_300 : vector<1024x128xi32>
      %roll3A_302 = arith.constant 2 : i32
      %roll3A_303 = tpu.dynamic_rotate %add3A_298 by %roll3A_302 dim 0 : vector<1024x128xi32>, i32 -> vector<1024x128xi32>
      %jit3A_304 = arith.constant 0 : i32
      %broadcast_in_dim3A_305 = vector.broadcast %jit3A_304 : i32 to vector<1024x128xi32>
      %select_n3A_306 = arith.select %ge3A_301, %roll3A_303, %broadcast_in_dim3A_305 : vector<1024x128xi1>, vector<1024x128xi32>
      %add3A_307 = arith.addi %add3A_298, %select_n3A_306 : vector<1024x128xi32>
      %ge3A_308 = arith.constant 4 : i32
      %ge3A_309 = vector.broadcast %ge3A_308 : i32 to vector<1024x128xi32>
      %ge3A_310 = arith.cmpi sge, %iota3A_277, %ge3A_309 : vector<1024x128xi32>
      %roll3A_311 = arith.constant 4 : i32
      %roll3A_312 = tpu.dynamic_rotate %add3A_307 by %roll3A_311 dim 0 : vector<1024x128xi32>, i32 -> vector<1024x128xi32>
      %jit3A_313 = arith.constant 0 : i32
      %broadcast_in_dim3A_314 = vector.broadcast %jit3A_313 : i32 to vector<1024x128xi32>
      %select_n3A_315 = arith.select %ge3A_310, %roll3A_312, %broadcast_in_dim3A_314 : vector<1024x128xi1>, vector<1024x128xi32>
      %add3A_316 = arith.addi %add3A_307, %select_n3A_315 : vector<1024x128xi32>
      %ge3A_317 = arith.constant 8 : i32
      %ge3A_318 = vector.broadcast %ge3A_317 : i32 to vector<1024x128xi32>
      %ge3A_319 = arith.cmpi sge, %iota3A_277, %ge3A_318 : vector<1024x128xi32>
      %roll3A_320 = arith.constant 8 : i32
      %roll3A_321 = tpu.dynamic_rotate %add3A_316 by %roll3A_320 dim 0 : vector<1024x128xi32>, i32 -> vector<1024x128xi32>
      %jit3A_322 = arith.constant 0 : i32
      %broadcast_in_dim3A_323 = vector.broadcast %jit3A_322 : i32 to vector<1024x128xi32>
      %select_n3A_324 = arith.select %ge3A_319, %roll3A_321, %broadcast_in_dim3A_323 : vector<1024x128xi1>, vector<1024x128xi32>
      %add3A_325 = arith.addi %add3A_316, %select_n3A_324 : vector<1024x128xi32>
      %ge3A_326 = arith.constant 16 : i32
      %ge3A_327 = vector.broadcast %ge3A_326 : i32 to vector<1024x128xi32>
      %ge3A_328 = arith.cmpi sge, %iota3A_277, %ge3A_327 : vector<1024x128xi32>
      %roll3A_329 = arith.constant 16 : i32
      %roll3A_330 = tpu.dynamic_rotate %add3A_325 by %roll3A_329 dim 0 : vector<1024x128xi32>, i32 -> vector<1024x128xi32>
      %jit3A_331 = arith.constant 0 : i32
      %broadcast_in_dim3A_332 = vector.broadcast %jit3A_331 : i32 to vector<1024x128xi32>
      %select_n3A_333 = arith.select %ge3A_328, %roll3A_330, %broadcast_in_dim3A_332 : vector<1024x128xi1>, vector<1024x128xi32>
      %add3A_334 = arith.addi %add3A_325, %select_n3A_333 : vector<1024x128xi32>
      %ge3A_335 = arith.constant 32 : i32
      %ge3A_336 = vector.broadcast %ge3A_335 : i32 to vector<1024x128xi32>
      %ge3A_337 = arith.cmpi sge, %iota3A_277, %ge3A_336 : vector<1024x128xi32>
      %roll3A_338 = arith.constant 32 : i32
      %roll3A_339 = tpu.dynamic_rotate %add3A_334 by %roll3A_338 dim 0 : vector<1024x128xi32>, i32 -> vector<1024x128xi32>
      %jit3A_340 = arith.constant 0 : i32
      %broadcast_in_dim3A_341 = vector.broadcast %jit3A_340 : i32 to vector<1024x128xi32>
      %select_n3A_342 = arith.select %ge3A_337, %roll3A_339, %broadcast_in_dim3A_341 : vector<1024x128xi1>, vector<1024x128xi32>
      %add3A_343 = arith.addi %add3A_334, %select_n3A_342 : vector<1024x128xi32>
      %ge3A_344 = arith.constant 64 : i32
      %ge3A_345 = vector.broadcast %ge3A_344 : i32 to vector<1024x128xi32>
      %ge3A_346 = arith.cmpi sge, %iota3A_277, %ge3A_345 : vector<1024x128xi32>
      %roll3A_347 = arith.constant 64 : i32
      %roll3A_348 = tpu.dynamic_rotate %add3A_343 by %roll3A_347 dim 0 : vector<1024x128xi32>, i32 -> vector<1024x128xi32>
      %jit3A_349 = arith.constant 0 : i32
      %broadcast_in_dim3A_350 = vector.broadcast %jit3A_349 : i32 to vector<1024x128xi32>
      %select_n3A_351 = arith.select %ge3A_346, %roll3A_348, %broadcast_in_dim3A_350 : vector<1024x128xi1>, vector<1024x128xi32>
      %add3A_352 = arith.addi %add3A_343, %select_n3A_351 : vector<1024x128xi32>
      %ge3A_353 = arith.constant 128 : i32
      %ge3A_354 = vector.broadcast %ge3A_353 : i32 to vector<1024x128xi32>
      %ge3A_355 = arith.cmpi sge, %iota3A_277, %ge3A_354 : vector<1024x128xi32>
      %roll3A_356 = arith.constant 128 : i32
      %roll3A_357 = tpu.dynamic_rotate %add3A_352 by %roll3A_356 dim 0 : vector<1024x128xi32>, i32 -> vector<1024x128xi32>
      %jit3A_358 = arith.constant 0 : i32
      %broadcast_in_dim3A_359 = vector.broadcast %jit3A_358 : i32 to vector<1024x128xi32>
      %select_n3A_360 = arith.select %ge3A_355, %roll3A_357, %broadcast_in_dim3A_359 : vector<1024x128xi1>, vector<1024x128xi32>
      %add3A_361 = arith.addi %add3A_352, %select_n3A_360 : vector<1024x128xi32>
      %ge3A_362 = arith.constant 256 : i32
      %ge3A_363 = vector.broadcast %ge3A_362 : i32 to vector<1024x128xi32>
      %ge3A_364 = arith.cmpi sge, %iota3A_277, %ge3A_363 : vector<1024x128xi32>
      %roll3A_365 = arith.constant 256 : i32
      %roll3A_366 = tpu.dynamic_rotate %add3A_361 by %roll3A_365 dim 0 : vector<1024x128xi32>, i32 -> vector<1024x128xi32>
      %jit3A_367 = arith.constant 0 : i32
      %broadcast_in_dim3A_368 = vector.broadcast %jit3A_367 : i32 to vector<1024x128xi32>
      %select_n3A_369 = arith.select %ge3A_364, %roll3A_366, %broadcast_in_dim3A_368 : vector<1024x128xi1>, vector<1024x128xi32>
      %add3A_370 = arith.addi %add3A_361, %select_n3A_369 : vector<1024x128xi32>
      %ge3A_371 = arith.constant 512 : i32
      %ge3A_372 = vector.broadcast %ge3A_371 : i32 to vector<1024x128xi32>
      %ge3A_373 = arith.cmpi sge, %iota3A_277, %ge3A_372 : vector<1024x128xi32>
      %roll3A_374 = arith.constant 512 : i32
      %roll3A_375 = tpu.dynamic_rotate %add3A_370 by %roll3A_374 dim 0 : vector<1024x128xi32>, i32 -> vector<1024x128xi32>
      %jit3A_376 = arith.constant 0 : i32
      %broadcast_in_dim3A_377 = vector.broadcast %jit3A_376 : i32 to vector<1024x128xi32>
      %select_n3A_378 = arith.select %ge3A_373, %roll3A_375, %broadcast_in_dim3A_377 : vector<1024x128xi1>, vector<1024x128xi32>
      %add3A_379 = arith.addi %add3A_370, %select_n3A_378 : vector<1024x128xi32>
      %sub3A_380 = arith.subi %add3A_379, %convert_element_type3A_110 : vector<1024x128xi32>
      %reduce_sum3A_381 = arith.constant dense<0> : vector<128xi32>
      %reduce_sum3A_382 = vector.multi_reduction <add>, %convert_element_type3A_110, %reduce_sum3A_381 [0] : vector<1024x128xi32> to vector<128xi32>
      %broadcast_in_dim3A_383 = vector.shape_cast %reduce_sum3A_382 : vector<128xi32> to vector<1x128xi32>
      %broadcast_in_dim3A_384 = vector.shape_cast %broadcast_in_dim3A_383 : vector<1x128xi32> to vector<1x128xi32>
      %broadcast_in_dim3A_385 = vector.broadcast %broadcast_in_dim3A_384 : vector<1x128xi32> to vector<1024x128xi32>
      %ge3A_386 = arith.constant 1 : i32
      %ge3A_387 = vector.broadcast %ge3A_386 : i32 to vector<1024x128xi32>
      %ge3A_388 = arith.cmpi sge, %iota3A_278, %ge3A_387 : vector<1024x128xi32>
      %roll3A_389 = arith.constant 1 : i32
      %roll3A_390 = tpu.dynamic_rotate %broadcast_in_dim3A_385 by %roll3A_389 dim 1 : vector<1024x128xi32>, i32 -> vector<1024x128xi32>
      %jit3A_391 = arith.constant 0 : i32
      %broadcast_in_dim3A_392 = vector.broadcast %jit3A_391 : i32 to vector<1024x128xi32>
      %select_n3A_393 = arith.select %ge3A_388, %roll3A_390, %broadcast_in_dim3A_392 : vector<1024x128xi1>, vector<1024x128xi32>
      %add3A_394 = arith.addi %broadcast_in_dim3A_385, %select_n3A_393 : vector<1024x128xi32>
      %ge3A_395 = arith.constant 2 : i32
      %ge3A_396 = vector.broadcast %ge3A_395 : i32 to vector<1024x128xi32>
      %ge3A_397 = arith.cmpi sge, %iota3A_278, %ge3A_396 : vector<1024x128xi32>
      %roll3A_398 = arith.constant 2 : i32
      %roll3A_399 = tpu.dynamic_rotate %add3A_394 by %roll3A_398 dim 1 : vector<1024x128xi32>, i32 -> vector<1024x128xi32>
      %jit3A_400 = arith.constant 0 : i32
      %broadcast_in_dim3A_401 = vector.broadcast %jit3A_400 : i32 to vector<1024x128xi32>
      %select_n3A_402 = arith.select %ge3A_397, %roll3A_399, %broadcast_in_dim3A_401 : vector<1024x128xi1>, vector<1024x128xi32>
      %add3A_403 = arith.addi %add3A_394, %select_n3A_402 : vector<1024x128xi32>
      %ge3A_404 = arith.constant 4 : i32
      %ge3A_405 = vector.broadcast %ge3A_404 : i32 to vector<1024x128xi32>
      %ge3A_406 = arith.cmpi sge, %iota3A_278, %ge3A_405 : vector<1024x128xi32>
      %roll3A_407 = arith.constant 4 : i32
      %roll3A_408 = tpu.dynamic_rotate %add3A_403 by %roll3A_407 dim 1 : vector<1024x128xi32>, i32 -> vector<1024x128xi32>
      %jit3A_409 = arith.constant 0 : i32
      %broadcast_in_dim3A_410 = vector.broadcast %jit3A_409 : i32 to vector<1024x128xi32>
      %select_n3A_411 = arith.select %ge3A_406, %roll3A_408, %broadcast_in_dim3A_410 : vector<1024x128xi1>, vector<1024x128xi32>
      %add3A_412 = arith.addi %add3A_403, %select_n3A_411 : vector<1024x128xi32>
      %ge3A_413 = arith.constant 8 : i32
      %ge3A_414 = vector.broadcast %ge3A_413 : i32 to vector<1024x128xi32>
      %ge3A_415 = arith.cmpi sge, %iota3A_278, %ge3A_414 : vector<1024x128xi32>
      %roll3A_416 = arith.constant 8 : i32
      %roll3A_417 = tpu.dynamic_rotate %add3A_412 by %roll3A_416 dim 1 : vector<1024x128xi32>, i32 -> vector<1024x128xi32>
      %jit3A_418 = arith.constant 0 : i32
      %broadcast_in_dim3A_419 = vector.broadcast %jit3A_418 : i32 to vector<1024x128xi32>
      %select_n3A_420 = arith.select %ge3A_415, %roll3A_417, %broadcast_in_dim3A_419 : vector<1024x128xi1>, vector<1024x128xi32>
      %add3A_421 = arith.addi %add3A_412, %select_n3A_420 : vector<1024x128xi32>
      %ge3A_422 = arith.constant 16 : i32
      %ge3A_423 = vector.broadcast %ge3A_422 : i32 to vector<1024x128xi32>
      %ge3A_424 = arith.cmpi sge, %iota3A_278, %ge3A_423 : vector<1024x128xi32>
      %roll3A_425 = arith.constant 16 : i32
      %roll3A_426 = tpu.dynamic_rotate %add3A_421 by %roll3A_425 dim 1 : vector<1024x128xi32>, i32 -> vector<1024x128xi32>
      %jit3A_427 = arith.constant 0 : i32
      %broadcast_in_dim3A_428 = vector.broadcast %jit3A_427 : i32 to vector<1024x128xi32>
      %select_n3A_429 = arith.select %ge3A_424, %roll3A_426, %broadcast_in_dim3A_428 : vector<1024x128xi1>, vector<1024x128xi32>
      %add3A_430 = arith.addi %add3A_421, %select_n3A_429 : vector<1024x128xi32>
      %ge3A_431 = arith.constant 32 : i32
      %ge3A_432 = vector.broadcast %ge3A_431 : i32 to vector<1024x128xi32>
      %ge3A_433 = arith.cmpi sge, %iota3A_278, %ge3A_432 : vector<1024x128xi32>
      %roll3A_434 = arith.constant 32 : i32
      %roll3A_435 = tpu.dynamic_rotate %add3A_430 by %roll3A_434 dim 1 : vector<1024x128xi32>, i32 -> vector<1024x128xi32>
      %jit3A_436 = arith.constant 0 : i32
      %broadcast_in_dim3A_437 = vector.broadcast %jit3A_436 : i32 to vector<1024x128xi32>
      %select_n3A_438 = arith.select %ge3A_433, %roll3A_435, %broadcast_in_dim3A_437 : vector<1024x128xi1>, vector<1024x128xi32>
      %add3A_439 = arith.addi %add3A_430, %select_n3A_438 : vector<1024x128xi32>
      %ge3A_440 = arith.constant 64 : i32
      %ge3A_441 = vector.broadcast %ge3A_440 : i32 to vector<1024x128xi32>
      %ge3A_442 = arith.cmpi sge, %iota3A_278, %ge3A_441 : vector<1024x128xi32>
      %roll3A_443 = arith.constant 64 : i32
      %roll3A_444 = tpu.dynamic_rotate %add3A_439 by %roll3A_443 dim 1 : vector<1024x128xi32>, i32 -> vector<1024x128xi32>
      %jit3A_445 = arith.constant 0 : i32
      %broadcast_in_dim3A_446 = vector.broadcast %jit3A_445 : i32 to vector<1024x128xi32>
      %select_n3A_447 = arith.select %ge3A_442, %roll3A_444, %broadcast_in_dim3A_446 : vector<1024x128xi1>, vector<1024x128xi32>
      %add3A_448 = arith.addi %add3A_439, %select_n3A_447 : vector<1024x128xi32>
      %sub3A_449 = arith.subi %add3A_448, %broadcast_in_dim3A_385 : vector<1024x128xi32>
      %add3A_450 = arith.addi %sub3A_380, %sub3A_449 : vector<1024x128xi32>
      %eq3A_451 = arith.constant 1 : i32
      %eq3A_452 = vector.broadcast %eq3A_451 : i32 to vector<1024x128xi32>
      %eq3A_453 = arith.cmpi eq, %convert_element_type3A_110, %eq3A_452 : vector<1024x128xi32>
      %eq3A_454 = vector.broadcast %sub3A_291 : i32 to vector<1024x128xi32>
      %eq3A_455 = arith.cmpi eq, %add3A_450, %eq3A_454 : vector<1024x128xi32>
      %and3A_456 = arith.andi %eq3A_453, %eq3A_455 : vector<1024x128xi1>
      %broadcast_in_dim3A_457 = vector.broadcast %cond3A_119 : i32 to vector<1024x128xi32>
      %select_n3A_458 = arith.select %and3A_456, %get3A_23, %broadcast_in_dim3A_457 : vector<1024x128xi1>, vector<1024x128xi32>
      %reduce_min3A_459 = vector.shape_cast %select_n3A_458 : vector<1024x128xi32> to vector<1x1024x128xi32>
      %reduce_min3A_460 = arith.constant dense<2147483647> : vector<1xi32>
      %reduce_min3A_461 = vector.multi_reduction <minsi>, %reduce_min3A_459, %reduce_min3A_460 [1, 2] : vector<1x1024x128xi32> to vector<1xi32>
      %reduce_min3A_462 = vector.shape_cast %reduce_min3A_461 : vector<1xi32> to vector<1x1x1xi32>
      %reduce_min3A_463 = vector.extract %reduce_min3A_462[0, 0, 0] : i32 from vector<1x1x1xi32>
      scf.yield %reduce_min3A_463 : i32
    }
    %eq3A_123 = arith.constant 1 : i32
    %eq3A_124 = vector.broadcast %eq3A_123 : i32 to vector<1x128xi32>
    %eq3A_125 = arith.cmpi eq, %iota3A, %eq3A_124 : vector<1x128xi32>
    %broadcast_in_dim3A_126 = vector.broadcast %cond3A_122 : i32 to vector<1x128xi32>
    %select_n3A_127 = arith.select %eq3A_125, %broadcast_in_dim3A_126, %select_n3A_79 : vector<1x128xi1>, vector<1x128xi32>
    %eq3A_128 = vector.broadcast %reduce_min3A_99 : i32 to vector<1024x128xi32>
    %eq3A_129 = arith.cmpi eq, %get3A_23, %eq3A_128 : vector<1024x128xi32>
    %jit3A_130 = arith.constant -3.000000e+30 : f32
    %broadcast_in_dim3A_131 = vector.broadcast %jit3A_130 : f32 to vector<1024x128xf32>
    %select_n3A_132 = arith.select %eq3A_129, %broadcast_in_dim3A_131, %select_n3A_84 : vector<1024x128xi1>, vector<1024x128xf32>
    %reduce_max3A_133 = vector.shape_cast %select_n3A_132 : vector<1024x128xf32> to vector<1x1024x128xf32>
    %reduce_max3A_134 = arith.constant dense<0xFF800000> : vector<1xf32>
    %reduce_max3A_135 = vector.multi_reduction <maximumf>, %reduce_max3A_133, %reduce_max3A_134 [1, 2] : vector<1x1024x128xf32> to vector<1xf32>
    %reduce_max3A_136 = vector.shape_cast %reduce_max3A_135 : vector<1xf32> to vector<1x1x1xf32>
    %reduce_max3A_137 = vector.extract %reduce_max3A_136[0, 0, 0] : f32 from vector<1x1x1xf32>
    %eq3A_138 = vector.broadcast %reduce_max3A_137 : f32 to vector<1024x128xf32>
    %eq3A_139 = arith.cmpf oeq, %select_n3A_132, %eq3A_138 : vector<1024x128xf32>
    %jit3A_140 = arith.constant 2147483647 : i32
    %broadcast_in_dim3A_141 = vector.broadcast %jit3A_140 : i32 to vector<1024x128xi32>
    %select_n3A_142 = arith.select %eq3A_139, %get3A_23, %broadcast_in_dim3A_141 : vector<1024x128xi1>, vector<1024x128xi32>
    %reduce_min3A_143 = vector.shape_cast %select_n3A_142 : vector<1024x128xi32> to vector<1x1024x128xi32>
    %reduce_min3A_144 = arith.constant dense<2147483647> : vector<1xi32>
    %reduce_min3A_145 = vector.multi_reduction <minsi>, %reduce_min3A_143, %reduce_min3A_144 [1, 2] : vector<1x1024x128xi32> to vector<1xi32>
    %reduce_min3A_146 = vector.shape_cast %reduce_min3A_145 : vector<1xi32> to vector<1x1x1xi32>
    %reduce_min3A_147 = vector.extract %reduce_min3A_146[0, 0, 0] : i32 from vector<1x1x1xi32>
    %jit3A_148 = arith.constant -1.000000e+00 : f32
    %broadcast_in_dim3A_149 = vector.broadcast %jit3A_148 : f32 to vector<1024x128xf32>
    %select_n3A_150 = arith.select %eq3A_139, %get3A_3, %broadcast_in_dim3A_149 : vector<1024x128xi1>, vector<1024x128xf32>
    %reduce_max3A_151 = vector.shape_cast %select_n3A_150 : vector<1024x128xf32> to vector<1x1024x128xf32>
    %reduce_max3A_152 = arith.constant dense<0xFF800000> : vector<1xf32>
    %reduce_max3A_153 = vector.multi_reduction <maximumf>, %reduce_max3A_151, %reduce_max3A_152 [1, 2] : vector<1x1024x128xf32> to vector<1xf32>
    %reduce_max3A_154 = vector.shape_cast %reduce_max3A_153 : vector<1xf32> to vector<1x1x1xf32>
    %reduce_max3A_155 = vector.extract %reduce_max3A_154[0, 0, 0] : f32 from vector<1x1x1xf32>
    %eq3A_156 = vector.broadcast %reduce_max3A_155 : f32 to vector<1024x128xf32>
    %eq3A_157 = arith.cmpf oeq, %get3A_18, %eq3A_156 : vector<1024x128xf32>
    %convert_element_type3A_158 = arith.extui %eq3A_157 : vector<1024x128xi1> to vector<1024x128xi32>
    %reduce_sum3A_159 = vector.shape_cast %convert_element_type3A_158 : vector<1024x128xi32> to vector<1x1024x128xi32>
    %reduce_sum3A_160 = arith.constant dense<0> : vector<1xi32>
    %reduce_sum3A_161 = vector.multi_reduction <add>, %reduce_sum3A_159, %reduce_sum3A_160 [1, 2] : vector<1x1024x128xi32> to vector<1xi32>
    %reduce_sum3A_162 = vector.shape_cast %reduce_sum3A_161 : vector<1xi32> to vector<1x1x1xi32>
    %reduce_sum3A_163 = vector.extract %reduce_sum3A_162[0, 0, 0] : i32 from vector<1x1x1xi32>
    %eq3A_164 = arith.constant 1 : i32
    %eq3A_165 = arith.cmpi eq, %reduce_sum3A_163, %eq3A_164 : i32
    %convert_element_type3A_166 = arith.extui %eq3A_165 : i1 to i32
    %cond3A_167 = arith.constant 2147483647 : i32
    %cond3A_168 = arith.constant 0 : i32
    %cond3A_169 = arith.cmpi ne, %convert_element_type3A_166, %cond3A_168 : i32
    %cond3A_170 = scf.if %cond3A_169 -> (i32) {
      %broadcast_in_dim3A_277 = vector.broadcast %cond3A_167 : i32 to vector<1024x128xi32>
      %select_n3A_278 = arith.select %eq3A_157, %get3A_23, %broadcast_in_dim3A_277 : vector<1024x128xi1>, vector<1024x128xi32>
      %reduce_min3A_279 = vector.shape_cast %select_n3A_278 : vector<1024x128xi32> to vector<1x1024x128xi32>
      %reduce_min3A_280 = arith.constant dense<2147483647> : vector<1xi32>
      %reduce_min3A_281 = vector.multi_reduction <minsi>, %reduce_min3A_279, %reduce_min3A_280 [1, 2] : vector<1x1024x128xi32> to vector<1xi32>
      %reduce_min3A_282 = vector.shape_cast %reduce_min3A_281 : vector<1xi32> to vector<1x1x1xi32>
      %reduce_min3A_283 = vector.extract %reduce_min3A_282[0, 0, 0] : i32 from vector<1x1x1xi32>
      scf.yield %reduce_min3A_283 : i32
    } else {
      %iota3A_277 = tpu.iota {dimensions = array<i32: 0>} : vector<1024x128xi32>
      %iota3A_278 = tpu.iota {dimensions = array<i32: 1>} : vector<1024x128xi32>
      %gt3A_279 = vector.broadcast %reduce_max3A_155 : f32 to vector<1024x128xf32>
      %gt3A_280 = arith.cmpf ogt, %get3A_18, %gt3A_279 : vector<1024x128xf32>
      %jit3A_281 = arith.constant 1 : i32
      %jit3A_282 = arith.constant 0 : i32
      %broadcast_in_dim3A_283 = vector.broadcast %jit3A_281 : i32 to vector<1024x128xi32>
      %broadcast_in_dim3A_284 = vector.broadcast %jit3A_282 : i32 to vector<1024x128xi32>
      %select_n3A_285 = arith.select %gt3A_280, %broadcast_in_dim3A_283, %broadcast_in_dim3A_284 : vector<1024x128xi1>, vector<1024x128xi32>
      %reduce_sum3A_286 = vector.shape_cast %select_n3A_285 : vector<1024x128xi32> to vector<1x1024x128xi32>
      %reduce_sum3A_287 = arith.constant dense<0> : vector<1xi32>
      %reduce_sum3A_288 = vector.multi_reduction <add>, %reduce_sum3A_286, %reduce_sum3A_287 [1, 2] : vector<1x1024x128xi32> to vector<1xi32>
      %reduce_sum3A_289 = vector.shape_cast %reduce_sum3A_288 : vector<1xi32> to vector<1x1x1xi32>
      %reduce_sum3A_290 = vector.extract %reduce_sum3A_289[0, 0, 0] : i32 from vector<1x1x1xi32>
      %sub3A_291 = arith.subi %reduce_min3A_147, %reduce_sum3A_290 : i32
      %ge3A = arith.constant 1 : i32
      %ge3A_292 = vector.broadcast %ge3A : i32 to vector<1024x128xi32>
      %ge3A_293 = arith.cmpi sge, %iota3A_277, %ge3A_292 : vector<1024x128xi32>
      %roll3A = arith.constant 1 : i32
      %roll3A_294 = tpu.dynamic_rotate %convert_element_type3A_158 by %roll3A dim 0 : vector<1024x128xi32>, i32 -> vector<1024x128xi32>
      %jit3A_295 = arith.constant 0 : i32
      %broadcast_in_dim3A_296 = vector.broadcast %jit3A_295 : i32 to vector<1024x128xi32>
      %select_n3A_297 = arith.select %ge3A_293, %roll3A_294, %broadcast_in_dim3A_296 : vector<1024x128xi1>, vector<1024x128xi32>
      %add3A_298 = arith.addi %convert_element_type3A_158, %select_n3A_297 : vector<1024x128xi32>
      %ge3A_299 = arith.constant 2 : i32
      %ge3A_300 = vector.broadcast %ge3A_299 : i32 to vector<1024x128xi32>
      %ge3A_301 = arith.cmpi sge, %iota3A_277, %ge3A_300 : vector<1024x128xi32>
      %roll3A_302 = arith.constant 2 : i32
      %roll3A_303 = tpu.dynamic_rotate %add3A_298 by %roll3A_302 dim 0 : vector<1024x128xi32>, i32 -> vector<1024x128xi32>
      %jit3A_304 = arith.constant 0 : i32
      %broadcast_in_dim3A_305 = vector.broadcast %jit3A_304 : i32 to vector<1024x128xi32>
      %select_n3A_306 = arith.select %ge3A_301, %roll3A_303, %broadcast_in_dim3A_305 : vector<1024x128xi1>, vector<1024x128xi32>
      %add3A_307 = arith.addi %add3A_298, %select_n3A_306 : vector<1024x128xi32>
      %ge3A_308 = arith.constant 4 : i32
      %ge3A_309 = vector.broadcast %ge3A_308 : i32 to vector<1024x128xi32>
      %ge3A_310 = arith.cmpi sge, %iota3A_277, %ge3A_309 : vector<1024x128xi32>
      %roll3A_311 = arith.constant 4 : i32
      %roll3A_312 = tpu.dynamic_rotate %add3A_307 by %roll3A_311 dim 0 : vector<1024x128xi32>, i32 -> vector<1024x128xi32>
      %jit3A_313 = arith.constant 0 : i32
      %broadcast_in_dim3A_314 = vector.broadcast %jit3A_313 : i32 to vector<1024x128xi32>
      %select_n3A_315 = arith.select %ge3A_310, %roll3A_312, %broadcast_in_dim3A_314 : vector<1024x128xi1>, vector<1024x128xi32>
      %add3A_316 = arith.addi %add3A_307, %select_n3A_315 : vector<1024x128xi32>
      %ge3A_317 = arith.constant 8 : i32
      %ge3A_318 = vector.broadcast %ge3A_317 : i32 to vector<1024x128xi32>
      %ge3A_319 = arith.cmpi sge, %iota3A_277, %ge3A_318 : vector<1024x128xi32>
      %roll3A_320 = arith.constant 8 : i32
      %roll3A_321 = tpu.dynamic_rotate %add3A_316 by %roll3A_320 dim 0 : vector<1024x128xi32>, i32 -> vector<1024x128xi32>
      %jit3A_322 = arith.constant 0 : i32
      %broadcast_in_dim3A_323 = vector.broadcast %jit3A_322 : i32 to vector<1024x128xi32>
      %select_n3A_324 = arith.select %ge3A_319, %roll3A_321, %broadcast_in_dim3A_323 : vector<1024x128xi1>, vector<1024x128xi32>
      %add3A_325 = arith.addi %add3A_316, %select_n3A_324 : vector<1024x128xi32>
      %ge3A_326 = arith.constant 16 : i32
      %ge3A_327 = vector.broadcast %ge3A_326 : i32 to vector<1024x128xi32>
      %ge3A_328 = arith.cmpi sge, %iota3A_277, %ge3A_327 : vector<1024x128xi32>
      %roll3A_329 = arith.constant 16 : i32
      %roll3A_330 = tpu.dynamic_rotate %add3A_325 by %roll3A_329 dim 0 : vector<1024x128xi32>, i32 -> vector<1024x128xi32>
      %jit3A_331 = arith.constant 0 : i32
      %broadcast_in_dim3A_332 = vector.broadcast %jit3A_331 : i32 to vector<1024x128xi32>
      %select_n3A_333 = arith.select %ge3A_328, %roll3A_330, %broadcast_in_dim3A_332 : vector<1024x128xi1>, vector<1024x128xi32>
      %add3A_334 = arith.addi %add3A_325, %select_n3A_333 : vector<1024x128xi32>
      %ge3A_335 = arith.constant 32 : i32
      %ge3A_336 = vector.broadcast %ge3A_335 : i32 to vector<1024x128xi32>
      %ge3A_337 = arith.cmpi sge, %iota3A_277, %ge3A_336 : vector<1024x128xi32>
      %roll3A_338 = arith.constant 32 : i32
      %roll3A_339 = tpu.dynamic_rotate %add3A_334 by %roll3A_338 dim 0 : vector<1024x128xi32>, i32 -> vector<1024x128xi32>
      %jit3A_340 = arith.constant 0 : i32
      %broadcast_in_dim3A_341 = vector.broadcast %jit3A_340 : i32 to vector<1024x128xi32>
      %select_n3A_342 = arith.select %ge3A_337, %roll3A_339, %broadcast_in_dim3A_341 : vector<1024x128xi1>, vector<1024x128xi32>
      %add3A_343 = arith.addi %add3A_334, %select_n3A_342 : vector<1024x128xi32>
      %ge3A_344 = arith.constant 64 : i32
      %ge3A_345 = vector.broadcast %ge3A_344 : i32 to vector<1024x128xi32>
      %ge3A_346 = arith.cmpi sge, %iota3A_277, %ge3A_345 : vector<1024x128xi32>
      %roll3A_347 = arith.constant 64 : i32
      %roll3A_348 = tpu.dynamic_rotate %add3A_343 by %roll3A_347 dim 0 : vector<1024x128xi32>, i32 -> vector<1024x128xi32>
      %jit3A_349 = arith.constant 0 : i32
      %broadcast_in_dim3A_350 = vector.broadcast %jit3A_349 : i32 to vector<1024x128xi32>
      %select_n3A_351 = arith.select %ge3A_346, %roll3A_348, %broadcast_in_dim3A_350 : vector<1024x128xi1>, vector<1024x128xi32>
      %add3A_352 = arith.addi %add3A_343, %select_n3A_351 : vector<1024x128xi32>
      %ge3A_353 = arith.constant 128 : i32
      %ge3A_354 = vector.broadcast %ge3A_353 : i32 to vector<1024x128xi32>
      %ge3A_355 = arith.cmpi sge, %iota3A_277, %ge3A_354 : vector<1024x128xi32>
      %roll3A_356 = arith.constant 128 : i32
      %roll3A_357 = tpu.dynamic_rotate %add3A_352 by %roll3A_356 dim 0 : vector<1024x128xi32>, i32 -> vector<1024x128xi32>
      %jit3A_358 = arith.constant 0 : i32
      %broadcast_in_dim3A_359 = vector.broadcast %jit3A_358 : i32 to vector<1024x128xi32>
      %select_n3A_360 = arith.select %ge3A_355, %roll3A_357, %broadcast_in_dim3A_359 : vector<1024x128xi1>, vector<1024x128xi32>
      %add3A_361 = arith.addi %add3A_352, %select_n3A_360 : vector<1024x128xi32>
      %ge3A_362 = arith.constant 256 : i32
      %ge3A_363 = vector.broadcast %ge3A_362 : i32 to vector<1024x128xi32>
      %ge3A_364 = arith.cmpi sge, %iota3A_277, %ge3A_363 : vector<1024x128xi32>
      %roll3A_365 = arith.constant 256 : i32
      %roll3A_366 = tpu.dynamic_rotate %add3A_361 by %roll3A_365 dim 0 : vector<1024x128xi32>, i32 -> vector<1024x128xi32>
      %jit3A_367 = arith.constant 0 : i32
      %broadcast_in_dim3A_368 = vector.broadcast %jit3A_367 : i32 to vector<1024x128xi32>
      %select_n3A_369 = arith.select %ge3A_364, %roll3A_366, %broadcast_in_dim3A_368 : vector<1024x128xi1>, vector<1024x128xi32>
      %add3A_370 = arith.addi %add3A_361, %select_n3A_369 : vector<1024x128xi32>
      %ge3A_371 = arith.constant 512 : i32
      %ge3A_372 = vector.broadcast %ge3A_371 : i32 to vector<1024x128xi32>
      %ge3A_373 = arith.cmpi sge, %iota3A_277, %ge3A_372 : vector<1024x128xi32>
      %roll3A_374 = arith.constant 512 : i32
      %roll3A_375 = tpu.dynamic_rotate %add3A_370 by %roll3A_374 dim 0 : vector<1024x128xi32>, i32 -> vector<1024x128xi32>
      %jit3A_376 = arith.constant 0 : i32
      %broadcast_in_dim3A_377 = vector.broadcast %jit3A_376 : i32 to vector<1024x128xi32>
      %select_n3A_378 = arith.select %ge3A_373, %roll3A_375, %broadcast_in_dim3A_377 : vector<1024x128xi1>, vector<1024x128xi32>
      %add3A_379 = arith.addi %add3A_370, %select_n3A_378 : vector<1024x128xi32>
      %sub3A_380 = arith.subi %add3A_379, %convert_element_type3A_158 : vector<1024x128xi32>
      %reduce_sum3A_381 = arith.constant dense<0> : vector<128xi32>
      %reduce_sum3A_382 = vector.multi_reduction <add>, %convert_element_type3A_158, %reduce_sum3A_381 [0] : vector<1024x128xi32> to vector<128xi32>
      %broadcast_in_dim3A_383 = vector.shape_cast %reduce_sum3A_382 : vector<128xi32> to vector<1x128xi32>
      %broadcast_in_dim3A_384 = vector.shape_cast %broadcast_in_dim3A_383 : vector<1x128xi32> to vector<1x128xi32>
      %broadcast_in_dim3A_385 = vector.broadcast %broadcast_in_dim3A_384 : vector<1x128xi32> to vector<1024x128xi32>
      %ge3A_386 = arith.constant 1 : i32
      %ge3A_387 = vector.broadcast %ge3A_386 : i32 to vector<1024x128xi32>
      %ge3A_388 = arith.cmpi sge, %iota3A_278, %ge3A_387 : vector<1024x128xi32>
      %roll3A_389 = arith.constant 1 : i32
      %roll3A_390 = tpu.dynamic_rotate %broadcast_in_dim3A_385 by %roll3A_389 dim 1 : vector<1024x128xi32>, i32 -> vector<1024x128xi32>
      %jit3A_391 = arith.constant 0 : i32
      %broadcast_in_dim3A_392 = vector.broadcast %jit3A_391 : i32 to vector<1024x128xi32>
      %select_n3A_393 = arith.select %ge3A_388, %roll3A_390, %broadcast_in_dim3A_392 : vector<1024x128xi1>, vector<1024x128xi32>
      %add3A_394 = arith.addi %broadcast_in_dim3A_385, %select_n3A_393 : vector<1024x128xi32>
      %ge3A_395 = arith.constant 2 : i32
      %ge3A_396 = vector.broadcast %ge3A_395 : i32 to vector<1024x128xi32>
      %ge3A_397 = arith.cmpi sge, %iota3A_278, %ge3A_396 : vector<1024x128xi32>
      %roll3A_398 = arith.constant 2 : i32
      %roll3A_399 = tpu.dynamic_rotate %add3A_394 by %roll3A_398 dim 1 : vector<1024x128xi32>, i32 -> vector<1024x128xi32>
      %jit3A_400 = arith.constant 0 : i32
      %broadcast_in_dim3A_401 = vector.broadcast %jit3A_400 : i32 to vector<1024x128xi32>
      %select_n3A_402 = arith.select %ge3A_397, %roll3A_399, %broadcast_in_dim3A_401 : vector<1024x128xi1>, vector<1024x128xi32>
      %add3A_403 = arith.addi %add3A_394, %select_n3A_402 : vector<1024x128xi32>
      %ge3A_404 = arith.constant 4 : i32
      %ge3A_405 = vector.broadcast %ge3A_404 : i32 to vector<1024x128xi32>
      %ge3A_406 = arith.cmpi sge, %iota3A_278, %ge3A_405 : vector<1024x128xi32>
      %roll3A_407 = arith.constant 4 : i32
      %roll3A_408 = tpu.dynamic_rotate %add3A_403 by %roll3A_407 dim 1 : vector<1024x128xi32>, i32 -> vector<1024x128xi32>
      %jit3A_409 = arith.constant 0 : i32
      %broadcast_in_dim3A_410 = vector.broadcast %jit3A_409 : i32 to vector<1024x128xi32>
      %select_n3A_411 = arith.select %ge3A_406, %roll3A_408, %broadcast_in_dim3A_410 : vector<1024x128xi1>, vector<1024x128xi32>
      %add3A_412 = arith.addi %add3A_403, %select_n3A_411 : vector<1024x128xi32>
      %ge3A_413 = arith.constant 8 : i32
      %ge3A_414 = vector.broadcast %ge3A_413 : i32 to vector<1024x128xi32>
      %ge3A_415 = arith.cmpi sge, %iota3A_278, %ge3A_414 : vector<1024x128xi32>
      %roll3A_416 = arith.constant 8 : i32
      %roll3A_417 = tpu.dynamic_rotate %add3A_412 by %roll3A_416 dim 1 : vector<1024x128xi32>, i32 -> vector<1024x128xi32>
      %jit3A_418 = arith.constant 0 : i32
      %broadcast_in_dim3A_419 = vector.broadcast %jit3A_418 : i32 to vector<1024x128xi32>
      %select_n3A_420 = arith.select %ge3A_415, %roll3A_417, %broadcast_in_dim3A_419 : vector<1024x128xi1>, vector<1024x128xi32>
      %add3A_421 = arith.addi %add3A_412, %select_n3A_420 : vector<1024x128xi32>
      %ge3A_422 = arith.constant 16 : i32
      %ge3A_423 = vector.broadcast %ge3A_422 : i32 to vector<1024x128xi32>
      %ge3A_424 = arith.cmpi sge, %iota3A_278, %ge3A_423 : vector<1024x128xi32>
      %roll3A_425 = arith.constant 16 : i32
      %roll3A_426 = tpu.dynamic_rotate %add3A_421 by %roll3A_425 dim 1 : vector<1024x128xi32>, i32 -> vector<1024x128xi32>
      %jit3A_427 = arith.constant 0 : i32
      %broadcast_in_dim3A_428 = vector.broadcast %jit3A_427 : i32 to vector<1024x128xi32>
      %select_n3A_429 = arith.select %ge3A_424, %roll3A_426, %broadcast_in_dim3A_428 : vector<1024x128xi1>, vector<1024x128xi32>
      %add3A_430 = arith.addi %add3A_421, %select_n3A_429 : vector<1024x128xi32>
      %ge3A_431 = arith.constant 32 : i32
      %ge3A_432 = vector.broadcast %ge3A_431 : i32 to vector<1024x128xi32>
      %ge3A_433 = arith.cmpi sge, %iota3A_278, %ge3A_432 : vector<1024x128xi32>
      %roll3A_434 = arith.constant 32 : i32
      %roll3A_435 = tpu.dynamic_rotate %add3A_430 by %roll3A_434 dim 1 : vector<1024x128xi32>, i32 -> vector<1024x128xi32>
      %jit3A_436 = arith.constant 0 : i32
      %broadcast_in_dim3A_437 = vector.broadcast %jit3A_436 : i32 to vector<1024x128xi32>
      %select_n3A_438 = arith.select %ge3A_433, %roll3A_435, %broadcast_in_dim3A_437 : vector<1024x128xi1>, vector<1024x128xi32>
      %add3A_439 = arith.addi %add3A_430, %select_n3A_438 : vector<1024x128xi32>
      %ge3A_440 = arith.constant 64 : i32
      %ge3A_441 = vector.broadcast %ge3A_440 : i32 to vector<1024x128xi32>
      %ge3A_442 = arith.cmpi sge, %iota3A_278, %ge3A_441 : vector<1024x128xi32>
      %roll3A_443 = arith.constant 64 : i32
      %roll3A_444 = tpu.dynamic_rotate %add3A_439 by %roll3A_443 dim 1 : vector<1024x128xi32>, i32 -> vector<1024x128xi32>
      %jit3A_445 = arith.constant 0 : i32
      %broadcast_in_dim3A_446 = vector.broadcast %jit3A_445 : i32 to vector<1024x128xi32>
      %select_n3A_447 = arith.select %ge3A_442, %roll3A_444, %broadcast_in_dim3A_446 : vector<1024x128xi1>, vector<1024x128xi32>
      %add3A_448 = arith.addi %add3A_439, %select_n3A_447 : vector<1024x128xi32>
      %sub3A_449 = arith.subi %add3A_448, %broadcast_in_dim3A_385 : vector<1024x128xi32>
      %add3A_450 = arith.addi %sub3A_380, %sub3A_449 : vector<1024x128xi32>
      %eq3A_451 = arith.constant 1 : i32
      %eq3A_452 = vector.broadcast %eq3A_451 : i32 to vector<1024x128xi32>
      %eq3A_453 = arith.cmpi eq, %convert_element_type3A_158, %eq3A_452 : vector<1024x128xi32>
      %eq3A_454 = vector.broadcast %sub3A_291 : i32 to vector<1024x128xi32>
      %eq3A_455 = arith.cmpi eq, %add3A_450, %eq3A_454 : vector<1024x128xi32>
      %and3A_456 = arith.andi %eq3A_453, %eq3A_455 : vector<1024x128xi1>
      %broadcast_in_dim3A_457 = vector.broadcast %cond3A_167 : i32 to vector<1024x128xi32>
      %select_n3A_458 = arith.select %and3A_456, %get3A_23, %broadcast_in_dim3A_457 : vector<1024x128xi1>, vector<1024x128xi32>
      %reduce_min3A_459 = vector.shape_cast %select_n3A_458 : vector<1024x128xi32> to vector<1x1024x128xi32>
      %reduce_min3A_460 = arith.constant dense<2147483647> : vector<1xi32>
      %reduce_min3A_461 = vector.multi_reduction <minsi>, %reduce_min3A_459, %reduce_min3A_460 [1, 2] : vector<1x1024x128xi32> to vector<1xi32>
      %reduce_min3A_462 = vector.shape_cast %reduce_min3A_461 : vector<1xi32> to vector<1x1x1xi32>
      %reduce_min3A_463 = vector.extract %reduce_min3A_462[0, 0, 0] : i32 from vector<1x1x1xi32>
      scf.yield %reduce_min3A_463 : i32
    }
    %eq3A_171 = arith.constant 2 : i32
    %eq3A_172 = vector.broadcast %eq3A_171 : i32 to vector<1x128xi32>
    %eq3A_173 = arith.cmpi eq, %iota3A, %eq3A_172 : vector<1x128xi32>
    %broadcast_in_dim3A_174 = vector.broadcast %cond3A_170 : i32 to vector<1x128xi32>
    %select_n3A_175 = arith.select %eq3A_173, %broadcast_in_dim3A_174, %select_n3A_127 : vector<1x128xi1>, vector<1x128xi32>
    %eq3A_176 = vector.broadcast %reduce_min3A_147 : i32 to vector<1024x128xi32>
    %eq3A_177 = arith.cmpi eq, %get3A_23, %eq3A_176 : vector<1024x128xi32>
    %jit3A_178 = arith.constant -3.000000e+30 : f32
    %broadcast_in_dim3A_179 = vector.broadcast %jit3A_178 : f32 to vector<1024x128xf32>
    %select_n3A_180 = arith.select %eq3A_177, %broadcast_in_dim3A_179, %select_n3A_132 : vector<1024x128xi1>, vector<1024x128xf32>
    %reduce_max3A_181 = vector.shape_cast %select_n3A_180 : vector<1024x128xf32> to vector<1x1024x128xf32>
    %reduce_max3A_182 = arith.constant dense<0xFF800000> : vector<1xf32>
    %reduce_max3A_183 = vector.multi_reduction <maximumf>, %reduce_max3A_181, %reduce_max3A_182 [1, 2] : vector<1x1024x128xf32> to vector<1xf32>
    %reduce_max3A_184 = vector.shape_cast %reduce_max3A_183 : vector<1xf32> to vector<1x1x1xf32>
    %reduce_max3A_185 = vector.extract %reduce_max3A_184[0, 0, 0] : f32 from vector<1x1x1xf32>
    %eq3A_186 = vector.broadcast %reduce_max3A_185 : f32 to vector<1024x128xf32>
    %eq3A_187 = arith.cmpf oeq, %select_n3A_180, %eq3A_186 : vector<1024x128xf32>
    %jit3A_188 = arith.constant 2147483647 : i32
    %broadcast_in_dim3A_189 = vector.broadcast %jit3A_188 : i32 to vector<1024x128xi32>
    %select_n3A_190 = arith.select %eq3A_187, %get3A_23, %broadcast_in_dim3A_189 : vector<1024x128xi1>, vector<1024x128xi32>
    %reduce_min3A_191 = vector.shape_cast %select_n3A_190 : vector<1024x128xi32> to vector<1x1024x128xi32>
    %reduce_min3A_192 = arith.constant dense<2147483647> : vector<1xi32>
    %reduce_min3A_193 = vector.multi_reduction <minsi>, %reduce_min3A_191, %reduce_min3A_192 [1, 2] : vector<1x1024x128xi32> to vector<1xi32>
    %reduce_min3A_194 = vector.shape_cast %reduce_min3A_193 : vector<1xi32> to vector<1x1x1xi32>
    %reduce_min3A_195 = vector.extract %reduce_min3A_194[0, 0, 0] : i32 from vector<1x1x1xi32>
    %jit3A_196 = arith.constant -1.000000e+00 : f32
    %broadcast_in_dim3A_197 = vector.broadcast %jit3A_196 : f32 to vector<1024x128xf32>
    %select_n3A_198 = arith.select %eq3A_187, %get3A_3, %broadcast_in_dim3A_197 : vector<1024x128xi1>, vector<1024x128xf32>
    %reduce_max3A_199 = vector.shape_cast %select_n3A_198 : vector<1024x128xf32> to vector<1x1024x128xf32>
    %reduce_max3A_200 = arith.constant dense<0xFF800000> : vector<1xf32>
    %reduce_max3A_201 = vector.multi_reduction <maximumf>, %reduce_max3A_199, %reduce_max3A_200 [1, 2] : vector<1x1024x128xf32> to vector<1xf32>
    %reduce_max3A_202 = vector.shape_cast %reduce_max3A_201 : vector<1xf32> to vector<1x1x1xf32>
    %reduce_max3A_203 = vector.extract %reduce_max3A_202[0, 0, 0] : f32 from vector<1x1x1xf32>
    %eq3A_204 = vector.broadcast %reduce_max3A_203 : f32 to vector<1024x128xf32>
    %eq3A_205 = arith.cmpf oeq, %get3A_18, %eq3A_204 : vector<1024x128xf32>
    %convert_element_type3A_206 = arith.extui %eq3A_205 : vector<1024x128xi1> to vector<1024x128xi32>
    %reduce_sum3A_207 = vector.shape_cast %convert_element_type3A_206 : vector<1024x128xi32> to vector<1x1024x128xi32>
    %reduce_sum3A_208 = arith.constant dense<0> : vector<1xi32>
    %reduce_sum3A_209 = vector.multi_reduction <add>, %reduce_sum3A_207, %reduce_sum3A_208 [1, 2] : vector<1x1024x128xi32> to vector<1xi32>
    %reduce_sum3A_210 = vector.shape_cast %reduce_sum3A_209 : vector<1xi32> to vector<1x1x1xi32>
    %reduce_sum3A_211 = vector.extract %reduce_sum3A_210[0, 0, 0] : i32 from vector<1x1x1xi32>
    %eq3A_212 = arith.constant 1 : i32
    %eq3A_213 = arith.cmpi eq, %reduce_sum3A_211, %eq3A_212 : i32
    %convert_element_type3A_214 = arith.extui %eq3A_213 : i1 to i32
    %cond3A_215 = arith.constant 2147483647 : i32
    %cond3A_216 = arith.constant 0 : i32
    %cond3A_217 = arith.cmpi ne, %convert_element_type3A_214, %cond3A_216 : i32
    %cond3A_218 = scf.if %cond3A_217 -> (i32) {
      %broadcast_in_dim3A_277 = vector.broadcast %cond3A_215 : i32 to vector<1024x128xi32>
      %select_n3A_278 = arith.select %eq3A_205, %get3A_23, %broadcast_in_dim3A_277 : vector<1024x128xi1>, vector<1024x128xi32>
      %reduce_min3A_279 = vector.shape_cast %select_n3A_278 : vector<1024x128xi32> to vector<1x1024x128xi32>
      %reduce_min3A_280 = arith.constant dense<2147483647> : vector<1xi32>
      %reduce_min3A_281 = vector.multi_reduction <minsi>, %reduce_min3A_279, %reduce_min3A_280 [1, 2] : vector<1x1024x128xi32> to vector<1xi32>
      %reduce_min3A_282 = vector.shape_cast %reduce_min3A_281 : vector<1xi32> to vector<1x1x1xi32>
      %reduce_min3A_283 = vector.extract %reduce_min3A_282[0, 0, 0] : i32 from vector<1x1x1xi32>
      scf.yield %reduce_min3A_283 : i32
    } else {
      %iota3A_277 = tpu.iota {dimensions = array<i32: 0>} : vector<1024x128xi32>
      %iota3A_278 = tpu.iota {dimensions = array<i32: 1>} : vector<1024x128xi32>
      %gt3A_279 = vector.broadcast %reduce_max3A_203 : f32 to vector<1024x128xf32>
      %gt3A_280 = arith.cmpf ogt, %get3A_18, %gt3A_279 : vector<1024x128xf32>
      %jit3A_281 = arith.constant 1 : i32
      %jit3A_282 = arith.constant 0 : i32
      %broadcast_in_dim3A_283 = vector.broadcast %jit3A_281 : i32 to vector<1024x128xi32>
      %broadcast_in_dim3A_284 = vector.broadcast %jit3A_282 : i32 to vector<1024x128xi32>
      %select_n3A_285 = arith.select %gt3A_280, %broadcast_in_dim3A_283, %broadcast_in_dim3A_284 : vector<1024x128xi1>, vector<1024x128xi32>
      %reduce_sum3A_286 = vector.shape_cast %select_n3A_285 : vector<1024x128xi32> to vector<1x1024x128xi32>
      %reduce_sum3A_287 = arith.constant dense<0> : vector<1xi32>
      %reduce_sum3A_288 = vector.multi_reduction <add>, %reduce_sum3A_286, %reduce_sum3A_287 [1, 2] : vector<1x1024x128xi32> to vector<1xi32>
      %reduce_sum3A_289 = vector.shape_cast %reduce_sum3A_288 : vector<1xi32> to vector<1x1x1xi32>
      %reduce_sum3A_290 = vector.extract %reduce_sum3A_289[0, 0, 0] : i32 from vector<1x1x1xi32>
      %sub3A_291 = arith.subi %reduce_min3A_195, %reduce_sum3A_290 : i32
      %ge3A = arith.constant 1 : i32
      %ge3A_292 = vector.broadcast %ge3A : i32 to vector<1024x128xi32>
      %ge3A_293 = arith.cmpi sge, %iota3A_277, %ge3A_292 : vector<1024x128xi32>
      %roll3A = arith.constant 1 : i32
      %roll3A_294 = tpu.dynamic_rotate %convert_element_type3A_206 by %roll3A dim 0 : vector<1024x128xi32>, i32 -> vector<1024x128xi32>
      %jit3A_295 = arith.constant 0 : i32
      %broadcast_in_dim3A_296 = vector.broadcast %jit3A_295 : i32 to vector<1024x128xi32>
      %select_n3A_297 = arith.select %ge3A_293, %roll3A_294, %broadcast_in_dim3A_296 : vector<1024x128xi1>, vector<1024x128xi32>
      %add3A_298 = arith.addi %convert_element_type3A_206, %select_n3A_297 : vector<1024x128xi32>
      %ge3A_299 = arith.constant 2 : i32
      %ge3A_300 = vector.broadcast %ge3A_299 : i32 to vector<1024x128xi32>
      %ge3A_301 = arith.cmpi sge, %iota3A_277, %ge3A_300 : vector<1024x128xi32>
      %roll3A_302 = arith.constant 2 : i32
      %roll3A_303 = tpu.dynamic_rotate %add3A_298 by %roll3A_302 dim 0 : vector<1024x128xi32>, i32 -> vector<1024x128xi32>
      %jit3A_304 = arith.constant 0 : i32
      %broadcast_in_dim3A_305 = vector.broadcast %jit3A_304 : i32 to vector<1024x128xi32>
      %select_n3A_306 = arith.select %ge3A_301, %roll3A_303, %broadcast_in_dim3A_305 : vector<1024x128xi1>, vector<1024x128xi32>
      %add3A_307 = arith.addi %add3A_298, %select_n3A_306 : vector<1024x128xi32>
      %ge3A_308 = arith.constant 4 : i32
      %ge3A_309 = vector.broadcast %ge3A_308 : i32 to vector<1024x128xi32>
      %ge3A_310 = arith.cmpi sge, %iota3A_277, %ge3A_309 : vector<1024x128xi32>
      %roll3A_311 = arith.constant 4 : i32
      %roll3A_312 = tpu.dynamic_rotate %add3A_307 by %roll3A_311 dim 0 : vector<1024x128xi32>, i32 -> vector<1024x128xi32>
      %jit3A_313 = arith.constant 0 : i32
      %broadcast_in_dim3A_314 = vector.broadcast %jit3A_313 : i32 to vector<1024x128xi32>
      %select_n3A_315 = arith.select %ge3A_310, %roll3A_312, %broadcast_in_dim3A_314 : vector<1024x128xi1>, vector<1024x128xi32>
      %add3A_316 = arith.addi %add3A_307, %select_n3A_315 : vector<1024x128xi32>
      %ge3A_317 = arith.constant 8 : i32
      %ge3A_318 = vector.broadcast %ge3A_317 : i32 to vector<1024x128xi32>
      %ge3A_319 = arith.cmpi sge, %iota3A_277, %ge3A_318 : vector<1024x128xi32>
      %roll3A_320 = arith.constant 8 : i32
      %roll3A_321 = tpu.dynamic_rotate %add3A_316 by %roll3A_320 dim 0 : vector<1024x128xi32>, i32 -> vector<1024x128xi32>
      %jit3A_322 = arith.constant 0 : i32
      %broadcast_in_dim3A_323 = vector.broadcast %jit3A_322 : i32 to vector<1024x128xi32>
      %select_n3A_324 = arith.select %ge3A_319, %roll3A_321, %broadcast_in_dim3A_323 : vector<1024x128xi1>, vector<1024x128xi32>
      %add3A_325 = arith.addi %add3A_316, %select_n3A_324 : vector<1024x128xi32>
      %ge3A_326 = arith.constant 16 : i32
      %ge3A_327 = vector.broadcast %ge3A_326 : i32 to vector<1024x128xi32>
      %ge3A_328 = arith.cmpi sge, %iota3A_277, %ge3A_327 : vector<1024x128xi32>
      %roll3A_329 = arith.constant 16 : i32
      %roll3A_330 = tpu.dynamic_rotate %add3A_325 by %roll3A_329 dim 0 : vector<1024x128xi32>, i32 -> vector<1024x128xi32>
      %jit3A_331 = arith.constant 0 : i32
      %broadcast_in_dim3A_332 = vector.broadcast %jit3A_331 : i32 to vector<1024x128xi32>
      %select_n3A_333 = arith.select %ge3A_328, %roll3A_330, %broadcast_in_dim3A_332 : vector<1024x128xi1>, vector<1024x128xi32>
      %add3A_334 = arith.addi %add3A_325, %select_n3A_333 : vector<1024x128xi32>
      %ge3A_335 = arith.constant 32 : i32
      %ge3A_336 = vector.broadcast %ge3A_335 : i32 to vector<1024x128xi32>
      %ge3A_337 = arith.cmpi sge, %iota3A_277, %ge3A_336 : vector<1024x128xi32>
      %roll3A_338 = arith.constant 32 : i32
      %roll3A_339 = tpu.dynamic_rotate %add3A_334 by %roll3A_338 dim 0 : vector<1024x128xi32>, i32 -> vector<1024x128xi32>
      %jit3A_340 = arith.constant 0 : i32
      %broadcast_in_dim3A_341 = vector.broadcast %jit3A_340 : i32 to vector<1024x128xi32>
      %select_n3A_342 = arith.select %ge3A_337, %roll3A_339, %broadcast_in_dim3A_341 : vector<1024x128xi1>, vector<1024x128xi32>
      %add3A_343 = arith.addi %add3A_334, %select_n3A_342 : vector<1024x128xi32>
      %ge3A_344 = arith.constant 64 : i32
      %ge3A_345 = vector.broadcast %ge3A_344 : i32 to vector<1024x128xi32>
      %ge3A_346 = arith.cmpi sge, %iota3A_277, %ge3A_345 : vector<1024x128xi32>
      %roll3A_347 = arith.constant 64 : i32
      %roll3A_348 = tpu.dynamic_rotate %add3A_343 by %roll3A_347 dim 0 : vector<1024x128xi32>, i32 -> vector<1024x128xi32>
      %jit3A_349 = arith.constant 0 : i32
      %broadcast_in_dim3A_350 = vector.broadcast %jit3A_349 : i32 to vector<1024x128xi32>
      %select_n3A_351 = arith.select %ge3A_346, %roll3A_348, %broadcast_in_dim3A_350 : vector<1024x128xi1>, vector<1024x128xi32>
      %add3A_352 = arith.addi %add3A_343, %select_n3A_351 : vector<1024x128xi32>
      %ge3A_353 = arith.constant 128 : i32
      %ge3A_354 = vector.broadcast %ge3A_353 : i32 to vector<1024x128xi32>
      %ge3A_355 = arith.cmpi sge, %iota3A_277, %ge3A_354 : vector<1024x128xi32>
      %roll3A_356 = arith.constant 128 : i32
      %roll3A_357 = tpu.dynamic_rotate %add3A_352 by %roll3A_356 dim 0 : vector<1024x128xi32>, i32 -> vector<1024x128xi32>
      %jit3A_358 = arith.constant 0 : i32
      %broadcast_in_dim3A_359 = vector.broadcast %jit3A_358 : i32 to vector<1024x128xi32>
      %select_n3A_360 = arith.select %ge3A_355, %roll3A_357, %broadcast_in_dim3A_359 : vector<1024x128xi1>, vector<1024x128xi32>
      %add3A_361 = arith.addi %add3A_352, %select_n3A_360 : vector<1024x128xi32>
      %ge3A_362 = arith.constant 256 : i32
      %ge3A_363 = vector.broadcast %ge3A_362 : i32 to vector<1024x128xi32>
      %ge3A_364 = arith.cmpi sge, %iota3A_277, %ge3A_363 : vector<1024x128xi32>
      %roll3A_365 = arith.constant 256 : i32
      %roll3A_366 = tpu.dynamic_rotate %add3A_361 by %roll3A_365 dim 0 : vector<1024x128xi32>, i32 -> vector<1024x128xi32>
      %jit3A_367 = arith.constant 0 : i32
      %broadcast_in_dim3A_368 = vector.broadcast %jit3A_367 : i32 to vector<1024x128xi32>
      %select_n3A_369 = arith.select %ge3A_364, %roll3A_366, %broadcast_in_dim3A_368 : vector<1024x128xi1>, vector<1024x128xi32>
      %add3A_370 = arith.addi %add3A_361, %select_n3A_369 : vector<1024x128xi32>
      %ge3A_371 = arith.constant 512 : i32
      %ge3A_372 = vector.broadcast %ge3A_371 : i32 to vector<1024x128xi32>
      %ge3A_373 = arith.cmpi sge, %iota3A_277, %ge3A_372 : vector<1024x128xi32>
      %roll3A_374 = arith.constant 512 : i32
      %roll3A_375 = tpu.dynamic_rotate %add3A_370 by %roll3A_374 dim 0 : vector<1024x128xi32>, i32 -> vector<1024x128xi32>
      %jit3A_376 = arith.constant 0 : i32
      %broadcast_in_dim3A_377 = vector.broadcast %jit3A_376 : i32 to vector<1024x128xi32>
      %select_n3A_378 = arith.select %ge3A_373, %roll3A_375, %broadcast_in_dim3A_377 : vector<1024x128xi1>, vector<1024x128xi32>
      %add3A_379 = arith.addi %add3A_370, %select_n3A_378 : vector<1024x128xi32>
      %sub3A_380 = arith.subi %add3A_379, %convert_element_type3A_206 : vector<1024x128xi32>
      %reduce_sum3A_381 = arith.constant dense<0> : vector<128xi32>
      %reduce_sum3A_382 = vector.multi_reduction <add>, %convert_element_type3A_206, %reduce_sum3A_381 [0] : vector<1024x128xi32> to vector<128xi32>
      %broadcast_in_dim3A_383 = vector.shape_cast %reduce_sum3A_382 : vector<128xi32> to vector<1x128xi32>
      %broadcast_in_dim3A_384 = vector.shape_cast %broadcast_in_dim3A_383 : vector<1x128xi32> to vector<1x128xi32>
      %broadcast_in_dim3A_385 = vector.broadcast %broadcast_in_dim3A_384 : vector<1x128xi32> to vector<1024x128xi32>
      %ge3A_386 = arith.constant 1 : i32
      %ge3A_387 = vector.broadcast %ge3A_386 : i32 to vector<1024x128xi32>
      %ge3A_388 = arith.cmpi sge, %iota3A_278, %ge3A_387 : vector<1024x128xi32>
      %roll3A_389 = arith.constant 1 : i32
      %roll3A_390 = tpu.dynamic_rotate %broadcast_in_dim3A_385 by %roll3A_389 dim 1 : vector<1024x128xi32>, i32 -> vector<1024x128xi32>
      %jit3A_391 = arith.constant 0 : i32
      %broadcast_in_dim3A_392 = vector.broadcast %jit3A_391 : i32 to vector<1024x128xi32>
      %select_n3A_393 = arith.select %ge3A_388, %roll3A_390, %broadcast_in_dim3A_392 : vector<1024x128xi1>, vector<1024x128xi32>
      %add3A_394 = arith.addi %broadcast_in_dim3A_385, %select_n3A_393 : vector<1024x128xi32>
      %ge3A_395 = arith.constant 2 : i32
      %ge3A_396 = vector.broadcast %ge3A_395 : i32 to vector<1024x128xi32>
      %ge3A_397 = arith.cmpi sge, %iota3A_278, %ge3A_396 : vector<1024x128xi32>
      %roll3A_398 = arith.constant 2 : i32
      %roll3A_399 = tpu.dynamic_rotate %add3A_394 by %roll3A_398 dim 1 : vector<1024x128xi32>, i32 -> vector<1024x128xi32>
      %jit3A_400 = arith.constant 0 : i32
      %broadcast_in_dim3A_401 = vector.broadcast %jit3A_400 : i32 to vector<1024x128xi32>
      %select_n3A_402 = arith.select %ge3A_397, %roll3A_399, %broadcast_in_dim3A_401 : vector<1024x128xi1>, vector<1024x128xi32>
      %add3A_403 = arith.addi %add3A_394, %select_n3A_402 : vector<1024x128xi32>
      %ge3A_404 = arith.constant 4 : i32
      %ge3A_405 = vector.broadcast %ge3A_404 : i32 to vector<1024x128xi32>
      %ge3A_406 = arith.cmpi sge, %iota3A_278, %ge3A_405 : vector<1024x128xi32>
      %roll3A_407 = arith.constant 4 : i32
      %roll3A_408 = tpu.dynamic_rotate %add3A_403 by %roll3A_407 dim 1 : vector<1024x128xi32>, i32 -> vector<1024x128xi32>
      %jit3A_409 = arith.constant 0 : i32
      %broadcast_in_dim3A_410 = vector.broadcast %jit3A_409 : i32 to vector<1024x128xi32>
      %select_n3A_411 = arith.select %ge3A_406, %roll3A_408, %broadcast_in_dim3A_410 : vector<1024x128xi1>, vector<1024x128xi32>
      %add3A_412 = arith.addi %add3A_403, %select_n3A_411 : vector<1024x128xi32>
      %ge3A_413 = arith.constant 8 : i32
      %ge3A_414 = vector.broadcast %ge3A_413 : i32 to vector<1024x128xi32>
      %ge3A_415 = arith.cmpi sge, %iota3A_278, %ge3A_414 : vector<1024x128xi32>
      %roll3A_416 = arith.constant 8 : i32
      %roll3A_417 = tpu.dynamic_rotate %add3A_412 by %roll3A_416 dim 1 : vector<1024x128xi32>, i32 -> vector<1024x128xi32>
      %jit3A_418 = arith.constant 0 : i32
      %broadcast_in_dim3A_419 = vector.broadcast %jit3A_418 : i32 to vector<1024x128xi32>
      %select_n3A_420 = arith.select %ge3A_415, %roll3A_417, %broadcast_in_dim3A_419 : vector<1024x128xi1>, vector<1024x128xi32>
      %add3A_421 = arith.addi %add3A_412, %select_n3A_420 : vector<1024x128xi32>
      %ge3A_422 = arith.constant 16 : i32
      %ge3A_423 = vector.broadcast %ge3A_422 : i32 to vector<1024x128xi32>
      %ge3A_424 = arith.cmpi sge, %iota3A_278, %ge3A_423 : vector<1024x128xi32>
      %roll3A_425 = arith.constant 16 : i32
      %roll3A_426 = tpu.dynamic_rotate %add3A_421 by %roll3A_425 dim 1 : vector<1024x128xi32>, i32 -> vector<1024x128xi32>
      %jit3A_427 = arith.constant 0 : i32
      %broadcast_in_dim3A_428 = vector.broadcast %jit3A_427 : i32 to vector<1024x128xi32>
      %select_n3A_429 = arith.select %ge3A_424, %roll3A_426, %broadcast_in_dim3A_428 : vector<1024x128xi1>, vector<1024x128xi32>
      %add3A_430 = arith.addi %add3A_421, %select_n3A_429 : vector<1024x128xi32>
      %ge3A_431 = arith.constant 32 : i32
      %ge3A_432 = vector.broadcast %ge3A_431 : i32 to vector<1024x128xi32>
      %ge3A_433 = arith.cmpi sge, %iota3A_278, %ge3A_432 : vector<1024x128xi32>
      %roll3A_434 = arith.constant 32 : i32
      %roll3A_435 = tpu.dynamic_rotate %add3A_430 by %roll3A_434 dim 1 : vector<1024x128xi32>, i32 -> vector<1024x128xi32>
      %jit3A_436 = arith.constant 0 : i32
      %broadcast_in_dim3A_437 = vector.broadcast %jit3A_436 : i32 to vector<1024x128xi32>
      %select_n3A_438 = arith.select %ge3A_433, %roll3A_435, %broadcast_in_dim3A_437 : vector<1024x128xi1>, vector<1024x128xi32>
      %add3A_439 = arith.addi %add3A_430, %select_n3A_438 : vector<1024x128xi32>
      %ge3A_440 = arith.constant 64 : i32
      %ge3A_441 = vector.broadcast %ge3A_440 : i32 to vector<1024x128xi32>
      %ge3A_442 = arith.cmpi sge, %iota3A_278, %ge3A_441 : vector<1024x128xi32>
      %roll3A_443 = arith.constant 64 : i32
      %roll3A_444 = tpu.dynamic_rotate %add3A_439 by %roll3A_443 dim 1 : vector<1024x128xi32>, i32 -> vector<1024x128xi32>
      %jit3A_445 = arith.constant 0 : i32
      %broadcast_in_dim3A_446 = vector.broadcast %jit3A_445 : i32 to vector<1024x128xi32>
      %select_n3A_447 = arith.select %ge3A_442, %roll3A_444, %broadcast_in_dim3A_446 : vector<1024x128xi1>, vector<1024x128xi32>
      %add3A_448 = arith.addi %add3A_439, %select_n3A_447 : vector<1024x128xi32>
      %sub3A_449 = arith.subi %add3A_448, %broadcast_in_dim3A_385 : vector<1024x128xi32>
      %add3A_450 = arith.addi %sub3A_380, %sub3A_449 : vector<1024x128xi32>
      %eq3A_451 = arith.constant 1 : i32
      %eq3A_452 = vector.broadcast %eq3A_451 : i32 to vector<1024x128xi32>
      %eq3A_453 = arith.cmpi eq, %convert_element_type3A_206, %eq3A_452 : vector<1024x128xi32>
      %eq3A_454 = vector.broadcast %sub3A_291 : i32 to vector<1024x128xi32>
      %eq3A_455 = arith.cmpi eq, %add3A_450, %eq3A_454 : vector<1024x128xi32>
      %and3A_456 = arith.andi %eq3A_453, %eq3A_455 : vector<1024x128xi1>
      %broadcast_in_dim3A_457 = vector.broadcast %cond3A_215 : i32 to vector<1024x128xi32>
      %select_n3A_458 = arith.select %and3A_456, %get3A_23, %broadcast_in_dim3A_457 : vector<1024x128xi1>, vector<1024x128xi32>
      %reduce_min3A_459 = vector.shape_cast %select_n3A_458 : vector<1024x128xi32> to vector<1x1024x128xi32>
      %reduce_min3A_460 = arith.constant dense<2147483647> : vector<1xi32>
      %reduce_min3A_461 = vector.multi_reduction <minsi>, %reduce_min3A_459, %reduce_min3A_460 [1, 2] : vector<1x1024x128xi32> to vector<1xi32>
      %reduce_min3A_462 = vector.shape_cast %reduce_min3A_461 : vector<1xi32> to vector<1x1x1xi32>
      %reduce_min3A_463 = vector.extract %reduce_min3A_462[0, 0, 0] : i32 from vector<1x1x1xi32>
      scf.yield %reduce_min3A_463 : i32
    }
    %eq3A_219 = arith.constant 3 : i32
    %eq3A_220 = vector.broadcast %eq3A_219 : i32 to vector<1x128xi32>
    %eq3A_221 = arith.cmpi eq, %iota3A, %eq3A_220 : vector<1x128xi32>
    %broadcast_in_dim3A_222 = vector.broadcast %cond3A_218 : i32 to vector<1x128xi32>
    %select_n3A_223 = arith.select %eq3A_221, %broadcast_in_dim3A_222, %select_n3A_175 : vector<1x128xi1>, vector<1x128xi32>
    %eq3A_224 = vector.broadcast %reduce_min3A_195 : i32 to vector<1024x128xi32>
    %eq3A_225 = arith.cmpi eq, %get3A_23, %eq3A_224 : vector<1024x128xi32>
    %jit3A_226 = arith.constant -3.000000e+30 : f32
    %broadcast_in_dim3A_227 = vector.broadcast %jit3A_226 : f32 to vector<1024x128xf32>
    %select_n3A_228 = arith.select %eq3A_225, %broadcast_in_dim3A_227, %select_n3A_180 : vector<1024x128xi1>, vector<1024x128xf32>
    %reduce_max3A_229 = vector.shape_cast %select_n3A_228 : vector<1024x128xf32> to vector<1x1024x128xf32>
    %reduce_max3A_230 = arith.constant dense<0xFF800000> : vector<1xf32>
    %reduce_max3A_231 = vector.multi_reduction <maximumf>, %reduce_max3A_229, %reduce_max3A_230 [1, 2] : vector<1x1024x128xf32> to vector<1xf32>
    %reduce_max3A_232 = vector.shape_cast %reduce_max3A_231 : vector<1xf32> to vector<1x1x1xf32>
    %reduce_max3A_233 = vector.extract %reduce_max3A_232[0, 0, 0] : f32 from vector<1x1x1xf32>
    %eq3A_234 = vector.broadcast %reduce_max3A_233 : f32 to vector<1024x128xf32>
    %eq3A_235 = arith.cmpf oeq, %select_n3A_228, %eq3A_234 : vector<1024x128xf32>
    %jit3A_236 = arith.constant 2147483647 : i32
    %broadcast_in_dim3A_237 = vector.broadcast %jit3A_236 : i32 to vector<1024x128xi32>
    %select_n3A_238 = arith.select %eq3A_235, %get3A_23, %broadcast_in_dim3A_237 : vector<1024x128xi1>, vector<1024x128xi32>
    %reduce_min3A_239 = vector.shape_cast %select_n3A_238 : vector<1024x128xi32> to vector<1x1024x128xi32>
    %reduce_min3A_240 = arith.constant dense<2147483647> : vector<1xi32>
    %reduce_min3A_241 = vector.multi_reduction <minsi>, %reduce_min3A_239, %reduce_min3A_240 [1, 2] : vector<1x1024x128xi32> to vector<1xi32>
    %reduce_min3A_242 = vector.shape_cast %reduce_min3A_241 : vector<1xi32> to vector<1x1x1xi32>
    %reduce_min3A_243 = vector.extract %reduce_min3A_242[0, 0, 0] : i32 from vector<1x1x1xi32>
    %jit3A_244 = arith.constant -1.000000e+00 : f32
    %broadcast_in_dim3A_245 = vector.broadcast %jit3A_244 : f32 to vector<1024x128xf32>
    %select_n3A_246 = arith.select %eq3A_235, %get3A_3, %broadcast_in_dim3A_245 : vector<1024x128xi1>, vector<1024x128xf32>
    %reduce_max3A_247 = vector.shape_cast %select_n3A_246 : vector<1024x128xf32> to vector<1x1024x128xf32>
    %reduce_max3A_248 = arith.constant dense<0xFF800000> : vector<1xf32>
    %reduce_max3A_249 = vector.multi_reduction <maximumf>, %reduce_max3A_247, %reduce_max3A_248 [1, 2] : vector<1x1024x128xf32> to vector<1xf32>
    %reduce_max3A_250 = vector.shape_cast %reduce_max3A_249 : vector<1xf32> to vector<1x1x1xf32>
    %reduce_max3A_251 = vector.extract %reduce_max3A_250[0, 0, 0] : f32 from vector<1x1x1xf32>
    %eq3A_252 = vector.broadcast %reduce_max3A_251 : f32 to vector<1024x128xf32>
    %eq3A_253 = arith.cmpf oeq, %get3A_18, %eq3A_252 : vector<1024x128xf32>
    %convert_element_type3A_254 = arith.extui %eq3A_253 : vector<1024x128xi1> to vector<1024x128xi32>
    %reduce_sum3A_255 = vector.shape_cast %convert_element_type3A_254 : vector<1024x128xi32> to vector<1x1024x128xi32>
    %reduce_sum3A_256 = arith.constant dense<0> : vector<1xi32>
    %reduce_sum3A_257 = vector.multi_reduction <add>, %reduce_sum3A_255, %reduce_sum3A_256 [1, 2] : vector<1x1024x128xi32> to vector<1xi32>
    %reduce_sum3A_258 = vector.shape_cast %reduce_sum3A_257 : vector<1xi32> to vector<1x1x1xi32>
    %reduce_sum3A_259 = vector.extract %reduce_sum3A_258[0, 0, 0] : i32 from vector<1x1x1xi32>
    %eq3A_260 = arith.constant 1 : i32
    %eq3A_261 = arith.cmpi eq, %reduce_sum3A_259, %eq3A_260 : i32
    %convert_element_type3A_262 = arith.extui %eq3A_261 : i1 to i32
    %cond3A_263 = arith.constant 2147483647 : i32
    %cond3A_264 = arith.constant 0 : i32
    %cond3A_265 = arith.cmpi ne, %convert_element_type3A_262, %cond3A_264 : i32
    %cond3A_266 = scf.if %cond3A_265 -> (i32) {
      %broadcast_in_dim3A_277 = vector.broadcast %cond3A_263 : i32 to vector<1024x128xi32>
      %select_n3A_278 = arith.select %eq3A_253, %get3A_23, %broadcast_in_dim3A_277 : vector<1024x128xi1>, vector<1024x128xi32>
      %reduce_min3A_279 = vector.shape_cast %select_n3A_278 : vector<1024x128xi32> to vector<1x1024x128xi32>
      %reduce_min3A_280 = arith.constant dense<2147483647> : vector<1xi32>
      %reduce_min3A_281 = vector.multi_reduction <minsi>, %reduce_min3A_279, %reduce_min3A_280 [1, 2] : vector<1x1024x128xi32> to vector<1xi32>
      %reduce_min3A_282 = vector.shape_cast %reduce_min3A_281 : vector<1xi32> to vector<1x1x1xi32>
      %reduce_min3A_283 = vector.extract %reduce_min3A_282[0, 0, 0] : i32 from vector<1x1x1xi32>
      scf.yield %reduce_min3A_283 : i32
    } else {
      %iota3A_277 = tpu.iota {dimensions = array<i32: 0>} : vector<1024x128xi32>
      %iota3A_278 = tpu.iota {dimensions = array<i32: 1>} : vector<1024x128xi32>
      %gt3A_279 = vector.broadcast %reduce_max3A_251 : f32 to vector<1024x128xf32>
      %gt3A_280 = arith.cmpf ogt, %get3A_18, %gt3A_279 : vector<1024x128xf32>
      %jit3A_281 = arith.constant 1 : i32
      %jit3A_282 = arith.constant 0 : i32
      %broadcast_in_dim3A_283 = vector.broadcast %jit3A_281 : i32 to vector<1024x128xi32>
      %broadcast_in_dim3A_284 = vector.broadcast %jit3A_282 : i32 to vector<1024x128xi32>
      %select_n3A_285 = arith.select %gt3A_280, %broadcast_in_dim3A_283, %broadcast_in_dim3A_284 : vector<1024x128xi1>, vector<1024x128xi32>
      %reduce_sum3A_286 = vector.shape_cast %select_n3A_285 : vector<1024x128xi32> to vector<1x1024x128xi32>
      %reduce_sum3A_287 = arith.constant dense<0> : vector<1xi32>
      %reduce_sum3A_288 = vector.multi_reduction <add>, %reduce_sum3A_286, %reduce_sum3A_287 [1, 2] : vector<1x1024x128xi32> to vector<1xi32>
      %reduce_sum3A_289 = vector.shape_cast %reduce_sum3A_288 : vector<1xi32> to vector<1x1x1xi32>
      %reduce_sum3A_290 = vector.extract %reduce_sum3A_289[0, 0, 0] : i32 from vector<1x1x1xi32>
      %sub3A_291 = arith.subi %reduce_min3A_243, %reduce_sum3A_290 : i32
      %ge3A = arith.constant 1 : i32
      %ge3A_292 = vector.broadcast %ge3A : i32 to vector<1024x128xi32>
      %ge3A_293 = arith.cmpi sge, %iota3A_277, %ge3A_292 : vector<1024x128xi32>
      %roll3A = arith.constant 1 : i32
      %roll3A_294 = tpu.dynamic_rotate %convert_element_type3A_254 by %roll3A dim 0 : vector<1024x128xi32>, i32 -> vector<1024x128xi32>
      %jit3A_295 = arith.constant 0 : i32
      %broadcast_in_dim3A_296 = vector.broadcast %jit3A_295 : i32 to vector<1024x128xi32>
      %select_n3A_297 = arith.select %ge3A_293, %roll3A_294, %broadcast_in_dim3A_296 : vector<1024x128xi1>, vector<1024x128xi32>
      %add3A_298 = arith.addi %convert_element_type3A_254, %select_n3A_297 : vector<1024x128xi32>
      %ge3A_299 = arith.constant 2 : i32
      %ge3A_300 = vector.broadcast %ge3A_299 : i32 to vector<1024x128xi32>
      %ge3A_301 = arith.cmpi sge, %iota3A_277, %ge3A_300 : vector<1024x128xi32>
      %roll3A_302 = arith.constant 2 : i32
      %roll3A_303 = tpu.dynamic_rotate %add3A_298 by %roll3A_302 dim 0 : vector<1024x128xi32>, i32 -> vector<1024x128xi32>
      %jit3A_304 = arith.constant 0 : i32
      %broadcast_in_dim3A_305 = vector.broadcast %jit3A_304 : i32 to vector<1024x128xi32>
      %select_n3A_306 = arith.select %ge3A_301, %roll3A_303, %broadcast_in_dim3A_305 : vector<1024x128xi1>, vector<1024x128xi32>
      %add3A_307 = arith.addi %add3A_298, %select_n3A_306 : vector<1024x128xi32>
      %ge3A_308 = arith.constant 4 : i32
      %ge3A_309 = vector.broadcast %ge3A_308 : i32 to vector<1024x128xi32>
      %ge3A_310 = arith.cmpi sge, %iota3A_277, %ge3A_309 : vector<1024x128xi32>
      %roll3A_311 = arith.constant 4 : i32
      %roll3A_312 = tpu.dynamic_rotate %add3A_307 by %roll3A_311 dim 0 : vector<1024x128xi32>, i32 -> vector<1024x128xi32>
      %jit3A_313 = arith.constant 0 : i32
      %broadcast_in_dim3A_314 = vector.broadcast %jit3A_313 : i32 to vector<1024x128xi32>
      %select_n3A_315 = arith.select %ge3A_310, %roll3A_312, %broadcast_in_dim3A_314 : vector<1024x128xi1>, vector<1024x128xi32>
      %add3A_316 = arith.addi %add3A_307, %select_n3A_315 : vector<1024x128xi32>
      %ge3A_317 = arith.constant 8 : i32
      %ge3A_318 = vector.broadcast %ge3A_317 : i32 to vector<1024x128xi32>
      %ge3A_319 = arith.cmpi sge, %iota3A_277, %ge3A_318 : vector<1024x128xi32>
      %roll3A_320 = arith.constant 8 : i32
      %roll3A_321 = tpu.dynamic_rotate %add3A_316 by %roll3A_320 dim 0 : vector<1024x128xi32>, i32 -> vector<1024x128xi32>
      %jit3A_322 = arith.constant 0 : i32
      %broadcast_in_dim3A_323 = vector.broadcast %jit3A_322 : i32 to vector<1024x128xi32>
      %select_n3A_324 = arith.select %ge3A_319, %roll3A_321, %broadcast_in_dim3A_323 : vector<1024x128xi1>, vector<1024x128xi32>
      %add3A_325 = arith.addi %add3A_316, %select_n3A_324 : vector<1024x128xi32>
      %ge3A_326 = arith.constant 16 : i32
      %ge3A_327 = vector.broadcast %ge3A_326 : i32 to vector<1024x128xi32>
      %ge3A_328 = arith.cmpi sge, %iota3A_277, %ge3A_327 : vector<1024x128xi32>
      %roll3A_329 = arith.constant 16 : i32
      %roll3A_330 = tpu.dynamic_rotate %add3A_325 by %roll3A_329 dim 0 : vector<1024x128xi32>, i32 -> vector<1024x128xi32>
      %jit3A_331 = arith.constant 0 : i32
      %broadcast_in_dim3A_332 = vector.broadcast %jit3A_331 : i32 to vector<1024x128xi32>
      %select_n3A_333 = arith.select %ge3A_328, %roll3A_330, %broadcast_in_dim3A_332 : vector<1024x128xi1>, vector<1024x128xi32>
      %add3A_334 = arith.addi %add3A_325, %select_n3A_333 : vector<1024x128xi32>
      %ge3A_335 = arith.constant 32 : i32
      %ge3A_336 = vector.broadcast %ge3A_335 : i32 to vector<1024x128xi32>
      %ge3A_337 = arith.cmpi sge, %iota3A_277, %ge3A_336 : vector<1024x128xi32>
      %roll3A_338 = arith.constant 32 : i32
      %roll3A_339 = tpu.dynamic_rotate %add3A_334 by %roll3A_338 dim 0 : vector<1024x128xi32>, i32 -> vector<1024x128xi32>
      %jit3A_340 = arith.constant 0 : i32
      %broadcast_in_dim3A_341 = vector.broadcast %jit3A_340 : i32 to vector<1024x128xi32>
      %select_n3A_342 = arith.select %ge3A_337, %roll3A_339, %broadcast_in_dim3A_341 : vector<1024x128xi1>, vector<1024x128xi32>
      %add3A_343 = arith.addi %add3A_334, %select_n3A_342 : vector<1024x128xi32>
      %ge3A_344 = arith.constant 64 : i32
      %ge3A_345 = vector.broadcast %ge3A_344 : i32 to vector<1024x128xi32>
      %ge3A_346 = arith.cmpi sge, %iota3A_277, %ge3A_345 : vector<1024x128xi32>
      %roll3A_347 = arith.constant 64 : i32
      %roll3A_348 = tpu.dynamic_rotate %add3A_343 by %roll3A_347 dim 0 : vector<1024x128xi32>, i32 -> vector<1024x128xi32>
      %jit3A_349 = arith.constant 0 : i32
      %broadcast_in_dim3A_350 = vector.broadcast %jit3A_349 : i32 to vector<1024x128xi32>
      %select_n3A_351 = arith.select %ge3A_346, %roll3A_348, %broadcast_in_dim3A_350 : vector<1024x128xi1>, vector<1024x128xi32>
      %add3A_352 = arith.addi %add3A_343, %select_n3A_351 : vector<1024x128xi32>
      %ge3A_353 = arith.constant 128 : i32
      %ge3A_354 = vector.broadcast %ge3A_353 : i32 to vector<1024x128xi32>
      %ge3A_355 = arith.cmpi sge, %iota3A_277, %ge3A_354 : vector<1024x128xi32>
      %roll3A_356 = arith.constant 128 : i32
      %roll3A_357 = tpu.dynamic_rotate %add3A_352 by %roll3A_356 dim 0 : vector<1024x128xi32>, i32 -> vector<1024x128xi32>
      %jit3A_358 = arith.constant 0 : i32
      %broadcast_in_dim3A_359 = vector.broadcast %jit3A_358 : i32 to vector<1024x128xi32>
      %select_n3A_360 = arith.select %ge3A_355, %roll3A_357, %broadcast_in_dim3A_359 : vector<1024x128xi1>, vector<1024x128xi32>
      %add3A_361 = arith.addi %add3A_352, %select_n3A_360 : vector<1024x128xi32>
      %ge3A_362 = arith.constant 256 : i32
      %ge3A_363 = vector.broadcast %ge3A_362 : i32 to vector<1024x128xi32>
      %ge3A_364 = arith.cmpi sge, %iota3A_277, %ge3A_363 : vector<1024x128xi32>
      %roll3A_365 = arith.constant 256 : i32
      %roll3A_366 = tpu.dynamic_rotate %add3A_361 by %roll3A_365 dim 0 : vector<1024x128xi32>, i32 -> vector<1024x128xi32>
      %jit3A_367 = arith.constant 0 : i32
      %broadcast_in_dim3A_368 = vector.broadcast %jit3A_367 : i32 to vector<1024x128xi32>
      %select_n3A_369 = arith.select %ge3A_364, %roll3A_366, %broadcast_in_dim3A_368 : vector<1024x128xi1>, vector<1024x128xi32>
      %add3A_370 = arith.addi %add3A_361, %select_n3A_369 : vector<1024x128xi32>
      %ge3A_371 = arith.constant 512 : i32
      %ge3A_372 = vector.broadcast %ge3A_371 : i32 to vector<1024x128xi32>
      %ge3A_373 = arith.cmpi sge, %iota3A_277, %ge3A_372 : vector<1024x128xi32>
      %roll3A_374 = arith.constant 512 : i32
      %roll3A_375 = tpu.dynamic_rotate %add3A_370 by %roll3A_374 dim 0 : vector<1024x128xi32>, i32 -> vector<1024x128xi32>
      %jit3A_376 = arith.constant 0 : i32
      %broadcast_in_dim3A_377 = vector.broadcast %jit3A_376 : i32 to vector<1024x128xi32>
      %select_n3A_378 = arith.select %ge3A_373, %roll3A_375, %broadcast_in_dim3A_377 : vector<1024x128xi1>, vector<1024x128xi32>
      %add3A_379 = arith.addi %add3A_370, %select_n3A_378 : vector<1024x128xi32>
      %sub3A_380 = arith.subi %add3A_379, %convert_element_type3A_254 : vector<1024x128xi32>
      %reduce_sum3A_381 = arith.constant dense<0> : vector<128xi32>
      %reduce_sum3A_382 = vector.multi_reduction <add>, %convert_element_type3A_254, %reduce_sum3A_381 [0] : vector<1024x128xi32> to vector<128xi32>
      %broadcast_in_dim3A_383 = vector.shape_cast %reduce_sum3A_382 : vector<128xi32> to vector<1x128xi32>
      %broadcast_in_dim3A_384 = vector.shape_cast %broadcast_in_dim3A_383 : vector<1x128xi32> to vector<1x128xi32>
      %broadcast_in_dim3A_385 = vector.broadcast %broadcast_in_dim3A_384 : vector<1x128xi32> to vector<1024x128xi32>
      %ge3A_386 = arith.constant 1 : i32
      %ge3A_387 = vector.broadcast %ge3A_386 : i32 to vector<1024x128xi32>
      %ge3A_388 = arith.cmpi sge, %iota3A_278, %ge3A_387 : vector<1024x128xi32>
      %roll3A_389 = arith.constant 1 : i32
      %roll3A_390 = tpu.dynamic_rotate %broadcast_in_dim3A_385 by %roll3A_389 dim 1 : vector<1024x128xi32>, i32 -> vector<1024x128xi32>
      %jit3A_391 = arith.constant 0 : i32
      %broadcast_in_dim3A_392 = vector.broadcast %jit3A_391 : i32 to vector<1024x128xi32>
      %select_n3A_393 = arith.select %ge3A_388, %roll3A_390, %broadcast_in_dim3A_392 : vector<1024x128xi1>, vector<1024x128xi32>
      %add3A_394 = arith.addi %broadcast_in_dim3A_385, %select_n3A_393 : vector<1024x128xi32>
      %ge3A_395 = arith.constant 2 : i32
      %ge3A_396 = vector.broadcast %ge3A_395 : i32 to vector<1024x128xi32>
      %ge3A_397 = arith.cmpi sge, %iota3A_278, %ge3A_396 : vector<1024x128xi32>
      %roll3A_398 = arith.constant 2 : i32
      %roll3A_399 = tpu.dynamic_rotate %add3A_394 by %roll3A_398 dim 1 : vector<1024x128xi32>, i32 -> vector<1024x128xi32>
      %jit3A_400 = arith.constant 0 : i32
      %broadcast_in_dim3A_401 = vector.broadcast %jit3A_400 : i32 to vector<1024x128xi32>
      %select_n3A_402 = arith.select %ge3A_397, %roll3A_399, %broadcast_in_dim3A_401 : vector<1024x128xi1>, vector<1024x128xi32>
      %add3A_403 = arith.addi %add3A_394, %select_n3A_402 : vector<1024x128xi32>
      %ge3A_404 = arith.constant 4 : i32
      %ge3A_405 = vector.broadcast %ge3A_404 : i32 to vector<1024x128xi32>
      %ge3A_406 = arith.cmpi sge, %iota3A_278, %ge3A_405 : vector<1024x128xi32>
      %roll3A_407 = arith.constant 4 : i32
      %roll3A_408 = tpu.dynamic_rotate %add3A_403 by %roll3A_407 dim 1 : vector<1024x128xi32>, i32 -> vector<1024x128xi32>
      %jit3A_409 = arith.constant 0 : i32
      %broadcast_in_dim3A_410 = vector.broadcast %jit3A_409 : i32 to vector<1024x128xi32>
      %select_n3A_411 = arith.select %ge3A_406, %roll3A_408, %broadcast_in_dim3A_410 : vector<1024x128xi1>, vector<1024x128xi32>
      %add3A_412 = arith.addi %add3A_403, %select_n3A_411 : vector<1024x128xi32>
      %ge3A_413 = arith.constant 8 : i32
      %ge3A_414 = vector.broadcast %ge3A_413 : i32 to vector<1024x128xi32>
      %ge3A_415 = arith.cmpi sge, %iota3A_278, %ge3A_414 : vector<1024x128xi32>
      %roll3A_416 = arith.constant 8 : i32
      %roll3A_417 = tpu.dynamic_rotate %add3A_412 by %roll3A_416 dim 1 : vector<1024x128xi32>, i32 -> vector<1024x128xi32>
      %jit3A_418 = arith.constant 0 : i32
      %broadcast_in_dim3A_419 = vector.broadcast %jit3A_418 : i32 to vector<1024x128xi32>
      %select_n3A_420 = arith.select %ge3A_415, %roll3A_417, %broadcast_in_dim3A_419 : vector<1024x128xi1>, vector<1024x128xi32>
      %add3A_421 = arith.addi %add3A_412, %select_n3A_420 : vector<1024x128xi32>
      %ge3A_422 = arith.constant 16 : i32
      %ge3A_423 = vector.broadcast %ge3A_422 : i32 to vector<1024x128xi32>
      %ge3A_424 = arith.cmpi sge, %iota3A_278, %ge3A_423 : vector<1024x128xi32>
      %roll3A_425 = arith.constant 16 : i32
      %roll3A_426 = tpu.dynamic_rotate %add3A_421 by %roll3A_425 dim 1 : vector<1024x128xi32>, i32 -> vector<1024x128xi32>
      %jit3A_427 = arith.constant 0 : i32
      %broadcast_in_dim3A_428 = vector.broadcast %jit3A_427 : i32 to vector<1024x128xi32>
      %select_n3A_429 = arith.select %ge3A_424, %roll3A_426, %broadcast_in_dim3A_428 : vector<1024x128xi1>, vector<1024x128xi32>
      %add3A_430 = arith.addi %add3A_421, %select_n3A_429 : vector<1024x128xi32>
      %ge3A_431 = arith.constant 32 : i32
      %ge3A_432 = vector.broadcast %ge3A_431 : i32 to vector<1024x128xi32>
      %ge3A_433 = arith.cmpi sge, %iota3A_278, %ge3A_432 : vector<1024x128xi32>
      %roll3A_434 = arith.constant 32 : i32
      %roll3A_435 = tpu.dynamic_rotate %add3A_430 by %roll3A_434 dim 1 : vector<1024x128xi32>, i32 -> vector<1024x128xi32>
      %jit3A_436 = arith.constant 0 : i32
      %broadcast_in_dim3A_437 = vector.broadcast %jit3A_436 : i32 to vector<1024x128xi32>
      %select_n3A_438 = arith.select %ge3A_433, %roll3A_435, %broadcast_in_dim3A_437 : vector<1024x128xi1>, vector<1024x128xi32>
      %add3A_439 = arith.addi %add3A_430, %select_n3A_438 : vector<1024x128xi32>
      %ge3A_440 = arith.constant 64 : i32
      %ge3A_441 = vector.broadcast %ge3A_440 : i32 to vector<1024x128xi32>
      %ge3A_442 = arith.cmpi sge, %iota3A_278, %ge3A_441 : vector<1024x128xi32>
      %roll3A_443 = arith.constant 64 : i32
      %roll3A_444 = tpu.dynamic_rotate %add3A_439 by %roll3A_443 dim 1 : vector<1024x128xi32>, i32 -> vector<1024x128xi32>
      %jit3A_445 = arith.constant 0 : i32
      %broadcast_in_dim3A_446 = vector.broadcast %jit3A_445 : i32 to vector<1024x128xi32>
      %select_n3A_447 = arith.select %ge3A_442, %roll3A_444, %broadcast_in_dim3A_446 : vector<1024x128xi1>, vector<1024x128xi32>
      %add3A_448 = arith.addi %add3A_439, %select_n3A_447 : vector<1024x128xi32>
      %sub3A_449 = arith.subi %add3A_448, %broadcast_in_dim3A_385 : vector<1024x128xi32>
      %add3A_450 = arith.addi %sub3A_380, %sub3A_449 : vector<1024x128xi32>
      %eq3A_451 = arith.constant 1 : i32
      %eq3A_452 = vector.broadcast %eq3A_451 : i32 to vector<1024x128xi32>
      %eq3A_453 = arith.cmpi eq, %convert_element_type3A_254, %eq3A_452 : vector<1024x128xi32>
      %eq3A_454 = vector.broadcast %sub3A_291 : i32 to vector<1024x128xi32>
      %eq3A_455 = arith.cmpi eq, %add3A_450, %eq3A_454 : vector<1024x128xi32>
      %and3A_456 = arith.andi %eq3A_453, %eq3A_455 : vector<1024x128xi1>
      %broadcast_in_dim3A_457 = vector.broadcast %cond3A_263 : i32 to vector<1024x128xi32>
      %select_n3A_458 = arith.select %and3A_456, %get3A_23, %broadcast_in_dim3A_457 : vector<1024x128xi1>, vector<1024x128xi32>
      %reduce_min3A_459 = vector.shape_cast %select_n3A_458 : vector<1024x128xi32> to vector<1x1024x128xi32>
      %reduce_min3A_460 = arith.constant dense<2147483647> : vector<1xi32>
      %reduce_min3A_461 = vector.multi_reduction <minsi>, %reduce_min3A_459, %reduce_min3A_460 [1, 2] : vector<1x1024x128xi32> to vector<1xi32>
      %reduce_min3A_462 = vector.shape_cast %reduce_min3A_461 : vector<1xi32> to vector<1x1x1xi32>
      %reduce_min3A_463 = vector.extract %reduce_min3A_462[0, 0, 0] : i32 from vector<1x1x1xi32>
      scf.yield %reduce_min3A_463 : i32
    }
    %eq3A_267 = arith.constant 4 : i32
    %eq3A_268 = vector.broadcast %eq3A_267 : i32 to vector<1x128xi32>
    %eq3A_269 = arith.cmpi eq, %iota3A, %eq3A_268 : vector<1x128xi32>
    %broadcast_in_dim3A_270 = vector.broadcast %cond3A_266 : i32 to vector<1x128xi32>
    %select_n3A_271 = arith.select %eq3A_269, %broadcast_in_dim3A_270, %select_n3A_223 : vector<1x128xi1>, vector<1x128xi32>
    %swap3A = arith.constant 0 : index
    %swap3A_272 = arith.constant 0 : index
    %swap3A_273 = arith.constant 0 : index
    %swap3A_274 = vector.load %arg7[%swap3A, %swap3A_272, %swap3A_273] : memref<1x1x128xi32, #tpu.memory_space<vmem>>, vector<1x1x128xi32>
    %swap3A_275 = vector.shape_cast %swap3A_274 : vector<1x1x128xi32> to vector<1x128xi32>
    %swap3A_276 = vector.shape_cast %select_n3A_271 : vector<1x128xi32> to vector<1x1x128xi32>
    tpu.vector_store %arg7[%swap3A, %swap3A_272, %swap3A_273], %swap3A_276 {strides = array<i32>} : memref<1x1x128xi32, #tpu.memory_space<vmem>>, vector<1x1x128xi32>,
    return
  }
  func.func @transform_0(%arg0: i32) -> (i32, i32, i32) {
    %c0_i32 = arith.constant 0 : i32
    %c0_i32_0 = arith.constant 0 : i32
    %c0_i32_1 = arith.constant 0 : i32
    return %arg0, %c0_i32, %c0_i32_0 : i32, i32, i32
  }
  func.func @transform_1(%arg0: i32) -> (i32, i32, i32) {
    %c0_i32 = arith.constant 0 : i32
    %c0_i32_0 = arith.constant 0 : i32
    %c0_i32_1 = arith.constant 0 : i32
    return %arg0, %c0_i32, %c0_i32_0 : i32, i32, i32
  }
  func.func @transform_2(%arg0: i32) -> (i32, i32, i32) {
    %c0_i32 = arith.constant 0 : i32
    %c0_i32_0 = arith.constant 0 : i32
    %c0_i32_1 = arith.constant 0 : i32
    return %arg0, %c0_i32, %c0_i32_0 : i32, i32, i32
  }
  func.func @transform_3(%arg0: i32) -> (i32, i32, i32) {
    %c0_i32 = arith.constant 0 : i32
    %c0_i32_0 = arith.constant 0 : i32
    %c0_i32_1 = arith.constant 0 : i32
    return %arg0, %c0_i32, %c0_i32_0 : i32, i32, i32
  }
  func.func @transform_4(%arg0: i32) -> (i32, i32, i32) {
    %c0_i32 = arith.constant 0 : i32
    %c0_i32_0 = arith.constant 0 : i32
    %c0_i32_1 = arith.constant 0 : i32
    %c0_i32_2 = arith.constant 0 : i32
    return %c0_i32, %c0_i32_0, %c0_i32_1 : i32, i32, i32
  }
  func.func @transform_5(%arg0: i32) -> (i32, i32, i32) {
    %c0_i32 = arith.constant 0 : i32
    %c0_i32_0 = arith.constant 0 : i32
    %c0_i32_1 = arith.constant 0 : i32
    %c0_i32_2 = arith.constant 0 : i32
    return %c0_i32, %c0_i32_0, %c0_i32_1 : i32, i32, i32
  }
  func.func @transform_6(%arg0: i32) -> (i32, i32, i32) {
    %c0_i32 = arith.constant 0 : i32
    %c0_i32_0 = arith.constant 0 : i32
    %c0_i32_1 = arith.constant 0 : i32
    return %arg0, %c0_i32, %c0_i32_0 : i32, i32, i32
  }
}

</mosaic_0001>

<sc_bundles>
// kernel: sparse-core-data-format-call.1.cloned.1.call-start
scs
called_computation.1_lowered:
.L_overlay_start_0:
0x0: {  	s2 =	sld [smem:$0x3FD9]  }
0x1: {  	s3 =	sld [smem:$0x3FFE];
	_ =	sdelay $0x1  }
0x2: {  	s1 =	srdreg.scid  }
0x3: {  	s0 =	sand.u32 $0x1, s1  }
0x4: {  	s18 =	sshll.u32 s0, $0xA;
	s2 =	sadd.s32 s3, s2  }
0x5: {  	s2 =	sadd.s32 s2, s18  }
0x6: {  	[smem:$0x3FC6] =	sst s2  }
0x7: {  	_ = 	snop  }
0x8: {  	(tm) =	ssettm $0x1  }
0x9: {  	s19 =	sld [smem:$0x3FFB];
	_ =	sdelay $0x3  }
0xa: {  	_ =	strace s19  }
0xb: {  	s2 =	sld [smem:$0x3FFC];
	_ =	sdelay $0x3  }
0xc: {  	_ =	strace s2  }
0xd: {  	s2 =	sld [smem:$0x3FFD];
	_ =	sdelay $0x3  }
0xe: {  	_ =	strace s2  }
0xf: {  	_ =	strace $0x8FFFFFFF  }
0x10: {  	s20 =	sld [smem:$0x3FDB];
	_ =	sdelay $0x1  }
0x11: {  	s21 =	simm.s32 $_scs_section_size  }
0x12: {  	s4 =	simm.s32 $_size__tile_overlayer_lowered;
	s5 =	simm.s32 $_tile_overlayer_lowered  }
0x13: {  	s6 =	simm.s32 $0x1BFF;
	s22 =	sshll.u32 s5, $0x1;
	s3 =	sadd.s32 s21, s20  }
0x14: {  	s23 =	simm.s32 $0x0;
	s4 =	sshll.u32 s4, $0x1;
	s5 =	sadd.s32 s22, s3  }
0x15: {  	[timem:s23], [sflag:s6] =	dma.local [hbm:s5], s4  }
0x16: {  	_ =	swait.ge [sflag:s6], s4  }
0x17: {  	s4 =	ssub.s32 $0x0, s4;
	[sflag:s6] =	ssyncset.done $0x0  }
0x18: {  	[sflag:s6] =	ssyncadd.s32 s4;
	_ =	sdelay $0x1  }
0x19: {  	s24 =	simm.s32 $0x1B8B  }
0x1a: {  	_ =	swait.ge [sflag:s24], $0x1  }
0x1b: {  	[sflag:s24] =	ssyncset.done $0x0  }
0x1c: {  	[sflag:s24] =	ssyncadd.s32 $0xFFFFFFFF  }
0x1d: {  	s4 =	sld [smem:$0x0]  }
0x1e: {  	s5 =	sand.u32 $0xFFFFFFFE, s1  }
0x1f: {  	p0 =	sne.s32 s1, s5  }
0x20: {  	s5 =	sshll.u32 @p0 s5, $0xE  }
0x21: {  	s5 =	sadd.s32 @p0 $0x11B8D, s5;
	s6 =	sshll.u32 @p0 s4, $0x11  }
0x22: {  	s5 =	sor.u32 @p0 s6, s5  }
0x23: {  	[sflag:s5] =	ssyncadd.remote.s32 @p0 $0x1;
	_ =	sdelay $0x1  }
0x24: {  	s5 =	simm.s32 @p0 $0x1B8D  }
0x25: {  	_ =	swait.eq @p0 [sflag:s5], $0x1  }
0x26: {  	[sflag:s5] =	ssyncadd.s32 @p0 $0xFFFFFFFF  }
0x27: {  	s6 =	sshll.u32 @!p0 s1, $0xE  }
0x28: {  	s6 =	sor.u32 @!p0 $0x4000, s6;
	s5 =	simm.s32 @!p0 $0x1B8D  }
0x29: {  	s4 =	sshll.u32 @!p0 s4, $0x11;
	s6 =	sadd.s32 @!p0 $0x11B8D, s6;
	_ =	swait.eq @!p0 [sflag:s5], $0x1  }
0x2a: {  	s4 =	sor.u32 @!p0 s4, s6;
	[sflag:s5] =	ssyncadd.s32 @!p0 $0xFFFFFFFF  }
0x2b: {  	s26 =	simm.s32 $0x1B8E;
	s25 =	sld [smem:$0x3FFE];
	[sflag:s4] =	ssyncadd.remote.s32 @!p0 $0x1  }
0x2c: {  	s27 =	simm.s32 $execute0_lowered;
	[smem:$0x3FD2] =	sst s26  }
0x2d: {  	s5 =	sshll.u32 s27, $0x1;
	_ =	strace $0x80000055;
	[dreg:$0x1] =	wrdreg $0xFFFFFFFF  }
0x2e: {  	s28 =	simm.s32 $_size_execute0_lowered;
	s3 =	sadd.s32 s3, s5;
	[dreg:$0x0] =	wrdreg $0x0  }
0x2f: {  	s5 =	sshll.u32 s28, $0x1;
	[dreg:$0x2] =	wrdreg s3  }
0x30: {  	[dreg:$0x3] =	wrdreg s5  }
0x31: {  	[dreg:$0x4] =	wrdreg $0xC0  }
0x32: {  	_ =	task [dreg:s23], $0x5FFFF  }
0x33: {  	[dreg:$0x1] =	wrdreg $0xFFFFFFFF  }
0x34: {  	[dreg:$0x0] =	wrdreg $0x60  }
0x35: {  	[dreg:$0x2] =	wrdreg s25  }
0x36: {  	[dreg:$0x3] =	wrdreg $0xA  }
0x37: {  	_ =	task.clear_ibuf [dreg:s23], $0x4FFFF;
	_ =	strace $0x90000055  }
0x38: {  	s29 =	simm.s32 $0xA;
	_ =	strace $0x80000057  }
0x39: {  	_ =	swait.ge [sflag:s29], $0x1  }
0x3a: {  	[sflag:s29] =	ssyncadd.s32 $0xFFFFFFFF  }
0x3b: {  	_ =	strace $0x90000057  }
0x3c: {  	_ =	sfence  }
0x3d: {  	s30 =	sld [smem:$0x0];
	_ =	sdelay $0x2  }
0x3e: {  	s31 =	sshll.u32 s1, $0xD;
	s1 =	sshrl.u32 s1, $0x2  }
0x3f: {  	s4 =	sand.u32 $0x4000, s31;
	s1 =	sadd.s32 s1, s30  }
0x40: {  	s0 =	sor.u32 s4, s0;
	s1 =	sshll.u32 s1, $0x11  }
0x41: {  	s0 =	sor.u32 s1, s0  }
0x42: {  	s0 =	sadd.s32 $0x8F2B, s0  }
0x43: {  	[sflag:s0] =	ssyncadd.remote.s32 $0x1  }
0x44: {  	_ =	sfence.sel $0xFFFF  }
0x45: {  	[dreg:$0x0] =	wrdreg $0xFFFFFFFF;
	(pc) =	sbr.abs _section_cstart, $3  }
0x46: {  	[dreg:$0x1] =	wrdreg $0xFFFFFFFF  }
0x47: {  	_ =	task.clear_ibuf [dreg:s23], $0x2FFFF;
	_ =	strace $0x9FFFFFFF  }
0x48: {  	(tm) =	ssettm $0x7FFFFFFF  }
0x49: {  	_ =	shalt  }
tec
execute0_lowered:
.L_overlay_start_1:
0x0: {  	(tag) =	ssettag $0x1  }
0x1: {  	s4 =	rddreg [dreg:$0x0]  }
0x2: {  	s0 =	rddreg [dreg:$0x1];
	_ =	strace $0x80000056;
	s3 =	srdreg.scid  }
0x3: {  	s1 =	stileid.u32;
	s6 =	simm.s32 $0x2;
	s11 =	simm.s32 $0x0  }
.Ltmp0:
0x4: {  	p0 =	por $0x0, $0x0;
	s10 =	simm.s32 $0x0;
	(pc) =	sbr.rel .LBB1_1-.Ltmp0, $4  }
0x5: {  	s9 =	simm.s32 $0x0;
	s7 =	simm.s32 $0x0;
	s5 =	sshll.u32 s3, $0x4  }
0x6: {  	s2 =	sadd.s32 $0x586A00, s4;
	s3 =	simm.s32 $0x1;
	s5 =	sand.u32 $0x10, s5  }
0x7: {  	s4 =	sadd.s32 $0xD06A00, s4;
	[sflag:s3] =	ssyncpa.u1 $0x0;
	s5 =	sor.u32 s1, s5  }
0x8: {  	[sflag:s6] =	ssyncpa.u1 $0x0;
	s6 =	simm.s32 $0x20000;
	s8 =	smov.u32 s5  }
.LBB1_5:
0x9: {  	s12 =	sadd.s32 $0x20, s8  }
0xa: {  	s10 =	sadd.s32 $0x80, s9;
	s14 =	smov.u32 s9;
	p2 =	sgt.s32 s12, $0x3FF  }
0xb: {  	p1 =	slt.u32 s7, $0x2;
	s14 =	smov.u32 @p2 s10  }
0xc: {  	s7 =	sadd.s32 $0x1, s7;
	s12 =	smov.u32 @p2 s5;
	p2 =	sgt.s32 s14, $0x7F  }
0xd: {  	s14 =	simm.s32 @p2 $0x0;
	p2 =	sne.s32 s7, $0x22  }
.Ltmp1:
0xe: {  	_ = 	snop;
	(pc) =	sbr.rel @!p2 .LBB1_6-.Ltmp1, $4  }
0xf: {  	s13 =	simm.s32 @!p1 $0x2  }
0x10: {  	s11 =	smov.u32 s8;
	_ =	swait.ge @!p1 [sflag:s13], $0x4000  }
0x11: {  	p0 =	por !p0, !p0;
	s10 =	smov.u32 s9;
	[sflag:s13] =	ssyncset.done @!p1 $0x0  }
0x12: {  	s8 =	smov.u32 s12;
	[sflag:s13] =	ssyncadd.s32 @!p1 $0xFFFFC000;
	s9 =	smov.u32 s14  }
.LBB1_1:
0x13: {  	p1 =	sgt.u32 s7, $0x1F  }
0x14: {  	s12 =	sxor.u32 @!p1 $0xFFFFFFFF, s7  }
0x15: {  	s13 =	sshll.u32 @!p1 s9, $0xE;
	s14 =	sshll.u32 @!p1 s8, $0x4;
	s15 =	simm.s32 @!p1 $0x20000  }
0x16: {  	s12 =	sshll.u32 @!p1 s12, $0xE;
	s14 =	sand.u32 @!p1 $0x3FF0, s14;
	s13 =	sadd.s32 @!p1 s2, s13  }
0x17: {  	s12 =	sand.u32 @!p1 $0x4000, s12;
	s13 =	sadd.s32 @!p1 s14, s13;
	s14 =	simm.s32 @!p1 $0x80  }
0x18: {  	[tilespmem:s12], [sflag:$0x1] =	stream.strided.gather @!p1 [hbm4b:s13+s14], $0x4000, s15, s14, $0x38;
	[tilespmem:$0x10100] =	vst v63  }
0x19: {  	p1 =	seq.s32 s7, $0x0  }
0x1a: {  	p2 =	seq.s32 @!p1 s7, $0x21  }
0x1b: {  	p1 =	por p1, p2  }
.Ltmp2:
0x1c: {  	_ = 	snop;
	(pc) =	sbr.rel @p1 .LBB1_5-.Ltmp2, $1  }
0x1d: {  	_ =	sdelay $0x3  }
0x1e: {  	s12 =	simm.s32 $0x1  }
0x1f: {  	_ =	swait.ge [sflag:s3], $0x4000;
	s12 =	simm.s32 @!p0 $0x0  }
0x20: {  	[sflag:s3] =	ssyncset.done $0x0;
	s13 =	sshll.u32 s12, $0xE  }
0x21: {  	[sflag:s3] =	ssyncadd.s32 $0xFFFFC000;
	s15 =	sor.u32 $0x40, s13  }
0x22: {  	s12 =	smul.u32 $0x10200, s12;
	v0 =	vld [tilespmem:s15+$0x30]  }
0x23: {  	v3 =	vld [tilespmem:s15+$0xFFFFFFD0]  }
0x24: {  	s12 =	sshrl.u32 s12, $0x2;
	v4 =	vld [tilespmem:s15+$0xFFFFFFE0]  }
0x25: {  	v5 =	vld [tilespmem:s15+$0xFFFFFFF0];
	s13 =	sor.u32 $0x8000, s12  }
0x26: {  	s31 =	sand.u32 $0x1, s7;
	v1 =	vld [tilespmem:s15+$0x0];
	s14 =	sadd.s32 $0x0, s13  }
0x27: {  	v2 =	vld [tilespmem:s15+$0x10];
	s12 =	smul.u32 $0x10200, s31;
	[tilespmem:s14+$0x3870 ss:$0x81] =	vst.msk $0xffff, v0  }
0x28: {  	[tilespmem:s14+$0x810 ss:$0x81] =	vst.msk $0xffff, v3;
	v3 =	vld [tilespmem:s15+$0x20]  }
0x29: {  	s12 =	sshrl.u32 s12, $0x2;
	v0 =	vld [tilespmem:s15+$0xFFFFFFC0];
	[tilespmem:s14+$0x1020 ss:$0x81] =	vst.msk $0xffff, v4;
	s15 =	sadd.s32 $0x80, s15  }
0x2a: {  	s16 =	simm.s32 $0x4;
	s17 =	simm.s32 $0x8;
	s12 =	sor.u32 $0x8000, s12;
	[tilespmem:s14+$0x1830 ss:$0x81] =	vst.msk $0xffff, v5;
	v4 =	vld [tilespmem:s15+$0x30]  }
.LBB1_3:
0x2b: {  	p1 =	sne.s32 s17, $0x1FC;
	v5 =	vld [tilespmem:s15+$0xFFFFFFD0];
	[tilespmem:s14+$0x2040 ss:$0x81] =	vst.msk $0xffff, v1  }
0x2c: {  	v6 =	vld [tilespmem:s15+$0xFFFFFFE0];
	[tilespmem:s14+$0x2850 ss:$0x81] =	vst.msk $0xffff, v2  }
0x2d: {  	s18 =	sshra.s32 s16, $0x2;
	s16 =	smov.u32 s17;
	v7 =	vld [tilespmem:s15+$0xFFFFFFF0];
	[tilespmem:s14+$0x3060 ss:$0x81] =	vst.msk $0xffff, v3  }
.Ltmp3:
0x2e: {  	v1 =	vld [tilespmem:s15+$0x0];
	[tilespmem:s14+$0x0 ss:$0x81] =	vst.msk $0xffff, v0;
	s14 =	sadd.s32 s18, s13;
	(pc) =	sbr.rel @p1 .LBB1_3-.Ltmp3, $4  }
0x2f: {  	v2 =	vld [tilespmem:s15+$0x10];
	[tilespmem:s14+$0x3870 ss:$0x81] =	vst.msk $0xffff, v4  }
0x30: {  	[tilespmem:s14+$0x810 ss:$0x81] =	vst.msk $0xffff, v5;
	v3 =	vld [tilespmem:s15+$0x20]  }
0x31: {  	v0 =	vld [tilespmem:s15+$0xFFFFFFC0];
	[tilespmem:s14+$0x1020 ss:$0x81] =	vst.msk $0xffff, v6;
	s15 =	sadd.s32 $0x80, s15  }
0x32: {  	s17 =	sadd.s32 $0x4, s17;
	v4 =	vld [tilespmem:s15+$0x30];
	[tilespmem:s14+$0x1830 ss:$0x81] =	vst.msk $0xffff, v7  }
0x33: {  	v5 =	vld [tilespmem:s15+$0xFFFFFFD0];
	[tilespmem:s14+$0x2040 ss:$0x81] =	vst.msk $0xffff, v1  }
0x34: {  	v58 =	vld [tilespmem:s15+$0xFFFFFFE0];
	[tilespmem:s14+$0x2850 ss:$0x81] =	vst.msk $0xffff, v2  }
0x35: {  	s16 =	sshra.s32 s16, $0x2;
	v59 =	vld [tilespmem:s15+$0xFFFFFFF0];
	[tilespmem:s14+$0x3060 ss:$0x81] =	vst.msk $0xffff, v3  }
0x36: {  	v60 =	vld [tilespmem:s15+$0x0];
	s13 =	sadd.s32 s16, s13;
	[tilespmem:s14+$0x0 ss:$0x81] =	vst.msk $0xffff, v0  }
0x37: {  	v61 =	vld [tilespmem:s15+$0x10];
	[tilespmem:s13+$0x3870 ss:$0x81] =	vst.msk $0xffff, v4  }
0x38: {  	v62 =	vld [tilespmem:s15+$0x20];
	s11 =	sshll.u32 s11, $0x7;
	s28 =	sshll.u32 s10, $0x3;
	[tilespmem:s13+$0x810 ss:$0x81] =	vst.msk $0xffff, v5  }
0x39: {  	v63 =	vld [tilespmem:s15+$0xFFFFFFC0];
	s29 =	sand.u32 $0x1FC00, s11;
	s14 =	sand.u32 $0x1FC00, s28;
	[tilespmem:s13+$0x1020 ss:$0x81] =	vst.msk $0xffff, v58  }
0x3a: {  	s11 =	sand.u32 $0x380, s11;
	s14 =	sadd.s32 s14, s29;
	[tilespmem:s13+$0x1830 ss:$0x81] =	vst.msk $0xffff, v59  }
.Ltmp4:
0x3b: {  	s30 =	sshrl.u32 s10, $0x3;
	[tilespmem:s13+$0x2040 ss:$0x81] =	vst.msk $0xffff, v60;
	s11 =	sor.u32 s11, s14;
	(pc) =	sbr.rel .LBB1_5-.Ltmp4, $4  }
0x3c: {  	s31 =	sand.u32 $0x7, s10;
	[tilespmem:s13+$0x2850 ss:$0x81] =	vst.msk $0xffff, v61;
	s14 =	sand.u32 $0xF, s30;
	s11 =	sshrl.u32 s11, $0x3  }
0x3d: {  	s10 =	sshll.u32 s31, $0x12;
	[tilespmem:s13+$0x3060 ss:$0x81] =	vst.msk $0xffff, v62;
	s14 =	sadd.s32 s4, s14;
	s11 =	sand.u32 $0x3FF0, s11  }
0x3e: {  	s10 =	sor.u32 $0x80, s10;
	[tilespmem:s13+$0x0 ss:$0x81] =	vst.msk $0xffff, v63;
	s11 =	sadd.s32 s11, s14  }
0x3f: {  	[hbm4b:s11+s10] =	stream.strided.scatter [tilespmem:s12], [sflag:$0x2], $0x4000, s6, s10, $0x20;
	[tilespmem:$0x10100] =	vst v63  }
.LBB1_6:
0x40: {  	_ =	sfence.sel $0x180000  }
0x41: {  	s2 =	simm.s32 $0x1;
	[bflag:$0x0] =	sbarrier.arrive $0xFFFF  }
0x42: {  	s31 =	simm.s32 $0x2;
	[sflag:s2] =	ssyncpa.u1 $0x1  }
0x43: {  	[sflag:s31] =	ssyncpa.u1 $0x1  }
0x44: {  	p0 =	sne.s32 s1, $0x0;
	_ =	strace $0x90000056  }
0x45: {  	s0 =	sadd.s32 @!p0 $0x100000, s0;
	[bflag:$0x2] =	sbarrier.arrive $0xFFFF  }
0x46: {  	[sflag:s0] =	ssyncadd.tile.s32 @!p0 $0x1;
	_ =	shalt  }
.Lfunc_end1:
_tile_overlayer_lowered:
.L_overlay_start_2:
0x47: {  	(tag) =	ssettag $0x2  }
0x48: {  	s0 =	rddreg [dreg:$0x0];
	s2 =	stileid.u32  }
0x49: {  	s1 =	rddreg [dreg:$0x1];
	p0 =	sne.s32 s2, $0x0  }
0x4a: {  	s3 =	rddreg [dreg:$0x2];
	[bflag:$0x3] =	sbarrier.arrive $0xFFFF;
	s2 =	simm.s32 @!p0 $0x1C01  }
0x4b: {  	[timem:s3], [sflag:s2] =	dma.local @!p0 [hbm:s0], s1  }
0x4c: {  	s0 =	simm.s32 @!p0 $0x1  }
0x4d: {  	_ =	swait.ge @!p0 [sflag:s0], s1  }
0x4e: {  	s1 =	ssub.s32 @!p0 $0x0, s1;
	[sflag:s0] =	ssyncset.done @!p0 $0x0  }
0x4f: {  	[sflag:s0] =	ssyncadd.s32 @!p0 s1  }
0x50: {  	[bflag:$0x3] =	sbarrier.arrive $0xFFFF  }
0x51: {  	_ =	shalt  }

// kernel: sparse-core-data-format-call.2.cloned.1.call-start
scs
called_computation.2_lowered:
.L_overlay_start_0:
0x0: {  	s1 =	sld [smem:$0x3FD9]  }
0x1: {  	s2 =	sld [smem:$0x3FFE];
	_ =	sdelay $0x1  }
0x2: {  	s3 =	srdreg.scid  }
0x3: {  	s0 =	sand.u32 $0x1, s3  }
0x4: {  	s17 =	sshll.u32 s0, $0xA;
	s1 =	sadd.s32 s2, s1  }
0x5: {  	s1 =	sadd.s32 s1, s17  }
0x6: {  	[smem:$0x3FC6] =	sst s1  }
0x7: {  	_ = 	snop  }
0x8: {  	(tm) =	ssettm $0x1  }
0x9: {  	s18 =	sld [smem:$0x3FFB];
	_ =	sdelay $0x3  }
0xa: {  	_ =	strace s18  }
0xb: {  	s1 =	sld [smem:$0x3FFC];
	_ =	sdelay $0x3  }
0xc: {  	_ =	strace s1  }
0xd: {  	s1 =	sld [smem:$0x3FFD];
	_ =	sdelay $0x3  }
0xe: {  	_ =	strace s1  }
0xf: {  	_ =	strace $0x8FFFFFFF  }
0x10: {  	s19 =	sld [smem:$0x3FDB];
	_ =	sdelay $0x1  }
0x11: {  	s20 =	simm.s32 $_scs_section_size  }
0x12: {  	s4 =	simm.s32 $_size__tile_overlayer_lowered;
	s5 =	simm.s32 $_tile_overlayer_lowered  }
0x13: {  	s23 =	simm.s32 $0x1BFF;
	s22 =	sshll.u32 s5, $0x1;
	s1 =	sadd.s32 s20, s19  }
0x14: {  	s6 =	simm.s32 $0x0;
	s21 =	sshll.u32 s4, $0x1;
	s4 =	sadd.s32 s22, s1  }
0x15: {  	[timem:s6], [sflag:s23] =	dma.local [hbm:s4], s21  }
0x16: {  	_ =	swait.ge [sflag:s23], s21  }
0x17: {  	s2 =	ssub.s32 $0x0, s21;
	[sflag:s23] =	ssyncset.done $0x0  }
0x18: {  	[sflag:s23] =	ssyncadd.s32 s2;
	_ =	sdelay $0x1  }
0x19: {  	s24 =	simm.s32 $0x1B8B  }
0x1a: {  	_ =	swait.ge [sflag:s24], $0x1  }
0x1b: {  	[sflag:s24] =	ssyncset.done $0x0  }
0x1c: {  	s26 =	simm.s32 $0x1B8E;
	s25 =	sld [smem:$0x3FFE];
	[sflag:s24] =	ssyncadd.s32 $0xFFFFFFFF  }
0x1d: {  	s27 =	simm.s32 $execute0_lowered;
	[smem:$0x3FD2] =	sst s26  }
0x1e: {  	s4 =	sshll.u32 s27, $0x1;
	_ =	strace $0x8000004F;
	[dreg:$0x1] =	wrdreg $0xFFFFFFFF  }
0x1f: {  	s28 =	simm.s32 $_size_execute0_lowered;
	s1 =	sadd.s32 s1, s4;
	[dreg:$0x0] =	wrdreg $0x0  }
0x20: {  	s4 =	sshll.u32 s28, $0x1;
	[dreg:$0x2] =	wrdreg s1  }
0x21: {  	[dreg:$0x3] =	wrdreg s4  }
0x22: {  	[dreg:$0x4] =	wrdreg $0xC0  }
0x23: {  	_ =	task [dreg:s6], $0x5FFFF  }
0x24: {  	[dreg:$0x1] =	wrdreg $0xFFFFFFFF  }
0x25: {  	[dreg:$0x0] =	wrdreg $0x60  }
0x26: {  	[dreg:$0x2] =	wrdreg s25  }
0x27: {  	[dreg:$0x3] =	wrdreg $0xA  }
0x28: {  	_ =	task.clear_ibuf [dreg:s6], $0x4FFFF;
	_ =	strace $0x9000004F  }
0x29: {  	s29 =	simm.s32 $0xA;
	_ =	strace $0x80000051  }
0x2a: {  	_ =	swait.ge [sflag:s29], $0x1  }
0x2b: {  	[sflag:s29] =	ssyncadd.s32 $0xFFFFFFFF  }
0x2c: {  	_ =	strace $0x90000051  }
0x2d: {  	_ =	sfence  }
0x2e: {  	s30 =	sld [smem:$0x0];
	_ =	sdelay $0x2  }
0x2f: {  	s31 =	sshll.u32 s3, $0xD;
	s3 =	sshrl.u32 s3, $0x2  }
0x30: {  	s2 =	sand.u32 $0x4000, s31;
	s1 =	sadd.s32 s3, s30  }
0x31: {  	s0 =	sor.u32 s2, s0;
	s1 =	sshll.u32 s1, $0x11  }
0x32: {  	s0 =	sor.u32 s1, s0  }
0x33: {  	s0 =	sadd.s32 $0x8F2B, s0  }
0x34: {  	[sflag:s0] =	ssyncadd.remote.s32 $0x1  }
0x35: {  	_ =	sfence.sel $0xFFFF  }
0x36: {  	[dreg:$0x0] =	wrdreg $0xFFFFFFFF;
	(pc) =	sbr.abs _section_cstart, $3  }
0x37: {  	[dreg:$0x1] =	wrdreg $0xFFFFFFFF  }
0x38: {  	_ =	task.clear_ibuf [dreg:s6], $0x2FFFF;
	_ =	strace $0x9FFFFFFF  }
0x39: {  	(tm) =	ssettm $0x7FFFFFFF  }
tec
execute0_lowered:
.L_overlay_start_1:
0x0: {  	(tag) =	ssettag $0x1  }
0x1: {  	s1 =	rddreg [dreg:$0x0]  }
0x2: {  	s0 =	rddreg [dreg:$0x1];
	_ =	strace $0x80000050  }
0x3: {  	s4 =	srdreg.scid;
	s6 =	simm.s32 $0x2;
	s15 =	simm.s32 $0x0  }
0x4: {  	p0 =	por $0x0, $0x0;
	s14 =	simm.s32 $0x0;
	s16 =	simm.s32 $0x0  }
0x5: {  	s7 =	simm.s32 $0x0;
	s9 =	simm.s32 $0x0;
	s10 =	simm.s32 $0x0  }
.Ltmp0:
0x6: {  	s11 =	simm.s32 $0x0;
	s12 =	simm.s32 $0x0;
	(pc) =	sbr.rel .LBB1_1-.Ltmp0, $4  }
0x7: {  	s2 =	sadd.s32 $0x746A00, s1;
	s3 =	sadd.s32 $0x586A00, s1;
	s4 =	sshll.u32 s4, $0x4  }
0x8: {  	s1 =	stileid.u32;
	s5 =	sand.u32 $0x10, s4;
	s4 =	simm.s32 $0x1  }
0x9: {  	s8 =	simm.s32 $0x0;
	s5 =	sor.u32 s1, s5;
	[sflag:s4] =	ssyncpa.u1 $0x0  }
0xa: {  	[sflag:s6] =	ssyncpa.u1 $0x0;
	s6 =	simm.s32 $0x4000;
	s13 =	smov.u32 s5  }
.LBB1_5:
0xb: {  	p1 =	slt.u32 s8, $0x2;
	s17 =	smov.u32 s16;
	s19 =	smov.u32 s15  }
0xc: {  	p2 =	sgt.s32 @!p1 s15, $0x28E;
	p3 =	sgt.s32 @!p1 s16, $0x7F;
	s18 =	sshra.s32 @!p1 s16, $0x1F  }
0xd: {  	p3 =	por !p3, p1;
	s16 =	sand.u32 @!p1 s18, s16;
	s18 =	sshra.s32 @!p1 s15, $0x1F  }
0xe: {  	p2 =	por !p2, p1;
	s17 =	simm.s32 @p3 $0x7F;
	s15 =	sand.u32 @!p1 s18, s15  }
0xf: {  	s19 =	simm.s32 @p2 $0x28E;
	s18 =	ssub.s32 @!p1 $0x0, s14;
	s16 =	ssub.s32 @!p1 s17, s16  }
0x10: {  	s15 =	ssub.s32 @!p1 s19, s15;
	s14 =	smin.u32 @!p1 s14, s18;
	s17 =	sadd.s32 @!p1 $0xFFFFFF81, s16  }
0x11: {  	s18 =	smov.u32 s12;
	s16 =	ssub.s32 @!p1 $0x80, s16;
	p2 =	sgt.s32 @!p1 s17, $0x0  }
0x12: {  	p3 =	sgt.s32 @!p1 s14, $0x7F;
	s14 =	ssub.s32 @!p1 $0x80, s14;
	p2 =	por !p2, p1  }
0x13: {  	s17 =	sadd.s32 @!p1 $0xFFFFFD72, s15;
	s16 =	simm.s32 @!p2 $0x0;
	p2 =	por !p3, p1  }
0x14: {  	s15 =	ssub.s32 @!p1 $0x30E, s15;
	p3 =	sgt.s32 @!p1 s17, $0x7F;
	s14 =	simm.s32 @!p2 $0x0  }
0x15: {  	s17 =	sadd.s32 $0x80, s11;
	p2 =	por !p3, p1;
	s14 =	smul.u32 @!p1 s16, s14  }
0x16: {  	s15 =	simm.s32 @!p2 $0x0;
	p2 =	sgt.s32 s17, $0x30D;
	s16 =	sadd.s32 $0x80, s12  }
0x17: {  	s19 =	smov.u32 s13;
	s18 =	smov.u32 @p2 s16  }
0x18: {  	s14 =	smul.u32 @!p1 s15, s14;
	p3 =	sgt.s32 s18, $0x7F;
	s15 =	sadd.s32 $0x20, s13  }
0x19: {  	s8 =	sadd.s32 $0x1, s8;
	p0 =	por !p0, !p0;
	s19 =	smov.u32 @p3 s15  }
0x1a: {  	s20 =	simm.s32 @!p1 $0x2;
	s17 =	simm.s32 @p2 $0x0;
	p2 =	sgt.s32 s19, $0x7F  }
0x1b: {  	s16 =	smov.u32 s10;
	s19 =	smov.u32 @p2 s5;
	p2 =	sne.s32 s8, $0x1E  }
.Ltmp1:
0x1c: {  	s10 =	smov.u32 s13;
	s18 =	simm.s32 @p3 $0x0;
	(pc) =	sbr.rel @!p2 .LBB1_6-.Ltmp1, $4  }
0x1d: {  	s15 =	smov.u32 s7;
	s7 =	smov.u32 s11;
	s14 =	sand.u32 @!p1 $0x3FFFFFFF, s14  }
0x1e: {  	s11 =	smov.u32 s17;
	_ =	swait.ge @!p1 [sflag:s20], s14;
	s21 =	ssub.s32 @!p1 $0x0, s14  }
0x1f: {  	s14 =	smov.u32 s9;
	s9 =	smov.u32 s12;
	[sflag:s20] =	ssyncset.done @!p1 $0x0  }
0x20: {  	s12 =	smov.u32 s18;
	s13 =	smov.u32 s19;
	[sflag:s20] =	ssyncadd.s32 @!p1 s21  }
.LBB1_1:
0x21: {  	p1 =	sgt.u32 s8, $0x1B  }
0x22: {  	s17 =	sshrl.u32 @!p1 s12, $0x3  }
0x23: {  	s18 =	sshll.u32 @!p1 s11, $0x3;
	s17 =	smul.u32 @!p1 $0x1C00, s17  }
0x24: {  	s19 =	sshll.u32 @!p1 s12, $0x7;
	s18 =	sand.u32 @!p1 $0xFFFFFC00, s18  }
0x25: {  	s17 =	sadd.s32 @!p1 s17, s18;
	s18 =	sand.u32 @!p1 $0x380, s19  }
0x26: {  	s17 =	sor.u32 @!p1 s18, s17  }
0x27: {  	s18 =	sshrl.u32 @!p1 s17, $0x7  }
0x28: {  	s18 =	smulhi.u32 @!p1 $0x24924925, s18;
	_ =	sdelay $0x1  }
0x29: {  	s20 =	sand.u32 @!p1 $0x7F, s11;
	s19 =	sxor.u32 @!p1 $0xFFFFFFFF, s8;
	s21 =	smul.u32 @!p1 $0x380, s18  }
0x2a: {  	s17 =	sor.u32 @!p1 s20, s17;
	s20 =	smul.u32 @!p1 $0x3800, s13;
	s18 =	sand.u32 @!p1 $0x7F, s18  }
0x2b: {  	s19 =	sshll.u32 @!p1 s19, $0xE;
	s18 =	smul.u32 @!p1 $0x70, s18;
	s17 =	ssub.s32 @!p1 s17, s21  }
0x2c: {  	s19 =	sand.u32 @!p1 $0x4000, s19;
	s20 =	sadd.s32 @!p1 s2, s20;
	s21 =	sand.u32 @!p1 $0x7, s17  }
0x2d: {  	s17 =	sshrl.u32 @!p1 s17, $0x3;
	s18 =	sadd.s32 @!p1 s18, s20;
	s20 =	sshll.u32 @!p1 s21, $0x12  }
0x2e: {  	s17 =	sadd.s32 @!p1 s17, s18;
	s18 =	sor.u32 @!p1 $0x400, s20;
	s20 =	simm.s32 @!p1 $0x1C00  }
0x2f: {  	[tilespmem:s19], [sflag:$0x1] =	stream.strided.gather @!p1 [hbm4b:s17+s18], $0x4000, s20, s18, $0x38;
	[tilespmem:$0x10100] =	vst v63  }
0x30: {  	p1 =	seq.s32 s8, $0x0  }
0x31: {  	p2 =	seq.s32 @!p1 s8, $0x1D  }
0x32: {  	p1 =	por p1, p2  }
.Ltmp2:
0x33: {  	_ = 	snop;
	(pc) =	sbr.rel @p1 .LBB1_5-.Ltmp2, $1  }
0x34: {  	_ =	sdelay $0x3  }
0x35: {  	s17 =	simm.s32 $0x1  }
0x36: {  	_ =	swait.ge [sflag:s4], $0x4000;
	s17 =	simm.s32 @!p0 $0x0  }
0x37: {  	[sflag:s4] =	ssyncset.done $0x0;
	s18 =	sshll.u32 s17, $0xE  }
0x38: {  	[sflag:s4] =	ssyncadd.s32 $0xFFFFC000;
	s18 =	sor.u32 $0x40, s18  }
0x39: {  	s17 =	smul.u32 $0x10200, s17;
	v0 =	vld [tilespmem:s18+$0x30]  }
0x3a: {  	v1 =	vld [tilespmem:s18+$0xFFFFFFD0]  }
0x3b: {  	s17 =	sshrl.u32 s17, $0x2;
	v5 =	vld [tilespmem:s18+$0xFFFFFFE0]  }
0x3c: {  	v6 =	vld [tilespmem:s18+$0xFFFFFFF0];
	s20 =	sor.u32 $0x8000, s17  }
0x3d: {  	s31 =	sand.u32 $0x1, s8;
	v4 =	vld [tilespmem:s18+$0x0];
	s19 =	sadd.s32 $0x0, s20  }
0x3e: {  	v3 =	vld [tilespmem:s18+$0x10];
	s17 =	smul.u32 $0x10200, s31;
	[tilespmem:s19+$0x3870 ss:$0x81] =	vst.msk $0xffff, v0  }
0x3f: {  	v2 =	vld [tilespmem:s18+$0x20];
	[tilespmem:s19+$0x810 ss:$0x81] =	vst.msk $0xffff, v1  }
0x40: {  	s17 =	sshrl.u32 s17, $0x2;
	v1 =	vld [tilespmem:s18+$0xFFFFFFC0];
	[tilespmem:s19+$0x1020 ss:$0x81] =	vst.msk $0xffff, v5;
	s18 =	sadd.s32 $0x80, s18  }
0x41: {  	s21 =	simm.s32 $0x4;
	s22 =	simm.s32 $0x8;
	s17 =	sor.u32 $0x8000, s17;
	[tilespmem:s19+$0x1830 ss:$0x81] =	vst.msk $0xffff, v6;
	v0 =	vld [tilespmem:s18+$0x30]  }
.LBB1_3:
0x42: {  	p1 =	sne.s32 s22, $0x1FC;
	v5 =	vld [tilespmem:s18+$0xFFFFFFD0];
	[tilespmem:s19+$0x2040 ss:$0x81] =	vst.msk $0xffff, v4  }
0x43: {  	v6 =	vld [tilespmem:s18+$0xFFFFFFE0];
	[tilespmem:s19+$0x2850 ss:$0x81] =	vst.msk $0xffff, v3  }
0x44: {  	s23 =	sshra.s32 s21, $0x2;
	s21 =	smov.u32 s22;
	v7 =	vld [tilespmem:s18+$0xFFFFFFF0];
	[tilespmem:s19+$0x3060 ss:$0x81] =	vst.msk $0xffff, v2  }
.Ltmp3:
0x45: {  	v4 =	vld [tilespmem:s18+$0x0];
	[tilespmem:s19+$0x0 ss:$0x81] =	vst.msk $0xffff, v1;
	s19 =	sadd.s32 s23, s20;
	(pc) =	sbr.rel @p1 .LBB1_3-.Ltmp3, $4  }
0x46: {  	v3 =	vld [tilespmem:s18+$0x10];
	[tilespmem:s19+$0x3870 ss:$0x81] =	vst.msk $0xffff, v0  }
0x47: {  	[tilespmem:s19+$0x810 ss:$0x81] =	vst.msk $0xffff, v5;
	v2 =	vld [tilespmem:s18+$0x20]  }
0x48: {  	v1 =	vld [tilespmem:s18+$0xFFFFFFC0];
	[tilespmem:s19+$0x1020 ss:$0x81] =	vst.msk $0xffff, v6;
	s18 =	sadd.s32 $0x80, s18  }
0x49: {  	s22 =	sadd.s32 $0x4, s22;
	v0 =	vld [tilespmem:s18+$0x30];
	[tilespmem:s19+$0x1830 ss:$0x81] =	vst.msk $0xffff, v7  }
0x4a: {  	s21 =	sshra.s32 s21, $0x2  }
0x4b: {  	s22 =	sshll.u32 s10, $0x7;
	s23 =	sshll.u32 s9, $0x3;
	p1 =	sgt.s32 s10, $0x7F  }
0x4c: {  	s24 =	smov.u32 s10;
	s25 =	sshra.s32 s10, $0x1F;
	s26 =	sshra.s32 s7, $0x1F  }
0x4d: {  	s29 =	ssub.s32 $0x0, s9;
	s20 =	sadd.s32 s21, s20;
	s30 =	sand.u32 $0x3C00, s22  }
0x4e: {  	s23 =	sand.u32 $0x3C00, s23;
	s24 =	simm.s32 @!p1 $0x7F;
	s31 =	sand.u32 s25, s10  }
0x4f: {  	v5 =	vld [tilespmem:s18+$0xFFFFFFD0];
	[tilespmem:s19+$0x2040 ss:$0x81] =	vst.msk $0xffff, v4;
	p1 =	sgt.s32 s7, $0x28E;
	s25 =	smov.u32 s7;
	s27 =	sand.u32 s26, s7  }
0x50: {  	v58 =	vld [tilespmem:s18+$0xFFFFFFE0];
	[tilespmem:s19+$0x2850 ss:$0x81] =	vst.msk $0xffff, v3;
	s21 =	sadd.s32 s30, s23;
	s23 =	ssub.s32 s24, s31;
	s25 =	simm.s32 @!p1 $0x28E  }
0x51: {  	v59 =	vld [tilespmem:s18+$0xFFFFFFF0];
	[tilespmem:s19+$0x3060 ss:$0x81] =	vst.msk $0xffff, v2;
	s30 =	sand.u32 $0x380, s22;
	s31 =	smin.u32 s9, s29;
	s29 =	sand.u32 $0x7, s9  }
0x52: {  	v60 =	vld [tilespmem:s18+$0x0];
	s28 =	sadd.s32 $0xFFFFFF81, s23;
	s24 =	ssub.s32 s25, s27;
	[tilespmem:s19+$0x0 ss:$0x81] =	vst.msk $0xffff, v1;
	s22 =	ssub.s32 $0x80, s23  }
0x53: {  	v61 =	vld [tilespmem:s18+$0x10];
	s23 =	ssub.s32 $0x80, s31;
	s19 =	sor.u32 s30, s21;
	p1 =	sgt.s32 s28, $0x0;
	[tilespmem:s20+$0x3870 ss:$0x81] =	vst.msk $0xffff, v0  }
0x54: {  	v62 =	vld [tilespmem:s18+$0x20];
	s27 =	sshll.u32 s7, $0xB;
	s22 =	simm.s32 @p1 $0x0;
	p1 =	sgt.s32 s31, $0x7F;
	[tilespmem:s20+$0x810 ss:$0x81] =	vst.msk $0xffff, v5  }
0x55: {  	v63 =	vld [tilespmem:s18+$0xFFFFFFC0];
	s25 =	sadd.s32 $0xFFFFFD72, s24;
	s18 =	ssub.s32 $0x30E, s24;
	[tilespmem:s20+$0x1020 ss:$0x81] =	vst.msk $0xffff, v58;
	s23 =	simm.s32 @p1 $0x0  }
0x56: {  	s19 =	sshrl.u32 s19, $0x3;
	[tilespmem:s20+$0x1830 ss:$0x81] =	vst.msk $0xffff, v59;
	p1 =	sgt.s32 s25, $0x7F;
	s26 =	smul.u32 s22, s23  }
.Ltmp4:
0x57: {  	s28 =	sshrl.u32 s9, $0x3;
	[tilespmem:s20+$0x2040 ss:$0x81] =	vst.msk $0xffff, v60;
	s18 =	simm.s32 @p1 $0x0;
	(pc) =	sbr.rel .LBB1_5-.Ltmp4, $4  }
0x58: {  	s21 =	sadd.s32 s3, s27;
	[tilespmem:s20+$0x2850 ss:$0x81] =	vst.msk $0xffff, v61;
	s22 =	sand.u32 $0xF, s28;
	s18 =	smul.u32 s18, s26  }
0x59: {  	s30 =	sshll.u32 s29, $0x12;
	[tilespmem:s20+$0x3060 ss:$0x81] =	vst.msk $0xffff, v62;
	s19 =	sand.u32 $0x7F0, s19;
	s21 =	sadd.s32 s22, s21  }
0x5a: {  	[tilespmem:s20+$0x0 ss:$0x81] =	vst.msk $0xffff, v63;
	s31 =	sor.u32 $0x80, s30;
	s19 =	sadd.s32 s19, s21;
	s18 =	sand.u32 $0x3FFFFFFF, s18  }
0x5b: {  	[hbm4b:s19+s31] =	stream.strided.scatter [tilespmem:s17], [sflag:$0x2], s18, s6, s31, $0x20;
	[tilespmem:$0x10100] =	vst v63  }
.LBB1_6:
0x5c: {  	_ =	sfence.sel $0x180000  }
0x5d: {  	s2 =	simm.s32 $0x1;
	[bflag:$0x0] =	sbarrier.arrive $0xFFFF  }
0x5e: {  	s31 =	simm.s32 $0x2;
	[sflag:s2] =	ssyncpa.u1 $0x1  }
0x5f: {  	[sflag:s31] =	ssyncpa.u1 $0x1  }
0x60: {  	p0 =	sne.s32 s1, $0x0;
	_ =	strace $0x90000050  }
0x61: {  	s0 =	sadd.s32 @!p0 $0x100000, s0;
	[bflag:$0x2] =	sbarrier.arrive $0xFFFF  }
0x62: {  	[sflag:s0] =	ssyncadd.tile.s32 @!p0 $0x1;
	_ =	shalt  }
.Lfunc_end1:
_tile_overlayer_lowered:
.L_overlay_start_2:
0x63: {  	(tag) =	ssettag $0x2  }
0x64: {  	s0 =	rddreg [dreg:$0x0];
	s2 =	stileid.u32  }
0x65: {  	s1 =	rddreg [dreg:$0x1];
	p0 =	sne.s32 s2, $0x0  }
0x66: {  	s3 =	rddreg [dreg:$0x2];
	[bflag:$0x3] =	sbarrier.arrive $0xFFFF;
	s2 =	simm.s32 @!p0 $0x1C01  }
0x67: {  	[timem:s3], [sflag:s2] =	dma.local @!p0 [hbm:s0], s1  }
0x68: {  	s0 =	simm.s32 @!p0 $0x1  }
0x69: {  	_ =	swait.ge @!p0 [sflag:s0], s1  }
0x6a: {  	s1 =	ssub.s32 @!p0 $0x0, s1;
	[sflag:s0] =	ssyncset.done @!p0 $0x0  }
0x6b: {  	[sflag:s0] =	ssyncadd.s32 @!p0 s1  }
0x6c: {  	[bflag:$0x3] =	sbarrier.arrive $0xFFFF  }
0x6d: {  	_ =	shalt  }

// kernel: sparse-core-data-format-call.3.cloned.1.call-start
scs
called_computation.3_lowered:
.L_overlay_start_0:
0x0: {  	s1 =	sld [smem:$0x3FD9]  }
0x1: {  	s2 =	sld [smem:$0x3FFE];
	_ =	sdelay $0x1  }
0x2: {  	s3 =	srdreg.scid  }
0x3: {  	s0 =	sand.u32 $0x1, s3  }
0x4: {  	s17 =	sshll.u32 s0, $0xA;
	s1 =	sadd.s32 s2, s1  }
0x5: {  	s1 =	sadd.s32 s1, s17  }
0x6: {  	[smem:$0x3FC6] =	sst s1  }
0x7: {  	_ = 	snop  }
0x8: {  	(tm) =	ssettm $0x1  }
0x9: {  	s18 =	sld [smem:$0x3FFB];
	_ =	sdelay $0x3  }
0xa: {  	_ =	strace s18  }
0xb: {  	s1 =	sld [smem:$0x3FFC];
	_ =	sdelay $0x3  }
0xc: {  	_ =	strace s1  }
0xd: {  	s1 =	sld [smem:$0x3FFD];
	_ =	sdelay $0x3  }
0xe: {  	_ =	strace s1  }
0xf: {  	_ =	strace $0x8FFFFFFF  }
0x10: {  	s19 =	sld [smem:$0x3FDB];
	_ =	sdelay $0x1  }
0x11: {  	s20 =	simm.s32 $_scs_section_size  }
0x12: {  	s4 =	simm.s32 $_size__tile_overlayer_lowered;
	s5 =	simm.s32 $_tile_overlayer_lowered  }
0x13: {  	s23 =	simm.s32 $0x1BFF;
	s22 =	sshll.u32 s5, $0x1;
	s1 =	sadd.s32 s20, s19  }
0x14: {  	s6 =	simm.s32 $0x0;
	s21 =	sshll.u32 s4, $0x1;
	s4 =	sadd.s32 s22, s1  }
0x15: {  	[timem:s6], [sflag:s23] =	dma.local [hbm:s4], s21  }
0x16: {  	_ =	swait.ge [sflag:s23], s21  }
0x17: {  	s2 =	ssub.s32 $0x0, s21;
	[sflag:s23] =	ssyncset.done $0x0  }
0x18: {  	[sflag:s23] =	ssyncadd.s32 s2;
	_ =	sdelay $0x1  }
0x19: {  	s24 =	simm.s32 $0x1B8B  }
0x1a: {  	_ =	swait.ge [sflag:s24], $0x1  }
0x1b: {  	[sflag:s24] =	ssyncset.done $0x0  }
0x1c: {  	s26 =	simm.s32 $0x1B8E;
	s25 =	sld [smem:$0x3FFE];
	[sflag:s24] =	ssyncadd.s32 $0xFFFFFFFF  }
0x1d: {  	s27 =	simm.s32 $execute0_lowered;
	[smem:$0x3FD2] =	sst s26  }
0x1e: {  	s4 =	sshll.u32 s27, $0x1;
	_ =	strace $0x8000004C;
	[dreg:$0x1] =	wrdreg $0xFFFFFFFF  }
0x1f: {  	s28 =	simm.s32 $_size_execute0_lowered;
	s1 =	sadd.s32 s1, s4;
	[dreg:$0x0] =	wrdreg $0x0  }
0x20: {  	s4 =	sshll.u32 s28, $0x1;
	[dreg:$0x2] =	wrdreg s1  }
0x21: {  	[dreg:$0x3] =	wrdreg s4  }
0x22: {  	[dreg:$0x4] =	wrdreg $0xC0  }
0x23: {  	_ =	task [dreg:s6], $0x5FFFF  }
0x24: {  	[dreg:$0x1] =	wrdreg $0xFFFFFFFF  }
0x25: {  	[dreg:$0x0] =	wrdreg $0x60  }
0x26: {  	[dreg:$0x2] =	wrdreg s25  }
0x27: {  	[dreg:$0x3] =	wrdreg $0x9  }
0x28: {  	_ =	task.clear_ibuf [dreg:s6], $0x4FFFF;
	_ =	strace $0x9000004C  }
0x29: {  	s29 =	simm.s32 $0x9;
	_ =	strace $0x8000004E  }
0x2a: {  	_ =	swait.ge [sflag:s29], $0x1  }
0x2b: {  	[sflag:s29] =	ssyncadd.s32 $0xFFFFFFFF  }
0x2c: {  	_ =	strace $0x9000004E  }
0x2d: {  	_ =	sfence  }
0x2e: {  	s30 =	sld [smem:$0x0];
	_ =	sdelay $0x2  }
0x2f: {  	s31 =	sshll.u32 s3, $0xD;
	s3 =	sshrl.u32 s3, $0x2  }
0x30: {  	s2 =	sand.u32 $0x4000, s31;
	s1 =	sadd.s32 s3, s30  }
0x31: {  	s0 =	sor.u32 s2, s0;
	s1 =	sshll.u32 s1, $0x11  }
0x32: {  	s0 =	sor.u32 s1, s0  }
0x33: {  	s0 =	sadd.s32 $0x8F2B, s0  }
0x34: {  	[sflag:s0] =	ssyncadd.remote.s32 $0x1  }
0x35: {  	_ =	sfence.sel $0xFFFF  }
0x36: {  	[dreg:$0x0] =	wrdreg $0xFFFFFFFF;
	(pc) =	sbr.abs _section_cstart, $3  }
0x37: {  	[dreg:$0x1] =	wrdreg $0xFFFFFFFF  }
0x38: {  	_ =	task.clear_ibuf [dreg:s6], $0x2FFFF;
	_ =	strace $0x9FFFFFFF  }
0x39: {  	(tm) =	ssettm $0x7FFFFFFF  }
tec
execute0_lowered:
.L_overlay_start_1:
0x0: {  	(tag) =	ssettag $0x1  }
0x1: {  	s4 =	rddreg [dreg:$0x0]  }
0x2: {  	s0 =	rddreg [dreg:$0x1];
	_ =	strace $0x8000004D;
	s3 =	srdreg.scid  }
0x3: {  	s1 =	stileid.u32;
	s6 =	simm.s32 $0x2;
	s10 =	simm.s32 $0x0  }
.Ltmp0:
0x4: {  	p0 =	por $0x0, $0x0;
	s11 =	simm.s32 $0x0;
	(pc) =	sbr.rel .LBB1_1-.Ltmp0, $4  }
0x5: {  	s9 =	simm.s32 $0x0;
	s7 =	simm.s32 $0x0;
	s5 =	sshll.u32 s3, $0x4  }
0x6: {  	s2 =	sadd.s32 $0x786A00, s4;
	s3 =	simm.s32 $0x1;
	s5 =	sand.u32 $0x10, s5  }
0x7: {  	s4 =	sadd.s32 $0x586A00, s4;
	[sflag:s3] =	ssyncpa.u1 $0x0;
	s5 =	sor.u32 s1, s5  }
0x8: {  	[sflag:s6] =	ssyncpa.u1 $0x0;
	s6 =	simm.s32 $0x1C00;
	s8 =	smov.u32 s5  }
.LBB1_5:
0x9: {  	s12 =	sadd.s32 $0x20, s8  }
0xa: {  	s10 =	sadd.s32 $0x80, s9;
	s14 =	smov.u32 s9;
	p2 =	sgt.s32 s12, $0x7F  }
0xb: {  	p1 =	slt.u32 s7, $0x2;
	s14 =	smov.u32 @p2 s10  }
0xc: {  	s7 =	sadd.s32 $0x1, s7;
	s12 =	smov.u32 @p2 s5;
	p2 =	sgt.s32 s14, $0x30D  }
0xd: {  	s14 =	simm.s32 @p2 $0x0;
	p2 =	sne.s32 s7, $0x1E  }
.Ltmp1:
0xe: {  	_ = 	snop;
	(pc) =	sbr.rel @!p2 .LBB1_6-.Ltmp1, $4  }
0xf: {  	s13 =	simm.s32 @!p1 $0x2  }
0x10: {  	s11 =	smov.u32 s9;
	_ =	swait.ge @!p1 [sflag:s13], $0x4000  }
0x11: {  	p0 =	por !p0, !p0;
	s10 =	smov.u32 s8;
	[sflag:s13] =	ssyncset.done @!p1 $0x0  }
0x12: {  	s8 =	smov.u32 s12;
	[sflag:s13] =	ssyncadd.s32 @!p1 $0xFFFFC000;
	s9 =	smov.u32 s14  }
.LBB1_1:
0x13: {  	p1 =	sgt.u32 s7, $0x1B  }
0x14: {  	p2 =	sgt.s32 @!p1 s9, $0x28E  }
0x15: {  	s12 =	smov.u32 s9;
	s14 =	smov.u32 s8;
	p2 =	por !p2, p1  }
0x16: {  	s13 =	sshra.s32 @!p1 s9, $0x1F;
	s12 =	simm.s32 @p2 $0x28E;
	p2 =	sgt.s32 @!p1 s8, $0x7F  }
0x17: {  	s15 =	sshra.s32 @!p1 s8, $0x1F;
	s13 =	sand.u32 @!p1 s13, s9;
	p2 =	por !p2, p1  }
0x18: {  	s12 =	ssub.s32 @!p1 s12, s13;
	s13 =	sand.u32 @!p1 s15, s8;
	s14 =	simm.s32 @p2 $0x7F  }
0x19: {  	s15 =	sshll.u32 @!p1 s8, $0x4;
	s12 =	sadd.s32 @!p1 $0xFFFFFD72, s12;
	s13 =	ssub.s32 @!p1 s14, s13  }
0x1a: {  	p2 =	sgt.s32 @!p1 s12, $0x7F;
	s12 =	sshll.u32 @!p1 s12, $0x7;
	s14 =	sadd.s32 @!p1 $0xFFFFFF81, s13  }
0x1b: {  	s13 =	ssub.s32 @!p1 $0x80, s13;
	s12 =	ssub.s32 @!p1 $0x4000, s12;
	p3 =	sgt.s32 @!p1 s14, $0x0  }
0x1c: {  	p2 =	por !p2, p1;
	s14 =	sxor.u32 @!p1 $0xFFFFFFFF, s7;
	p3 =	por !p3, p1  }
0x1d: {  	s12 =	simm.s32 @!p2 $0x0;
	s14 =	sshll.u32 @!p1 s14, $0xE;
	s13 =	simm.s32 @!p3 $0x0  }
0x1e: {  	s12 =	smul.u32 @!p1 s13, s12;
	s13 =	sand.u32 @!p1 $0x4000, s14;
	s14 =	sshll.u32 @!p1 s9, $0xB  }
0x1f: {  	s16 =	simm.s32 @!p1 $0x4000;
	s15 =	sand.u32 @!p1 $0x7F0, s15;
	s14 =	sadd.s32 @!p1 s2, s14  }
0x20: {  	s12 =	sand.u32 @!p1 $0x3FFFFF80, s12;
	s14 =	sadd.s32 @!p1 s15, s14;
	s15 =	simm.s32 @!p1 $0x80  }
0x21: {  	[tilespmem:s13], [sflag:$0x1] =	stream.strided.gather @!p1 [hbm4b:s14+s15], s12, s16, s15, $0x38;
	[tilespmem:$0x10100] =	vst v63  }
0x22: {  	p1 =	seq.s32 s7, $0x0  }
0x23: {  	p2 =	seq.s32 @!p1 s7, $0x1D  }
0x24: {  	p1 =	por p1, p2  }
.Ltmp2:
0x25: {  	_ = 	snop;
	(pc) =	sbr.rel @p1 .LBB1_5-.Ltmp2, $1  }
0x26: {  	_ =	sdelay $0x3  }
0x27: {  	p1 =	sgt.s32 s11, $0x28E;
	s12 =	smov.u32 s11  }
0x28: {  	s13 =	sshra.s32 s11, $0x1F;
	s14 =	smov.u32 s10;
	s15 =	sshra.s32 s10, $0x1F  }
0x29: {  	s12 =	simm.s32 @!p1 $0x28E;
	s13 =	sand.u32 s13, s11;
	p1 =	sgt.s32 s10, $0x7F  }
0x2a: {  	s27 =	sand.u32 s15, s10;
	s12 =	ssub.s32 s12, s13;
	s14 =	simm.s32 @!p1 $0x7F  }
0x2b: {  	s12 =	sadd.s32 $0xFFFFFD72, s12;
	s13 =	ssub.s32 s14, s27  }
0x2c: {  	p1 =	sgt.s32 s12, $0x7F;
	s14 =	sadd.s32 $0xFFFFFF81, s13;
	s12 =	sshll.u32 s12, $0x7  }
0x2d: {  	s13 =	ssub.s32 $0x80, s13;
	p2 =	sgt.s32 s14, $0x0;
	s12 =	ssub.s32 $0x4000, s12  }
0x2e: {  	s13 =	simm.s32 @p2 $0x0;
	s12 =	simm.s32 @p1 $0x0  }
0x2f: {  	s12 =	smul.u32 s13, s12;
	_ =	sdelay $0x1  }
0x30: {  	s13 =	simm.s32 $0x1;
	s12 =	sand.u32 $0x3FFFFF80, s12  }
0x31: {  	s13 =	simm.s32 @!p0 $0x0;
	_ =	swait.ge [sflag:s3], s12  }
0x32: {  	s28 =	sshll.u32 s13, $0xE;
	s12 =	ssub.s32 $0x0, s12;
	[sflag:s3] =	ssyncset.done $0x0  }
0x33: {  	s29 =	sor.u32 $0x40, s28;
	[sflag:s3] =	ssyncadd.s32 s12  }
0x34: {  	s30 =	smul.u32 $0x10200, s13;
	v0 =	vld [tilespmem:s29+$0x30]  }
0x35: {  	v1 =	vld [tilespmem:s29+$0xFFFFFFD0]  }
0x36: {  	s12 =	sshrl.u32 s30, $0x2;
	v5 =	vld [tilespmem:s29+$0xFFFFFFE0]  }
0x37: {  	s13 =	sor.u32 $0x8000, s12;
	v6 =	vld [tilespmem:s29+$0xFFFFFFF0]  }
0x38: {  	s31 =	sand.u32 $0x1, s7;
	v2 =	vld [tilespmem:s29+$0x0];
	s14 =	sadd.s32 $0x0, s13  }
0x39: {  	s12 =	smul.u32 $0x10200, s31;
	v4 =	vld [tilespmem:s29+$0x10];
	[tilespmem:s14+$0x3870 ss:$0x81] =	vst.msk $0xffff, v0  }
0x3a: {  	v3 =	vld [tilespmem:s29+$0x20];
	[tilespmem:s14+$0x810 ss:$0x81] =	vst.msk $0xffff, v1  }
0x3b: {  	s15 =	sadd.s32 $0x80, s29;
	s12 =	sshrl.u32 s12, $0x2;
	v0 =	vld [tilespmem:s29+$0xFFFFFFC0];
	[tilespmem:s14+$0x1020 ss:$0x81] =	vst.msk $0xffff, v5  }
0x3c: {  	s16 =	simm.s32 $0x4;
	s17 =	simm.s32 $0x8;
	s12 =	sor.u32 $0x8000, s12;
	v1 =	vld [tilespmem:s15+$0x30];
	[tilespmem:s14+$0x1830 ss:$0x81] =	vst.msk $0xffff, v6  }
.LBB1_3:
0x3d: {  	p1 =	sne.s32 s17, $0x1FC;
	v5 =	vld [tilespmem:s15+$0xFFFFFFD0];
	[tilespmem:s14+$0x2040 ss:$0x81] =	vst.msk $0xffff, v2  }
0x3e: {  	v6 =	vld [tilespmem:s15+$0xFFFFFFE0];
	[tilespmem:s14+$0x2850 ss:$0x81] =	vst.msk $0xffff, v4  }
0x3f: {  	s18 =	sshra.s32 s16, $0x2;
	s16 =	smov.u32 s17;
	v7 =	vld [tilespmem:s15+$0xFFFFFFF0];
	[tilespmem:s14+$0x3060 ss:$0x81] =	vst.msk $0xffff, v3  }
.Ltmp3:
0x40: {  	v2 =	vld [tilespmem:s15+$0x0];
	[tilespmem:s14+$0x0 ss:$0x81] =	vst.msk $0xffff, v0;
	s14 =	sadd.s32 s18, s13;
	(pc) =	sbr.rel @p1 .LBB1_3-.Ltmp3, $4  }
0x41: {  	v4 =	vld [tilespmem:s15+$0x10];
	[tilespmem:s14+$0x3870 ss:$0x81] =	vst.msk $0xffff, v1  }
0x42: {  	[tilespmem:s14+$0x810 ss:$0x81] =	vst.msk $0xffff, v5;
	v3 =	vld [tilespmem:s15+$0x20]  }
0x43: {  	v0 =	vld [tilespmem:s15+$0xFFFFFFC0];
	[tilespmem:s14+$0x1020 ss:$0x81] =	vst.msk $0xffff, v6;
	s15 =	sadd.s32 $0x80, s15  }
0x44: {  	s17 =	sadd.s32 $0x4, s17;
	v1 =	vld [tilespmem:s15+$0x30];
	[tilespmem:s14+$0x1830 ss:$0x81] =	vst.msk $0xffff, v7  }
0x45: {  	v5 =	vld [tilespmem:s15+$0xFFFFFFD0];
	[tilespmem:s14+$0x2040 ss:$0x81] =	vst.msk $0xffff, v2  }
0x46: {  	v58 =	vld [tilespmem:s15+$0xFFFFFFE0];
	s17 =	sshll.u32 s11, $0x3;
	[tilespmem:s14+$0x2850 ss:$0x81] =	vst.msk $0xffff, v4  }
0x47: {  	s16 =	sshra.s32 s16, $0x2;
	v59 =	vld [tilespmem:s15+$0xFFFFFFF0];
	s17 =	sand.u32 $0xFFFFFC00, s17;
	[tilespmem:s14+$0x3060 ss:$0x81] =	vst.msk $0xffff, v3  }
0x48: {  	v60 =	vld [tilespmem:s15+$0x0];
	s13 =	sadd.s32 s16, s13;
	s27 =	sshrl.u32 s17, $0x7;
	[tilespmem:s14+$0x0 ss:$0x81] =	vst.msk $0xffff, v0  }
0x49: {  	v61 =	vld [tilespmem:s15+$0x10];
	s14 =	smulhi.u32 $0x24924925, s27;
	[tilespmem:s13+$0x3870 ss:$0x81] =	vst.msk $0xffff, v1  }
0x4a: {  	v62 =	vld [tilespmem:s15+$0x20];
	s10 =	smul.u32 $0x3800, s10;
	[tilespmem:s13+$0x810 ss:$0x81] =	vst.msk $0xffff, v5  }
0x4b: {  	v63 =	vld [tilespmem:s15+$0xFFFFFFC0];
	s28 =	sand.u32 $0x7F, s11;
	[tilespmem:s13+$0x1020 ss:$0x81] =	vst.msk $0xffff, v58;
	s29 =	smul.u32 $0x380, s14;
	s14 =	sand.u32 $0x7F, s14  }
0x4c: {  	s11 =	sor.u32 s28, s17;
	[tilespmem:s13+$0x1830 ss:$0x81] =	vst.msk $0xffff, v59;
	s14 =	smul.u32 $0x70, s14  }
.Ltmp4:
0x4d: {  	[tilespmem:s13+$0x2040 ss:$0x81] =	vst.msk $0xffff, v60;
	s11 =	ssub.s32 s11, s29;
	(pc) =	sbr.rel .LBB1_5-.Ltmp4, $4  }
0x4e: {  	s10 =	sadd.s32 s4, s10;
	[tilespmem:s13+$0x2850 ss:$0x81] =	vst.msk $0xffff, v61;
	s15 =	sand.u32 $0x7, s11  }
0x4f: {  	[tilespmem:s13+$0x3060 ss:$0x81] =	vst.msk $0xffff, v62;
	s11 =	sshrl.u32 s11, $0x3;
	s10 =	sadd.s32 s14, s10;
	s30 =	sshll.u32 s15, $0x12  }
0x50: {  	[tilespmem:s13+$0x0 ss:$0x81] =	vst.msk $0xffff, v63;
	s10 =	sadd.s32 s11, s10;
	s31 =	sor.u32 $0x400, s30  }
0x51: {  	[hbm4b:s10+s31] =	stream.strided.scatter [tilespmem:s12], [sflag:$0x2], $0x4000, s6, s31, $0x20;
	[tilespmem:$0x10100] =	vst v63  }
.LBB1_6:
0x52: {  	_ =	sfence.sel $0x180000  }
0x53: {  	s2 =	simm.s32 $0x1;
	[bflag:$0x0] =	sbarrier.arrive $0xFFFF  }
0x54: {  	s31 =	simm.s32 $0x2;
	[sflag:s2] =	ssyncpa.u1 $0x1  }
0x55: {  	[sflag:s31] =	ssyncpa.u1 $0x1  }
0x56: {  	p0 =	sne.s32 s1, $0x0;
	_ =	strace $0x9000004D  }
0x57: {  	s0 =	sadd.s32 @!p0 $0x100000, s0;
	[bflag:$0x2] =	sbarrier.arrive $0xFFFF  }
0x58: {  	[sflag:s0] =	ssyncadd.tile.s32 @!p0 $0x1;
	_ =	shalt  }
.Lfunc_end1:
_tile_overlayer_lowered:
.L_overlay_start_2:
0x59: {  	(tag) =	ssettag $0x2  }
0x5a: {  	s0 =	rddreg [dreg:$0x0];
	s2 =	stileid.u32  }
0x5b: {  	s1 =	rddreg [dreg:$0x1];
	p0 =	sne.s32 s2, $0x0  }
0x5c: {  	s3 =	rddreg [dreg:$0x2];
	[bflag:$0x3] =	sbarrier.arrive $0xFFFF;
	s2 =	simm.s32 @!p0 $0x1C01  }
0x5d: {  	[timem:s3], [sflag:s2] =	dma.local @!p0 [hbm:s0], s1  }
0x5e: {  	s0 =	simm.s32 @!p0 $0x1  }
0x5f: {  	_ =	swait.ge @!p0 [sflag:s0], s1  }
0x60: {  	s1 =	ssub.s32 @!p0 $0x0, s1;
	[sflag:s0] =	ssyncset.done @!p0 $0x0  }
0x61: {  	[sflag:s0] =	ssyncadd.s32 @!p0 s1  }
0x62: {  	[bflag:$0x3] =	sbarrier.arrive $0xFFFF  }
0x63: {  	_ =	shalt  }

// kernel: sparse-core-data-format-call.4.cloned.1.call-start
scs
called_computation.4_lowered:
.L_overlay_start_0:
0x0: {  	s1 =	sld [smem:$0x3FD9]  }
0x1: {  	s2 =	sld [smem:$0x3FFE];
	_ =	sdelay $0x1  }
0x2: {  	s3 =	srdreg.scid  }
0x3: {  	s0 =	sand.u32 $0x1, s3  }
0x4: {  	s17 =	sshll.u32 s0, $0xA;
	s1 =	sadd.s32 s2, s1  }
0x5: {  	s1 =	sadd.s32 s1, s17  }
0x6: {  	[smem:$0x3FC6] =	sst s1  }
0x7: {  	_ = 	snop  }
0x8: {  	(tm) =	ssettm $0x1  }
0x9: {  	s18 =	sld [smem:$0x3FFB];
	_ =	sdelay $0x3  }
0xa: {  	_ =	strace s18  }
0xb: {  	s1 =	sld [smem:$0x3FFC];
	_ =	sdelay $0x3  }
0xc: {  	_ =	strace s1  }
0xd: {  	s1 =	sld [smem:$0x3FFD];
	_ =	sdelay $0x3  }
0xe: {  	_ =	strace s1  }
0xf: {  	_ =	strace $0x8FFFFFFF  }
0x10: {  	s19 =	sld [smem:$0x3FDB];
	_ =	sdelay $0x1  }
0x11: {  	s20 =	simm.s32 $_scs_section_size  }
0x12: {  	s4 =	simm.s32 $_size__tile_overlayer_lowered;
	s5 =	simm.s32 $_tile_overlayer_lowered  }
0x13: {  	s23 =	simm.s32 $0x1BFF;
	s22 =	sshll.u32 s5, $0x1;
	s1 =	sadd.s32 s20, s19  }
0x14: {  	s6 =	simm.s32 $0x0;
	s21 =	sshll.u32 s4, $0x1;
	s4 =	sadd.s32 s22, s1  }
0x15: {  	[timem:s6], [sflag:s23] =	dma.local [hbm:s4], s21  }
0x16: {  	_ =	swait.ge [sflag:s23], s21  }
0x17: {  	s2 =	ssub.s32 $0x0, s21;
	[sflag:s23] =	ssyncset.done $0x0  }
0x18: {  	[sflag:s23] =	ssyncadd.s32 s2;
	_ =	sdelay $0x1  }
0x19: {  	s24 =	simm.s32 $0x1B8B  }
0x1a: {  	_ =	swait.ge [sflag:s24], $0x1  }
0x1b: {  	[sflag:s24] =	ssyncset.done $0x0  }
0x1c: {  	s26 =	simm.s32 $0x1B8E;
	s25 =	sld [smem:$0x3FFE];
	[sflag:s24] =	ssyncadd.s32 $0xFFFFFFFF  }
0x1d: {  	s27 =	simm.s32 $execute0_lowered;
	[smem:$0x3FD2] =	sst s26  }
0x1e: {  	s4 =	sshll.u32 s27, $0x1;
	_ =	strace $0x80000049;
	[dreg:$0x1] =	wrdreg $0xFFFFFFFF  }
0x1f: {  	s28 =	simm.s32 $_size_execute0_lowered;
	s1 =	sadd.s32 s1, s4;
	[dreg:$0x0] =	wrdreg $0x0  }
0x20: {  	s4 =	sshll.u32 s28, $0x1;
	[dreg:$0x2] =	wrdreg s1  }
0x21: {  	[dreg:$0x3] =	wrdreg s4  }
0x22: {  	[dreg:$0x4] =	wrdreg $0xC0  }
0x23: {  	_ =	task [dreg:s6], $0x5FFFF  }
0x24: {  	[dreg:$0x1] =	wrdreg $0xFFFFFFFF  }
0x25: {  	[dreg:$0x0] =	wrdreg $0x60  }
0x26: {  	[dreg:$0x2] =	wrdreg s25  }
0x27: {  	[dreg:$0x3] =	wrdreg $0x9  }
0x28: {  	_ =	task.clear_ibuf [dreg:s6], $0x4FFFF;
	_ =	strace $0x90000049  }
0x29: {  	s29 =	simm.s32 $0x9;
	_ =	strace $0x8000004B  }
0x2a: {  	_ =	swait.ge [sflag:s29], $0x1  }
0x2b: {  	[sflag:s29] =	ssyncadd.s32 $0xFFFFFFFF  }
0x2c: {  	_ =	strace $0x9000004B  }
0x2d: {  	_ =	sfence  }
0x2e: {  	s30 =	sld [smem:$0x0];
	_ =	sdelay $0x2  }
0x2f: {  	s31 =	sshll.u32 s3, $0xD;
	s3 =	sshrl.u32 s3, $0x2  }
0x30: {  	s2 =	sand.u32 $0x4000, s31;
	s1 =	sadd.s32 s3, s30  }
0x31: {  	s0 =	sor.u32 s2, s0;
	s1 =	sshll.u32 s1, $0x11  }
0x32: {  	s0 =	sor.u32 s1, s0  }
0x33: {  	s0 =	sadd.s32 $0x8F2B, s0  }
0x34: {  	[sflag:s0] =	ssyncadd.remote.s32 $0x1  }
0x35: {  	_ =	sfence.sel $0xFFFF  }
0x36: {  	[dreg:$0x0] =	wrdreg $0xFFFFFFFF;
	(pc) =	sbr.abs _section_cstart, $3  }
0x37: {  	[dreg:$0x1] =	wrdreg $0xFFFFFFFF  }
0x38: {  	_ =	task.clear_ibuf [dreg:s6], $0x2FFFF;
	_ =	strace $0x9FFFFFFF  }
0x39: {  	(tm) =	ssettm $0x7FFFFFFF  }
tec
execute0_lowered:
.L_overlay_start_1:
0x0: {  	(tag) =	ssettag $0x1  }
0x1: {  	s2 =	rddreg [dreg:$0x0]  }
0x2: {  	s0 =	rddreg [dreg:$0x1];
	_ =	strace $0x8000004A  }
0x3: {  	s3 =	srdreg.scid;
	s1 =	stileid.u32;
	s6 =	simm.s32 $0x2  }
.Ltmp0:
0x4: {  	s11 =	simm.s32 $0x0;
	p0 =	por $0x0, $0x0;
	(pc) =	sbr.rel .LBB1_1-.Ltmp0, $4  }
0x5: {  	s10 =	simm.s32 $0x0;
	s9 =	simm.s32 $0x0;
	s4 =	sshll.u32 s3, $0x4  }
0x6: {  	s7 =	simm.s32 $0x0;
	s3 =	simm.s32 $0x1;
	s5 =	sand.u32 $0x10, s4  }
0x7: {  	[sflag:s3] =	ssyncpa.u1 $0x0;
	s4 =	sadd.s32 $0x586A00, s2;
	s5 =	sor.u32 s1, s5  }
0x8: {  	[sflag:s6] =	ssyncpa.u1 $0x0;
	s6 =	simm.s32 $0x20000;
	s8 =	smov.u32 s5  }
.LBB1_5:
0x9: {  	s12 =	sadd.s32 $0x20, s8  }
0xa: {  	s10 =	sadd.s32 $0x80, s9;
	s14 =	smov.u32 s9;
	p2 =	sgt.s32 s12, $0x3FF  }
0xb: {  	p1 =	slt.u32 s7, $0x2;
	s14 =	smov.u32 @p2 s10  }
0xc: {  	s7 =	sadd.s32 $0x1, s7;
	s12 =	smov.u32 @p2 s5;
	p2 =	sgt.s32 s14, $0x7F  }
0xd: {  	s14 =	simm.s32 @p2 $0x0;
	p2 =	sne.s32 s7, $0x22  }
.Ltmp1:
0xe: {  	_ = 	snop;
	(pc) =	sbr.rel @!p2 .LBB1_6-.Ltmp1, $4  }
0xf: {  	s13 =	simm.s32 @!p1 $0x2  }
0x10: {  	s11 =	smov.u32 s8;
	_ =	swait.ge @!p1 [sflag:s13], $0x4000  }
0x11: {  	p0 =	por !p0, !p0;
	s10 =	smov.u32 s9;
	[sflag:s13] =	ssyncset.done @!p1 $0x0  }
0x12: {  	s8 =	smov.u32 s12;
	[sflag:s13] =	ssyncadd.s32 @!p1 $0xFFFFC000;
	s9 =	smov.u32 s14  }
.LBB1_1:
0x13: {  	p1 =	sgt.u32 s7, $0x1F  }
0x14: {  	s12 =	sxor.u32 @!p1 $0xFFFFFFFF, s7  }
0x15: {  	s13 =	sshll.u32 @!p1 s9, $0xE;
	s14 =	sshll.u32 @!p1 s8, $0x4;
	s15 =	simm.s32 @!p1 $0x20000  }
0x16: {  	s12 =	sshll.u32 @!p1 s12, $0xE;
	s14 =	sand.u32 @!p1 $0x3FF0, s14;
	s13 =	sadd.s32 @!p1 s2, s13  }
0x17: {  	s12 =	sand.u32 @!p1 $0x4000, s12;
	s13 =	sadd.s32 @!p1 s14, s13;
	s14 =	simm.s32 @!p1 $0x80  }
0x18: {  	[tilespmem:s12], [sflag:$0x1] =	stream.strided.gather @!p1 [hbm4b:s13+s14], $0x4000, s15, s14, $0x38;
	[tilespmem:$0x10100] =	vst v63  }
0x19: {  	p1 =	seq.s32 s7, $0x0  }
0x1a: {  	p2 =	seq.s32 @!p1 s7, $0x21  }
0x1b: {  	p1 =	por p1, p2  }
.Ltmp2:
0x1c: {  	_ = 	snop;
	(pc) =	sbr.rel @p1 .LBB1_5-.Ltmp2, $1  }
0x1d: {  	_ =	sdelay $0x3  }
0x1e: {  	s12 =	simm.s32 $0x1  }
0x1f: {  	_ =	swait.ge [sflag:s3], $0x4000;
	s12 =	simm.s32 @!p0 $0x0  }
0x20: {  	[sflag:s3] =	ssyncset.done $0x0;
	s13 =	sshll.u32 s12, $0xE  }
0x21: {  	[sflag:s3] =	ssyncadd.s32 $0xFFFFC000;
	s15 =	sor.u32 $0x40, s13  }
0x22: {  	s12 =	smul.u32 $0x10200, s12;
	v0 =	vld [tilespmem:s15+$0x30]  }
0x23: {  	v3 =	vld [tilespmem:s15+$0xFFFFFFD0]  }
0x24: {  	s12 =	sshrl.u32 s12, $0x2;
	v4 =	vld [tilespmem:s15+$0xFFFFFFE0]  }
0x25: {  	v5 =	vld [tilespmem:s15+$0xFFFFFFF0];
	s13 =	sor.u32 $0x8000, s12  }
0x26: {  	s31 =	sand.u32 $0x1, s7;
	v1 =	vld [tilespmem:s15+$0x0];
	s14 =	sadd.s32 $0x0, s13  }
0x27: {  	v2 =	vld [tilespmem:s15+$0x10];
	s12 =	smul.u32 $0x10200, s31;
	[tilespmem:s14+$0x3870 ss:$0x81] =	vst.msk $0xffff, v0  }
0x28: {  	[tilespmem:s14+$0x810 ss:$0x81] =	vst.msk $0xffff, v3;
	v3 =	vld [tilespmem:s15+$0x20]  }
0x29: {  	s12 =	sshrl.u32 s12, $0x2;
	v0 =	vld [tilespmem:s15+$0xFFFFFFC0];
	[tilespmem:s14+$0x1020 ss:$0x81] =	vst.msk $0xffff, v4;
	s15 =	sadd.s32 $0x80, s15  }
0x2a: {  	s16 =	simm.s32 $0x4;
	s17 =	simm.s32 $0x8;
	s12 =	sor.u32 $0x8000, s12;
	[tilespmem:s14+$0x1830 ss:$0x81] =	vst.msk $0xffff, v5;
	v4 =	vld [tilespmem:s15+$0x30]  }
.LBB1_3:
0x2b: {  	p1 =	sne.s32 s17, $0x1FC;
	v5 =	vld [tilespmem:s15+$0xFFFFFFD0];
	[tilespmem:s14+$0x2040 ss:$0x81] =	vst.msk $0xffff, v1  }
0x2c: {  	v6 =	vld [tilespmem:s15+$0xFFFFFFE0];
	[tilespmem:s14+$0x2850 ss:$0x81] =	vst.msk $0xffff, v2  }
0x2d: {  	s18 =	sshra.s32 s16, $0x2;
	s16 =	smov.u32 s17;
	v7 =	vld [tilespmem:s15+$0xFFFFFFF0];
	[tilespmem:s14+$0x3060 ss:$0x81] =	vst.msk $0xffff, v3  }
.Ltmp3:
0x2e: {  	v1 =	vld [tilespmem:s15+$0x0];
	[tilespmem:s14+$0x0 ss:$0x81] =	vst.msk $0xffff, v0;
	s14 =	sadd.s32 s18, s13;
	(pc) =	sbr.rel @p1 .LBB1_3-.Ltmp3, $4  }
0x2f: {  	v2 =	vld [tilespmem:s15+$0x10];
	[tilespmem:s14+$0x3870 ss:$0x81] =	vst.msk $0xffff, v4  }
0x30: {  	[tilespmem:s14+$0x810 ss:$0x81] =	vst.msk $0xffff, v5;
	v3 =	vld [tilespmem:s15+$0x20]  }
0x31: {  	v0 =	vld [tilespmem:s15+$0xFFFFFFC0];
	[tilespmem:s14+$0x1020 ss:$0x81] =	vst.msk $0xffff, v6;
	s15 =	sadd.s32 $0x80, s15  }
0x32: {  	s17 =	sadd.s32 $0x4, s17;
	v4 =	vld [tilespmem:s15+$0x30];
	[tilespmem:s14+$0x1830 ss:$0x81] =	vst.msk $0xffff, v7  }
0x33: {  	v5 =	vld [tilespmem:s15+$0xFFFFFFD0];
	[tilespmem:s14+$0x2040 ss:$0x81] =	vst.msk $0xffff, v1  }
0x34: {  	v58 =	vld [tilespmem:s15+$0xFFFFFFE0];
	[tilespmem:s14+$0x2850 ss:$0x81] =	vst.msk $0xffff, v2  }
0x35: {  	s16 =	sshra.s32 s16, $0x2;
	v59 =	vld [tilespmem:s15+$0xFFFFFFF0];
	[tilespmem:s14+$0x3060 ss:$0x81] =	vst.msk $0xffff, v3  }
0x36: {  	v60 =	vld [tilespmem:s15+$0x0];
	s13 =	sadd.s32 s16, s13;
	[tilespmem:s14+$0x0 ss:$0x81] =	vst.msk $0xffff, v0  }
0x37: {  	v61 =	vld [tilespmem:s15+$0x10];
	[tilespmem:s13+$0x3870 ss:$0x81] =	vst.msk $0xffff, v4  }
0x38: {  	v62 =	vld [tilespmem:s15+$0x20];
	s11 =	sshll.u32 s11, $0x7;
	s28 =	sshll.u32 s10, $0x3;
	[tilespmem:s13+$0x810 ss:$0x81] =	vst.msk $0xffff, v5  }
0x39: {  	v63 =	vld [tilespmem:s15+$0xFFFFFFC0];
	s29 =	sand.u32 $0x1FC00, s11;
	s14 =	sand.u32 $0x1FC00, s28;
	[tilespmem:s13+$0x1020 ss:$0x81] =	vst.msk $0xffff, v58  }
0x3a: {  	s11 =	sand.u32 $0x380, s11;
	s14 =	sadd.s32 s14, s29;
	[tilespmem:s13+$0x1830 ss:$0x81] =	vst.msk $0xffff, v59  }
.Ltmp4:
0x3b: {  	s30 =	sshrl.u32 s10, $0x3;
	[tilespmem:s13+$0x2040 ss:$0x81] =	vst.msk $0xffff, v60;
	s11 =	sor.u32 s11, s14;
	(pc) =	sbr.rel .LBB1_5-.Ltmp4, $4  }
0x3c: {  	s31 =	sand.u32 $0x7, s10;
	[tilespmem:s13+$0x2850 ss:$0x81] =	vst.msk $0xffff, v61;
	s14 =	sand.u32 $0xF, s30;
	s11 =	sshrl.u32 s11, $0x3  }
0x3d: {  	s10 =	sshll.u32 s31, $0x12;
	[tilespmem:s13+$0x3060 ss:$0x81] =	vst.msk $0xffff, v62;
	s14 =	sadd.s32 s4, s14;
	s11 =	sand.u32 $0x3FF0, s11  }
0x3e: {  	s10 =	sor.u32 $0x80, s10;
	[tilespmem:s13+$0x0 ss:$0x81] =	vst.msk $0xffff, v63;
	s11 =	sadd.s32 s11, s14  }
0x3f: {  	[hbm4b:s11+s10] =	stream.strided.scatter [tilespmem:s12], [sflag:$0x2], $0x4000, s6, s10, $0x20;
	[tilespmem:$0x10100] =	vst v63  }
.LBB1_6:
0x40: {  	_ =	sfence.sel $0x180000  }
0x41: {  	s2 =	simm.s32 $0x1;
	[bflag:$0x0] =	sbarrier.arrive $0xFFFF  }
0x42: {  	s31 =	simm.s32 $0x2;
	[sflag:s2] =	ssyncpa.u1 $0x1  }
0x43: {  	[sflag:s31] =	ssyncpa.u1 $0x1  }
0x44: {  	p0 =	sne.s32 s1, $0x0;
	_ =	strace $0x9000004A  }
0x45: {  	s0 =	sadd.s32 @!p0 $0x100000, s0;
	[bflag:$0x2] =	sbarrier.arrive $0xFFFF  }
0x46: {  	[sflag:s0] =	ssyncadd.tile.s32 @!p0 $0x1;
	_ =	shalt  }
.Lfunc_end1:
_tile_overlayer_lowered:
.L_overlay_start_2:
0x47: {  	(tag) =	ssettag $0x2  }
0x48: {  	s0 =	rddreg [dreg:$0x0];
	s2 =	stileid.u32  }
0x49: {  	s1 =	rddreg [dreg:$0x1];
	p0 =	sne.s32 s2, $0x0  }
0x4a: {  	s3 =	rddreg [dreg:$0x2];
	[bflag:$0x3] =	sbarrier.arrive $0xFFFF;
	s2 =	simm.s32 @!p0 $0x1C01  }
0x4b: {  	[timem:s3], [sflag:s2] =	dma.local @!p0 [hbm:s0], s1  }
0x4c: {  	s0 =	simm.s32 @!p0 $0x1  }
0x4d: {  	_ =	swait.ge @!p0 [sflag:s0], s1  }
0x4e: {  	s1 =	ssub.s32 @!p0 $0x0, s1;
	[sflag:s0] =	ssyncset.done @!p0 $0x0  }
0x4f: {  	[sflag:s0] =	ssyncadd.s32 @!p0 s1  }
0x50: {  	[bflag:$0x3] =	sbarrier.arrive $0xFFFF  }
0x51: {  	_ =	shalt  }

// kernel: sparse-core-data-format-call.5.cloned.1.call-start
scs
called_computation.5_lowered:
.L_overlay_start_0:
0x0: {  	s1 =	sld [smem:$0x3FD9]  }
0x1: {  	s2 =	sld [smem:$0x3FFE];
	_ =	sdelay $0x1  }
0x2: {  	s3 =	srdreg.scid  }
0x3: {  	s0 =	sand.u32 $0x1, s3  }
0x4: {  	s17 =	sshll.u32 s0, $0xA;
	s1 =	sadd.s32 s2, s1  }
0x5: {  	s1 =	sadd.s32 s1, s17  }
0x6: {  	[smem:$0x3FC6] =	sst s1  }
0x7: {  	_ = 	snop  }
0x8: {  	(tm) =	ssettm $0x1  }
0x9: {  	s18 =	sld [smem:$0x3FFB];
	_ =	sdelay $0x3  }
0xa: {  	_ =	strace s18  }
0xb: {  	s1 =	sld [smem:$0x3FFC];
	_ =	sdelay $0x3  }
0xc: {  	_ =	strace s1  }
0xd: {  	s1 =	sld [smem:$0x3FFD];
	_ =	sdelay $0x3  }
0xe: {  	_ =	strace s1  }
0xf: {  	_ =	strace $0x8FFFFFFF  }
0x10: {  	s19 =	sld [smem:$0x3FDB];
	_ =	sdelay $0x1  }
0x11: {  	s20 =	simm.s32 $_scs_section_size  }
0x12: {  	s4 =	simm.s32 $_size__tile_overlayer_lowered;
	s5 =	simm.s32 $_tile_overlayer_lowered  }
0x13: {  	s23 =	simm.s32 $0x1BFF;
	s22 =	sshll.u32 s5, $0x1;
	s1 =	sadd.s32 s20, s19  }
0x14: {  	s6 =	simm.s32 $0x0;
	s21 =	sshll.u32 s4, $0x1;
	s4 =	sadd.s32 s22, s1  }
0x15: {  	[timem:s6], [sflag:s23] =	dma.local [hbm:s4], s21  }
0x16: {  	_ =	swait.ge [sflag:s23], s21  }
0x17: {  	s2 =	ssub.s32 $0x0, s21;
	[sflag:s23] =	ssyncset.done $0x0  }
0x18: {  	[sflag:s23] =	ssyncadd.s32 s2;
	_ =	sdelay $0x1  }
0x19: {  	s24 =	simm.s32 $0x1B8B  }
0x1a: {  	_ =	swait.ge [sflag:s24], $0x1  }
0x1b: {  	[sflag:s24] =	ssyncset.done $0x0  }
0x1c: {  	s26 =	simm.s32 $0x1B8E;
	s25 =	sld [smem:$0x3FFE];
	[sflag:s24] =	ssyncadd.s32 $0xFFFFFFFF  }
0x1d: {  	s27 =	simm.s32 $execute0_lowered;
	[smem:$0x3FD2] =	sst s26  }
0x1e: {  	s4 =	sshll.u32 s27, $0x1;
	_ =	strace $0x80000046;
	[dreg:$0x1] =	wrdreg $0xFFFFFFFF  }
0x1f: {  	s28 =	simm.s32 $_size_execute0_lowered;
	s1 =	sadd.s32 s1, s4;
	[dreg:$0x0] =	wrdreg $0x0  }
0x20: {  	s4 =	sshll.u32 s28, $0x1;
	[dreg:$0x2] =	wrdreg s1  }
0x21: {  	[dreg:$0x3] =	wrdreg s4  }
0x22: {  	[dreg:$0x4] =	wrdreg $0xC0  }
0x23: {  	_ =	task [dreg:s6], $0x5FFFF  }
0x24: {  	[dreg:$0x1] =	wrdreg $0xFFFFFFFF  }
0x25: {  	[dreg:$0x0] =	wrdreg $0x60  }
0x26: {  	[dreg:$0x2] =	wrdreg s25  }
0x27: {  	[dreg:$0x3] =	wrdreg $0x9  }
0x28: {  	_ =	task.clear_ibuf [dreg:s6], $0x4FFFF;
	_ =	strace $0x90000046  }
0x29: {  	s29 =	simm.s32 $0x9;
	_ =	strace $0x80000048  }
0x2a: {  	_ =	swait.ge [sflag:s29], $0x1  }
0x2b: {  	[sflag:s29] =	ssyncadd.s32 $0xFFFFFFFF  }
0x2c: {  	_ =	strace $0x90000048  }
0x2d: {  	_ =	sfence  }
0x2e: {  	s30 =	sld [smem:$0x0];
	_ =	sdelay $0x2  }
0x2f: {  	s31 =	sshll.u32 s3, $0xD;
	s3 =	sshrl.u32 s3, $0x2  }
0x30: {  	s2 =	sand.u32 $0x4000, s31;
	s1 =	sadd.s32 s3, s30  }
0x31: {  	s0 =	sor.u32 s2, s0;
	s1 =	sshll.u32 s1, $0x11  }
0x32: {  	s0 =	sor.u32 s1, s0  }
0x33: {  	s0 =	sadd.s32 $0x8F2B, s0  }
0x34: {  	[sflag:s0] =	ssyncadd.remote.s32 $0x1  }
0x35: {  	_ =	sfence.sel $0xFFFF  }
0x36: {  	[dreg:$0x0] =	wrdreg $0xFFFFFFFF;
	(pc) =	sbr.abs _section_cstart, $3  }
0x37: {  	[dreg:$0x1] =	wrdreg $0xFFFFFFFF  }
0x38: {  	_ =	task.clear_ibuf [dreg:s6], $0x2FFFF;
	_ =	strace $0x9FFFFFFF  }
0x39: {  	(tm) =	ssettm $0x7FFFFFFF  }
tec
execute0_lowered:
.L_overlay_start_1:
0x0: {  	(tag) =	ssettag $0x1  }
0x1: {  	s4 =	rddreg [dreg:$0x0]  }
0x2: {  	s0 =	rddreg [dreg:$0x1];
	_ =	strace $0x80000047;
	s3 =	srdreg.scid  }
0x3: {  	s1 =	stileid.u32;
	s6 =	simm.s32 $0x2;
	s11 =	simm.s32 $0x0  }
.Ltmp0:
0x4: {  	p0 =	por $0x0, $0x0;
	s10 =	simm.s32 $0x0;
	(pc) =	sbr.rel .LBB1_1-.Ltmp0, $4  }
0x5: {  	s9 =	simm.s32 $0x0;
	s7 =	simm.s32 $0x0;
	s5 =	sshll.u32 s3, $0x4  }
0x6: {  	s2 =	sadd.s32 $0x186A00, s4;
	s3 =	simm.s32 $0x1;
	s5 =	sand.u32 $0x10, s5  }
0x7: {  	s4 =	sadd.s32 $0x386A00, s4;
	[sflag:s3] =	ssyncpa.u1 $0x0;
	s5 =	sor.u32 s1, s5  }
0x8: {  	[sflag:s6] =	ssyncpa.u1 $0x0;
	s6 =	simm.s32 $0x20000;
	s8 =	smov.u32 s5  }
.LBB1_5:
0x9: {  	s12 =	sadd.s32 $0x20, s8  }
0xa: {  	s10 =	sadd.s32 $0x80, s9;
	s14 =	smov.u32 s9;
	p2 =	sgt.s32 s12, $0x3FF  }
0xb: {  	p1 =	slt.u32 s7, $0x2;
	s14 =	smov.u32 @p2 s10  }
0xc: {  	s7 =	sadd.s32 $0x1, s7;
	s12 =	smov.u32 @p2 s5;
	p2 =	sgt.s32 s14, $0x7F  }
0xd: {  	s14 =	simm.s32 @p2 $0x0;
	p2 =	sne.s32 s7, $0x22  }
.Ltmp1:
0xe: {  	_ = 	snop;
	(pc) =	sbr.rel @!p2 .LBB1_6-.Ltmp1, $4  }
0xf: {  	s13 =	simm.s32 @!p1 $0x2  }
0x10: {  	s11 =	smov.u32 s8;
	_ =	swait.ge @!p1 [sflag:s13], $0x4000  }
0x11: {  	p0 =	por !p0, !p0;
	s10 =	smov.u32 s9;
	[sflag:s13] =	ssyncset.done @!p1 $0x0  }
0x12: {  	s8 =	smov.u32 s12;
	[sflag:s13] =	ssyncadd.s32 @!p1 $0xFFFFC000;
	s9 =	smov.u32 s14  }
.LBB1_1:
0x13: {  	p1 =	sgt.u32 s7, $0x1F  }
0x14: {  	s12 =	sxor.u32 @!p1 $0xFFFFFFFF, s7  }
0x15: {  	s13 =	sshll.u32 @!p1 s9, $0xE;
	s14 =	sshll.u32 @!p1 s8, $0x4;
	s15 =	simm.s32 @!p1 $0x20000  }
0x16: {  	s12 =	sshll.u32 @!p1 s12, $0xE;
	s14 =	sand.u32 @!p1 $0x3FF0, s14;
	s13 =	sadd.s32 @!p1 s2, s13  }
0x17: {  	s12 =	sand.u32 @!p1 $0x4000, s12;
	s13 =	sadd.s32 @!p1 s14, s13;
	s14 =	simm.s32 @!p1 $0x80  }
0x18: {  	[tilespmem:s12], [sflag:$0x1] =	stream.strided.gather @!p1 [hbm4b:s13+s14], $0x4000, s15, s14, $0x38;
	[tilespmem:$0x10100] =	vst v63  }
0x19: {  	p1 =	seq.s32 s7, $0x0  }
0x1a: {  	p2 =	seq.s32 @!p1 s7, $0x21  }
0x1b: {  	p1 =	por p1, p2  }
.Ltmp2:
0x1c: {  	_ = 	snop;
	(pc) =	sbr.rel @p1 .LBB1_5-.Ltmp2, $1  }
0x1d: {  	_ =	sdelay $0x3  }
0x1e: {  	s12 =	simm.s32 $0x1  }
0x1f: {  	_ =	swait.ge [sflag:s3], $0x4000;
	s12 =	simm.s32 @!p0 $0x0  }
0x20: {  	[sflag:s3] =	ssyncset.done $0x0;
	s13 =	sshll.u32 s12, $0xE  }
0x21: {  	[sflag:s3] =	ssyncadd.s32 $0xFFFFC000;
	s15 =	sor.u32 $0x40, s13  }
0x22: {  	s12 =	smul.u32 $0x10200, s12;
	v0 =	vld [tilespmem:s15+$0x30]  }
0x23: {  	v3 =	vld [tilespmem:s15+$0xFFFFFFD0]  }
0x24: {  	s12 =	sshrl.u32 s12, $0x2;
	v4 =	vld [tilespmem:s15+$0xFFFFFFE0]  }
0x25: {  	v5 =	vld [tilespmem:s15+$0xFFFFFFF0];
	s13 =	sor.u32 $0x8000, s12  }
0x26: {  	s31 =	sand.u32 $0x1, s7;
	v1 =	vld [tilespmem:s15+$0x0];
	s14 =	sadd.s32 $0x0, s13  }
0x27: {  	v2 =	vld [tilespmem:s15+$0x10];
	s12 =	smul.u32 $0x10200, s31;
	[tilespmem:s14+$0x3870 ss:$0x81] =	vst.msk $0xffff, v0  }
0x28: {  	[tilespmem:s14+$0x810 ss:$0x81] =	vst.msk $0xffff, v3;
	v3 =	vld [tilespmem:s15+$0x20]  }
0x29: {  	s12 =	sshrl.u32 s12, $0x2;
	v0 =	vld [tilespmem:s15+$0xFFFFFFC0];
	[tilespmem:s14+$0x1020 ss:$0x81] =	vst.msk $0xffff, v4;
	s15 =	sadd.s32 $0x80, s15  }
0x2a: {  	s16 =	simm.s32 $0x4;
	s17 =	simm.s32 $0x8;
	s12 =	sor.u32 $0x8000, s12;
	[tilespmem:s14+$0x1830 ss:$0x81] =	vst.msk $0xffff, v5;
	v4 =	vld [tilespmem:s15+$0x30]  }
.LBB1_3:
0x2b: {  	p1 =	sne.s32 s17, $0x1FC;
	v5 =	vld [tilespmem:s15+$0xFFFFFFD0];
	[tilespmem:s14+$0x2040 ss:$0x81] =	vst.msk $0xffff, v1  }
0x2c: {  	v6 =	vld [tilespmem:s15+$0xFFFFFFE0];
	[tilespmem:s14+$0x2850 ss:$0x81] =	vst.msk $0xffff, v2  }
0x2d: {  	s18 =	sshra.s32 s16, $0x2;
	s16 =	smov.u32 s17;
	v7 =	vld [tilespmem:s15+$0xFFFFFFF0];
	[tilespmem:s14+$0x3060 ss:$0x81] =	vst.msk $0xffff, v3  }
.Ltmp3:
0x2e: {  	v1 =	vld [tilespmem:s15+$0x0];
	[tilespmem:s14+$0x0 ss:$0x81] =	vst.msk $0xffff, v0;
	s14 =	sadd.s32 s18, s13;
	(pc) =	sbr.rel @p1 .LBB1_3-.Ltmp3, $4  }
0x2f: {  	v2 =	vld [tilespmem:s15+$0x10];
	[tilespmem:s14+$0x3870 ss:$0x81] =	vst.msk $0xffff, v4  }
0x30: {  	[tilespmem:s14+$0x810 ss:$0x81] =	vst.msk $0xffff, v5;
	v3 =	vld [tilespmem:s15+$0x20]  }
0x31: {  	v0 =	vld [tilespmem:s15+$0xFFFFFFC0];
	[tilespmem:s14+$0x1020 ss:$0x81] =	vst.msk $0xffff, v6;
	s15 =	sadd.s32 $0x80, s15  }
0x32: {  	s17 =	sadd.s32 $0x4, s17;
	v4 =	vld [tilespmem:s15+$0x30];
	[tilespmem:s14+$0x1830 ss:$0x81] =	vst.msk $0xffff, v7  }
0x33: {  	v5 =	vld [tilespmem:s15+$0xFFFFFFD0];
	[tilespmem:s14+$0x2040 ss:$0x81] =	vst.msk $0xffff, v1  }
0x34: {  	v58 =	vld [tilespmem:s15+$0xFFFFFFE0];
	[tilespmem:s14+$0x2850 ss:$0x81] =	vst.msk $0xffff, v2  }
0x35: {  	s16 =	sshra.s32 s16, $0x2;
	v59 =	vld [tilespmem:s15+$0xFFFFFFF0];
	[tilespmem:s14+$0x3060 ss:$0x81] =	vst.msk $0xffff, v3  }
0x36: {  	v60 =	vld [tilespmem:s15+$0x0];
	s13 =	sadd.s32 s16, s13;
	[tilespmem:s14+$0x0 ss:$0x81] =	vst.msk $0xffff, v0  }
0x37: {  	v61 =	vld [tilespmem:s15+$0x10];
	[tilespmem:s13+$0x3870 ss:$0x81] =	vst.msk $0xffff, v4  }
0x38: {  	v62 =	vld [tilespmem:s15+$0x20];
	s11 =	sshll.u32 s11, $0x7;
	s28 =	sshll.u32 s10, $0x3;
	[tilespmem:s13+$0x810 ss:$0x81] =	vst.msk $0xffff, v5  }
0x39: {  	v63 =	vld [tilespmem:s15+$0xFFFFFFC0];
	s29 =	sand.u32 $0x1FC00, s11;
	s14 =	sand.u32 $0x1FC00, s28;
	[tilespmem:s13+$0x1020 ss:$0x81] =	vst.msk $0xffff, v58  }
0x3a: {  	s11 =	sand.u32 $0x380, s11;
	s14 =	sadd.s32 s14, s29;
	[tilespmem:s13+$0x1830 ss:$0x81] =	vst.msk $0xffff, v59  }
.Ltmp4:
0x3b: {  	s30 =	sshrl.u32 s10, $0x3;
	[tilespmem:s13+$0x2040 ss:$0x81] =	vst.msk $0xffff, v60;
	s11 =	sor.u32 s11, s14;
	(pc) =	sbr.rel .LBB1_5-.Ltmp4, $4  }
0x3c: {  	s31 =	sand.u32 $0x7, s10;
	[tilespmem:s13+$0x2850 ss:$0x81] =	vst.msk $0xffff, v61;
	s14 =	sand.u32 $0xF, s30;
	s11 =	sshrl.u32 s11, $0x3  }
0x3d: {  	s10 =	sshll.u32 s31, $0x12;
	[tilespmem:s13+$0x3060 ss:$0x81] =	vst.msk $0xffff, v62;
	s14 =	sadd.s32 s4, s14;
	s11 =	sand.u32 $0x3FF0, s11  }
0x3e: {  	s10 =	sor.u32 $0x80, s10;
	[tilespmem:s13+$0x0 ss:$0x81] =	vst.msk $0xffff, v63;
	s11 =	sadd.s32 s11, s14  }
0x3f: {  	[hbm4b:s11+s10] =	stream.strided.scatter [tilespmem:s12], [sflag:$0x2], $0x4000, s6, s10, $0x20;
	[tilespmem:$0x10100] =	vst v63  }
.LBB1_6:
0x40: {  	_ =	sfence.sel $0x180000  }
0x41: {  	s2 =	simm.s32 $0x1;
	[bflag:$0x0] =	sbarrier.arrive $0xFFFF  }
0x42: {  	s31 =	simm.s32 $0x2;
	[sflag:s2] =	ssyncpa.u1 $0x1  }
0x43: {  	[sflag:s31] =	ssyncpa.u1 $0x1  }
0x44: {  	p0 =	sne.s32 s1, $0x0;
	_ =	strace $0x90000047  }
0x45: {  	s0 =	sadd.s32 @!p0 $0x100000, s0;
	[bflag:$0x2] =	sbarrier.arrive $0xFFFF  }
0x46: {  	[sflag:s0] =	ssyncadd.tile.s32 @!p0 $0x1;
	_ =	shalt  }
.Lfunc_end1:
_tile_overlayer_lowered:
.L_overlay_start_2:
0x47: {  	(tag) =	ssettag $0x2  }
0x48: {  	s0 =	rddreg [dreg:$0x0];
	s2 =	stileid.u32  }
0x49: {  	s1 =	rddreg [dreg:$0x1];
	p0 =	sne.s32 s2, $0x0  }
0x4a: {  	s3 =	rddreg [dreg:$0x2];
	[bflag:$0x3] =	sbarrier.arrive $0xFFFF;
	s2 =	simm.s32 @!p0 $0x1C01  }
0x4b: {  	[timem:s3], [sflag:s2] =	dma.local @!p0 [hbm:s0], s1  }
0x4c: {  	s0 =	simm.s32 @!p0 $0x1  }
0x4d: {  	_ =	swait.ge @!p0 [sflag:s0], s1  }
0x4e: {  	s1 =	ssub.s32 @!p0 $0x0, s1;
	[sflag:s0] =	ssyncset.done @!p0 $0x0  }
0x4f: {  	[sflag:s0] =	ssyncadd.s32 @!p0 s1  }
0x50: {  	[bflag:$0x3] =	sbarrier.arrive $0xFFFF  }
0x51: {  	_ =	shalt  }

// kernel: sparse-core-data-format-call.cloned.1.call-start
scs
called_computation_lowered:
.L_overlay_start_0:
0x0: {  	s2 =	sld [smem:$0x3FD9]  }
0x1: {  	s3 =	sld [smem:$0x3FFE];
	_ =	sdelay $0x1  }
0x2: {  	s1 =	srdreg.scid  }
0x3: {  	s0 =	sand.u32 $0x1, s1  }
0x4: {  	s18 =	sshll.u32 s0, $0xA;
	s2 =	sadd.s32 s3, s2  }
0x5: {  	s2 =	sadd.s32 s2, s18  }
0x6: {  	[smem:$0x3FC6] =	sst s2  }
0x7: {  	_ = 	snop  }
0x8: {  	(tm) =	ssettm $0x1  }
0x9: {  	s19 =	sld [smem:$0x3FFB];
	_ =	sdelay $0x3  }
0xa: {  	_ =	strace s19  }
0xb: {  	s2 =	sld [smem:$0x3FFC];
	_ =	sdelay $0x3  }
0xc: {  	_ =	strace s2  }
0xd: {  	s2 =	sld [smem:$0x3FFD];
	_ =	sdelay $0x3  }
0xe: {  	_ =	strace s2  }
0xf: {  	_ =	strace $0x8FFFFFFF  }
0x10: {  	s20 =	sld [smem:$0x3FDB];
	_ =	sdelay $0x1  }
0x11: {  	s21 =	simm.s32 $_scs_section_size  }
0x12: {  	s4 =	simm.s32 $_size__tile_overlayer_lowered;
	s5 =	simm.s32 $_tile_overlayer_lowered  }
0x13: {  	s6 =	simm.s32 $0x1BFF;
	s22 =	sshll.u32 s5, $0x1;
	s3 =	sadd.s32 s21, s20  }
0x14: {  	s23 =	simm.s32 $0x0;
	s4 =	sshll.u32 s4, $0x1;
	s5 =	sadd.s32 s22, s3  }
0x15: {  	[timem:s23], [sflag:s6] =	dma.local [hbm:s5], s4  }
0x16: {  	_ =	swait.ge [sflag:s6], s4  }
0x17: {  	s4 =	ssub.s32 $0x0, s4;
	[sflag:s6] =	ssyncset.done $0x0  }
0x18: {  	[sflag:s6] =	ssyncadd.s32 s4;
	_ =	sdelay $0x1  }
0x19: {  	s24 =	simm.s32 $0x1B8B  }
0x1a: {  	_ =	swait.ge [sflag:s24], $0x1  }
0x1b: {  	[sflag:s24] =	ssyncset.done $0x0  }
0x1c: {  	[sflag:s24] =	ssyncadd.s32 $0xFFFFFFFF  }
0x1d: {  	s4 =	sld [smem:$0x0]  }
0x1e: {  	s5 =	sand.u32 $0xFFFFFFFE, s1  }
0x1f: {  	p0 =	sne.s32 s1, s5  }
0x20: {  	s5 =	sshll.u32 @p0 s5, $0xE  }
0x21: {  	s5 =	sadd.s32 @p0 $0x11B8D, s5;
	s6 =	sshll.u32 @p0 s4, $0x11  }
0x22: {  	s5 =	sor.u32 @p0 s6, s5  }
0x23: {  	[sflag:s5] =	ssyncadd.remote.s32 @p0 $0x1;
	_ =	sdelay $0x1  }
0x24: {  	s5 =	simm.s32 @p0 $0x1B8D  }
0x25: {  	_ =	swait.eq @p0 [sflag:s5], $0x1  }
0x26: {  	[sflag:s5] =	ssyncadd.s32 @p0 $0xFFFFFFFF  }
0x27: {  	s6 =	sshll.u32 @!p0 s1, $0xE  }
0x28: {  	s6 =	sor.u32 @!p0 $0x4000, s6;
	s5 =	simm.s32 @!p0 $0x1B8D  }
0x29: {  	s4 =	sshll.u32 @!p0 s4, $0x11;
	s6 =	sadd.s32 @!p0 $0x11B8D, s6;
	_ =	swait.eq @!p0 [sflag:s5], $0x1  }
0x2a: {  	s4 =	sor.u32 @!p0 s4, s6;
	[sflag:s5] =	ssyncadd.s32 @!p0 $0xFFFFFFFF  }
0x2b: {  	s26 =	simm.s32 $0x1B8E;
	s25 =	sld [smem:$0x3FFE];
	[sflag:s4] =	ssyncadd.remote.s32 @!p0 $0x1  }
0x2c: {  	s27 =	simm.s32 $execute0_lowered;
	[smem:$0x3FD2] =	sst s26  }
0x2d: {  	s5 =	sshll.u32 s27, $0x1;
	_ =	strace $0x80000052;
	[dreg:$0x1] =	wrdreg $0xFFFFFFFF  }
0x2e: {  	s28 =	simm.s32 $_size_execute0_lowered;
	s3 =	sadd.s32 s3, s5;
	[dreg:$0x0] =	wrdreg $0x0  }
0x2f: {  	s5 =	sshll.u32 s28, $0x1;
	[dreg:$0x2] =	wrdreg s3  }
0x30: {  	[dreg:$0x3] =	wrdreg s5  }
0x31: {  	[dreg:$0x4] =	wrdreg $0xC0  }
0x32: {  	_ =	task [dreg:s23], $0x5FFFF  }
0x33: {  	[dreg:$0x1] =	wrdreg $0xFFFFFFFF  }
0x34: {  	[dreg:$0x0] =	wrdreg $0x60  }
0x35: {  	[dreg:$0x2] =	wrdreg s25  }
0x36: {  	[dreg:$0x3] =	wrdreg $0x9  }
0x37: {  	_ =	task.clear_ibuf [dreg:s23], $0x4FFFF;
	_ =	strace $0x90000052  }
0x38: {  	s29 =	simm.s32 $0x9;
	_ =	strace $0x80000054  }
0x39: {  	_ =	swait.ge [sflag:s29], $0x1  }
0x3a: {  	[sflag:s29] =	ssyncadd.s32 $0xFFFFFFFF  }
0x3b: {  	_ =	strace $0x90000054  }
0x3c: {  	_ =	sfence  }
0x3d: {  	s30 =	sld [smem:$0x0];
	_ =	sdelay $0x2  }
0x3e: {  	s31 =	sshll.u32 s1, $0xD;
	s1 =	sshrl.u32 s1, $0x2  }
0x3f: {  	s4 =	sand.u32 $0x4000, s31;
	s1 =	sadd.s32 s1, s30  }
0x40: {  	s0 =	sor.u32 s4, s0;
	s1 =	sshll.u32 s1, $0x11  }
0x41: {  	s0 =	sor.u32 s1, s0  }
0x42: {  	s0 =	sadd.s32 $0x8F2B, s0  }
0x43: {  	[sflag:s0] =	ssyncadd.remote.s32 $0x1  }
0x44: {  	_ =	sfence.sel $0xFFFF  }
0x45: {  	[dreg:$0x0] =	wrdreg $0xFFFFFFFF;
	(pc) =	sbr.abs _section_cstart, $3  }
0x46: {  	[dreg:$0x1] =	wrdreg $0xFFFFFFFF  }
0x47: {  	_ =	task.clear_ibuf [dreg:s23], $0x2FFFF;
	_ =	strace $0x9FFFFFFF  }
0x48: {  	(tm) =	ssettm $0x7FFFFFFF  }
0x49: {  	_ =	shalt  }
tec
execute0_lowered:
.L_overlay_start_1:
0x0: {  	(tag) =	ssettag $0x1  }
0x1: {  	s4 =	rddreg [dreg:$0x0]  }
0x2: {  	s0 =	rddreg [dreg:$0x1];
	_ =	strace $0x80000053;
	s3 =	srdreg.scid  }
0x3: {  	s1 =	stileid.u32;
	s6 =	simm.s32 $0x2;
	s11 =	simm.s32 $0x0  }
.Ltmp0:
0x4: {  	p0 =	por $0x0, $0x0;
	s10 =	simm.s32 $0x0;
	(pc) =	sbr.rel .LBB1_1-.Ltmp0, $4  }
0x5: {  	s9 =	simm.s32 $0x0;
	s7 =	simm.s32 $0x0;
	s5 =	sshll.u32 s3, $0x4  }
0x6: {  	s2 =	sadd.s32 $0x906A00, s4;
	s3 =	simm.s32 $0x1;
	s5 =	sand.u32 $0x10, s5  }
0x7: {  	s4 =	sadd.s32 $0xB06A00, s4;
	[sflag:s3] =	ssyncpa.u1 $0x0;
	s5 =	sor.u32 s1, s5  }
0x8: {  	[sflag:s6] =	ssyncpa.u1 $0x0;
	s6 =	simm.s32 $0x20000;
	s8 =	smov.u32 s5  }
.LBB1_5:
0x9: {  	s12 =	sadd.s32 $0x20, s8  }
0xa: {  	s10 =	sadd.s32 $0x80, s9;
	s14 =	smov.u32 s9;
	p2 =	sgt.s32 s12, $0x3FF  }
0xb: {  	p1 =	slt.u32 s7, $0x2;
	s14 =	smov.u32 @p2 s10  }
0xc: {  	s7 =	sadd.s32 $0x1, s7;
	s12 =	smov.u32 @p2 s5;
	p2 =	sgt.s32 s14, $0x7F  }
0xd: {  	s14 =	simm.s32 @p2 $0x0;
	p2 =	sne.s32 s7, $0x22  }
.Ltmp1:
0xe: {  	_ = 	snop;
	(pc) =	sbr.rel @!p2 .LBB1_6-.Ltmp1, $4  }
0xf: {  	s13 =	simm.s32 @!p1 $0x2  }
0x10: {  	s11 =	smov.u32 s8;
	_ =	swait.ge @!p1 [sflag:s13], $0x4000  }
0x11: {  	p0 =	por !p0, !p0;
	s10 =	smov.u32 s9;
	[sflag:s13] =	ssyncset.done @!p1 $0x0  }
0x12: {  	s8 =	smov.u32 s12;
	[sflag:s13] =	ssyncadd.s32 @!p1 $0xFFFFC000;
	s9 =	smov.u32 s14  }
.LBB1_1:
0x13: {  	p1 =	sgt.u32 s7, $0x1F  }
0x14: {  	s12 =	sxor.u32 @!p1 $0xFFFFFFFF, s7  }
0x15: {  	s13 =	sshll.u32 @!p1 s9, $0xE;
	s14 =	sshll.u32 @!p1 s8, $0x4;
	s15 =	simm.s32 @!p1 $0x20000  }
0x16: {  	s12 =	sshll.u32 @!p1 s12, $0xE;
	s14 =	sand.u32 @!p1 $0x3FF0, s14;
	s13 =	sadd.s32 @!p1 s2, s13  }
0x17: {  	s12 =	sand.u32 @!p1 $0x4000, s12;
	s13 =	sadd.s32 @!p1 s14, s13;
	s14 =	simm.s32 @!p1 $0x80  }
0x18: {  	[tilespmem:s12], [sflag:$0x1] =	stream.strided.gather @!p1 [hbm4b:s13+s14], $0x4000, s15, s14, $0x38;
	[tilespmem:$0x10100] =	vst v63  }
0x19: {  	p1 =	seq.s32 s7, $0x0  }
0x1a: {  	p2 =	seq.s32 @!p1 s7, $0x21  }
0x1b: {  	p1 =	por p1, p2  }
.Ltmp2:
0x1c: {  	_ = 	snop;
	(pc) =	sbr.rel @p1 .LBB1_5-.Ltmp2, $1  }
0x1d: {  	_ =	sdelay $0x3  }
0x1e: {  	s12 =	simm.s32 $0x1  }
0x1f: {  	_ =	swait.ge [sflag:s3], $0x4000;
	s12 =	simm.s32 @!p0 $0x0  }
0x20: {  	[sflag:s3] =	ssyncset.done $0x0;
	s13 =	sshll.u32 s12, $0xE  }
0x21: {  	[sflag:s3] =	ssyncadd.s32 $0xFFFFC000;
	s15 =	sor.u32 $0x40, s13  }
0x22: {  	s12 =	smul.u32 $0x10200, s12;
	v0 =	vld [tilespmem:s15+$0x30]  }
0x23: {  	v3 =	vld [tilespmem:s15+$0xFFFFFFD0]  }
0x24: {  	s12 =	sshrl.u32 s12, $0x2;
	v4 =	vld [tilespmem:s15+$0xFFFFFFE0]  }
0x25: {  	v5 =	vld [tilespmem:s15+$0xFFFFFFF0];
	s13 =	sor.u32 $0x8000, s12  }
0x26: {  	s31 =	sand.u32 $0x1, s7;
	v1 =	vld [tilespmem:s15+$0x0];
	s14 =	sadd.s32 $0x0, s13  }
0x27: {  	v2 =	vld [tilespmem:s15+$0x10];
	s12 =	smul.u32 $0x10200, s31;
	[tilespmem:s14+$0x3870 ss:$0x81] =	vst.msk $0xffff, v0  }
0x28: {  	[tilespmem:s14+$0x810 ss:$0x81] =	vst.msk $0xffff, v3;
	v3 =	vld [tilespmem:s15+$0x20]  }
0x29: {  	s12 =	sshrl.u32 s12, $0x2;
	v0 =	vld [tilespmem:s15+$0xFFFFFFC0];
	[tilespmem:s14+$0x1020 ss:$0x81] =	vst.msk $0xffff, v4;
	s15 =	sadd.s32 $0x80, s15  }
0x2a: {  	s16 =	simm.s32 $0x4;
	s17 =	simm.s32 $0x8;
	s12 =	sor.u32 $0x8000, s12;
	[tilespmem:s14+$0x1830 ss:$0x81] =	vst.msk $0xffff, v5;
	v4 =	vld [tilespmem:s15+$0x30]  }
.LBB1_3:
0x2b: {  	p1 =	sne.s32 s17, $0x1FC;
	v5 =	vld [tilespmem:s15+$0xFFFFFFD0];
	[tilespmem:s14+$0x2040 ss:$0x81] =	vst.msk $0xffff, v1  }
0x2c: {  	v6 =	vld [tilespmem:s15+$0xFFFFFFE0];
	[tilespmem:s14+$0x2850 ss:$0x81] =	vst.msk $0xffff, v2  }
0x2d: {  	s18 =	sshra.s32 s16, $0x2;
	s16 =	smov.u32 s17;
	v7 =	vld [tilespmem:s15+$0xFFFFFFF0];
	[tilespmem:s14+$0x3060 ss:$0x81] =	vst.msk $0xffff, v3  }
.Ltmp3:
0x2e: {  	v1 =	vld [tilespmem:s15+$0x0];
	[tilespmem:s14+$0x0 ss:$0x81] =	vst.msk $0xffff, v0;
	s14 =	sadd.s32 s18, s13;
	(pc) =	sbr.rel @p1 .LBB1_3-.Ltmp3, $4  }
0x2f: {  	v2 =	vld [tilespmem:s15+$0x10];
	[tilespmem:s14+$0x3870 ss:$0x81] =	vst.msk $0xffff, v4  }
0x30: {  	[tilespmem:s14+$0x810 ss:$0x81] =	vst.msk $0xffff, v5;
	v3 =	vld [tilespmem:s15+$0x20]  }
0x31: {  	v0 =	vld [tilespmem:s15+$0xFFFFFFC0];
	[tilespmem:s14+$0x1020 ss:$0x81] =	vst.msk $0xffff, v6;
	s15 =	sadd.s32 $0x80, s15  }
0x32: {  	s17 =	sadd.s32 $0x4, s17;
	v4 =	vld [tilespmem:s15+$0x30];
	[tilespmem:s14+$0x1830 ss:$0x81] =	vst.msk $0xffff, v7  }
0x33: {  	v5 =	vld [tilespmem:s15+$0xFFFFFFD0];
	[tilespmem:s14+$0x2040 ss:$0x81] =	vst.msk $0xffff, v1  }
0x34: {  	v58 =	vld [tilespmem:s15+$0xFFFFFFE0];
	[tilespmem:s14+$0x2850 ss:$0x81] =	vst.msk $0xffff, v2  }
0x35: {  	s16 =	sshra.s32 s16, $0x2;
	v59 =	vld [tilespmem:s15+$0xFFFFFFF0];
	[tilespmem:s14+$0x3060 ss:$0x81] =	vst.msk $0xffff, v3  }
0x36: {  	v60 =	vld [tilespmem:s15+$0x0];
	s13 =	sadd.s32 s16, s13;
	[tilespmem:s14+$0x0 ss:$0x81] =	vst.msk $0xffff, v0  }
0x37: {  	v61 =	vld [tilespmem:s15+$0x10];
	[tilespmem:s13+$0x3870 ss:$0x81] =	vst.msk $0xffff, v4  }
0x38: {  	v62 =	vld [tilespmem:s15+$0x20];
	s11 =	sshll.u32 s11, $0x7;
	s28 =	sshll.u32 s10, $0x3;
	[tilespmem:s13+$0x810 ss:$0x81] =	vst.msk $0xffff, v5  }
0x39: {  	v63 =	vld [tilespmem:s15+$0xFFFFFFC0];
	s29 =	sand.u32 $0x1FC00, s11;
	s14 =	sand.u32 $0x1FC00, s28;
	[tilespmem:s13+$0x1020 ss:$0x81] =	vst.msk $0xffff, v58  }
0x3a: {  	s11 =	sand.u32 $0x380, s11;
	s14 =	sadd.s32 s14, s29;
	[tilespmem:s13+$0x1830 ss:$0x81] =	vst.msk $0xffff, v59  }
.Ltmp4:
0x3b: {  	s30 =	sshrl.u32 s10, $0x3;
	[tilespmem:s13+$0x2040 ss:$0x81] =	vst.msk $0xffff, v60;
	s11 =	sor.u32 s11, s14;
	(pc) =	sbr.rel .LBB1_5-.Ltmp4, $4  }
0x3c: {  	s31 =	sand.u32 $0x7, s10;
	[tilespmem:s13+$0x2850 ss:$0x81] =	vst.msk $0xffff, v61;
	s14 =	sand.u32 $0xF, s30;
	s11 =	sshrl.u32 s11, $0x3  }
0x3d: {  	s10 =	sshll.u32 s31, $0x12;
	[tilespmem:s13+$0x3060 ss:$0x81] =	vst.msk $0xffff, v62;
	s14 =	sadd.s32 s4, s14;
	s11 =	sand.u32 $0x3FF0, s11  }
0x3e: {  	s10 =	sor.u32 $0x80, s10;
	[tilespmem:s13+$0x0 ss:$0x81] =	vst.msk $0xffff, v63;
	s11 =	sadd.s32 s11, s14  }
0x3f: {  	[hbm4b:s11+s10] =	stream.strided.scatter [tilespmem:s12], [sflag:$0x2], $0x4000, s6, s10, $0x20;
	[tilespmem:$0x10100] =	vst v63  }
.LBB1_6:
0x40: {  	_ =	sfence.sel $0x180000  }
0x41: {  	s2 =	simm.s32 $0x1;
	[bflag:$0x0] =	sbarrier.arrive $0xFFFF  }
0x42: {  	s31 =	simm.s32 $0x2;
	[sflag:s2] =	ssyncpa.u1 $0x1  }
0x43: {  	[sflag:s31] =	ssyncpa.u1 $0x1  }
0x44: {  	p0 =	sne.s32 s1, $0x0;
	_ =	strace $0x90000053  }
0x45: {  	s0 =	sadd.s32 @!p0 $0x100000, s0;
	[bflag:$0x2] =	sbarrier.arrive $0xFFFF  }
0x46: {  	[sflag:s0] =	ssyncadd.tile.s32 @!p0 $0x1;
	_ =	shalt  }
.Lfunc_end1:
_tile_overlayer_lowered:
.L_overlay_start_2:
0x47: {  	(tag) =	ssettag $0x2  }
0x48: {  	s0 =	rddreg [dreg:$0x0];
	s2 =	stileid.u32  }
0x49: {  	s1 =	rddreg [dreg:$0x1];
	p0 =	sne.s32 s2, $0x0  }
0x4a: {  	s3 =	rddreg [dreg:$0x2];
	[bflag:$0x3] =	sbarrier.arrive $0xFFFF;
	s2 =	simm.s32 @!p0 $0x1C01  }
0x4b: {  	[timem:s3], [sflag:s2] =	dma.local @!p0 [hbm:s0], s1  }
0x4c: {  	s0 =	simm.s32 @!p0 $0x1  }
0x4d: {  	_ =	swait.ge @!p0 [sflag:s0], s1  }
0x4e: {  	s1 =	ssub.s32 @!p0 $0x0, s1;
	[sflag:s0] =	ssyncset.done @!p0 $0x0  }
0x4f: {  	[sflag:s0] =	ssyncadd.s32 @!p0 s1  }
0x50: {  	[bflag:$0x3] =	sbarrier.arrive $0xFFFF  }
0x51: {  	_ =	shalt  }

</sc_bundles>
